<compile_context>
chip_gen: v7x
topology: tpu7x:2x2x1
jax: 0.10.2.dev20260603
libtpu: 0.0.44.dev20260713+nightly
codegen_flags: <defaults>
</compile_context>

<pallas_src>
import functools

import jax
import jax.numpy as jnp
from jax import lax
from jax.experimental import pallas as pl
from jax.experimental.pallas import tpu as pltpu
from jax.experimental.pallas import tpu_sc as plsc

N = 10000
E = 320000
D = 128

NC = 2
NS = 16
NW = NC * NS
C = 64
K = 160
G = 16
EP = NW * K * C
NP = 10240
RPT = NP // NS
NB = NP // 1024

BT = 1024

NSLOT = 4


@functools.lru_cache(maxsize=None)
def _sc_kernels():
    mesh = plsc.VectorSubcoreMesh(core_axis_name="c", subcore_axis_name="s",
                                  num_cores=NC, num_subcores=NS)

    @functools.partial(
        pl.kernel,
        out_type=jax.ShapeDtypeStruct((NC * NP,), jnp.float32),
        mesh=mesh,
        scratch_types=[
            pltpu.VMEM((K, C), jnp.int32),
            pltpu.VMEM((C,), jnp.float32),
            pltpu.VMEM_SHARED((NP,), jnp.float32),
            pltpu.SemaphoreType.DMA,
        ],
    )
    def deg_kernel(dst_hbm, ones_hbm, zeros_hbm, out_hbm,
                   dst_v, ones_v, acc_sh, sem):
        c = lax.axis_index("c")
        s = lax.axis_index("s")
        wid = c * NS + s
        pltpu.sync_copy(zeros_hbm, acc_sh.at[pl.ds(s * RPT, RPT)])
        pltpu.sync_copy(ones_hbm, ones_v)
        pltpu.sync_copy(dst_hbm.at[wid], dst_v)
        plsc.subcore_barrier()

        def group(g, carry):
            def fire(j2, carry2):
                pltpu.async_copy(ones_v, acc_sh.at[dst_v.at[g * G + j2]],
                                 sem, add=True)
                return carry2

            lax.fori_loop(0, G, fire, 0)

            @pl.when(g > 0)
            def _():
                def drain(j2, carry2):
                    pltpu.make_async_copy(ones_v, acc_sh.at[dst_v.at[0]],
                                          sem).wait()
                    return carry2

                lax.fori_loop(0, G, drain, 0)

            return carry

        lax.fori_loop(0, K // G, group, 0)

        def drain(j2, carry2):
            pltpu.make_async_copy(ones_v, acc_sh.at[dst_v.at[0]], sem).wait()
            return carry2

        lax.fori_loop(0, G, drain, 0)
        plsc.subcore_barrier()
        pltpu.sync_copy(acc_sh.at[pl.ds(s * RPT, RPT)],
                        out_hbm.at[pl.ds(c * NP + s * RPT, RPT)])

    @functools.partial(
        pl.kernel,
        out_type=jax.ShapeDtypeStruct((NC * NP, D), jnp.float32),
        mesh=mesh,
        scratch_types=[
            pltpu.VMEM((2, G, C), jnp.int32),
            pltpu.VMEM((2, G, C), jnp.int32),
            pltpu.VMEM((NSLOT, C, D), jnp.float32),
            pltpu.VMEM_SHARED((NP, D), jnp.float32),
            pltpu.SemaphoreType.DMA,
            pltpu.SemaphoreType.DMA,
            pltpu.SemaphoreType.DMA,
            pltpu.SemaphoreType.DMA,
            pltpu.SemaphoreType.DMA,
            pltpu.SemaphoreType.DMA,
            pltpu.SemaphoreType.DMA,
            pltpu.SemaphoreType.DMA,
        ],
    )
    def edge_kernel(hs_hbm, src_hbm, dst_hbm, zeros_hbm, out_hbm,
                    src_v, dst_v, rows_v, acc_sh,
                    g0, g1, g2, g3, s0, s1, s2, s3):
        c = lax.axis_index("c")
        s = lax.axis_index("s")
        wid = c * NS + s
        gsems = (g0, g1, g2, g3)
        ssems = (s0, s1, s2, s3)

        pltpu.sync_copy(zeros_hbm, acc_sh.at[pl.ds(s * RPT, RPT)])
        pltpu.sync_copy(src_hbm.at[wid, pl.ds(0, G)], src_v.at[0])
        pltpu.sync_copy(dst_hbm.at[wid, pl.ds(0, G)], dst_v.at[0])
        plsc.subcore_barrier()

        def src_at(j):
            return src_v.at[lax.rem(lax.div(j, G), 2), lax.rem(j, G)]

        def dst_at(j):
            return dst_v.at[lax.rem(lax.div(j, G), 2), lax.rem(j, G)]

        pltpu.async_copy(hs_hbm.at[src_at(0)], rows_v.at[0], g0)
        pltpu.async_copy(hs_hbm.at[src_at(1)], rows_v.at[1], g1)

        def body(t, carry):
            for u in range(4):
                j = 4 * t + u
                mg = (u + 2) % 4

                @pl.when(jnp.logical_and(lax.rem(j, G) == 2, j < K - G))
                def _():
                    nxt = lax.div(j, G) + 1
                    buf = lax.rem(nxt, 2)
                    pltpu.sync_copy(src_hbm.at[wid, pl.ds(nxt * G, G)],
                                    src_v.at[buf])
                    pltpu.sync_copy(dst_hbm.at[wid, pl.ds(nxt * G, G)],
                                    dst_v.at[buf])

                @pl.when(j >= 2)
                def _():
                    pltpu.make_async_copy(rows_v.at[mg],
                                          acc_sh.at[dst_at(j)],
                                          ssems[mg]).wait()

                @pl.when(j + 2 < K)
                def _():
                    pltpu.async_copy(hs_hbm.at[src_at(j + 2)],
                                     rows_v.at[mg], gsems[mg])

                pltpu.make_async_copy(hs_hbm.at[src_at(j)],
                                      rows_v.at[u], gsems[u]).wait()
                pltpu.async_copy(rows_v.at[u], acc_sh.at[dst_at(j)],
                                 ssems[u], add=True)
            return carry

        lax.fori_loop(0, K // 4, body, 0)
        pltpu.make_async_copy(rows_v.at[(K - 2) % 4],
                              acc_sh.at[dst_at(0)],
                              ssems[(K - 2) % 4]).wait()
        pltpu.make_async_copy(rows_v.at[(K - 1) % 4],
                              acc_sh.at[dst_at(0)],
                              ssems[(K - 1) % 4]).wait()
        plsc.subcore_barrier()
        pltpu.sync_copy(acc_sh.at[pl.ds(s * RPT, RPT)],
                        out_hbm.at[pl.ds(c * NP + s * RPT, RPT)])

    return deg_kernel, edge_kernel



def _tch_body(x_ref, w_ref, h_ref):
    h_ref[...] = jnp.dot(x_ref[...], w_ref[...],
                         preferred_element_type=jnp.float32)


_tch = pl.pallas_call(
    _tch_body,
    grid=(NB,),
    in_specs=[
        pl.BlockSpec((BT, D), lambda i: (i, 0)),
        pl.BlockSpec((D, D), lambda i: (0, 0)),
    ],
    out_specs=pl.BlockSpec((BT, D), lambda i: (i, 0)),
    out_shape=jax.ShapeDtypeStruct((NP, D), jnp.float32),
)


def _tc1_body(h_ref, d0_ref, d1_ref, hs_ref, dinv_ref):
    dinv = lax.rsqrt(d0_ref[...] + d1_ref[...] + 1.0)
    hs_ref[...] = h_ref[...] * dinv
    dinv_ref[...] = dinv


_tc1 = pl.pallas_call(
    _tc1_body,
    grid=(NB,),
    in_specs=[
        pl.BlockSpec((BT, D), lambda i: (i, 0)),
        pl.BlockSpec((BT, 1), lambda i: (i, 0)),
        pl.BlockSpec((BT, 1), lambda i: (i + NB, 0)),
    ],
    out_specs=[
        pl.BlockSpec((BT, D), lambda i: (i, 0)),
        pl.BlockSpec((BT, 1), lambda i: (i, 0)),
    ],
    out_shape=[
        jax.ShapeDtypeStruct((NP, D), jnp.float32),
        jax.ShapeDtypeStruct((NP, 1), jnp.float32),
    ],
)


def _tc2_body(a0_ref, a1_ref, hs1_ref, dinv_ref, b_ref, w_ref, hs2_ref):
    t = (a0_ref[...] + a1_ref[...] + hs1_ref[...]) * dinv_ref[...] + b_ref[...]
    t = jnp.maximum(t, 0.0)
    hs2_ref[...] = jnp.dot(t, w_ref[...],
                           preferred_element_type=jnp.float32) * dinv_ref[...]


_tc2 = pl.pallas_call(
    _tc2_body,
    grid=(NB,),
    in_specs=[
        pl.BlockSpec((BT, D), lambda i: (i, 0)),
        pl.BlockSpec((BT, D), lambda i: (i + NB, 0)),
        pl.BlockSpec((BT, D), lambda i: (i, 0)),
        pl.BlockSpec((BT, 1), lambda i: (i, 0)),
        pl.BlockSpec((1, D), lambda i: (0, 0)),
        pl.BlockSpec((D, D), lambda i: (0, 0)),
    ],
    out_specs=pl.BlockSpec((BT, D), lambda i: (i, 0)),
    out_shape=jax.ShapeDtypeStruct((NP, D), jnp.float32),
)


def _tc3_body(a0_ref, a1_ref, hs2_ref, dinv_ref, b_ref, out_ref):
    out_ref[...] = ((a0_ref[...] + a1_ref[...] + hs2_ref[...])
                    * dinv_ref[...] + b_ref[...])


_tc3 = pl.pallas_call(
    _tc3_body,
    grid=(NB,),
    in_specs=[
        pl.BlockSpec((BT, D), lambda i: (i, 0)),
        pl.BlockSpec((BT, D), lambda i: (i + NB, 0)),
        pl.BlockSpec((BT, D), lambda i: (i, 0)),
        pl.BlockSpec((BT, 1), lambda i: (i, 0)),
        pl.BlockSpec((1, D), lambda i: (0, 0)),
    ],
    out_specs=pl.BlockSpec((BT, D), lambda i: (i, 0)),
    out_shape=jax.ShapeDtypeStruct((NP, D), jnp.float32),
)



def kernel(x, edge_index, W1, b1, W2, b2):
    xp = jnp.pad(x, ((0, NP - N), (0, 0)))
    pad = N + (jnp.arange(EP - E, dtype=jnp.int32) % (NP - N))
    src2 = jnp.concatenate([edge_index[0], pad]).reshape(NW, K, C)
    dst2 = jnp.concatenate([edge_index[1], pad]).reshape(NW, K, C)
    zrows = jnp.zeros((RPT, D), jnp.float32)
    zvec = jnp.zeros((RPT,), jnp.float32)
    ones = jnp.ones((C,), jnp.float32)

    _deg_kernel, _edge_kernel = _sc_kernels()
    deg = _deg_kernel(dst2, ones, zvec)
    h1 = _tch(xp, W1)
    deg2 = deg.reshape(NC * NP, 1)

    hs1, dinv = _tc1(h1, deg2, deg2)
    agg1 = _edge_kernel(hs1, src2, dst2, zrows)
    hs2 = _tc2(agg1, agg1, hs1, dinv, b1.reshape(1, D), W2)
    agg2 = _edge_kernel(hs2, src2, dst2, zrows)
    out = _tc3(agg2, agg2, hs2, dinv, b2.reshape(1, D))
    return out[:N]

# --- scband reference (transcript-rebuilt; emitter-appended) ---
"""Pipeline reference for scband-neural-network-9423158248242 (READ-ONLY COPY).

The authoritative reference and input builder live on the scoring server;
editing this copy changes nothing except your own understanding.
"""

import jax, jax.numpy as jnp
import numpy as np

N = 10000
E = 320000
D_IN = 128
D_OUT = 128


def setup_inputs(seed: int = 0) -> dict:
    key = jax.random.key(seed)
    k1, k2, k3, k4, k5, k6 = jax.random.split(key, 6)
    x = jax.random.normal(k1, (N, D_IN), dtype=jnp.float32)
    edge_index = jax.random.randint(k2, (2, E), 0, N, dtype=jnp.int32)
    # GCNConv layer 1: in=hidden_channels=128, out=out_channels=128
    W1 = jax.random.normal(k3, (D_IN, D_OUT), dtype=jnp.float32) * (1.0 / np.sqrt(D_IN))
    b1 = jnp.zeros((D_OUT,), dtype=jnp.float32)
    # GCNConv layer 2: in=out_channels=128, out=out_channels=128
    W2 = jax.random.normal(k4, (D_OUT, D_OUT), dtype=jnp.float32) * (1.0 / np.sqrt(D_OUT))
    b2 = jnp.zeros((D_OUT,), dtype=jnp.float32)
    return {"x": x, "edge_index": edge_index, "W1": W1, "b1": b1, "W2": W2, "b2": b2}


def _gcn_conv(x, src, dst, W, b):
    # PyG GCNConv with add_self_loops=True, symmetric normalization
    n = x.shape[0]
    h = x @ W
    deg = jnp.zeros((n,), dtype=x.dtype).at[dst].add(1.0)
    deg_inv_sqrt = jnp.where(deg > 0, jax.lax.rsqrt(jnp.maximum(deg, 1e-12)), 0.0)
    norm = deg_inv_sqrt[src] * deg_inv_sqrt[dst]
    msg = h[src] * norm[:, None]
    out = jnp.zeros((n, W.shape[1]), dtype=x.dtype).at[dst].add(msg)
    return out + b


def reference(x, edge_index, W1, b1, W2, b2):
    n = x.shape[0]
    loop = jnp.arange(n, dtype=edge_index.dtype)
    src = jnp.concatenate([edge_index[0], loop])
    dst = jnp.concatenate([edge_index[1], loop])
    h = _gcn_conv(x, src, dst, W1, b1)
    h = jax.nn.relu(h)
    out = _gcn_conv(h, src, dst, W2, b2)
    return out

if __name__ == "__main__":
    import jax
    _d = setup_inputs()
    print(jax.jit(kernel)(*tuple(_d.values())))

</pallas_src>

<mosaic_0001>
#map = affine_map<(d0, d1) -> (0, 0, 0)>
#map1 = affine_map<(d0, d1) -> (0)>
module attributes {stable_mosaic.version = 14 : i64} {
  func.func @deg_kernel(%arg0: i32, %arg1: i32, %arg2: memref<32x160x64xi32, #tpu.memory_space<hbm>>, %arg3: memref<64xf32, #tpu.memory_space<hbm>>, %arg4: memref<640xf32, #tpu.memory_space<hbm>>, %arg5: memref<20480xf32, #tpu.memory_space<hbm>>, %arg6: memref<160x64xi32, #tpu.memory_space<vmem>>, %arg7: memref<64xf32, #tpu.memory_space<vmem>>, %arg8: memref<10240xf32, #tpu.memory_space<vmem_shared>>, %arg9: memref<!tpu.dma_semaphore, #tpu.memory_space<semaphore_mem>>) attributes {dimension_semantics = [#tpu.dimension_semantics<core_parallel>, #tpu.dimension_semantics<subcore_parallel>], iteration_bounds = array<i64: 2, 16>, scalar_prefetch = 0 : i64, scratch_operands = 4 : i64, tpu.core_type = #tpu.core_type<sc_vector_subcore>, window_params = [{transform_indices = #map}, {transform_indices = #map1}, {transform_indices = #map1}, {transform_indices = #map1}]} {
    %mul3A = arith.constant 16 : i32
    %mul3A_0 = arith.muli %arg0, %mul3A : i32
    %add3A = arith.addi %mul3A_0, %arg1 : i32
    %mul3A_1 = arith.constant 640 : i32
    %mul3A_2 = arith.muli %arg1, %mul3A_1 : i32
    "tpu.region"() ({
      %run_scoped3A = tpu.sem_alloc : memref<!tpu.dma_semaphore, #tpu.memory_space<semaphore_mem>>
      %dma_start3A = tpu.memref_slice %arg8[%mul3A_2] : memref<10240xf32, #tpu.memory_space<vmem_shared>> -> memref<640xf32, #tpu.memory_space<vmem_shared>>
      tpu.enqueue_dma source(%arg4 : memref<640xf32, #tpu.memory_space<hbm>>) target(%dma_start3A : memref<640xf32, #tpu.memory_space<vmem_shared>>) target_semaphore(%run_scoped3A : memref<!tpu.dma_semaphore, #tpu.memory_space<semaphore_mem>>)
      %dma_wait3A = tpu.memref_slice %arg8[%mul3A_2] : memref<10240xf32, #tpu.memory_space<vmem_shared>> -> memref<640xf32, #tpu.memory_space<vmem_shared>>
      tpu.wait_dma2 semaphore(%run_scoped3A : memref<!tpu.dma_semaphore, #tpu.memory_space<semaphore_mem>>) src(%arg4 : memref<640xf32, #tpu.memory_space<hbm>>) dst(%dma_wait3A : memref<640xf32, #tpu.memory_space<vmem_shared>>)
      tpu.yield
    }) : () -> ()
    "tpu.region"() ({
      %run_scoped3A = tpu.sem_alloc : memref<!tpu.dma_semaphore, #tpu.memory_space<semaphore_mem>>
      tpu.enqueue_dma source(%arg3 : memref<64xf32, #tpu.memory_space<hbm>>) target(%arg7 : memref<64xf32, #tpu.memory_space<vmem>>) target_semaphore(%run_scoped3A : memref<!tpu.dma_semaphore, #tpu.memory_space<semaphore_mem>>)
      tpu.wait_dma2 semaphore(%run_scoped3A : memref<!tpu.dma_semaphore, #tpu.memory_space<semaphore_mem>>) src(%arg3 : memref<64xf32, #tpu.memory_space<hbm>>) dst(%arg7 : memref<64xf32, #tpu.memory_space<vmem>>)
      tpu.yield
    }) : () -> ()
    "tpu.region"() ({
      %run_scoped3A = tpu.sem_alloc : memref<!tpu.dma_semaphore, #tpu.memory_space<semaphore_mem>>
      %dma_start3A = arith.constant 0 : i32
      %dma_start3A_22 = arith.constant 0 : i32
      %dma_start3A_23 = tpu.memref_slice %arg2[%add3A, %dma_start3A, %dma_start3A_22] : memref<32x160x64xi32, #tpu.memory_space<hbm>> -> memref<1x160x64xi32, #tpu.memory_space<hbm>>
      %dma_start3A_24 = tpu.memref_squeeze %dma_start3A_23 : memref<1x160x64xi32, #tpu.memory_space<hbm>> -> memref<160x64xi32, #tpu.memory_space<hbm>>
      %dma_start3A_25 = arith.constant 0 : i32
      %dma_start3A_26 = arith.constant 0 : i32
      %dma_start3A_27 = tpu.memref_slice %arg2[%add3A, %dma_start3A_25, %dma_start3A_26] : memref<32x160x64xi32, #tpu.memory_space<hbm>> -> memref<1x160x64xi32, #tpu.memory_space<hbm>>
      %dma_start3A_28 = tpu.memref_squeeze %dma_start3A_27 : memref<1x160x64xi32, #tpu.memory_space<hbm>> -> memref<160x64xi32, #tpu.memory_space<hbm>>
      tpu.enqueue_dma source(%dma_start3A_28 : memref<160x64xi32, #tpu.memory_space<hbm>>) target(%arg6 : memref<160x64xi32, #tpu.memory_space<vmem>>) target_semaphore(%run_scoped3A : memref<!tpu.dma_semaphore, #tpu.memory_space<semaphore_mem>>)
      %dma_wait3A = arith.constant 0 : i32
      %dma_wait3A_29 = arith.constant 0 : i32
      %dma_wait3A_30 = tpu.memref_slice %arg2[%add3A, %dma_wait3A, %dma_wait3A_29] : memref<32x160x64xi32, #tpu.memory_space<hbm>> -> memref<1x160x64xi32, #tpu.memory_space<hbm>>
      %dma_wait3A_31 = tpu.memref_squeeze %dma_wait3A_30 : memref<1x160x64xi32, #tpu.memory_space<hbm>> -> memref<160x64xi32, #tpu.memory_space<hbm>>
      %dma_wait3A_32 = arith.constant 0 : i32
      %dma_wait3A_33 = arith.constant 0 : i32
      %dma_wait3A_34 = tpu.memref_slice %arg2[%add3A, %dma_wait3A_32, %dma_wait3A_33] : memref<32x160x64xi32, #tpu.memory_space<hbm>> -> memref<1x160x64xi32, #tpu.memory_space<hbm>>
      %dma_wait3A_35 = tpu.memref_squeeze %dma_wait3A_34 : memref<1x160x64xi32, #tpu.memory_space<hbm>> -> memref<160x64xi32, #tpu.memory_space<hbm>>
      tpu.wait_dma2 semaphore(%run_scoped3A : memref<!tpu.dma_semaphore, #tpu.memory_space<semaphore_mem>>) src(%dma_wait3A_35 : memref<160x64xi32, #tpu.memory_space<hbm>>) dst(%arg6 : memref<160x64xi32, #tpu.memory_space<vmem>>)
      tpu.yield
    }) : () -> ()
    %barrier3A = arith.constant 0 : index
    tpu.barrier barrier_id(%barrier3A)
    %scan3A = arith.constant 0 : i32
    %scan3A_3 = arith.constant 0 : i32
    %scan3A_4 = arith.constant 10 : i32
    %scan3A_5 = arith.addi %scan3A_3, %scan3A_4 : i32
    %scan3A_6 = arith.constant 1 : i32
    scf.for %scan3A_22 = %scan3A_3 to %scan3A_5 step %scan3A_6  : i32 {
      %scan3A_23 = arith.constant 0 : i32
      %scan3A_24 = arith.constant 0 : i32
      %scan3A_25 = arith.constant 16 : i32
      %scan3A_26 = arith.addi %scan3A_24, %scan3A_25 : i32
      %scan3A_27 = arith.constant 1 : i32
      scf.for %scan3A_31 = %scan3A_24 to %scan3A_26 step %scan3A_27  : i32 {
        %mul3A_32 = arith.constant 16 : i32
        %mul3A_33 = arith.muli %scan3A_22, %mul3A_32 : i32
        %add3A_34 = arith.addi %mul3A_33, %scan3A_31 : i32
        %dma_start3A = arith.constant 0 : i32
        %dma_start3A_35 = tpu.memref_slice %arg6[%add3A_34, %dma_start3A] : memref<160x64xi32, #tpu.memory_space<vmem>> -> memref<1x64xi32, #tpu.memory_space<vmem>>
        %dma_start3A_36 = tpu.memref_squeeze %dma_start3A_35 : memref<1x64xi32, #tpu.memory_space<vmem>> -> memref<64xi32, #tpu.memory_space<vmem>>
        %dma_start3A_37 = arith.constant 0 : i32
        %dma_start3A_38 = tpu.memref_slice %arg8[%dma_start3A_37] : memref<10240xf32, #tpu.memory_space<vmem_shared>> -> memref<10240xf32, #tpu.memory_space<vmem_shared>>
        tpu.enqueue_indirect_dma source(%arg7 : memref<64xf32, #tpu.memory_space<vmem>>) target(%dma_start3A_38 : memref<10240xf32, #tpu.memory_space<vmem_shared>>) offsets(%dma_start3A_36 : memref<64xi32, #tpu.memory_space<vmem>>) semaphore(%arg9 : memref<!tpu.dma_semaphore, #tpu.memory_space<semaphore_mem>>) {add = true}
      }
      %scan3A_28 = arith.constant 16 : i32
      %gt3A = arith.constant 0 : i32
      %gt3A_29 = arith.cmpi sgt, %scan3A_22, %gt3A : i32
      %convert_element_type3A = arith.extui %gt3A_29 : i1 to i32
      %cond3A = arith.constant 0 : i32
      %cond3A_30 = arith.cmpi ne, %convert_element_type3A, %cond3A : i32
      scf.if %cond3A_30 {
        %scan3A_31 = arith.constant 0 : i32
        %scan3A_32 = arith.constant 0 : i32
        %scan3A_33 = arith.constant 16 : i32
        %scan3A_34 = arith.addi %scan3A_32, %scan3A_33 : i32
        %scan3A_35 = arith.constant 1 : i32
        scf.for %scan3A_37 = %scan3A_32 to %scan3A_34 step %scan3A_35  : i32 {
          %dma_wait3A = arith.constant 0 : i32
          %dma_wait3A_38 = arith.constant 0 : i32
          %dma_wait3A_39 = tpu.memref_slice %arg6[%dma_wait3A, %dma_wait3A_38] : memref<160x64xi32, #tpu.memory_space<vmem>> -> memref<1x64xi32, #tpu.memory_space<vmem>>
          %dma_wait3A_40 = tpu.memref_squeeze %dma_wait3A_39 : memref<1x64xi32, #tpu.memory_space<vmem>> -> memref<64xi32, #tpu.memory_space<vmem>>
          %dma_wait3A_41 = arith.constant 0 : i32
          %dma_wait3A_42 = tpu.memref_slice %arg8[%dma_wait3A_41] : memref<10240xf32, #tpu.memory_space<vmem_shared>> -> memref<10240xf32, #tpu.memory_space<vmem_shared>>
          tpu.wait_indirect_dma semaphore(%arg9 : memref<!tpu.dma_semaphore, #tpu.memory_space<semaphore_mem>>) src(%arg7 : memref<64xf32, #tpu.memory_space<vmem>>) dst(%dma_wait3A_42 : memref<10240xf32, #tpu.memory_space<vmem_shared>>)
        }
        %scan3A_36 = arith.constant 16 : i32
      } else {
      }
    }
    %scan3A_7 = arith.constant 10 : i32
    %scan3A_8 = arith.constant 0 : i32
    %scan3A_9 = arith.constant 0 : i32
    %scan3A_10 = arith.constant 16 : i32
    %scan3A_11 = arith.addi %scan3A_9, %scan3A_10 : i32
    %scan3A_12 = arith.constant 1 : i32
    scf.for %scan3A_22 = %scan3A_9 to %scan3A_11 step %scan3A_12  : i32 {
      %dma_wait3A = arith.constant 0 : i32
      %dma_wait3A_23 = arith.constant 0 : i32
      %dma_wait3A_24 = tpu.memref_slice %arg6[%dma_wait3A, %dma_wait3A_23] : memref<160x64xi32, #tpu.memory_space<vmem>> -> memref<1x64xi32, #tpu.memory_space<vmem>>
      %dma_wait3A_25 = tpu.memref_squeeze %dma_wait3A_24 : memref<1x64xi32, #tpu.memory_space<vmem>> -> memref<64xi32, #tpu.memory_space<vmem>>
      %dma_wait3A_26 = arith.constant 0 : i32
      %dma_wait3A_27 = tpu.memref_slice %arg8[%dma_wait3A_26] : memref<10240xf32, #tpu.memory_space<vmem_shared>> -> memref<10240xf32, #tpu.memory_space<vmem_shared>>
      tpu.wait_indirect_dma semaphore(%arg9 : memref<!tpu.dma_semaphore, #tpu.memory_space<semaphore_mem>>) src(%arg7 : memref<64xf32, #tpu.memory_space<vmem>>) dst(%dma_wait3A_27 : memref<10240xf32, #tpu.memory_space<vmem_shared>>)
    }
    %scan3A_13 = arith.constant 16 : i32
    %barrier3A_14 = arith.constant 0 : index
    tpu.barrier barrier_id(%barrier3A_14)
    %mul3A_15 = arith.constant 640 : i32
    %mul3A_16 = arith.muli %arg1, %mul3A_15 : i32
    %mul3A_17 = arith.constant 10240 : i32
    %mul3A_18 = arith.muli %arg0, %mul3A_17 : i32
    %mul3A_19 = arith.constant 640 : i32
    %mul3A_20 = arith.muli %arg1, %mul3A_19 : i32
    %add3A_21 = arith.addi %mul3A_18, %mul3A_20 : i32
    "tpu.region"() ({
      %run_scoped3A = tpu.sem_alloc : memref<!tpu.dma_semaphore, #tpu.memory_space<semaphore_mem>>
      %dma_start3A = tpu.memref_slice %arg5[%add3A_21] : memref<20480xf32, #tpu.memory_space<hbm>> -> memref<640xf32, #tpu.memory_space<hbm>>
      %dma_start3A_22 = tpu.memref_slice %arg8[%mul3A_16] : memref<10240xf32, #tpu.memory_space<vmem_shared>> -> memref<640xf32, #tpu.memory_space<vmem_shared>>
      tpu.enqueue_dma source(%dma_start3A_22 : memref<640xf32, #tpu.memory_space<vmem_shared>>) target(%dma_start3A : memref<640xf32, #tpu.memory_space<hbm>>) target_semaphore(%run_scoped3A : memref<!tpu.dma_semaphore, #tpu.memory_space<semaphore_mem>>)
      %dma_wait3A = tpu.memref_slice %arg5[%add3A_21] : memref<20480xf32, #tpu.memory_space<hbm>> -> memref<640xf32, #tpu.memory_space<hbm>>
      %dma_wait3A_23 = tpu.memref_slice %arg8[%mul3A_16] : memref<10240xf32, #tpu.memory_space<vmem_shared>> -> memref<640xf32, #tpu.memory_space<vmem_shared>>
      tpu.wait_dma2 semaphore(%run_scoped3A : memref<!tpu.dma_semaphore, #tpu.memory_space<semaphore_mem>>) src(%dma_wait3A_23 : memref<640xf32, #tpu.memory_space<vmem_shared>>) dst(%dma_wait3A : memref<640xf32, #tpu.memory_space<hbm>>)
      tpu.yield
    }) : () -> ()
    return
  }
}

#map = affine_map<(d0, d1) -> (0, 0)>
#map1 = affine_map<(d0, d1) -> (0, 0, 0)>
module attributes {stable_mosaic.version = 14 : i64} {
  func.func @edge_kernel(%arg0: i32, %arg1: i32, %arg2: memref<10240x128xf32, #tpu.memory_space<hbm>>, %arg3: memref<32x160x64xi32, #tpu.memory_space<hbm>>, %arg4: memref<32x160x64xi32, #tpu.memory_space<hbm>>, %arg5: memref<640x128xf32, #tpu.memory_space<hbm>>, %arg6: memref<20480x128xf32, #tpu.memory_space<hbm>>, %arg7: memref<2x16x64xi32, #tpu.memory_space<vmem>>, %arg8: memref<2x16x64xi32, #tpu.memory_space<vmem>>, %arg9: memref<4x64x128xf32, #tpu.memory_space<vmem>>, %arg10: memref<10240x128xf32, #tpu.memory_space<vmem_shared>>, %arg11: memref<!tpu.dma_semaphore, #tpu.memory_space<semaphore_mem>>, %arg12: memref<!tpu.dma_semaphore, #tpu.memory_space<semaphore_mem>>, %arg13: memref<!tpu.dma_semaphore, #tpu.memory_space<semaphore_mem>>, %arg14: memref<!tpu.dma_semaphore, #tpu.memory_space<semaphore_mem>>, %arg15: memref<!tpu.dma_semaphore, #tpu.memory_space<semaphore_mem>>, %arg16: memref<!tpu.dma_semaphore, #tpu.memory_space<semaphore_mem>>, %arg17: memref<!tpu.dma_semaphore, #tpu.memory_space<semaphore_mem>>, %arg18: memref<!tpu.dma_semaphore, #tpu.memory_space<semaphore_mem>>) attributes {dimension_semantics = [#tpu.dimension_semantics<core_parallel>, #tpu.dimension_semantics<subcore_parallel>], iteration_bounds = array<i64: 2, 16>, scalar_prefetch = 0 : i64, scratch_operands = 12 : i64, tpu.core_type = #tpu.core_type<sc_vector_subcore>, window_params = [{transform_indices = #map}, {transform_indices = #map1}, {transform_indices = #map1}, {transform_indices = #map}, {transform_indices = #map}]} {
    %mul3A = arith.constant 16 : i32
    %mul3A_0 = arith.muli %arg0, %mul3A : i32
    %add3A = arith.addi %mul3A_0, %arg1 : i32
    %mul3A_1 = arith.constant 640 : i32
    %mul3A_2 = arith.muli %arg1, %mul3A_1 : i32
    "tpu.region"() ({
      %run_scoped3A_89 = tpu.sem_alloc : memref<!tpu.dma_semaphore, #tpu.memory_space<semaphore_mem>>
      %dma_start3A_90 = arith.constant 0 : i32
      %dma_start3A_91 = tpu.memref_slice %arg10[%mul3A_2, %dma_start3A_90] : memref<10240x128xf32, #tpu.memory_space<vmem_shared>> -> memref<640x128xf32, #tpu.memory_space<vmem_shared>>
      tpu.enqueue_dma source(%arg5 : memref<640x128xf32, #tpu.memory_space<hbm>>) target(%dma_start3A_91 : memref<640x128xf32, #tpu.memory_space<vmem_shared>>) target_semaphore(%run_scoped3A_89 : memref<!tpu.dma_semaphore, #tpu.memory_space<semaphore_mem>>)
      %dma_wait3A_92 = arith.constant 0 : i32
      %dma_wait3A_93 = tpu.memref_slice %arg10[%mul3A_2, %dma_wait3A_92] : memref<10240x128xf32, #tpu.memory_space<vmem_shared>> -> memref<640x128xf32, #tpu.memory_space<vmem_shared>>
      tpu.wait_dma2 semaphore(%run_scoped3A_89 : memref<!tpu.dma_semaphore, #tpu.memory_space<semaphore_mem>>) src(%arg5 : memref<640x128xf32, #tpu.memory_space<hbm>>) dst(%dma_wait3A_93 : memref<640x128xf32, #tpu.memory_space<vmem_shared>>)
      tpu.yield
    }) : () -> ()
    %run_scoped3A = arith.constant 0 : i32
    "tpu.region"() ({
      %run_scoped3A_89 = tpu.sem_alloc : memref<!tpu.dma_semaphore, #tpu.memory_space<semaphore_mem>>
      %dma_start3A_90 = arith.constant 0 : i32
      %dma_start3A_91 = arith.constant 0 : i32
      %dma_start3A_92 = tpu.memref_slice %arg7[%run_scoped3A, %dma_start3A_90, %dma_start3A_91] : memref<2x16x64xi32, #tpu.memory_space<vmem>> -> memref<1x16x64xi32, #tpu.memory_space<vmem>>
      %dma_start3A_93 = tpu.memref_squeeze %dma_start3A_92 : memref<1x16x64xi32, #tpu.memory_space<vmem>> -> memref<16x64xi32, #tpu.memory_space<vmem>>
      %dma_start3A_94 = arith.constant 0 : i32
      %dma_start3A_95 = arith.constant 0 : i32
      %dma_start3A_96 = tpu.memref_slice %arg3[%add3A, %dma_start3A_94, %dma_start3A_95] : memref<32x160x64xi32, #tpu.memory_space<hbm>> -> memref<1x16x64xi32, #tpu.memory_space<hbm>>
      %dma_start3A_97 = tpu.memref_squeeze %dma_start3A_96 : memref<1x16x64xi32, #tpu.memory_space<hbm>> -> memref<16x64xi32, #tpu.memory_space<hbm>>
      %dma_start3A_98 = arith.constant 0 : i32
      %dma_start3A_99 = arith.constant 0 : i32
      %dma_start3A_100 = tpu.memref_slice %arg7[%run_scoped3A, %dma_start3A_98, %dma_start3A_99] : memref<2x16x64xi32, #tpu.memory_space<vmem>> -> memref<1x16x64xi32, #tpu.memory_space<vmem>>
      %dma_start3A_101 = tpu.memref_squeeze %dma_start3A_100 : memref<1x16x64xi32, #tpu.memory_space<vmem>> -> memref<16x64xi32, #tpu.memory_space<vmem>>
      %dma_start3A_102 = arith.constant 0 : i32
      %dma_start3A_103 = arith.constant 0 : i32
      %dma_start3A_104 = tpu.memref_slice %arg3[%add3A, %dma_start3A_102, %dma_start3A_103] : memref<32x160x64xi32, #tpu.memory_space<hbm>> -> memref<1x16x64xi32, #tpu.memory_space<hbm>>
      %dma_start3A_105 = tpu.memref_squeeze %dma_start3A_104 : memref<1x16x64xi32, #tpu.memory_space<hbm>> -> memref<16x64xi32, #tpu.memory_space<hbm>>
      tpu.enqueue_dma source(%dma_start3A_105 : memref<16x64xi32, #tpu.memory_space<hbm>>) target(%dma_start3A_101 : memref<16x64xi32, #tpu.memory_space<vmem>>) target_semaphore(%run_scoped3A_89 : memref<!tpu.dma_semaphore, #tpu.memory_space<semaphore_mem>>)
      %dma_wait3A_106 = arith.constant 0 : i32
      %dma_wait3A_107 = arith.constant 0 : i32
      %dma_wait3A_108 = tpu.memref_slice %arg7[%run_scoped3A, %dma_wait3A_106, %dma_wait3A_107] : memref<2x16x64xi32, #tpu.memory_space<vmem>> -> memref<1x16x64xi32, #tpu.memory_space<vmem>>
      %dma_wait3A_109 = tpu.memref_squeeze %dma_wait3A_108 : memref<1x16x64xi32, #tpu.memory_space<vmem>> -> memref<16x64xi32, #tpu.memory_space<vmem>>
      %dma_wait3A_110 = arith.constant 0 : i32
      %dma_wait3A_111 = arith.constant 0 : i32
      %dma_wait3A_112 = tpu.memref_slice %arg3[%add3A, %dma_wait3A_110, %dma_wait3A_111] : memref<32x160x64xi32, #tpu.memory_space<hbm>> -> memref<1x16x64xi32, #tpu.memory_space<hbm>>
      %dma_wait3A_113 = tpu.memref_squeeze %dma_wait3A_112 : memref<1x16x64xi32, #tpu.memory_space<hbm>> -> memref<16x64xi32, #tpu.memory_space<hbm>>
      %dma_wait3A_114 = arith.constant 0 : i32
      %dma_wait3A_115 = arith.constant 0 : i32
      %dma_wait3A_116 = tpu.memref_slice %arg7[%run_scoped3A, %dma_wait3A_114, %dma_wait3A_115] : memref<2x16x64xi32, #tpu.memory_space<vmem>> -> memref<1x16x64xi32, #tpu.memory_space<vmem>>
      %dma_wait3A_117 = tpu.memref_squeeze %dma_wait3A_116 : memref<1x16x64xi32, #tpu.memory_space<vmem>> -> memref<16x64xi32, #tpu.memory_space<vmem>>
      %dma_wait3A_118 = arith.constant 0 : i32
      %dma_wait3A_119 = arith.constant 0 : i32
      %dma_wait3A_120 = tpu.memref_slice %arg3[%add3A, %dma_wait3A_118, %dma_wait3A_119] : memref<32x160x64xi32, #tpu.memory_space<hbm>> -> memref<1x16x64xi32, #tpu.memory_space<hbm>>
      %dma_wait3A_121 = tpu.memref_squeeze %dma_wait3A_120 : memref<1x16x64xi32, #tpu.memory_space<hbm>> -> memref<16x64xi32, #tpu.memory_space<hbm>>
      tpu.wait_dma2 semaphore(%run_scoped3A_89 : memref<!tpu.dma_semaphore, #tpu.memory_space<semaphore_mem>>) src(%dma_wait3A_121 : memref<16x64xi32, #tpu.memory_space<hbm>>) dst(%dma_wait3A_117 : memref<16x64xi32, #tpu.memory_space<vmem>>)
      tpu.yield
    }) : () -> ()
    %run_scoped3A_3 = arith.constant 0 : i32
    "tpu.region"() ({
      %run_scoped3A_89 = tpu.sem_alloc : memref<!tpu.dma_semaphore, #tpu.memory_space<semaphore_mem>>
      %dma_start3A_90 = arith.constant 0 : i32
      %dma_start3A_91 = arith.constant 0 : i32
      %dma_start3A_92 = tpu.memref_slice %arg8[%run_scoped3A_3, %dma_start3A_90, %dma_start3A_91] : memref<2x16x64xi32, #tpu.memory_space<vmem>> -> memref<1x16x64xi32, #tpu.memory_space<vmem>>
      %dma_start3A_93 = tpu.memref_squeeze %dma_start3A_92 : memref<1x16x64xi32, #tpu.memory_space<vmem>> -> memref<16x64xi32, #tpu.memory_space<vmem>>
      %dma_start3A_94 = arith.constant 0 : i32
      %dma_start3A_95 = arith.constant 0 : i32
      %dma_start3A_96 = tpu.memref_slice %arg4[%add3A, %dma_start3A_94, %dma_start3A_95] : memref<32x160x64xi32, #tpu.memory_space<hbm>> -> memref<1x16x64xi32, #tpu.memory_space<hbm>>
      %dma_start3A_97 = tpu.memref_squeeze %dma_start3A_96 : memref<1x16x64xi32, #tpu.memory_space<hbm>> -> memref<16x64xi32, #tpu.memory_space<hbm>>
      %dma_start3A_98 = arith.constant 0 : i32
      %dma_start3A_99 = arith.constant 0 : i32
      %dma_start3A_100 = tpu.memref_slice %arg8[%run_scoped3A_3, %dma_start3A_98, %dma_start3A_99] : memref<2x16x64xi32, #tpu.memory_space<vmem>> -> memref<1x16x64xi32, #tpu.memory_space<vmem>>
      %dma_start3A_101 = tpu.memref_squeeze %dma_start3A_100 : memref<1x16x64xi32, #tpu.memory_space<vmem>> -> memref<16x64xi32, #tpu.memory_space<vmem>>
      %dma_start3A_102 = arith.constant 0 : i32
      %dma_start3A_103 = arith.constant 0 : i32
      %dma_start3A_104 = tpu.memref_slice %arg4[%add3A, %dma_start3A_102, %dma_start3A_103] : memref<32x160x64xi32, #tpu.memory_space<hbm>> -> memref<1x16x64xi32, #tpu.memory_space<hbm>>
      %dma_start3A_105 = tpu.memref_squeeze %dma_start3A_104 : memref<1x16x64xi32, #tpu.memory_space<hbm>> -> memref<16x64xi32, #tpu.memory_space<hbm>>
      tpu.enqueue_dma source(%dma_start3A_105 : memref<16x64xi32, #tpu.memory_space<hbm>>) target(%dma_start3A_101 : memref<16x64xi32, #tpu.memory_space<vmem>>) target_semaphore(%run_scoped3A_89 : memref<!tpu.dma_semaphore, #tpu.memory_space<semaphore_mem>>)
      %dma_wait3A_106 = arith.constant 0 : i32
      %dma_wait3A_107 = arith.constant 0 : i32
      %dma_wait3A_108 = tpu.memref_slice %arg8[%run_scoped3A_3, %dma_wait3A_106, %dma_wait3A_107] : memref<2x16x64xi32, #tpu.memory_space<vmem>> -> memref<1x16x64xi32, #tpu.memory_space<vmem>>
      %dma_wait3A_109 = tpu.memref_squeeze %dma_wait3A_108 : memref<1x16x64xi32, #tpu.memory_space<vmem>> -> memref<16x64xi32, #tpu.memory_space<vmem>>
      %dma_wait3A_110 = arith.constant 0 : i32
      %dma_wait3A_111 = arith.constant 0 : i32
      %dma_wait3A_112 = tpu.memref_slice %arg4[%add3A, %dma_wait3A_110, %dma_wait3A_111] : memref<32x160x64xi32, #tpu.memory_space<hbm>> -> memref<1x16x64xi32, #tpu.memory_space<hbm>>
      %dma_wait3A_113 = tpu.memref_squeeze %dma_wait3A_112 : memref<1x16x64xi32, #tpu.memory_space<hbm>> -> memref<16x64xi32, #tpu.memory_space<hbm>>
      %dma_wait3A_114 = arith.constant 0 : i32
      %dma_wait3A_115 = arith.constant 0 : i32
      %dma_wait3A_116 = tpu.memref_slice %arg8[%run_scoped3A_3, %dma_wait3A_114, %dma_wait3A_115] : memref<2x16x64xi32, #tpu.memory_space<vmem>> -> memref<1x16x64xi32, #tpu.memory_space<vmem>>
      %dma_wait3A_117 = tpu.memref_squeeze %dma_wait3A_116 : memref<1x16x64xi32, #tpu.memory_space<vmem>> -> memref<16x64xi32, #tpu.memory_space<vmem>>
      %dma_wait3A_118 = arith.constant 0 : i32
      %dma_wait3A_119 = arith.constant 0 : i32
      %dma_wait3A_120 = tpu.memref_slice %arg4[%add3A, %dma_wait3A_118, %dma_wait3A_119] : memref<32x160x64xi32, #tpu.memory_space<hbm>> -> memref<1x16x64xi32, #tpu.memory_space<hbm>>
      %dma_wait3A_121 = tpu.memref_squeeze %dma_wait3A_120 : memref<1x16x64xi32, #tpu.memory_space<hbm>> -> memref<16x64xi32, #tpu.memory_space<hbm>>
      tpu.wait_dma2 semaphore(%run_scoped3A_89 : memref<!tpu.dma_semaphore, #tpu.memory_space<semaphore_mem>>) src(%dma_wait3A_121 : memref<16x64xi32, #tpu.memory_space<hbm>>) dst(%dma_wait3A_117 : memref<16x64xi32, #tpu.memory_space<vmem>>)
      tpu.yield
    }) : () -> ()
    %barrier3A = arith.constant 0 : index
    tpu.barrier barrier_id(%barrier3A)
    %div3A = arith.constant 0 : i32
    %div3A_4 = arith.constant 16 : i32
    %div3A_5 = arith.divsi %div3A, %div3A_4 : i32
    %rem3A = arith.constant 2 : i32
    %rem3A_6 = arith.remsi %div3A_5, %rem3A : i32
    %rem3A_7 = arith.constant 0 : i32
    %rem3A_8 = arith.constant 16 : i32
    %rem3A_9 = arith.remsi %rem3A_7, %rem3A_8 : i32
    %dma_start3A = arith.constant 0 : i32
    %dma_start3A_10 = arith.constant 0 : i32
    %dma_start3A_11 = arith.constant 0 : i32
    %dma_start3A_12 = tpu.memref_slice %arg9[%dma_start3A, %dma_start3A_10, %dma_start3A_11] : memref<4x64x128xf32, #tpu.memory_space<vmem>> -> memref<1x64x128xf32, #tpu.memory_space<vmem>>
    %dma_start3A_13 = tpu.memref_squeeze %dma_start3A_12 : memref<1x64x128xf32, #tpu.memory_space<vmem>> -> memref<64x128xf32, #tpu.memory_space<vmem>>
    %dma_start3A_14 = arith.constant 0 : i32
    %dma_start3A_15 = tpu.memref_slice %arg7[%rem3A_6, %rem3A_9, %dma_start3A_14] : memref<2x16x64xi32, #tpu.memory_space<vmem>> -> memref<1x1x64xi32, #tpu.memory_space<vmem>>
    %dma_start3A_16 = tpu.memref_squeeze %dma_start3A_15 : memref<1x1x64xi32, #tpu.memory_space<vmem>> -> memref<64xi32, #tpu.memory_space<vmem>>
    %dma_start3A_17 = arith.constant 0 : i32
    %dma_start3A_18 = arith.constant 0 : i32
    %dma_start3A_19 = tpu.memref_slice %arg2[%dma_start3A_17, %dma_start3A_18] : memref<10240x128xf32, #tpu.memory_space<hbm>> -> memref<10240x128xf32, #tpu.memory_space<hbm>>
    tpu.enqueue_indirect_dma source(%dma_start3A_19 : memref<10240x128xf32, #tpu.memory_space<hbm>>) target(%dma_start3A_13 : memref<64x128xf32, #tpu.memory_space<vmem>>) offsets(%dma_start3A_16 : memref<64xi32, #tpu.memory_space<vmem>>) semaphore(%arg11 : memref<!tpu.dma_semaphore, #tpu.memory_space<semaphore_mem>>)
    %div3A_20 = arith.constant 1 : i32
    %div3A_21 = arith.constant 16 : i32
    %div3A_22 = arith.divsi %div3A_20, %div3A_21 : i32
    %rem3A_23 = arith.constant 2 : i32
    %rem3A_24 = arith.remsi %div3A_22, %rem3A_23 : i32
    %rem3A_25 = arith.constant 1 : i32
    %rem3A_26 = arith.constant 16 : i32
    %rem3A_27 = arith.remsi %rem3A_25, %rem3A_26 : i32
    %dma_start3A_28 = arith.constant 1 : i32
    %dma_start3A_29 = arith.constant 0 : i32
    %dma_start3A_30 = arith.constant 0 : i32
    %dma_start3A_31 = tpu.memref_slice %arg9[%dma_start3A_28, %dma_start3A_29, %dma_start3A_30] : memref<4x64x128xf32, #tpu.memory_space<vmem>> -> memref<1x64x128xf32, #tpu.memory_space<vmem>>
    %dma_start3A_32 = tpu.memref_squeeze %dma_start3A_31 : memref<1x64x128xf32, #tpu.memory_space<vmem>> -> memref<64x128xf32, #tpu.memory_space<vmem>>
    %dma_start3A_33 = arith.constant 0 : i32
    %dma_start3A_34 = tpu.memref_slice %arg7[%rem3A_24, %rem3A_27, %dma_start3A_33] : memref<2x16x64xi32, #tpu.memory_space<vmem>> -> memref<1x1x64xi32, #tpu.memory_space<vmem>>
    %dma_start3A_35 = tpu.memref_squeeze %dma_start3A_34 : memref<1x1x64xi32, #tpu.memory_space<vmem>> -> memref<64xi32, #tpu.memory_space<vmem>>
    %dma_start3A_36 = arith.constant 0 : i32
    %dma_start3A_37 = arith.constant 0 : i32
    %dma_start3A_38 = tpu.memref_slice %arg2[%dma_start3A_36, %dma_start3A_37] : memref<10240x128xf32, #tpu.memory_space<hbm>> -> memref<10240x128xf32, #tpu.memory_space<hbm>>
    tpu.enqueue_indirect_dma source(%dma_start3A_38 : memref<10240x128xf32, #tpu.memory_space<hbm>>) target(%dma_start3A_32 : memref<64x128xf32, #tpu.memory_space<vmem>>) offsets(%dma_start3A_35 : memref<64xi32, #tpu.memory_space<vmem>>) semaphore(%arg12 : memref<!tpu.dma_semaphore, #tpu.memory_space<semaphore_mem>>)
    %scan3A = arith.constant 0 : i32
    %scan3A_39 = arith.constant 0 : i32
    %scan3A_40 = arith.constant 40 : i32
    %scan3A_41 = arith.addi %scan3A_39, %scan3A_40 : i32
    %scan3A_42 = arith.constant 1 : i32
    scf.for %scan3A_89 = %scan3A_39 to %scan3A_41 step %scan3A_42  : i32 {
      %mul3A_90 = arith.constant 4 : i32
      %mul3A_91 = arith.muli %mul3A_90, %scan3A_89 : i32
      %add3A_92 = arith.constant 0 : i32
      %add3A_93 = arith.addi %mul3A_91, %add3A_92 : i32
      %rem3A_94 = arith.constant 16 : i32
      %rem3A_95 = arith.remsi %add3A_93, %rem3A_94 : i32
      %eq3A = arith.constant 2 : i32
      %eq3A_96 = arith.cmpi eq, %rem3A_95, %eq3A : i32
      %lt3A = arith.constant 144 : i32
      %lt3A_97 = arith.cmpi slt, %add3A_93, %lt3A : i32
      %and3A = arith.andi %eq3A_96, %lt3A_97 : i1
      %convert_element_type3A = arith.extui %and3A : i1 to i32
      %cond3A = arith.constant 0 : i32
      %cond3A_98 = arith.cmpi ne, %convert_element_type3A, %cond3A : i32
      scf.if %cond3A_98 {
        %div3A_324 = arith.constant 16 : i32
        %div3A_325 = arith.divsi %add3A_93, %div3A_324 : i32
        %add3A_326 = arith.constant 1 : i32
        %add3A_327 = arith.addi %div3A_325, %add3A_326 : i32
        %rem3A_328 = arith.constant 2 : i32
        %rem3A_329 = arith.remsi %add3A_327, %rem3A_328 : i32
        %mul3A_330 = arith.constant 16 : i32
        %mul3A_331 = arith.muli %add3A_327, %mul3A_330 : i32
        "tpu.region"() ({
          %run_scoped3A_334 = tpu.sem_alloc : memref<!tpu.dma_semaphore, #tpu.memory_space<semaphore_mem>>
          %dma_start3A_335 = arith.constant 0 : i32
          %dma_start3A_336 = arith.constant 0 : i32
          %dma_start3A_337 = tpu.memref_slice %arg7[%rem3A_329, %dma_start3A_335, %dma_start3A_336] : memref<2x16x64xi32, #tpu.memory_space<vmem>> -> memref<1x16x64xi32, #tpu.memory_space<vmem>>
          %dma_start3A_338 = tpu.memref_squeeze %dma_start3A_337 : memref<1x16x64xi32, #tpu.memory_space<vmem>> -> memref<16x64xi32, #tpu.memory_space<vmem>>
          %dma_start3A_339 = arith.constant 0 : i32
          %dma_start3A_340 = tpu.memref_slice %arg3[%add3A, %mul3A_331, %dma_start3A_339] : memref<32x160x64xi32, #tpu.memory_space<hbm>> -> memref<1x16x64xi32, #tpu.memory_space<hbm>>
          %dma_start3A_341 = tpu.memref_squeeze %dma_start3A_340 : memref<1x16x64xi32, #tpu.memory_space<hbm>> -> memref<16x64xi32, #tpu.memory_space<hbm>>
          %dma_start3A_342 = arith.constant 0 : i32
          %dma_start3A_343 = arith.constant 0 : i32
          %dma_start3A_344 = tpu.memref_slice %arg7[%rem3A_329, %dma_start3A_342, %dma_start3A_343] : memref<2x16x64xi32, #tpu.memory_space<vmem>> -> memref<1x16x64xi32, #tpu.memory_space<vmem>>
          %dma_start3A_345 = tpu.memref_squeeze %dma_start3A_344 : memref<1x16x64xi32, #tpu.memory_space<vmem>> -> memref<16x64xi32, #tpu.memory_space<vmem>>
          %dma_start3A_346 = arith.constant 0 : i32
          %dma_start3A_347 = tpu.memref_slice %arg3[%add3A, %mul3A_331, %dma_start3A_346] : memref<32x160x64xi32, #tpu.memory_space<hbm>> -> memref<1x16x64xi32, #tpu.memory_space<hbm>>
          %dma_start3A_348 = tpu.memref_squeeze %dma_start3A_347 : memref<1x16x64xi32, #tpu.memory_space<hbm>> -> memref<16x64xi32, #tpu.memory_space<hbm>>
          tpu.enqueue_dma source(%dma_start3A_348 : memref<16x64xi32, #tpu.memory_space<hbm>>) target(%dma_start3A_345 : memref<16x64xi32, #tpu.memory_space<vmem>>) target_semaphore(%run_scoped3A_334 : memref<!tpu.dma_semaphore, #tpu.memory_space<semaphore_mem>>)
          %dma_wait3A_349 = arith.constant 0 : i32
          %dma_wait3A_350 = arith.constant 0 : i32
          %dma_wait3A_351 = tpu.memref_slice %arg7[%rem3A_329, %dma_wait3A_349, %dma_wait3A_350] : memref<2x16x64xi32, #tpu.memory_space<vmem>> -> memref<1x16x64xi32, #tpu.memory_space<vmem>>
          %dma_wait3A_352 = tpu.memref_squeeze %dma_wait3A_351 : memref<1x16x64xi32, #tpu.memory_space<vmem>> -> memref<16x64xi32, #tpu.memory_space<vmem>>
          %dma_wait3A_353 = arith.constant 0 : i32
          %dma_wait3A_354 = tpu.memref_slice %arg3[%add3A, %mul3A_331, %dma_wait3A_353] : memref<32x160x64xi32, #tpu.memory_space<hbm>> -> memref<1x16x64xi32, #tpu.memory_space<hbm>>
          %dma_wait3A_355 = tpu.memref_squeeze %dma_wait3A_354 : memref<1x16x64xi32, #tpu.memory_space<hbm>> -> memref<16x64xi32, #tpu.memory_space<hbm>>
          %dma_wait3A_356 = arith.constant 0 : i32
          %dma_wait3A_357 = arith.constant 0 : i32
          %dma_wait3A_358 = tpu.memref_slice %arg7[%rem3A_329, %dma_wait3A_356, %dma_wait3A_357] : memref<2x16x64xi32, #tpu.memory_space<vmem>> -> memref<1x16x64xi32, #tpu.memory_space<vmem>>
          %dma_wait3A_359 = tpu.memref_squeeze %dma_wait3A_358 : memref<1x16x64xi32, #tpu.memory_space<vmem>> -> memref<16x64xi32, #tpu.memory_space<vmem>>
          %dma_wait3A_360 = arith.constant 0 : i32
          %dma_wait3A_361 = tpu.memref_slice %arg3[%add3A, %mul3A_331, %dma_wait3A_360] : memref<32x160x64xi32, #tpu.memory_space<hbm>> -> memref<1x16x64xi32, #tpu.memory_space<hbm>>
          %dma_wait3A_362 = tpu.memref_squeeze %dma_wait3A_361 : memref<1x16x64xi32, #tpu.memory_space<hbm>> -> memref<16x64xi32, #tpu.memory_space<hbm>>
          tpu.wait_dma2 semaphore(%run_scoped3A_334 : memref<!tpu.dma_semaphore, #tpu.memory_space<semaphore_mem>>) src(%dma_wait3A_362 : memref<16x64xi32, #tpu.memory_space<hbm>>) dst(%dma_wait3A_359 : memref<16x64xi32, #tpu.memory_space<vmem>>)
          tpu.yield
        }) : () -> ()
        %mul3A_332 = arith.constant 16 : i32
        %mul3A_333 = arith.muli %add3A_327, %mul3A_332 : i32
        "tpu.region"() ({
          %run_scoped3A_334 = tpu.sem_alloc : memref<!tpu.dma_semaphore, #tpu.memory_space<semaphore_mem>>
          %dma_start3A_335 = arith.constant 0 : i32
          %dma_start3A_336 = arith.constant 0 : i32
          %dma_start3A_337 = tpu.memref_slice %arg8[%rem3A_329, %dma_start3A_335, %dma_start3A_336] : memref<2x16x64xi32, #tpu.memory_space<vmem>> -> memref<1x16x64xi32, #tpu.memory_space<vmem>>
          %dma_start3A_338 = tpu.memref_squeeze %dma_start3A_337 : memref<1x16x64xi32, #tpu.memory_space<vmem>> -> memref<16x64xi32, #tpu.memory_space<vmem>>
          %dma_start3A_339 = arith.constant 0 : i32
          %dma_start3A_340 = tpu.memref_slice %arg4[%add3A, %mul3A_333, %dma_start3A_339] : memref<32x160x64xi32, #tpu.memory_space<hbm>> -> memref<1x16x64xi32, #tpu.memory_space<hbm>>
          %dma_start3A_341 = tpu.memref_squeeze %dma_start3A_340 : memref<1x16x64xi32, #tpu.memory_space<hbm>> -> memref<16x64xi32, #tpu.memory_space<hbm>>
          %dma_start3A_342 = arith.constant 0 : i32
          %dma_start3A_343 = arith.constant 0 : i32
          %dma_start3A_344 = tpu.memref_slice %arg8[%rem3A_329, %dma_start3A_342, %dma_start3A_343] : memref<2x16x64xi32, #tpu.memory_space<vmem>> -> memref<1x16x64xi32, #tpu.memory_space<vmem>>
          %dma_start3A_345 = tpu.memref_squeeze %dma_start3A_344 : memref<1x16x64xi32, #tpu.memory_space<vmem>> -> memref<16x64xi32, #tpu.memory_space<vmem>>
          %dma_start3A_346 = arith.constant 0 : i32
          %dma_start3A_347 = tpu.memref_slice %arg4[%add3A, %mul3A_333, %dma_start3A_346] : memref<32x160x64xi32, #tpu.memory_space<hbm>> -> memref<1x16x64xi32, #tpu.memory_space<hbm>>
          %dma_start3A_348 = tpu.memref_squeeze %dma_start3A_347 : memref<1x16x64xi32, #tpu.memory_space<hbm>> -> memref<16x64xi32, #tpu.memory_space<hbm>>
          tpu.enqueue_dma source(%dma_start3A_348 : memref<16x64xi32, #tpu.memory_space<hbm>>) target(%dma_start3A_345 : memref<16x64xi32, #tpu.memory_space<vmem>>) target_semaphore(%run_scoped3A_334 : memref<!tpu.dma_semaphore, #tpu.memory_space<semaphore_mem>>)
          %dma_wait3A_349 = arith.constant 0 : i32
          %dma_wait3A_350 = arith.constant 0 : i32
          %dma_wait3A_351 = tpu.memref_slice %arg8[%rem3A_329, %dma_wait3A_349, %dma_wait3A_350] : memref<2x16x64xi32, #tpu.memory_space<vmem>> -> memref<1x16x64xi32, #tpu.memory_space<vmem>>
          %dma_wait3A_352 = tpu.memref_squeeze %dma_wait3A_351 : memref<1x16x64xi32, #tpu.memory_space<vmem>> -> memref<16x64xi32, #tpu.memory_space<vmem>>
          %dma_wait3A_353 = arith.constant 0 : i32
          %dma_wait3A_354 = tpu.memref_slice %arg4[%add3A, %mul3A_333, %dma_wait3A_353] : memref<32x160x64xi32, #tpu.memory_space<hbm>> -> memref<1x16x64xi32, #tpu.memory_space<hbm>>
          %dma_wait3A_355 = tpu.memref_squeeze %dma_wait3A_354 : memref<1x16x64xi32, #tpu.memory_space<hbm>> -> memref<16x64xi32, #tpu.memory_space<hbm>>
          %dma_wait3A_356 = arith.constant 0 : i32
          %dma_wait3A_357 = arith.constant 0 : i32
          %dma_wait3A_358 = tpu.memref_slice %arg8[%rem3A_329, %dma_wait3A_356, %dma_wait3A_357] : memref<2x16x64xi32, #tpu.memory_space<vmem>> -> memref<1x16x64xi32, #tpu.memory_space<vmem>>
          %dma_wait3A_359 = tpu.memref_squeeze %dma_wait3A_358 : memref<1x16x64xi32, #tpu.memory_space<vmem>> -> memref<16x64xi32, #tpu.memory_space<vmem>>
          %dma_wait3A_360 = arith.constant 0 : i32
          %dma_wait3A_361 = tpu.memref_slice %arg4[%add3A, %mul3A_333, %dma_wait3A_360] : memref<32x160x64xi32, #tpu.memory_space<hbm>> -> memref<1x16x64xi32, #tpu.memory_space<hbm>>
          %dma_wait3A_362 = tpu.memref_squeeze %dma_wait3A_361 : memref<1x16x64xi32, #tpu.memory_space<hbm>> -> memref<16x64xi32, #tpu.memory_space<hbm>>
          tpu.wait_dma2 semaphore(%run_scoped3A_334 : memref<!tpu.dma_semaphore, #tpu.memory_space<semaphore_mem>>) src(%dma_wait3A_362 : memref<16x64xi32, #tpu.memory_space<hbm>>) dst(%dma_wait3A_359 : memref<16x64xi32, #tpu.memory_space<vmem>>)
          tpu.yield
        }) : () -> ()
      } else {
      }
      %ge3A = arith.constant 2 : i32
      %ge3A_99 = arith.cmpi sge, %add3A_93, %ge3A : i32
      %convert_element_type3A_100 = arith.extui %ge3A_99 : i1 to i32
      %cond3A_101 = arith.constant 0 : i32
      %cond3A_102 = arith.cmpi ne, %convert_element_type3A_100, %cond3A_101 : i32
      scf.if %cond3A_102 {
        %div3A_324 = arith.constant 16 : i32
        %div3A_325 = arith.divsi %add3A_93, %div3A_324 : i32
        %rem3A_326 = arith.constant 2 : i32
        %rem3A_327 = arith.remsi %div3A_325, %rem3A_326 : i32
        %rem3A_328 = arith.constant 16 : i32
        %rem3A_329 = arith.remsi %add3A_93, %rem3A_328 : i32
        %dma_wait3A_330 = arith.constant 2 : i32
        %dma_wait3A_331 = arith.constant 0 : i32
        %dma_wait3A_332 = arith.constant 0 : i32
        %dma_wait3A_333 = tpu.memref_slice %arg9[%dma_wait3A_330, %dma_wait3A_331, %dma_wait3A_332] : memref<4x64x128xf32, #tpu.memory_space<vmem>> -> memref<1x64x128xf32, #tpu.memory_space<vmem>>
        %dma_wait3A_334 = tpu.memref_squeeze %dma_wait3A_333 : memref<1x64x128xf32, #tpu.memory_space<vmem>> -> memref<64x128xf32, #tpu.memory_space<vmem>>
        %dma_wait3A_335 = arith.constant 0 : i32
        %dma_wait3A_336 = tpu.memref_slice %arg8[%rem3A_327, %rem3A_329, %dma_wait3A_335] : memref<2x16x64xi32, #tpu.memory_space<vmem>> -> memref<1x1x64xi32, #tpu.memory_space<vmem>>
        %dma_wait3A_337 = tpu.memref_squeeze %dma_wait3A_336 : memref<1x1x64xi32, #tpu.memory_space<vmem>> -> memref<64xi32, #tpu.memory_space<vmem>>
        %dma_wait3A_338 = arith.constant 0 : i32
        %dma_wait3A_339 = arith.constant 0 : i32
        %dma_wait3A_340 = tpu.memref_slice %arg10[%dma_wait3A_338, %dma_wait3A_339] : memref<10240x128xf32, #tpu.memory_space<vmem_shared>> -> memref<10240x128xf32, #tpu.memory_space<vmem_shared>>
        tpu.wait_indirect_dma semaphore(%arg17 : memref<!tpu.dma_semaphore, #tpu.memory_space<semaphore_mem>>) src(%dma_wait3A_334 : memref<64x128xf32, #tpu.memory_space<vmem>>) dst(%dma_wait3A_340 : memref<10240x128xf32, #tpu.memory_space<vmem_shared>>)
      } else {
      }
      %add3A_103 = arith.constant 2 : i32
      %add3A_104 = arith.addi %add3A_93, %add3A_103 : i32
      %lt3A_105 = arith.constant 160 : i32
      %lt3A_106 = arith.cmpi slt, %add3A_104, %lt3A_105 : i32
      %convert_element_type3A_107 = arith.extui %lt3A_106 : i1 to i32
      %cond3A_108 = arith.constant 0 : i32
      %cond3A_109 = arith.cmpi ne, %convert_element_type3A_107, %cond3A_108 : i32
      scf.if %cond3A_109 {
        %add3A_324 = arith.constant 2 : i32
        %add3A_325 = arith.addi %add3A_93, %add3A_324 : i32
        %div3A_326 = arith.constant 16 : i32
        %div3A_327 = arith.divsi %add3A_325, %div3A_326 : i32
        %rem3A_328 = arith.constant 2 : i32
        %rem3A_329 = arith.remsi %div3A_327, %rem3A_328 : i32
        %rem3A_330 = arith.constant 16 : i32
        %rem3A_331 = arith.remsi %add3A_325, %rem3A_330 : i32
        %dma_start3A_332 = arith.constant 2 : i32
        %dma_start3A_333 = arith.constant 0 : i32
        %dma_start3A_334 = arith.constant 0 : i32
        %dma_start3A_335 = tpu.memref_slice %arg9[%dma_start3A_332, %dma_start3A_333, %dma_start3A_334] : memref<4x64x128xf32, #tpu.memory_space<vmem>> -> memref<1x64x128xf32, #tpu.memory_space<vmem>>
        %dma_start3A_336 = tpu.memref_squeeze %dma_start3A_335 : memref<1x64x128xf32, #tpu.memory_space<vmem>> -> memref<64x128xf32, #tpu.memory_space<vmem>>
        %dma_start3A_337 = arith.constant 0 : i32
        %dma_start3A_338 = tpu.memref_slice %arg7[%rem3A_329, %rem3A_331, %dma_start3A_337] : memref<2x16x64xi32, #tpu.memory_space<vmem>> -> memref<1x1x64xi32, #tpu.memory_space<vmem>>
        %dma_start3A_339 = tpu.memref_squeeze %dma_start3A_338 : memref<1x1x64xi32, #tpu.memory_space<vmem>> -> memref<64xi32, #tpu.memory_space<vmem>>
        %dma_start3A_340 = arith.constant 0 : i32
        %dma_start3A_341 = arith.constant 0 : i32
        %dma_start3A_342 = tpu.memref_slice %arg2[%dma_start3A_340, %dma_start3A_341] : memref<10240x128xf32, #tpu.memory_space<hbm>> -> memref<10240x128xf32, #tpu.memory_space<hbm>>
        tpu.enqueue_indirect_dma source(%dma_start3A_342 : memref<10240x128xf32, #tpu.memory_space<hbm>>) target(%dma_start3A_336 : memref<64x128xf32, #tpu.memory_space<vmem>>) offsets(%dma_start3A_339 : memref<64xi32, #tpu.memory_space<vmem>>) semaphore(%arg13 : memref<!tpu.dma_semaphore, #tpu.memory_space<semaphore_mem>>)
      } else {
      }
      %div3A_110 = arith.constant 16 : i32
      %div3A_111 = arith.divsi %add3A_93, %div3A_110 : i32
      %rem3A_112 = arith.constant 2 : i32
      %rem3A_113 = arith.remsi %div3A_111, %rem3A_112 : i32
      %rem3A_114 = arith.constant 16 : i32
      %rem3A_115 = arith.remsi %add3A_93, %rem3A_114 : i32
      %dma_wait3A_116 = arith.constant 0 : i32
      %dma_wait3A_117 = arith.constant 0 : i32
      %dma_wait3A_118 = arith.constant 0 : i32
      %dma_wait3A_119 = tpu.memref_slice %arg9[%dma_wait3A_116, %dma_wait3A_117, %dma_wait3A_118] : memref<4x64x128xf32, #tpu.memory_space<vmem>> -> memref<1x64x128xf32, #tpu.memory_space<vmem>>
      %dma_wait3A_120 = tpu.memref_squeeze %dma_wait3A_119 : memref<1x64x128xf32, #tpu.memory_space<vmem>> -> memref<64x128xf32, #tpu.memory_space<vmem>>
      %dma_wait3A_121 = arith.constant 0 : i32
      %dma_wait3A_122 = tpu.memref_slice %arg7[%rem3A_113, %rem3A_115, %dma_wait3A_121] : memref<2x16x64xi32, #tpu.memory_space<vmem>> -> memref<1x1x64xi32, #tpu.memory_space<vmem>>
      %dma_wait3A_123 = tpu.memref_squeeze %dma_wait3A_122 : memref<1x1x64xi32, #tpu.memory_space<vmem>> -> memref<64xi32, #tpu.memory_space<vmem>>
      %dma_wait3A_124 = arith.constant 0 : i32
      %dma_wait3A_125 = arith.constant 0 : i32
      %dma_wait3A_126 = tpu.memref_slice %arg2[%dma_wait3A_124, %dma_wait3A_125] : memref<10240x128xf32, #tpu.memory_space<hbm>> -> memref<10240x128xf32, #tpu.memory_space<hbm>>
      tpu.wait_indirect_dma semaphore(%arg11 : memref<!tpu.dma_semaphore, #tpu.memory_space<semaphore_mem>>) src(%dma_wait3A_126 : memref<10240x128xf32, #tpu.memory_space<hbm>>) dst(%dma_wait3A_120 : memref<64x128xf32, #tpu.memory_space<vmem>>)
      %div3A_127 = arith.constant 16 : i32
      %div3A_128 = arith.divsi %add3A_93, %div3A_127 : i32
      %rem3A_129 = arith.constant 2 : i32
      %rem3A_130 = arith.remsi %div3A_128, %rem3A_129 : i32
      %rem3A_131 = arith.constant 16 : i32
      %rem3A_132 = arith.remsi %add3A_93, %rem3A_131 : i32
      %dma_start3A_133 = arith.constant 0 : i32
      %dma_start3A_134 = arith.constant 0 : i32
      %dma_start3A_135 = arith.constant 0 : i32
      %dma_start3A_136 = tpu.memref_slice %arg9[%dma_start3A_133, %dma_start3A_134, %dma_start3A_135] : memref<4x64x128xf32, #tpu.memory_space<vmem>> -> memref<1x64x128xf32, #tpu.memory_space<vmem>>
      %dma_start3A_137 = tpu.memref_squeeze %dma_start3A_136 : memref<1x64x128xf32, #tpu.memory_space<vmem>> -> memref<64x128xf32, #tpu.memory_space<vmem>>
      %dma_start3A_138 = arith.constant 0 : i32
      %dma_start3A_139 = tpu.memref_slice %arg8[%rem3A_130, %rem3A_132, %dma_start3A_138] : memref<2x16x64xi32, #tpu.memory_space<vmem>> -> memref<1x1x64xi32, #tpu.memory_space<vmem>>
      %dma_start3A_140 = tpu.memref_squeeze %dma_start3A_139 : memref<1x1x64xi32, #tpu.memory_space<vmem>> -> memref<64xi32, #tpu.memory_space<vmem>>
      %dma_start3A_141 = arith.constant 0 : i32
      %dma_start3A_142 = arith.constant 0 : i32
      %dma_start3A_143 = tpu.memref_slice %arg10[%dma_start3A_141, %dma_start3A_142] : memref<10240x128xf32, #tpu.memory_space<vmem_shared>> -> memref<10240x128xf32, #tpu.memory_space<vmem_shared>>
      tpu.enqueue_indirect_dma source(%dma_start3A_137 : memref<64x128xf32, #tpu.memory_space<vmem>>) target(%dma_start3A_143 : memref<10240x128xf32, #tpu.memory_space<vmem_shared>>) offsets(%dma_start3A_140 : memref<64xi32, #tpu.memory_space<vmem>>) semaphore(%arg15 : memref<!tpu.dma_semaphore, #tpu.memory_space<semaphore_mem>>) {add = true}
      %mul3A_144 = arith.constant 4 : i32
      %mul3A_145 = arith.muli %mul3A_144, %scan3A_89 : i32
      %add3A_146 = arith.constant 1 : i32
      %add3A_147 = arith.addi %mul3A_145, %add3A_146 : i32
      %rem3A_148 = arith.constant 16 : i32
      %rem3A_149 = arith.remsi %add3A_147, %rem3A_148 : i32
      %eq3A_150 = arith.constant 2 : i32
      %eq3A_151 = arith.cmpi eq, %rem3A_149, %eq3A_150 : i32
      %lt3A_152 = arith.constant 144 : i32
      %lt3A_153 = arith.cmpi slt, %add3A_147, %lt3A_152 : i32
      %and3A_154 = arith.andi %eq3A_151, %lt3A_153 : i1
      %convert_element_type3A_155 = arith.extui %and3A_154 : i1 to i32
      %cond3A_156 = arith.constant 0 : i32
      %cond3A_157 = arith.cmpi ne, %convert_element_type3A_155, %cond3A_156 : i32
      scf.if %cond3A_157 {
        %div3A_324 = arith.constant 16 : i32
        %div3A_325 = arith.divsi %add3A_147, %div3A_324 : i32
        %add3A_326 = arith.constant 1 : i32
        %add3A_327 = arith.addi %div3A_325, %add3A_326 : i32
        %rem3A_328 = arith.constant 2 : i32
        %rem3A_329 = arith.remsi %add3A_327, %rem3A_328 : i32
        %mul3A_330 = arith.constant 16 : i32
        %mul3A_331 = arith.muli %add3A_327, %mul3A_330 : i32
        "tpu.region"() ({
          %run_scoped3A_334 = tpu.sem_alloc : memref<!tpu.dma_semaphore, #tpu.memory_space<semaphore_mem>>
          %dma_start3A_335 = arith.constant 0 : i32
          %dma_start3A_336 = arith.constant 0 : i32
          %dma_start3A_337 = tpu.memref_slice %arg7[%rem3A_329, %dma_start3A_335, %dma_start3A_336] : memref<2x16x64xi32, #tpu.memory_space<vmem>> -> memref<1x16x64xi32, #tpu.memory_space<vmem>>
          %dma_start3A_338 = tpu.memref_squeeze %dma_start3A_337 : memref<1x16x64xi32, #tpu.memory_space<vmem>> -> memref<16x64xi32, #tpu.memory_space<vmem>>
          %dma_start3A_339 = arith.constant 0 : i32
          %dma_start3A_340 = tpu.memref_slice %arg3[%add3A, %mul3A_331, %dma_start3A_339] : memref<32x160x64xi32, #tpu.memory_space<hbm>> -> memref<1x16x64xi32, #tpu.memory_space<hbm>>
          %dma_start3A_341 = tpu.memref_squeeze %dma_start3A_340 : memref<1x16x64xi32, #tpu.memory_space<hbm>> -> memref<16x64xi32, #tpu.memory_space<hbm>>
          %dma_start3A_342 = arith.constant 0 : i32
          %dma_start3A_343 = arith.constant 0 : i32
          %dma_start3A_344 = tpu.memref_slice %arg7[%rem3A_329, %dma_start3A_342, %dma_start3A_343] : memref<2x16x64xi32, #tpu.memory_space<vmem>> -> memref<1x16x64xi32, #tpu.memory_space<vmem>>
          %dma_start3A_345 = tpu.memref_squeeze %dma_start3A_344 : memref<1x16x64xi32, #tpu.memory_space<vmem>> -> memref<16x64xi32, #tpu.memory_space<vmem>>
          %dma_start3A_346 = arith.constant 0 : i32
          %dma_start3A_347 = tpu.memref_slice %arg3[%add3A, %mul3A_331, %dma_start3A_346] : memref<32x160x64xi32, #tpu.memory_space<hbm>> -> memref<1x16x64xi32, #tpu.memory_space<hbm>>
          %dma_start3A_348 = tpu.memref_squeeze %dma_start3A_347 : memref<1x16x64xi32, #tpu.memory_space<hbm>> -> memref<16x64xi32, #tpu.memory_space<hbm>>
          tpu.enqueue_dma source(%dma_start3A_348 : memref<16x64xi32, #tpu.memory_space<hbm>>) target(%dma_start3A_345 : memref<16x64xi32, #tpu.memory_space<vmem>>) target_semaphore(%run_scoped3A_334 : memref<!tpu.dma_semaphore, #tpu.memory_space<semaphore_mem>>)
          %dma_wait3A_349 = arith.constant 0 : i32
          %dma_wait3A_350 = arith.constant 0 : i32
          %dma_wait3A_351 = tpu.memref_slice %arg7[%rem3A_329, %dma_wait3A_349, %dma_wait3A_350] : memref<2x16x64xi32, #tpu.memory_space<vmem>> -> memref<1x16x64xi32, #tpu.memory_space<vmem>>
          %dma_wait3A_352 = tpu.memref_squeeze %dma_wait3A_351 : memref<1x16x64xi32, #tpu.memory_space<vmem>> -> memref<16x64xi32, #tpu.memory_space<vmem>>
          %dma_wait3A_353 = arith.constant 0 : i32
          %dma_wait3A_354 = tpu.memref_slice %arg3[%add3A, %mul3A_331, %dma_wait3A_353] : memref<32x160x64xi32, #tpu.memory_space<hbm>> -> memref<1x16x64xi32, #tpu.memory_space<hbm>>
          %dma_wait3A_355 = tpu.memref_squeeze %dma_wait3A_354 : memref<1x16x64xi32, #tpu.memory_space<hbm>> -> memref<16x64xi32, #tpu.memory_space<hbm>>
          %dma_wait3A_356 = arith.constant 0 : i32
          %dma_wait3A_357 = arith.constant 0 : i32
          %dma_wait3A_358 = tpu.memref_slice %arg7[%rem3A_329, %dma_wait3A_356, %dma_wait3A_357] : memref<2x16x64xi32, #tpu.memory_space<vmem>> -> memref<1x16x64xi32, #tpu.memory_space<vmem>>
          %dma_wait3A_359 = tpu.memref_squeeze %dma_wait3A_358 : memref<1x16x64xi32, #tpu.memory_space<vmem>> -> memref<16x64xi32, #tpu.memory_space<vmem>>
          %dma_wait3A_360 = arith.constant 0 : i32
          %dma_wait3A_361 = tpu.memref_slice %arg3[%add3A, %mul3A_331, %dma_wait3A_360] : memref<32x160x64xi32, #tpu.memory_space<hbm>> -> memref<1x16x64xi32, #tpu.memory_space<hbm>>
          %dma_wait3A_362 = tpu.memref_squeeze %dma_wait3A_361 : memref<1x16x64xi32, #tpu.memory_space<hbm>> -> memref<16x64xi32, #tpu.memory_space<hbm>>
          tpu.wait_dma2 semaphore(%run_scoped3A_334 : memref<!tpu.dma_semaphore, #tpu.memory_space<semaphore_mem>>) src(%dma_wait3A_362 : memref<16x64xi32, #tpu.memory_space<hbm>>) dst(%dma_wait3A_359 : memref<16x64xi32, #tpu.memory_space<vmem>>)
          tpu.yield
        }) : () -> ()
        %mul3A_332 = arith.constant 16 : i32
        %mul3A_333 = arith.muli %add3A_327, %mul3A_332 : i32
        "tpu.region"() ({
          %run_scoped3A_334 = tpu.sem_alloc : memref<!tpu.dma_semaphore, #tpu.memory_space<semaphore_mem>>
          %dma_start3A_335 = arith.constant 0 : i32
          %dma_start3A_336 = arith.constant 0 : i32
          %dma_start3A_337 = tpu.memref_slice %arg8[%rem3A_329, %dma_start3A_335, %dma_start3A_336] : memref<2x16x64xi32, #tpu.memory_space<vmem>> -> memref<1x16x64xi32, #tpu.memory_space<vmem>>
          %dma_start3A_338 = tpu.memref_squeeze %dma_start3A_337 : memref<1x16x64xi32, #tpu.memory_space<vmem>> -> memref<16x64xi32, #tpu.memory_space<vmem>>
          %dma_start3A_339 = arith.constant 0 : i32
          %dma_start3A_340 = tpu.memref_slice %arg4[%add3A, %mul3A_333, %dma_start3A_339] : memref<32x160x64xi32, #tpu.memory_space<hbm>> -> memref<1x16x64xi32, #tpu.memory_space<hbm>>
          %dma_start3A_341 = tpu.memref_squeeze %dma_start3A_340 : memref<1x16x64xi32, #tpu.memory_space<hbm>> -> memref<16x64xi32, #tpu.memory_space<hbm>>
          %dma_start3A_342 = arith.constant 0 : i32
          %dma_start3A_343 = arith.constant 0 : i32
          %dma_start3A_344 = tpu.memref_slice %arg8[%rem3A_329, %dma_start3A_342, %dma_start3A_343] : memref<2x16x64xi32, #tpu.memory_space<vmem>> -> memref<1x16x64xi32, #tpu.memory_space<vmem>>
          %dma_start3A_345 = tpu.memref_squeeze %dma_start3A_344 : memref<1x16x64xi32, #tpu.memory_space<vmem>> -> memref<16x64xi32, #tpu.memory_space<vmem>>
          %dma_start3A_346 = arith.constant 0 : i32
          %dma_start3A_347 = tpu.memref_slice %arg4[%add3A, %mul3A_333, %dma_start3A_346] : memref<32x160x64xi32, #tpu.memory_space<hbm>> -> memref<1x16x64xi32, #tpu.memory_space<hbm>>
          %dma_start3A_348 = tpu.memref_squeeze %dma_start3A_347 : memref<1x16x64xi32, #tpu.memory_space<hbm>> -> memref<16x64xi32, #tpu.memory_space<hbm>>
          tpu.enqueue_dma source(%dma_start3A_348 : memref<16x64xi32, #tpu.memory_space<hbm>>) target(%dma_start3A_345 : memref<16x64xi32, #tpu.memory_space<vmem>>) target_semaphore(%run_scoped3A_334 : memref<!tpu.dma_semaphore, #tpu.memory_space<semaphore_mem>>)
          %dma_wait3A_349 = arith.constant 0 : i32
          %dma_wait3A_350 = arith.constant 0 : i32
          %dma_wait3A_351 = tpu.memref_slice %arg8[%rem3A_329, %dma_wait3A_349, %dma_wait3A_350] : memref<2x16x64xi32, #tpu.memory_space<vmem>> -> memref<1x16x64xi32, #tpu.memory_space<vmem>>
          %dma_wait3A_352 = tpu.memref_squeeze %dma_wait3A_351 : memref<1x16x64xi32, #tpu.memory_space<vmem>> -> memref<16x64xi32, #tpu.memory_space<vmem>>
          %dma_wait3A_353 = arith.constant 0 : i32
          %dma_wait3A_354 = tpu.memref_slice %arg4[%add3A, %mul3A_333, %dma_wait3A_353] : memref<32x160x64xi32, #tpu.memory_space<hbm>> -> memref<1x16x64xi32, #tpu.memory_space<hbm>>
          %dma_wait3A_355 = tpu.memref_squeeze %dma_wait3A_354 : memref<1x16x64xi32, #tpu.memory_space<hbm>> -> memref<16x64xi32, #tpu.memory_space<hbm>>
          %dma_wait3A_356 = arith.constant 0 : i32
          %dma_wait3A_357 = arith.constant 0 : i32
          %dma_wait3A_358 = tpu.memref_slice %arg8[%rem3A_329, %dma_wait3A_356, %dma_wait3A_357] : memref<2x16x64xi32, #tpu.memory_space<vmem>> -> memref<1x16x64xi32, #tpu.memory_space<vmem>>
          %dma_wait3A_359 = tpu.memref_squeeze %dma_wait3A_358 : memref<1x16x64xi32, #tpu.memory_space<vmem>> -> memref<16x64xi32, #tpu.memory_space<vmem>>
          %dma_wait3A_360 = arith.constant 0 : i32
          %dma_wait3A_361 = tpu.memref_slice %arg4[%add3A, %mul3A_333, %dma_wait3A_360] : memref<32x160x64xi32, #tpu.memory_space<hbm>> -> memref<1x16x64xi32, #tpu.memory_space<hbm>>
          %dma_wait3A_362 = tpu.memref_squeeze %dma_wait3A_361 : memref<1x16x64xi32, #tpu.memory_space<hbm>> -> memref<16x64xi32, #tpu.memory_space<hbm>>
          tpu.wait_dma2 semaphore(%run_scoped3A_334 : memref<!tpu.dma_semaphore, #tpu.memory_space<semaphore_mem>>) src(%dma_wait3A_362 : memref<16x64xi32, #tpu.memory_space<hbm>>) dst(%dma_wait3A_359 : memref<16x64xi32, #tpu.memory_space<vmem>>)
          tpu.yield
        }) : () -> ()
      } else {
      }
      %ge3A_158 = arith.constant 2 : i32
      %ge3A_159 = arith.cmpi sge, %add3A_147, %ge3A_158 : i32
      %convert_element_type3A_160 = arith.extui %ge3A_159 : i1 to i32
      %cond3A_161 = arith.constant 0 : i32
      %cond3A_162 = arith.cmpi ne, %convert_element_type3A_160, %cond3A_161 : i32
      scf.if %cond3A_162 {
        %div3A_324 = arith.constant 16 : i32
        %div3A_325 = arith.divsi %add3A_147, %div3A_324 : i32
        %rem3A_326 = arith.constant 2 : i32
        %rem3A_327 = arith.remsi %div3A_325, %rem3A_326 : i32
        %rem3A_328 = arith.constant 16 : i32
        %rem3A_329 = arith.remsi %add3A_147, %rem3A_328 : i32
        %dma_wait3A_330 = arith.constant 3 : i32
        %dma_wait3A_331 = arith.constant 0 : i32
        %dma_wait3A_332 = arith.constant 0 : i32
        %dma_wait3A_333 = tpu.memref_slice %arg9[%dma_wait3A_330, %dma_wait3A_331, %dma_wait3A_332] : memref<4x64x128xf32, #tpu.memory_space<vmem>> -> memref<1x64x128xf32, #tpu.memory_space<vmem>>
        %dma_wait3A_334 = tpu.memref_squeeze %dma_wait3A_333 : memref<1x64x128xf32, #tpu.memory_space<vmem>> -> memref<64x128xf32, #tpu.memory_space<vmem>>
        %dma_wait3A_335 = arith.constant 0 : i32
        %dma_wait3A_336 = tpu.memref_slice %arg8[%rem3A_327, %rem3A_329, %dma_wait3A_335] : memref<2x16x64xi32, #tpu.memory_space<vmem>> -> memref<1x1x64xi32, #tpu.memory_space<vmem>>
        %dma_wait3A_337 = tpu.memref_squeeze %dma_wait3A_336 : memref<1x1x64xi32, #tpu.memory_space<vmem>> -> memref<64xi32, #tpu.memory_space<vmem>>
        %dma_wait3A_338 = arith.constant 0 : i32
        %dma_wait3A_339 = arith.constant 0 : i32
        %dma_wait3A_340 = tpu.memref_slice %arg10[%dma_wait3A_338, %dma_wait3A_339] : memref<10240x128xf32, #tpu.memory_space<vmem_shared>> -> memref<10240x128xf32, #tpu.memory_space<vmem_shared>>
        tpu.wait_indirect_dma semaphore(%arg18 : memref<!tpu.dma_semaphore, #tpu.memory_space<semaphore_mem>>) src(%dma_wait3A_334 : memref<64x128xf32, #tpu.memory_space<vmem>>) dst(%dma_wait3A_340 : memref<10240x128xf32, #tpu.memory_space<vmem_shared>>)
      } else {
      }
      %add3A_163 = arith.constant 2 : i32
      %add3A_164 = arith.addi %add3A_147, %add3A_163 : i32
      %lt3A_165 = arith.constant 160 : i32
      %lt3A_166 = arith.cmpi slt, %add3A_164, %lt3A_165 : i32
      %convert_element_type3A_167 = arith.extui %lt3A_166 : i1 to i32
      %cond3A_168 = arith.constant 0 : i32
      %cond3A_169 = arith.cmpi ne, %convert_element_type3A_167, %cond3A_168 : i32
      scf.if %cond3A_169 {
        %add3A_324 = arith.constant 2 : i32
        %add3A_325 = arith.addi %add3A_147, %add3A_324 : i32
        %div3A_326 = arith.constant 16 : i32
        %div3A_327 = arith.divsi %add3A_325, %div3A_326 : i32
        %rem3A_328 = arith.constant 2 : i32
        %rem3A_329 = arith.remsi %div3A_327, %rem3A_328 : i32
        %rem3A_330 = arith.constant 16 : i32
        %rem3A_331 = arith.remsi %add3A_325, %rem3A_330 : i32
        %dma_start3A_332 = arith.constant 3 : i32
        %dma_start3A_333 = arith.constant 0 : i32
        %dma_start3A_334 = arith.constant 0 : i32
        %dma_start3A_335 = tpu.memref_slice %arg9[%dma_start3A_332, %dma_start3A_333, %dma_start3A_334] : memref<4x64x128xf32, #tpu.memory_space<vmem>> -> memref<1x64x128xf32, #tpu.memory_space<vmem>>
        %dma_start3A_336 = tpu.memref_squeeze %dma_start3A_335 : memref<1x64x128xf32, #tpu.memory_space<vmem>> -> memref<64x128xf32, #tpu.memory_space<vmem>>
        %dma_start3A_337 = arith.constant 0 : i32
        %dma_start3A_338 = tpu.memref_slice %arg7[%rem3A_329, %rem3A_331, %dma_start3A_337] : memref<2x16x64xi32, #tpu.memory_space<vmem>> -> memref<1x1x64xi32, #tpu.memory_space<vmem>>
        %dma_start3A_339 = tpu.memref_squeeze %dma_start3A_338 : memref<1x1x64xi32, #tpu.memory_space<vmem>> -> memref<64xi32, #tpu.memory_space<vmem>>
        %dma_start3A_340 = arith.constant 0 : i32
        %dma_start3A_341 = arith.constant 0 : i32
        %dma_start3A_342 = tpu.memref_slice %arg2[%dma_start3A_340, %dma_start3A_341] : memref<10240x128xf32, #tpu.memory_space<hbm>> -> memref<10240x128xf32, #tpu.memory_space<hbm>>
        tpu.enqueue_indirect_dma source(%dma_start3A_342 : memref<10240x128xf32, #tpu.memory_space<hbm>>) target(%dma_start3A_336 : memref<64x128xf32, #tpu.memory_space<vmem>>) offsets(%dma_start3A_339 : memref<64xi32, #tpu.memory_space<vmem>>) semaphore(%arg14 : memref<!tpu.dma_semaphore, #tpu.memory_space<semaphore_mem>>)
      } else {
      }
      %div3A_170 = arith.constant 16 : i32
      %div3A_171 = arith.divsi %add3A_147, %div3A_170 : i32
      %rem3A_172 = arith.constant 2 : i32
      %rem3A_173 = arith.remsi %div3A_171, %rem3A_172 : i32
      %rem3A_174 = arith.constant 16 : i32
      %rem3A_175 = arith.remsi %add3A_147, %rem3A_174 : i32
      %dma_wait3A_176 = arith.constant 1 : i32
      %dma_wait3A_177 = arith.constant 0 : i32
      %dma_wait3A_178 = arith.constant 0 : i32
      %dma_wait3A_179 = tpu.memref_slice %arg9[%dma_wait3A_176, %dma_wait3A_177, %dma_wait3A_178] : memref<4x64x128xf32, #tpu.memory_space<vmem>> -> memref<1x64x128xf32, #tpu.memory_space<vmem>>
      %dma_wait3A_180 = tpu.memref_squeeze %dma_wait3A_179 : memref<1x64x128xf32, #tpu.memory_space<vmem>> -> memref<64x128xf32, #tpu.memory_space<vmem>>
      %dma_wait3A_181 = arith.constant 0 : i32
      %dma_wait3A_182 = tpu.memref_slice %arg7[%rem3A_173, %rem3A_175, %dma_wait3A_181] : memref<2x16x64xi32, #tpu.memory_space<vmem>> -> memref<1x1x64xi32, #tpu.memory_space<vmem>>
      %dma_wait3A_183 = tpu.memref_squeeze %dma_wait3A_182 : memref<1x1x64xi32, #tpu.memory_space<vmem>> -> memref<64xi32, #tpu.memory_space<vmem>>
      %dma_wait3A_184 = arith.constant 0 : i32
      %dma_wait3A_185 = arith.constant 0 : i32
      %dma_wait3A_186 = tpu.memref_slice %arg2[%dma_wait3A_184, %dma_wait3A_185] : memref<10240x128xf32, #tpu.memory_space<hbm>> -> memref<10240x128xf32, #tpu.memory_space<hbm>>
      tpu.wait_indirect_dma semaphore(%arg12 : memref<!tpu.dma_semaphore, #tpu.memory_space<semaphore_mem>>) src(%dma_wait3A_186 : memref<10240x128xf32, #tpu.memory_space<hbm>>) dst(%dma_wait3A_180 : memref<64x128xf32, #tpu.memory_space<vmem>>)
      %div3A_187 = arith.constant 16 : i32
      %div3A_188 = arith.divsi %add3A_147, %div3A_187 : i32
      %rem3A_189 = arith.constant 2 : i32
      %rem3A_190 = arith.remsi %div3A_188, %rem3A_189 : i32
      %rem3A_191 = arith.constant 16 : i32
      %rem3A_192 = arith.remsi %add3A_147, %rem3A_191 : i32
      %dma_start3A_193 = arith.constant 1 : i32
      %dma_start3A_194 = arith.constant 0 : i32
      %dma_start3A_195 = arith.constant 0 : i32
      %dma_start3A_196 = tpu.memref_slice %arg9[%dma_start3A_193, %dma_start3A_194, %dma_start3A_195] : memref<4x64x128xf32, #tpu.memory_space<vmem>> -> memref<1x64x128xf32, #tpu.memory_space<vmem>>
      %dma_start3A_197 = tpu.memref_squeeze %dma_start3A_196 : memref<1x64x128xf32, #tpu.memory_space<vmem>> -> memref<64x128xf32, #tpu.memory_space<vmem>>
      %dma_start3A_198 = arith.constant 0 : i32
      %dma_start3A_199 = tpu.memref_slice %arg8[%rem3A_190, %rem3A_192, %dma_start3A_198] : memref<2x16x64xi32, #tpu.memory_space<vmem>> -> memref<1x1x64xi32, #tpu.memory_space<vmem>>
      %dma_start3A_200 = tpu.memref_squeeze %dma_start3A_199 : memref<1x1x64xi32, #tpu.memory_space<vmem>> -> memref<64xi32, #tpu.memory_space<vmem>>
      %dma_start3A_201 = arith.constant 0 : i32
      %dma_start3A_202 = arith.constant 0 : i32
      %dma_start3A_203 = tpu.memref_slice %arg10[%dma_start3A_201, %dma_start3A_202] : memref<10240x128xf32, #tpu.memory_space<vmem_shared>> -> memref<10240x128xf32, #tpu.memory_space<vmem_shared>>
      tpu.enqueue_indirect_dma source(%dma_start3A_197 : memref<64x128xf32, #tpu.memory_space<vmem>>) target(%dma_start3A_203 : memref<10240x128xf32, #tpu.memory_space<vmem_shared>>) offsets(%dma_start3A_200 : memref<64xi32, #tpu.memory_space<vmem>>) semaphore(%arg16 : memref<!tpu.dma_semaphore, #tpu.memory_space<semaphore_mem>>) {add = true}
      %mul3A_204 = arith.constant 4 : i32
      %mul3A_205 = arith.muli %mul3A_204, %scan3A_89 : i32
      %add3A_206 = arith.constant 2 : i32
      %add3A_207 = arith.addi %mul3A_205, %add3A_206 : i32
      %rem3A_208 = arith.constant 16 : i32
      %rem3A_209 = arith.remsi %add3A_207, %rem3A_208 : i32
      %eq3A_210 = arith.constant 2 : i32
      %eq3A_211 = arith.cmpi eq, %rem3A_209, %eq3A_210 : i32
      %lt3A_212 = arith.constant 144 : i32
      %lt3A_213 = arith.cmpi slt, %add3A_207, %lt3A_212 : i32
      %and3A_214 = arith.andi %eq3A_211, %lt3A_213 : i1
      %convert_element_type3A_215 = arith.extui %and3A_214 : i1 to i32
      %cond3A_216 = arith.constant 0 : i32
      %cond3A_217 = arith.cmpi ne, %convert_element_type3A_215, %cond3A_216 : i32
      scf.if %cond3A_217 {
        %div3A_324 = arith.constant 16 : i32
        %div3A_325 = arith.divsi %add3A_207, %div3A_324 : i32
        %add3A_326 = arith.constant 1 : i32
        %add3A_327 = arith.addi %div3A_325, %add3A_326 : i32
        %rem3A_328 = arith.constant 2 : i32
        %rem3A_329 = arith.remsi %add3A_327, %rem3A_328 : i32
        %mul3A_330 = arith.constant 16 : i32
        %mul3A_331 = arith.muli %add3A_327, %mul3A_330 : i32
        "tpu.region"() ({
          %run_scoped3A_334 = tpu.sem_alloc : memref<!tpu.dma_semaphore, #tpu.memory_space<semaphore_mem>>
          %dma_start3A_335 = arith.constant 0 : i32
          %dma_start3A_336 = arith.constant 0 : i32
          %dma_start3A_337 = tpu.memref_slice %arg7[%rem3A_329, %dma_start3A_335, %dma_start3A_336] : memref<2x16x64xi32, #tpu.memory_space<vmem>> -> memref<1x16x64xi32, #tpu.memory_space<vmem>>
          %dma_start3A_338 = tpu.memref_squeeze %dma_start3A_337 : memref<1x16x64xi32, #tpu.memory_space<vmem>> -> memref<16x64xi32, #tpu.memory_space<vmem>>
          %dma_start3A_339 = arith.constant 0 : i32
          %dma_start3A_340 = tpu.memref_slice %arg3[%add3A, %mul3A_331, %dma_start3A_339] : memref<32x160x64xi32, #tpu.memory_space<hbm>> -> memref<1x16x64xi32, #tpu.memory_space<hbm>>
          %dma_start3A_341 = tpu.memref_squeeze %dma_start3A_340 : memref<1x16x64xi32, #tpu.memory_space<hbm>> -> memref<16x64xi32, #tpu.memory_space<hbm>>
          %dma_start3A_342 = arith.constant 0 : i32
          %dma_start3A_343 = arith.constant 0 : i32
          %dma_start3A_344 = tpu.memref_slice %arg7[%rem3A_329, %dma_start3A_342, %dma_start3A_343] : memref<2x16x64xi32, #tpu.memory_space<vmem>> -> memref<1x16x64xi32, #tpu.memory_space<vmem>>
          %dma_start3A_345 = tpu.memref_squeeze %dma_start3A_344 : memref<1x16x64xi32, #tpu.memory_space<vmem>> -> memref<16x64xi32, #tpu.memory_space<vmem>>
          %dma_start3A_346 = arith.constant 0 : i32
          %dma_start3A_347 = tpu.memref_slice %arg3[%add3A, %mul3A_331, %dma_start3A_346] : memref<32x160x64xi32, #tpu.memory_space<hbm>> -> memref<1x16x64xi32, #tpu.memory_space<hbm>>
          %dma_start3A_348 = tpu.memref_squeeze %dma_start3A_347 : memref<1x16x64xi32, #tpu.memory_space<hbm>> -> memref<16x64xi32, #tpu.memory_space<hbm>>
          tpu.enqueue_dma source(%dma_start3A_348 : memref<16x64xi32, #tpu.memory_space<hbm>>) target(%dma_start3A_345 : memref<16x64xi32, #tpu.memory_space<vmem>>) target_semaphore(%run_scoped3A_334 : memref<!tpu.dma_semaphore, #tpu.memory_space<semaphore_mem>>)
          %dma_wait3A_349 = arith.constant 0 : i32
          %dma_wait3A_350 = arith.constant 0 : i32
          %dma_wait3A_351 = tpu.memref_slice %arg7[%rem3A_329, %dma_wait3A_349, %dma_wait3A_350] : memref<2x16x64xi32, #tpu.memory_space<vmem>> -> memref<1x16x64xi32, #tpu.memory_space<vmem>>
          %dma_wait3A_352 = tpu.memref_squeeze %dma_wait3A_351 : memref<1x16x64xi32, #tpu.memory_space<vmem>> -> memref<16x64xi32, #tpu.memory_space<vmem>>
          %dma_wait3A_353 = arith.constant 0 : i32
          %dma_wait3A_354 = tpu.memref_slice %arg3[%add3A, %mul3A_331, %dma_wait3A_353] : memref<32x160x64xi32, #tpu.memory_space<hbm>> -> memref<1x16x64xi32, #tpu.memory_space<hbm>>
          %dma_wait3A_355 = tpu.memref_squeeze %dma_wait3A_354 : memref<1x16x64xi32, #tpu.memory_space<hbm>> -> memref<16x64xi32, #tpu.memory_space<hbm>>
          %dma_wait3A_356 = arith.constant 0 : i32
          %dma_wait3A_357 = arith.constant 0 : i32
          %dma_wait3A_358 = tpu.memref_slice %arg7[%rem3A_329, %dma_wait3A_356, %dma_wait3A_357] : memref<2x16x64xi32, #tpu.memory_space<vmem>> -> memref<1x16x64xi32, #tpu.memory_space<vmem>>
          %dma_wait3A_359 = tpu.memref_squeeze %dma_wait3A_358 : memref<1x16x64xi32, #tpu.memory_space<vmem>> -> memref<16x64xi32, #tpu.memory_space<vmem>>
          %dma_wait3A_360 = arith.constant 0 : i32
          %dma_wait3A_361 = tpu.memref_slice %arg3[%add3A, %mul3A_331, %dma_wait3A_360] : memref<32x160x64xi32, #tpu.memory_space<hbm>> -> memref<1x16x64xi32, #tpu.memory_space<hbm>>
          %dma_wait3A_362 = tpu.memref_squeeze %dma_wait3A_361 : memref<1x16x64xi32, #tpu.memory_space<hbm>> -> memref<16x64xi32, #tpu.memory_space<hbm>>
          tpu.wait_dma2 semaphore(%run_scoped3A_334 : memref<!tpu.dma_semaphore, #tpu.memory_space<semaphore_mem>>) src(%dma_wait3A_362 : memref<16x64xi32, #tpu.memory_space<hbm>>) dst(%dma_wait3A_359 : memref<16x64xi32, #tpu.memory_space<vmem>>)
          tpu.yield
        }) : () -> ()
        %mul3A_332 = arith.constant 16 : i32
        %mul3A_333 = arith.muli %add3A_327, %mul3A_332 : i32
        "tpu.region"() ({
          %run_scoped3A_334 = tpu.sem_alloc : memref<!tpu.dma_semaphore, #tpu.memory_space<semaphore_mem>>
          %dma_start3A_335 = arith.constant 0 : i32
          %dma_start3A_336 = arith.constant 0 : i32
          %dma_start3A_337 = tpu.memref_slice %arg8[%rem3A_329, %dma_start3A_335, %dma_start3A_336] : memref<2x16x64xi32, #tpu.memory_space<vmem>> -> memref<1x16x64xi32, #tpu.memory_space<vmem>>
          %dma_start3A_338 = tpu.memref_squeeze %dma_start3A_337 : memref<1x16x64xi32, #tpu.memory_space<vmem>> -> memref<16x64xi32, #tpu.memory_space<vmem>>
          %dma_start3A_339 = arith.constant 0 : i32
          %dma_start3A_340 = tpu.memref_slice %arg4[%add3A, %mul3A_333, %dma_start3A_339] : memref<32x160x64xi32, #tpu.memory_space<hbm>> -> memref<1x16x64xi32, #tpu.memory_space<hbm>>
          %dma_start3A_341 = tpu.memref_squeeze %dma_start3A_340 : memref<1x16x64xi32, #tpu.memory_space<hbm>> -> memref<16x64xi32, #tpu.memory_space<hbm>>
          %dma_start3A_342 = arith.constant 0 : i32
          %dma_start3A_343 = arith.constant 0 : i32
          %dma_start3A_344 = tpu.memref_slice %arg8[%rem3A_329, %dma_start3A_342, %dma_start3A_343] : memref<2x16x64xi32, #tpu.memory_space<vmem>> -> memref<1x16x64xi32, #tpu.memory_space<vmem>>
          %dma_start3A_345 = tpu.memref_squeeze %dma_start3A_344 : memref<1x16x64xi32, #tpu.memory_space<vmem>> -> memref<16x64xi32, #tpu.memory_space<vmem>>
          %dma_start3A_346 = arith.constant 0 : i32
          %dma_start3A_347 = tpu.memref_slice %arg4[%add3A, %mul3A_333, %dma_start3A_346] : memref<32x160x64xi32, #tpu.memory_space<hbm>> -> memref<1x16x64xi32, #tpu.memory_space<hbm>>
          %dma_start3A_348 = tpu.memref_squeeze %dma_start3A_347 : memref<1x16x64xi32, #tpu.memory_space<hbm>> -> memref<16x64xi32, #tpu.memory_space<hbm>>
          tpu.enqueue_dma source(%dma_start3A_348 : memref<16x64xi32, #tpu.memory_space<hbm>>) target(%dma_start3A_345 : memref<16x64xi32, #tpu.memory_space<vmem>>) target_semaphore(%run_scoped3A_334 : memref<!tpu.dma_semaphore, #tpu.memory_space<semaphore_mem>>)
          %dma_wait3A_349 = arith.constant 0 : i32
          %dma_wait3A_350 = arith.constant 0 : i32
          %dma_wait3A_351 = tpu.memref_slice %arg8[%rem3A_329, %dma_wait3A_349, %dma_wait3A_350] : memref<2x16x64xi32, #tpu.memory_space<vmem>> -> memref<1x16x64xi32, #tpu.memory_space<vmem>>
          %dma_wait3A_352 = tpu.memref_squeeze %dma_wait3A_351 : memref<1x16x64xi32, #tpu.memory_space<vmem>> -> memref<16x64xi32, #tpu.memory_space<vmem>>
          %dma_wait3A_353 = arith.constant 0 : i32
          %dma_wait3A_354 = tpu.memref_slice %arg4[%add3A, %mul3A_333, %dma_wait3A_353] : memref<32x160x64xi32, #tpu.memory_space<hbm>> -> memref<1x16x64xi32, #tpu.memory_space<hbm>>
          %dma_wait3A_355 = tpu.memref_squeeze %dma_wait3A_354 : memref<1x16x64xi32, #tpu.memory_space<hbm>> -> memref<16x64xi32, #tpu.memory_space<hbm>>
          %dma_wait3A_356 = arith.constant 0 : i32
          %dma_wait3A_357 = arith.constant 0 : i32
          %dma_wait3A_358 = tpu.memref_slice %arg8[%rem3A_329, %dma_wait3A_356, %dma_wait3A_357] : memref<2x16x64xi32, #tpu.memory_space<vmem>> -> memref<1x16x64xi32, #tpu.memory_space<vmem>>
          %dma_wait3A_359 = tpu.memref_squeeze %dma_wait3A_358 : memref<1x16x64xi32, #tpu.memory_space<vmem>> -> memref<16x64xi32, #tpu.memory_space<vmem>>
          %dma_wait3A_360 = arith.constant 0 : i32
          %dma_wait3A_361 = tpu.memref_slice %arg4[%add3A, %mul3A_333, %dma_wait3A_360] : memref<32x160x64xi32, #tpu.memory_space<hbm>> -> memref<1x16x64xi32, #tpu.memory_space<hbm>>
          %dma_wait3A_362 = tpu.memref_squeeze %dma_wait3A_361 : memref<1x16x64xi32, #tpu.memory_space<hbm>> -> memref<16x64xi32, #tpu.memory_space<hbm>>
          tpu.wait_dma2 semaphore(%run_scoped3A_334 : memref<!tpu.dma_semaphore, #tpu.memory_space<semaphore_mem>>) src(%dma_wait3A_362 : memref<16x64xi32, #tpu.memory_space<hbm>>) dst(%dma_wait3A_359 : memref<16x64xi32, #tpu.memory_space<vmem>>)
          tpu.yield
        }) : () -> ()
      } else {
      }
      %ge3A_218 = arith.constant 2 : i32
      %ge3A_219 = arith.cmpi sge, %add3A_207, %ge3A_218 : i32
      %convert_element_type3A_220 = arith.extui %ge3A_219 : i1 to i32
      %cond3A_221 = arith.constant 0 : i32
      %cond3A_222 = arith.cmpi ne, %convert_element_type3A_220, %cond3A_221 : i32
      scf.if %cond3A_222 {
        %div3A_324 = arith.constant 16 : i32
        %div3A_325 = arith.divsi %add3A_207, %div3A_324 : i32
        %rem3A_326 = arith.constant 2 : i32
        %rem3A_327 = arith.remsi %div3A_325, %rem3A_326 : i32
        %rem3A_328 = arith.constant 16 : i32
        %rem3A_329 = arith.remsi %add3A_207, %rem3A_328 : i32
        %dma_wait3A_330 = arith.constant 0 : i32
        %dma_wait3A_331 = arith.constant 0 : i32
        %dma_wait3A_332 = arith.constant 0 : i32
        %dma_wait3A_333 = tpu.memref_slice %arg9[%dma_wait3A_330, %dma_wait3A_331, %dma_wait3A_332] : memref<4x64x128xf32, #tpu.memory_space<vmem>> -> memref<1x64x128xf32, #tpu.memory_space<vmem>>
        %dma_wait3A_334 = tpu.memref_squeeze %dma_wait3A_333 : memref<1x64x128xf32, #tpu.memory_space<vmem>> -> memref<64x128xf32, #tpu.memory_space<vmem>>
        %dma_wait3A_335 = arith.constant 0 : i32
        %dma_wait3A_336 = tpu.memref_slice %arg8[%rem3A_327, %rem3A_329, %dma_wait3A_335] : memref<2x16x64xi32, #tpu.memory_space<vmem>> -> memref<1x1x64xi32, #tpu.memory_space<vmem>>
        %dma_wait3A_337 = tpu.memref_squeeze %dma_wait3A_336 : memref<1x1x64xi32, #tpu.memory_space<vmem>> -> memref<64xi32, #tpu.memory_space<vmem>>
        %dma_wait3A_338 = arith.constant 0 : i32
        %dma_wait3A_339 = arith.constant 0 : i32
        %dma_wait3A_340 = tpu.memref_slice %arg10[%dma_wait3A_338, %dma_wait3A_339] : memref<10240x128xf32, #tpu.memory_space<vmem_shared>> -> memref<10240x128xf32, #tpu.memory_space<vmem_shared>>
        tpu.wait_indirect_dma semaphore(%arg15 : memref<!tpu.dma_semaphore, #tpu.memory_space<semaphore_mem>>) src(%dma_wait3A_334 : memref<64x128xf32, #tpu.memory_space<vmem>>) dst(%dma_wait3A_340 : memref<10240x128xf32, #tpu.memory_space<vmem_shared>>)
      } else {
      }
      %add3A_223 = arith.constant 2 : i32
      %add3A_224 = arith.addi %add3A_207, %add3A_223 : i32
      %lt3A_225 = arith.constant 160 : i32
      %lt3A_226 = arith.cmpi slt, %add3A_224, %lt3A_225 : i32
      %convert_element_type3A_227 = arith.extui %lt3A_226 : i1 to i32
      %cond3A_228 = arith.constant 0 : i32
      %cond3A_229 = arith.cmpi ne, %convert_element_type3A_227, %cond3A_228 : i32
      scf.if %cond3A_229 {
        %add3A_324 = arith.constant 2 : i32
        %add3A_325 = arith.addi %add3A_207, %add3A_324 : i32
        %div3A_326 = arith.constant 16 : i32
        %div3A_327 = arith.divsi %add3A_325, %div3A_326 : i32
        %rem3A_328 = arith.constant 2 : i32
        %rem3A_329 = arith.remsi %div3A_327, %rem3A_328 : i32
        %rem3A_330 = arith.constant 16 : i32
        %rem3A_331 = arith.remsi %add3A_325, %rem3A_330 : i32
        %dma_start3A_332 = arith.constant 0 : i32
        %dma_start3A_333 = arith.constant 0 : i32
        %dma_start3A_334 = arith.constant 0 : i32
        %dma_start3A_335 = tpu.memref_slice %arg9[%dma_start3A_332, %dma_start3A_333, %dma_start3A_334] : memref<4x64x128xf32, #tpu.memory_space<vmem>> -> memref<1x64x128xf32, #tpu.memory_space<vmem>>
        %dma_start3A_336 = tpu.memref_squeeze %dma_start3A_335 : memref<1x64x128xf32, #tpu.memory_space<vmem>> -> memref<64x128xf32, #tpu.memory_space<vmem>>
        %dma_start3A_337 = arith.constant 0 : i32
        %dma_start3A_338 = tpu.memref_slice %arg7[%rem3A_329, %rem3A_331, %dma_start3A_337] : memref<2x16x64xi32, #tpu.memory_space<vmem>> -> memref<1x1x64xi32, #tpu.memory_space<vmem>>
        %dma_start3A_339 = tpu.memref_squeeze %dma_start3A_338 : memref<1x1x64xi32, #tpu.memory_space<vmem>> -> memref<64xi32, #tpu.memory_space<vmem>>
        %dma_start3A_340 = arith.constant 0 : i32
        %dma_start3A_341 = arith.constant 0 : i32
        %dma_start3A_342 = tpu.memref_slice %arg2[%dma_start3A_340, %dma_start3A_341] : memref<10240x128xf32, #tpu.memory_space<hbm>> -> memref<10240x128xf32, #tpu.memory_space<hbm>>
        tpu.enqueue_indirect_dma source(%dma_start3A_342 : memref<10240x128xf32, #tpu.memory_space<hbm>>) target(%dma_start3A_336 : memref<64x128xf32, #tpu.memory_space<vmem>>) offsets(%dma_start3A_339 : memref<64xi32, #tpu.memory_space<vmem>>) semaphore(%arg11 : memref<!tpu.dma_semaphore, #tpu.memory_space<semaphore_mem>>)
      } else {
      }
      %div3A_230 = arith.constant 16 : i32
      %div3A_231 = arith.divsi %add3A_207, %div3A_230 : i32
      %rem3A_232 = arith.constant 2 : i32
      %rem3A_233 = arith.remsi %div3A_231, %rem3A_232 : i32
      %rem3A_234 = arith.constant 16 : i32
      %rem3A_235 = arith.remsi %add3A_207, %rem3A_234 : i32
      %dma_wait3A_236 = arith.constant 2 : i32
      %dma_wait3A_237 = arith.constant 0 : i32
      %dma_wait3A_238 = arith.constant 0 : i32
      %dma_wait3A_239 = tpu.memref_slice %arg9[%dma_wait3A_236, %dma_wait3A_237, %dma_wait3A_238] : memref<4x64x128xf32, #tpu.memory_space<vmem>> -> memref<1x64x128xf32, #tpu.memory_space<vmem>>
      %dma_wait3A_240 = tpu.memref_squeeze %dma_wait3A_239 : memref<1x64x128xf32, #tpu.memory_space<vmem>> -> memref<64x128xf32, #tpu.memory_space<vmem>>
      %dma_wait3A_241 = arith.constant 0 : i32
      %dma_wait3A_242 = tpu.memref_slice %arg7[%rem3A_233, %rem3A_235, %dma_wait3A_241] : memref<2x16x64xi32, #tpu.memory_space<vmem>> -> memref<1x1x64xi32, #tpu.memory_space<vmem>>
      %dma_wait3A_243 = tpu.memref_squeeze %dma_wait3A_242 : memref<1x1x64xi32, #tpu.memory_space<vmem>> -> memref<64xi32, #tpu.memory_space<vmem>>
      %dma_wait3A_244 = arith.constant 0 : i32
      %dma_wait3A_245 = arith.constant 0 : i32
      %dma_wait3A_246 = tpu.memref_slice %arg2[%dma_wait3A_244, %dma_wait3A_245] : memref<10240x128xf32, #tpu.memory_space<hbm>> -> memref<10240x128xf32, #tpu.memory_space<hbm>>
      tpu.wait_indirect_dma semaphore(%arg13 : memref<!tpu.dma_semaphore, #tpu.memory_space<semaphore_mem>>) src(%dma_wait3A_246 : memref<10240x128xf32, #tpu.memory_space<hbm>>) dst(%dma_wait3A_240 : memref<64x128xf32, #tpu.memory_space<vmem>>)
      %div3A_247 = arith.constant 16 : i32
      %div3A_248 = arith.divsi %add3A_207, %div3A_247 : i32
      %rem3A_249 = arith.constant 2 : i32
      %rem3A_250 = arith.remsi %div3A_248, %rem3A_249 : i32
      %rem3A_251 = arith.constant 16 : i32
      %rem3A_252 = arith.remsi %add3A_207, %rem3A_251 : i32
      %dma_start3A_253 = arith.constant 2 : i32
      %dma_start3A_254 = arith.constant 0 : i32
      %dma_start3A_255 = arith.constant 0 : i32
      %dma_start3A_256 = tpu.memref_slice %arg9[%dma_start3A_253, %dma_start3A_254, %dma_start3A_255] : memref<4x64x128xf32, #tpu.memory_space<vmem>> -> memref<1x64x128xf32, #tpu.memory_space<vmem>>
      %dma_start3A_257 = tpu.memref_squeeze %dma_start3A_256 : memref<1x64x128xf32, #tpu.memory_space<vmem>> -> memref<64x128xf32, #tpu.memory_space<vmem>>
      %dma_start3A_258 = arith.constant 0 : i32
      %dma_start3A_259 = tpu.memref_slice %arg8[%rem3A_250, %rem3A_252, %dma_start3A_258] : memref<2x16x64xi32, #tpu.memory_space<vmem>> -> memref<1x1x64xi32, #tpu.memory_space<vmem>>
      %dma_start3A_260 = tpu.memref_squeeze %dma_start3A_259 : memref<1x1x64xi32, #tpu.memory_space<vmem>> -> memref<64xi32, #tpu.memory_space<vmem>>
      %dma_start3A_261 = arith.constant 0 : i32
      %dma_start3A_262 = arith.constant 0 : i32
      %dma_start3A_263 = tpu.memref_slice %arg10[%dma_start3A_261, %dma_start3A_262] : memref<10240x128xf32, #tpu.memory_space<vmem_shared>> -> memref<10240x128xf32, #tpu.memory_space<vmem_shared>>
      tpu.enqueue_indirect_dma source(%dma_start3A_257 : memref<64x128xf32, #tpu.memory_space<vmem>>) target(%dma_start3A_263 : memref<10240x128xf32, #tpu.memory_space<vmem_shared>>) offsets(%dma_start3A_260 : memref<64xi32, #tpu.memory_space<vmem>>) semaphore(%arg17 : memref<!tpu.dma_semaphore, #tpu.memory_space<semaphore_mem>>) {add = true}
      %mul3A_264 = arith.constant 4 : i32
      %mul3A_265 = arith.muli %mul3A_264, %scan3A_89 : i32
      %add3A_266 = arith.constant 3 : i32
      %add3A_267 = arith.addi %mul3A_265, %add3A_266 : i32
      %rem3A_268 = arith.constant 16 : i32
      %rem3A_269 = arith.remsi %add3A_267, %rem3A_268 : i32
      %eq3A_270 = arith.constant 2 : i32
      %eq3A_271 = arith.cmpi eq, %rem3A_269, %eq3A_270 : i32
      %lt3A_272 = arith.constant 144 : i32
      %lt3A_273 = arith.cmpi slt, %add3A_267, %lt3A_272 : i32
      %and3A_274 = arith.andi %eq3A_271, %lt3A_273 : i1
      %convert_element_type3A_275 = arith.extui %and3A_274 : i1 to i32
      %cond3A_276 = arith.constant 0 : i32
      %cond3A_277 = arith.cmpi ne, %convert_element_type3A_275, %cond3A_276 : i32
      scf.if %cond3A_277 {
        %div3A_324 = arith.constant 16 : i32
        %div3A_325 = arith.divsi %add3A_267, %div3A_324 : i32
        %add3A_326 = arith.constant 1 : i32
        %add3A_327 = arith.addi %div3A_325, %add3A_326 : i32
        %rem3A_328 = arith.constant 2 : i32
        %rem3A_329 = arith.remsi %add3A_327, %rem3A_328 : i32
        %mul3A_330 = arith.constant 16 : i32
        %mul3A_331 = arith.muli %add3A_327, %mul3A_330 : i32
        "tpu.region"() ({
          %run_scoped3A_334 = tpu.sem_alloc : memref<!tpu.dma_semaphore, #tpu.memory_space<semaphore_mem>>
          %dma_start3A_335 = arith.constant 0 : i32
          %dma_start3A_336 = arith.constant 0 : i32
          %dma_start3A_337 = tpu.memref_slice %arg7[%rem3A_329, %dma_start3A_335, %dma_start3A_336] : memref<2x16x64xi32, #tpu.memory_space<vmem>> -> memref<1x16x64xi32, #tpu.memory_space<vmem>>
          %dma_start3A_338 = tpu.memref_squeeze %dma_start3A_337 : memref<1x16x64xi32, #tpu.memory_space<vmem>> -> memref<16x64xi32, #tpu.memory_space<vmem>>
          %dma_start3A_339 = arith.constant 0 : i32
          %dma_start3A_340 = tpu.memref_slice %arg3[%add3A, %mul3A_331, %dma_start3A_339] : memref<32x160x64xi32, #tpu.memory_space<hbm>> -> memref<1x16x64xi32, #tpu.memory_space<hbm>>
          %dma_start3A_341 = tpu.memref_squeeze %dma_start3A_340 : memref<1x16x64xi32, #tpu.memory_space<hbm>> -> memref<16x64xi32, #tpu.memory_space<hbm>>
          %dma_start3A_342 = arith.constant 0 : i32
          %dma_start3A_343 = arith.constant 0 : i32
          %dma_start3A_344 = tpu.memref_slice %arg7[%rem3A_329, %dma_start3A_342, %dma_start3A_343] : memref<2x16x64xi32, #tpu.memory_space<vmem>> -> memref<1x16x64xi32, #tpu.memory_space<vmem>>
          %dma_start3A_345 = tpu.memref_squeeze %dma_start3A_344 : memref<1x16x64xi32, #tpu.memory_space<vmem>> -> memref<16x64xi32, #tpu.memory_space<vmem>>
          %dma_start3A_346 = arith.constant 0 : i32
          %dma_start3A_347 = tpu.memref_slice %arg3[%add3A, %mul3A_331, %dma_start3A_346] : memref<32x160x64xi32, #tpu.memory_space<hbm>> -> memref<1x16x64xi32, #tpu.memory_space<hbm>>
          %dma_start3A_348 = tpu.memref_squeeze %dma_start3A_347 : memref<1x16x64xi32, #tpu.memory_space<hbm>> -> memref<16x64xi32, #tpu.memory_space<hbm>>
          tpu.enqueue_dma source(%dma_start3A_348 : memref<16x64xi32, #tpu.memory_space<hbm>>) target(%dma_start3A_345 : memref<16x64xi32, #tpu.memory_space<vmem>>) target_semaphore(%run_scoped3A_334 : memref<!tpu.dma_semaphore, #tpu.memory_space<semaphore_mem>>)
          %dma_wait3A_349 = arith.constant 0 : i32
          %dma_wait3A_350 = arith.constant 0 : i32
          %dma_wait3A_351 = tpu.memref_slice %arg7[%rem3A_329, %dma_wait3A_349, %dma_wait3A_350] : memref<2x16x64xi32, #tpu.memory_space<vmem>> -> memref<1x16x64xi32, #tpu.memory_space<vmem>>
          %dma_wait3A_352 = tpu.memref_squeeze %dma_wait3A_351 : memref<1x16x64xi32, #tpu.memory_space<vmem>> -> memref<16x64xi32, #tpu.memory_space<vmem>>
          %dma_wait3A_353 = arith.constant 0 : i32
          %dma_wait3A_354 = tpu.memref_slice %arg3[%add3A, %mul3A_331, %dma_wait3A_353] : memref<32x160x64xi32, #tpu.memory_space<hbm>> -> memref<1x16x64xi32, #tpu.memory_space<hbm>>
          %dma_wait3A_355 = tpu.memref_squeeze %dma_wait3A_354 : memref<1x16x64xi32, #tpu.memory_space<hbm>> -> memref<16x64xi32, #tpu.memory_space<hbm>>
          %dma_wait3A_356 = arith.constant 0 : i32
          %dma_wait3A_357 = arith.constant 0 : i32
          %dma_wait3A_358 = tpu.memref_slice %arg7[%rem3A_329, %dma_wait3A_356, %dma_wait3A_357] : memref<2x16x64xi32, #tpu.memory_space<vmem>> -> memref<1x16x64xi32, #tpu.memory_space<vmem>>
          %dma_wait3A_359 = tpu.memref_squeeze %dma_wait3A_358 : memref<1x16x64xi32, #tpu.memory_space<vmem>> -> memref<16x64xi32, #tpu.memory_space<vmem>>
          %dma_wait3A_360 = arith.constant 0 : i32
          %dma_wait3A_361 = tpu.memref_slice %arg3[%add3A, %mul3A_331, %dma_wait3A_360] : memref<32x160x64xi32, #tpu.memory_space<hbm>> -> memref<1x16x64xi32, #tpu.memory_space<hbm>>
          %dma_wait3A_362 = tpu.memref_squeeze %dma_wait3A_361 : memref<1x16x64xi32, #tpu.memory_space<hbm>> -> memref<16x64xi32, #tpu.memory_space<hbm>>
          tpu.wait_dma2 semaphore(%run_scoped3A_334 : memref<!tpu.dma_semaphore, #tpu.memory_space<semaphore_mem>>) src(%dma_wait3A_362 : memref<16x64xi32, #tpu.memory_space<hbm>>) dst(%dma_wait3A_359 : memref<16x64xi32, #tpu.memory_space<vmem>>)
          tpu.yield
        }) : () -> ()
        %mul3A_332 = arith.constant 16 : i32
        %mul3A_333 = arith.muli %add3A_327, %mul3A_332 : i32
        "tpu.region"() ({
          %run_scoped3A_334 = tpu.sem_alloc : memref<!tpu.dma_semaphore, #tpu.memory_space<semaphore_mem>>
          %dma_start3A_335 = arith.constant 0 : i32
          %dma_start3A_336 = arith.constant 0 : i32
          %dma_start3A_337 = tpu.memref_slice %arg8[%rem3A_329, %dma_start3A_335, %dma_start3A_336] : memref<2x16x64xi32, #tpu.memory_space<vmem>> -> memref<1x16x64xi32, #tpu.memory_space<vmem>>
          %dma_start3A_338 = tpu.memref_squeeze %dma_start3A_337 : memref<1x16x64xi32, #tpu.memory_space<vmem>> -> memref<16x64xi32, #tpu.memory_space<vmem>>
          %dma_start3A_339 = arith.constant 0 : i32
          %dma_start3A_340 = tpu.memref_slice %arg4[%add3A, %mul3A_333, %dma_start3A_339] : memref<32x160x64xi32, #tpu.memory_space<hbm>> -> memref<1x16x64xi32, #tpu.memory_space<hbm>>
          %dma_start3A_341 = tpu.memref_squeeze %dma_start3A_340 : memref<1x16x64xi32, #tpu.memory_space<hbm>> -> memref<16x64xi32, #tpu.memory_space<hbm>>
          %dma_start3A_342 = arith.constant 0 : i32
          %dma_start3A_343 = arith.constant 0 : i32
          %dma_start3A_344 = tpu.memref_slice %arg8[%rem3A_329, %dma_start3A_342, %dma_start3A_343] : memref<2x16x64xi32, #tpu.memory_space<vmem>> -> memref<1x16x64xi32, #tpu.memory_space<vmem>>
          %dma_start3A_345 = tpu.memref_squeeze %dma_start3A_344 : memref<1x16x64xi32, #tpu.memory_space<vmem>> -> memref<16x64xi32, #tpu.memory_space<vmem>>
          %dma_start3A_346 = arith.constant 0 : i32
          %dma_start3A_347 = tpu.memref_slice %arg4[%add3A, %mul3A_333, %dma_start3A_346] : memref<32x160x64xi32, #tpu.memory_space<hbm>> -> memref<1x16x64xi32, #tpu.memory_space<hbm>>
          %dma_start3A_348 = tpu.memref_squeeze %dma_start3A_347 : memref<1x16x64xi32, #tpu.memory_space<hbm>> -> memref<16x64xi32, #tpu.memory_space<hbm>>
          tpu.enqueue_dma source(%dma_start3A_348 : memref<16x64xi32, #tpu.memory_space<hbm>>) target(%dma_start3A_345 : memref<16x64xi32, #tpu.memory_space<vmem>>) target_semaphore(%run_scoped3A_334 : memref<!tpu.dma_semaphore, #tpu.memory_space<semaphore_mem>>)
          %dma_wait3A_349 = arith.constant 0 : i32
          %dma_wait3A_350 = arith.constant 0 : i32
          %dma_wait3A_351 = tpu.memref_slice %arg8[%rem3A_329, %dma_wait3A_349, %dma_wait3A_350] : memref<2x16x64xi32, #tpu.memory_space<vmem>> -> memref<1x16x64xi32, #tpu.memory_space<vmem>>
          %dma_wait3A_352 = tpu.memref_squeeze %dma_wait3A_351 : memref<1x16x64xi32, #tpu.memory_space<vmem>> -> memref<16x64xi32, #tpu.memory_space<vmem>>
          %dma_wait3A_353 = arith.constant 0 : i32
          %dma_wait3A_354 = tpu.memref_slice %arg4[%add3A, %mul3A_333, %dma_wait3A_353] : memref<32x160x64xi32, #tpu.memory_space<hbm>> -> memref<1x16x64xi32, #tpu.memory_space<hbm>>
          %dma_wait3A_355 = tpu.memref_squeeze %dma_wait3A_354 : memref<1x16x64xi32, #tpu.memory_space<hbm>> -> memref<16x64xi32, #tpu.memory_space<hbm>>
          %dma_wait3A_356 = arith.constant 0 : i32
          %dma_wait3A_357 = arith.constant 0 : i32
          %dma_wait3A_358 = tpu.memref_slice %arg8[%rem3A_329, %dma_wait3A_356, %dma_wait3A_357] : memref<2x16x64xi32, #tpu.memory_space<vmem>> -> memref<1x16x64xi32, #tpu.memory_space<vmem>>
          %dma_wait3A_359 = tpu.memref_squeeze %dma_wait3A_358 : memref<1x16x64xi32, #tpu.memory_space<vmem>> -> memref<16x64xi32, #tpu.memory_space<vmem>>
          %dma_wait3A_360 = arith.constant 0 : i32
          %dma_wait3A_361 = tpu.memref_slice %arg4[%add3A, %mul3A_333, %dma_wait3A_360] : memref<32x160x64xi32, #tpu.memory_space<hbm>> -> memref<1x16x64xi32, #tpu.memory_space<hbm>>
          %dma_wait3A_362 = tpu.memref_squeeze %dma_wait3A_361 : memref<1x16x64xi32, #tpu.memory_space<hbm>> -> memref<16x64xi32, #tpu.memory_space<hbm>>
          tpu.wait_dma2 semaphore(%run_scoped3A_334 : memref<!tpu.dma_semaphore, #tpu.memory_space<semaphore_mem>>) src(%dma_wait3A_362 : memref<16x64xi32, #tpu.memory_space<hbm>>) dst(%dma_wait3A_359 : memref<16x64xi32, #tpu.memory_space<vmem>>)
          tpu.yield
        }) : () -> ()
      } else {
      }
      %ge3A_278 = arith.constant 2 : i32
      %ge3A_279 = arith.cmpi sge, %add3A_267, %ge3A_278 : i32
      %convert_element_type3A_280 = arith.extui %ge3A_279 : i1 to i32
      %cond3A_281 = arith.constant 0 : i32
      %cond3A_282 = arith.cmpi ne, %convert_element_type3A_280, %cond3A_281 : i32
      scf.if %cond3A_282 {
        %div3A_324 = arith.constant 16 : i32
        %div3A_325 = arith.divsi %add3A_267, %div3A_324 : i32
        %rem3A_326 = arith.constant 2 : i32
        %rem3A_327 = arith.remsi %div3A_325, %rem3A_326 : i32
        %rem3A_328 = arith.constant 16 : i32
        %rem3A_329 = arith.remsi %add3A_267, %rem3A_328 : i32
        %dma_wait3A_330 = arith.constant 1 : i32
        %dma_wait3A_331 = arith.constant 0 : i32
        %dma_wait3A_332 = arith.constant 0 : i32
        %dma_wait3A_333 = tpu.memref_slice %arg9[%dma_wait3A_330, %dma_wait3A_331, %dma_wait3A_332] : memref<4x64x128xf32, #tpu.memory_space<vmem>> -> memref<1x64x128xf32, #tpu.memory_space<vmem>>
        %dma_wait3A_334 = tpu.memref_squeeze %dma_wait3A_333 : memref<1x64x128xf32, #tpu.memory_space<vmem>> -> memref<64x128xf32, #tpu.memory_space<vmem>>
        %dma_wait3A_335 = arith.constant 0 : i32
        %dma_wait3A_336 = tpu.memref_slice %arg8[%rem3A_327, %rem3A_329, %dma_wait3A_335] : memref<2x16x64xi32, #tpu.memory_space<vmem>> -> memref<1x1x64xi32, #tpu.memory_space<vmem>>
        %dma_wait3A_337 = tpu.memref_squeeze %dma_wait3A_336 : memref<1x1x64xi32, #tpu.memory_space<vmem>> -> memref<64xi32, #tpu.memory_space<vmem>>
        %dma_wait3A_338 = arith.constant 0 : i32
        %dma_wait3A_339 = arith.constant 0 : i32
        %dma_wait3A_340 = tpu.memref_slice %arg10[%dma_wait3A_338, %dma_wait3A_339] : memref<10240x128xf32, #tpu.memory_space<vmem_shared>> -> memref<10240x128xf32, #tpu.memory_space<vmem_shared>>
        tpu.wait_indirect_dma semaphore(%arg16 : memref<!tpu.dma_semaphore, #tpu.memory_space<semaphore_mem>>) src(%dma_wait3A_334 : memref<64x128xf32, #tpu.memory_space<vmem>>) dst(%dma_wait3A_340 : memref<10240x128xf32, #tpu.memory_space<vmem_shared>>)
      } else {
      }
      %add3A_283 = arith.constant 2 : i32
      %add3A_284 = arith.addi %add3A_267, %add3A_283 : i32
      %lt3A_285 = arith.constant 160 : i32
      %lt3A_286 = arith.cmpi slt, %add3A_284, %lt3A_285 : i32
      %convert_element_type3A_287 = arith.extui %lt3A_286 : i1 to i32
      %cond3A_288 = arith.constant 0 : i32
      %cond3A_289 = arith.cmpi ne, %convert_element_type3A_287, %cond3A_288 : i32
      scf.if %cond3A_289 {
        %add3A_324 = arith.constant 2 : i32
        %add3A_325 = arith.addi %add3A_267, %add3A_324 : i32
        %div3A_326 = arith.constant 16 : i32
        %div3A_327 = arith.divsi %add3A_325, %div3A_326 : i32
        %rem3A_328 = arith.constant 2 : i32
        %rem3A_329 = arith.remsi %div3A_327, %rem3A_328 : i32
        %rem3A_330 = arith.constant 16 : i32
        %rem3A_331 = arith.remsi %add3A_325, %rem3A_330 : i32
        %dma_start3A_332 = arith.constant 1 : i32
        %dma_start3A_333 = arith.constant 0 : i32
        %dma_start3A_334 = arith.constant 0 : i32
        %dma_start3A_335 = tpu.memref_slice %arg9[%dma_start3A_332, %dma_start3A_333, %dma_start3A_334] : memref<4x64x128xf32, #tpu.memory_space<vmem>> -> memref<1x64x128xf32, #tpu.memory_space<vmem>>
        %dma_start3A_336 = tpu.memref_squeeze %dma_start3A_335 : memref<1x64x128xf32, #tpu.memory_space<vmem>> -> memref<64x128xf32, #tpu.memory_space<vmem>>
        %dma_start3A_337 = arith.constant 0 : i32
        %dma_start3A_338 = tpu.memref_slice %arg7[%rem3A_329, %rem3A_331, %dma_start3A_337] : memref<2x16x64xi32, #tpu.memory_space<vmem>> -> memref<1x1x64xi32, #tpu.memory_space<vmem>>
        %dma_start3A_339 = tpu.memref_squeeze %dma_start3A_338 : memref<1x1x64xi32, #tpu.memory_space<vmem>> -> memref<64xi32, #tpu.memory_space<vmem>>
        %dma_start3A_340 = arith.constant 0 : i32
        %dma_start3A_341 = arith.constant 0 : i32
        %dma_start3A_342 = tpu.memref_slice %arg2[%dma_start3A_340, %dma_start3A_341] : memref<10240x128xf32, #tpu.memory_space<hbm>> -> memref<10240x128xf32, #tpu.memory_space<hbm>>
        tpu.enqueue_indirect_dma source(%dma_start3A_342 : memref<10240x128xf32, #tpu.memory_space<hbm>>) target(%dma_start3A_336 : memref<64x128xf32, #tpu.memory_space<vmem>>) offsets(%dma_start3A_339 : memref<64xi32, #tpu.memory_space<vmem>>) semaphore(%arg12 : memref<!tpu.dma_semaphore, #tpu.memory_space<semaphore_mem>>)
      } else {
      }
      %div3A_290 = arith.constant 16 : i32
      %div3A_291 = arith.divsi %add3A_267, %div3A_290 : i32
      %rem3A_292 = arith.constant 2 : i32
      %rem3A_293 = arith.remsi %div3A_291, %rem3A_292 : i32
      %rem3A_294 = arith.constant 16 : i32
      %rem3A_295 = arith.remsi %add3A_267, %rem3A_294 : i32
      %dma_wait3A_296 = arith.constant 3 : i32
      %dma_wait3A_297 = arith.constant 0 : i32
      %dma_wait3A_298 = arith.constant 0 : i32
      %dma_wait3A_299 = tpu.memref_slice %arg9[%dma_wait3A_296, %dma_wait3A_297, %dma_wait3A_298] : memref<4x64x128xf32, #tpu.memory_space<vmem>> -> memref<1x64x128xf32, #tpu.memory_space<vmem>>
      %dma_wait3A_300 = tpu.memref_squeeze %dma_wait3A_299 : memref<1x64x128xf32, #tpu.memory_space<vmem>> -> memref<64x128xf32, #tpu.memory_space<vmem>>
      %dma_wait3A_301 = arith.constant 0 : i32
      %dma_wait3A_302 = tpu.memref_slice %arg7[%rem3A_293, %rem3A_295, %dma_wait3A_301] : memref<2x16x64xi32, #tpu.memory_space<vmem>> -> memref<1x1x64xi32, #tpu.memory_space<vmem>>
      %dma_wait3A_303 = tpu.memref_squeeze %dma_wait3A_302 : memref<1x1x64xi32, #tpu.memory_space<vmem>> -> memref<64xi32, #tpu.memory_space<vmem>>
      %dma_wait3A_304 = arith.constant 0 : i32
      %dma_wait3A_305 = arith.constant 0 : i32
      %dma_wait3A_306 = tpu.memref_slice %arg2[%dma_wait3A_304, %dma_wait3A_305] : memref<10240x128xf32, #tpu.memory_space<hbm>> -> memref<10240x128xf32, #tpu.memory_space<hbm>>
      tpu.wait_indirect_dma semaphore(%arg14 : memref<!tpu.dma_semaphore, #tpu.memory_space<semaphore_mem>>) src(%dma_wait3A_306 : memref<10240x128xf32, #tpu.memory_space<hbm>>) dst(%dma_wait3A_300 : memref<64x128xf32, #tpu.memory_space<vmem>>)
      %div3A_307 = arith.constant 16 : i32
      %div3A_308 = arith.divsi %add3A_267, %div3A_307 : i32
      %rem3A_309 = arith.constant 2 : i32
      %rem3A_310 = arith.remsi %div3A_308, %rem3A_309 : i32
      %rem3A_311 = arith.constant 16 : i32
      %rem3A_312 = arith.remsi %add3A_267, %rem3A_311 : i32
      %dma_start3A_313 = arith.constant 3 : i32
      %dma_start3A_314 = arith.constant 0 : i32
      %dma_start3A_315 = arith.constant 0 : i32
      %dma_start3A_316 = tpu.memref_slice %arg9[%dma_start3A_313, %dma_start3A_314, %dma_start3A_315] : memref<4x64x128xf32, #tpu.memory_space<vmem>> -> memref<1x64x128xf32, #tpu.memory_space<vmem>>
      %dma_start3A_317 = tpu.memref_squeeze %dma_start3A_316 : memref<1x64x128xf32, #tpu.memory_space<vmem>> -> memref<64x128xf32, #tpu.memory_space<vmem>>
      %dma_start3A_318 = arith.constant 0 : i32
      %dma_start3A_319 = tpu.memref_slice %arg8[%rem3A_310, %rem3A_312, %dma_start3A_318] : memref<2x16x64xi32, #tpu.memory_space<vmem>> -> memref<1x1x64xi32, #tpu.memory_space<vmem>>
      %dma_start3A_320 = tpu.memref_squeeze %dma_start3A_319 : memref<1x1x64xi32, #tpu.memory_space<vmem>> -> memref<64xi32, #tpu.memory_space<vmem>>
      %dma_start3A_321 = arith.constant 0 : i32
      %dma_start3A_322 = arith.constant 0 : i32
      %dma_start3A_323 = tpu.memref_slice %arg10[%dma_start3A_321, %dma_start3A_322] : memref<10240x128xf32, #tpu.memory_space<vmem_shared>> -> memref<10240x128xf32, #tpu.memory_space<vmem_shared>>
      tpu.enqueue_indirect_dma source(%dma_start3A_317 : memref<64x128xf32, #tpu.memory_space<vmem>>) target(%dma_start3A_323 : memref<10240x128xf32, #tpu.memory_space<vmem_shared>>) offsets(%dma_start3A_320 : memref<64xi32, #tpu.memory_space<vmem>>) semaphore(%arg18 : memref<!tpu.dma_semaphore, #tpu.memory_space<semaphore_mem>>) {add = true}
    }
    %scan3A_43 = arith.constant 40 : i32
    %div3A_44 = arith.constant 0 : i32
    %div3A_45 = arith.constant 16 : i32
    %div3A_46 = arith.divsi %div3A_44, %div3A_45 : i32
    %rem3A_47 = arith.constant 2 : i32
    %rem3A_48 = arith.remsi %div3A_46, %rem3A_47 : i32
    %rem3A_49 = arith.constant 0 : i32
    %rem3A_50 = arith.constant 16 : i32
    %rem3A_51 = arith.remsi %rem3A_49, %rem3A_50 : i32
    %dma_wait3A = arith.constant 2 : i32
    %dma_wait3A_52 = arith.constant 0 : i32
    %dma_wait3A_53 = arith.constant 0 : i32
    %dma_wait3A_54 = tpu.memref_slice %arg9[%dma_wait3A, %dma_wait3A_52, %dma_wait3A_53] : memref<4x64x128xf32, #tpu.memory_space<vmem>> -> memref<1x64x128xf32, #tpu.memory_space<vmem>>
    %dma_wait3A_55 = tpu.memref_squeeze %dma_wait3A_54 : memref<1x64x128xf32, #tpu.memory_space<vmem>> -> memref<64x128xf32, #tpu.memory_space<vmem>>
    %dma_wait3A_56 = arith.constant 0 : i32
    %dma_wait3A_57 = tpu.memref_slice %arg8[%rem3A_48, %rem3A_51, %dma_wait3A_56] : memref<2x16x64xi32, #tpu.memory_space<vmem>> -> memref<1x1x64xi32, #tpu.memory_space<vmem>>
    %dma_wait3A_58 = tpu.memref_squeeze %dma_wait3A_57 : memref<1x1x64xi32, #tpu.memory_space<vmem>> -> memref<64xi32, #tpu.memory_space<vmem>>
    %dma_wait3A_59 = arith.constant 0 : i32
    %dma_wait3A_60 = arith.constant 0 : i32
    %dma_wait3A_61 = tpu.memref_slice %arg10[%dma_wait3A_59, %dma_wait3A_60] : memref<10240x128xf32, #tpu.memory_space<vmem_shared>> -> memref<10240x128xf32, #tpu.memory_space<vmem_shared>>
    tpu.wait_indirect_dma semaphore(%arg17 : memref<!tpu.dma_semaphore, #tpu.memory_space<semaphore_mem>>) src(%dma_wait3A_55 : memref<64x128xf32, #tpu.memory_space<vmem>>) dst(%dma_wait3A_61 : memref<10240x128xf32, #tpu.memory_space<vmem_shared>>)
    %div3A_62 = arith.constant 0 : i32
    %div3A_63 = arith.constant 16 : i32
    %div3A_64 = arith.divsi %div3A_62, %div3A_63 : i32
    %rem3A_65 = arith.constant 2 : i32
    %rem3A_66 = arith.remsi %div3A_64, %rem3A_65 : i32
    %rem3A_67 = arith.constant 0 : i32
    %rem3A_68 = arith.constant 16 : i32
    %rem3A_69 = arith.remsi %rem3A_67, %rem3A_68 : i32
    %dma_wait3A_70 = arith.constant 3 : i32
    %dma_wait3A_71 = arith.constant 0 : i32
    %dma_wait3A_72 = arith.constant 0 : i32
    %dma_wait3A_73 = tpu.memref_slice %arg9[%dma_wait3A_70, %dma_wait3A_71, %dma_wait3A_72] : memref<4x64x128xf32, #tpu.memory_space<vmem>> -> memref<1x64x128xf32, #tpu.memory_space<vmem>>
    %dma_wait3A_74 = tpu.memref_squeeze %dma_wait3A_73 : memref<1x64x128xf32, #tpu.memory_space<vmem>> -> memref<64x128xf32, #tpu.memory_space<vmem>>
    %dma_wait3A_75 = arith.constant 0 : i32
    %dma_wait3A_76 = tpu.memref_slice %arg8[%rem3A_66, %rem3A_69, %dma_wait3A_75] : memref<2x16x64xi32, #tpu.memory_space<vmem>> -> memref<1x1x64xi32, #tpu.memory_space<vmem>>
    %dma_wait3A_77 = tpu.memref_squeeze %dma_wait3A_76 : memref<1x1x64xi32, #tpu.memory_space<vmem>> -> memref<64xi32, #tpu.memory_space<vmem>>
    %dma_wait3A_78 = arith.constant 0 : i32
    %dma_wait3A_79 = arith.constant 0 : i32
    %dma_wait3A_80 = tpu.memref_slice %arg10[%dma_wait3A_78, %dma_wait3A_79] : memref<10240x128xf32, #tpu.memory_space<vmem_shared>> -> memref<10240x128xf32, #tpu.memory_space<vmem_shared>>
    tpu.wait_indirect_dma semaphore(%arg18 : memref<!tpu.dma_semaphore, #tpu.memory_space<semaphore_mem>>) src(%dma_wait3A_74 : memref<64x128xf32, #tpu.memory_space<vmem>>) dst(%dma_wait3A_80 : memref<10240x128xf32, #tpu.memory_space<vmem_shared>>)
    %barrier3A_81 = arith.constant 0 : index
    tpu.barrier barrier_id(%barrier3A_81)
    %mul3A_82 = arith.constant 640 : i32
    %mul3A_83 = arith.muli %arg1, %mul3A_82 : i32
    %mul3A_84 = arith.constant 10240 : i32
    %mul3A_85 = arith.muli %arg0, %mul3A_84 : i32
    %mul3A_86 = arith.constant 640 : i32
    %mul3A_87 = arith.muli %arg1, %mul3A_86 : i32
    %add3A_88 = arith.addi %mul3A_85, %mul3A_87 : i32
    "tpu.region"() ({
      %run_scoped3A_89 = tpu.sem_alloc : memref<!tpu.dma_semaphore, #tpu.memory_space<semaphore_mem>>
      %dma_start3A_90 = arith.constant 0 : i32
      %dma_start3A_91 = tpu.memref_slice %arg6[%add3A_88, %dma_start3A_90] : memref<20480x128xf32, #tpu.memory_space<hbm>> -> memref<640x128xf32, #tpu.memory_space<hbm>>
      %dma_start3A_92 = arith.constant 0 : i32
      %dma_start3A_93 = tpu.memref_slice %arg10[%mul3A_83, %dma_start3A_92] : memref<10240x128xf32, #tpu.memory_space<vmem_shared>> -> memref<640x128xf32, #tpu.memory_space<vmem_shared>>
      tpu.enqueue_dma source(%dma_start3A_93 : memref<640x128xf32, #tpu.memory_space<vmem_shared>>) target(%dma_start3A_91 : memref<640x128xf32, #tpu.memory_space<hbm>>) target_semaphore(%run_scoped3A_89 : memref<!tpu.dma_semaphore, #tpu.memory_space<semaphore_mem>>)
      %dma_wait3A_94 = arith.constant 0 : i32
      %dma_wait3A_95 = tpu.memref_slice %arg6[%add3A_88, %dma_wait3A_94] : memref<20480x128xf32, #tpu.memory_space<hbm>> -> memref<640x128xf32, #tpu.memory_space<hbm>>
      %dma_wait3A_96 = arith.constant 0 : i32
      %dma_wait3A_97 = tpu.memref_slice %arg10[%mul3A_83, %dma_wait3A_96] : memref<10240x128xf32, #tpu.memory_space<vmem_shared>> -> memref<640x128xf32, #tpu.memory_space<vmem_shared>>
      tpu.wait_dma2 semaphore(%run_scoped3A_89 : memref<!tpu.dma_semaphore, #tpu.memory_space<semaphore_mem>>) src(%dma_wait3A_97 : memref<640x128xf32, #tpu.memory_space<vmem_shared>>) dst(%dma_wait3A_95 : memref<640x128xf32, #tpu.memory_space<hbm>>)
      tpu.yield
    }) : () -> ()
    return
  }
}

#map = affine_map<(d0, d1) -> (0, 0)>
#map1 = affine_map<(d0, d1) -> (0, 0, 0)>
module attributes {stable_mosaic.version = 14 : i64} {
  func.func @edge_kernel(%arg0: i32, %arg1: i32, %arg2: memref<10240x128xf32, #tpu.memory_space<hbm>>, %arg3: memref<32x160x64xi32, #tpu.memory_space<hbm>>, %arg4: memref<32x160x64xi32, #tpu.memory_space<hbm>>, %arg5: memref<640x128xf32, #tpu.memory_space<hbm>>, %arg6: memref<20480x128xf32, #tpu.memory_space<hbm>>, %arg7: memref<2x16x64xi32, #tpu.memory_space<vmem>>, %arg8: memref<2x16x64xi32, #tpu.memory_space<vmem>>, %arg9: memref<4x64x128xf32, #tpu.memory_space<vmem>>, %arg10: memref<10240x128xf32, #tpu.memory_space<vmem_shared>>, %arg11: memref<!tpu.dma_semaphore, #tpu.memory_space<semaphore_mem>>, %arg12: memref<!tpu.dma_semaphore, #tpu.memory_space<semaphore_mem>>, %arg13: memref<!tpu.dma_semaphore, #tpu.memory_space<semaphore_mem>>, %arg14: memref<!tpu.dma_semaphore, #tpu.memory_space<semaphore_mem>>, %arg15: memref<!tpu.dma_semaphore, #tpu.memory_space<semaphore_mem>>, %arg16: memref<!tpu.dma_semaphore, #tpu.memory_space<semaphore_mem>>, %arg17: memref<!tpu.dma_semaphore, #tpu.memory_space<semaphore_mem>>, %arg18: memref<!tpu.dma_semaphore, #tpu.memory_space<semaphore_mem>>) attributes {dimension_semantics = [#tpu.dimension_semantics<core_parallel>, #tpu.dimension_semantics<subcore_parallel>], iteration_bounds = array<i64: 2, 16>, scalar_prefetch = 0 : i64, scratch_operands = 12 : i64, tpu.core_type = #tpu.core_type<sc_vector_subcore>, window_params = [{transform_indices = #map}, {transform_indices = #map1}, {transform_indices = #map1}, {transform_indices = #map}, {transform_indices = #map}]} {
    %mul3A = arith.constant 16 : i32
    %mul3A_0 = arith.muli %arg0, %mul3A : i32
    %add3A = arith.addi %mul3A_0, %arg1 : i32
    %mul3A_1 = arith.constant 640 : i32
    %mul3A_2 = arith.muli %arg1, %mul3A_1 : i32
    "tpu.region"() ({
      %run_scoped3A_89 = tpu.sem_alloc : memref<!tpu.dma_semaphore, #tpu.memory_space<semaphore_mem>>
      %dma_start3A_90 = arith.constant 0 : i32
      %dma_start3A_91 = tpu.memref_slice %arg10[%mul3A_2, %dma_start3A_90] : memref<10240x128xf32, #tpu.memory_space<vmem_shared>> -> memref<640x128xf32, #tpu.memory_space<vmem_shared>>
      tpu.enqueue_dma source(%arg5 : memref<640x128xf32, #tpu.memory_space<hbm>>) target(%dma_start3A_91 : memref<640x128xf32, #tpu.memory_space<vmem_shared>>) target_semaphore(%run_scoped3A_89 : memref<!tpu.dma_semaphore, #tpu.memory_space<semaphore_mem>>)
      %dma_wait3A_92 = arith.constant 0 : i32
      %dma_wait3A_93 = tpu.memref_slice %arg10[%mul3A_2, %dma_wait3A_92] : memref<10240x128xf32, #tpu.memory_space<vmem_shared>> -> memref<640x128xf32, #tpu.memory_space<vmem_shared>>
      tpu.wait_dma2 semaphore(%run_scoped3A_89 : memref<!tpu.dma_semaphore, #tpu.memory_space<semaphore_mem>>) src(%arg5 : memref<640x128xf32, #tpu.memory_space<hbm>>) dst(%dma_wait3A_93 : memref<640x128xf32, #tpu.memory_space<vmem_shared>>)
      tpu.yield
    }) : () -> ()
    %run_scoped3A = arith.constant 0 : i32
    "tpu.region"() ({
      %run_scoped3A_89 = tpu.sem_alloc : memref<!tpu.dma_semaphore, #tpu.memory_space<semaphore_mem>>
      %dma_start3A_90 = arith.constant 0 : i32
      %dma_start3A_91 = arith.constant 0 : i32
      %dma_start3A_92 = tpu.memref_slice %arg7[%run_scoped3A, %dma_start3A_90, %dma_start3A_91] : memref<2x16x64xi32, #tpu.memory_space<vmem>> -> memref<1x16x64xi32, #tpu.memory_space<vmem>>
      %dma_start3A_93 = tpu.memref_squeeze %dma_start3A_92 : memref<1x16x64xi32, #tpu.memory_space<vmem>> -> memref<16x64xi32, #tpu.memory_space<vmem>>
      %dma_start3A_94 = arith.constant 0 : i32
      %dma_start3A_95 = arith.constant 0 : i32
      %dma_start3A_96 = tpu.memref_slice %arg3[%add3A, %dma_start3A_94, %dma_start3A_95] : memref<32x160x64xi32, #tpu.memory_space<hbm>> -> memref<1x16x64xi32, #tpu.memory_space<hbm>>
      %dma_start3A_97 = tpu.memref_squeeze %dma_start3A_96 : memref<1x16x64xi32, #tpu.memory_space<hbm>> -> memref<16x64xi32, #tpu.memory_space<hbm>>
      %dma_start3A_98 = arith.constant 0 : i32
      %dma_start3A_99 = arith.constant 0 : i32
      %dma_start3A_100 = tpu.memref_slice %arg7[%run_scoped3A, %dma_start3A_98, %dma_start3A_99] : memref<2x16x64xi32, #tpu.memory_space<vmem>> -> memref<1x16x64xi32, #tpu.memory_space<vmem>>
      %dma_start3A_101 = tpu.memref_squeeze %dma_start3A_100 : memref<1x16x64xi32, #tpu.memory_space<vmem>> -> memref<16x64xi32, #tpu.memory_space<vmem>>
      %dma_start3A_102 = arith.constant 0 : i32
      %dma_start3A_103 = arith.constant 0 : i32
      %dma_start3A_104 = tpu.memref_slice %arg3[%add3A, %dma_start3A_102, %dma_start3A_103] : memref<32x160x64xi32, #tpu.memory_space<hbm>> -> memref<1x16x64xi32, #tpu.memory_space<hbm>>
      %dma_start3A_105 = tpu.memref_squeeze %dma_start3A_104 : memref<1x16x64xi32, #tpu.memory_space<hbm>> -> memref<16x64xi32, #tpu.memory_space<hbm>>
      tpu.enqueue_dma source(%dma_start3A_105 : memref<16x64xi32, #tpu.memory_space<hbm>>) target(%dma_start3A_101 : memref<16x64xi32, #tpu.memory_space<vmem>>) target_semaphore(%run_scoped3A_89 : memref<!tpu.dma_semaphore, #tpu.memory_space<semaphore_mem>>)
      %dma_wait3A_106 = arith.constant 0 : i32
      %dma_wait3A_107 = arith.constant 0 : i32
      %dma_wait3A_108 = tpu.memref_slice %arg7[%run_scoped3A, %dma_wait3A_106, %dma_wait3A_107] : memref<2x16x64xi32, #tpu.memory_space<vmem>> -> memref<1x16x64xi32, #tpu.memory_space<vmem>>
      %dma_wait3A_109 = tpu.memref_squeeze %dma_wait3A_108 : memref<1x16x64xi32, #tpu.memory_space<vmem>> -> memref<16x64xi32, #tpu.memory_space<vmem>>
      %dma_wait3A_110 = arith.constant 0 : i32
      %dma_wait3A_111 = arith.constant 0 : i32
      %dma_wait3A_112 = tpu.memref_slice %arg3[%add3A, %dma_wait3A_110, %dma_wait3A_111] : memref<32x160x64xi32, #tpu.memory_space<hbm>> -> memref<1x16x64xi32, #tpu.memory_space<hbm>>
      %dma_wait3A_113 = tpu.memref_squeeze %dma_wait3A_112 : memref<1x16x64xi32, #tpu.memory_space<hbm>> -> memref<16x64xi32, #tpu.memory_space<hbm>>
      %dma_wait3A_114 = arith.constant 0 : i32
      %dma_wait3A_115 = arith.constant 0 : i32
      %dma_wait3A_116 = tpu.memref_slice %arg7[%run_scoped3A, %dma_wait3A_114, %dma_wait3A_115] : memref<2x16x64xi32, #tpu.memory_space<vmem>> -> memref<1x16x64xi32, #tpu.memory_space<vmem>>
      %dma_wait3A_117 = tpu.memref_squeeze %dma_wait3A_116 : memref<1x16x64xi32, #tpu.memory_space<vmem>> -> memref<16x64xi32, #tpu.memory_space<vmem>>
      %dma_wait3A_118 = arith.constant 0 : i32
      %dma_wait3A_119 = arith.constant 0 : i32
      %dma_wait3A_120 = tpu.memref_slice %arg3[%add3A, %dma_wait3A_118, %dma_wait3A_119] : memref<32x160x64xi32, #tpu.memory_space<hbm>> -> memref<1x16x64xi32, #tpu.memory_space<hbm>>
      %dma_wait3A_121 = tpu.memref_squeeze %dma_wait3A_120 : memref<1x16x64xi32, #tpu.memory_space<hbm>> -> memref<16x64xi32, #tpu.memory_space<hbm>>
      tpu.wait_dma2 semaphore(%run_scoped3A_89 : memref<!tpu.dma_semaphore, #tpu.memory_space<semaphore_mem>>) src(%dma_wait3A_121 : memref<16x64xi32, #tpu.memory_space<hbm>>) dst(%dma_wait3A_117 : memref<16x64xi32, #tpu.memory_space<vmem>>)
      tpu.yield
    }) : () -> ()
    %run_scoped3A_3 = arith.constant 0 : i32
    "tpu.region"() ({
      %run_scoped3A_89 = tpu.sem_alloc : memref<!tpu.dma_semaphore, #tpu.memory_space<semaphore_mem>>
      %dma_start3A_90 = arith.constant 0 : i32
      %dma_start3A_91 = arith.constant 0 : i32
      %dma_start3A_92 = tpu.memref_slice %arg8[%run_scoped3A_3, %dma_start3A_90, %dma_start3A_91] : memref<2x16x64xi32, #tpu.memory_space<vmem>> -> memref<1x16x64xi32, #tpu.memory_space<vmem>>
      %dma_start3A_93 = tpu.memref_squeeze %dma_start3A_92 : memref<1x16x64xi32, #tpu.memory_space<vmem>> -> memref<16x64xi32, #tpu.memory_space<vmem>>
      %dma_start3A_94 = arith.constant 0 : i32
      %dma_start3A_95 = arith.constant 0 : i32
      %dma_start3A_96 = tpu.memref_slice %arg4[%add3A, %dma_start3A_94, %dma_start3A_95] : memref<32x160x64xi32, #tpu.memory_space<hbm>> -> memref<1x16x64xi32, #tpu.memory_space<hbm>>
      %dma_start3A_97 = tpu.memref_squeeze %dma_start3A_96 : memref<1x16x64xi32, #tpu.memory_space<hbm>> -> memref<16x64xi32, #tpu.memory_space<hbm>>
      %dma_start3A_98 = arith.constant 0 : i32
      %dma_start3A_99 = arith.constant 0 : i32
      %dma_start3A_100 = tpu.memref_slice %arg8[%run_scoped3A_3, %dma_start3A_98, %dma_start3A_99] : memref<2x16x64xi32, #tpu.memory_space<vmem>> -> memref<1x16x64xi32, #tpu.memory_space<vmem>>
      %dma_start3A_101 = tpu.memref_squeeze %dma_start3A_100 : memref<1x16x64xi32, #tpu.memory_space<vmem>> -> memref<16x64xi32, #tpu.memory_space<vmem>>
      %dma_start3A_102 = arith.constant 0 : i32
      %dma_start3A_103 = arith.constant 0 : i32
      %dma_start3A_104 = tpu.memref_slice %arg4[%add3A, %dma_start3A_102, %dma_start3A_103] : memref<32x160x64xi32, #tpu.memory_space<hbm>> -> memref<1x16x64xi32, #tpu.memory_space<hbm>>
      %dma_start3A_105 = tpu.memref_squeeze %dma_start3A_104 : memref<1x16x64xi32, #tpu.memory_space<hbm>> -> memref<16x64xi32, #tpu.memory_space<hbm>>
      tpu.enqueue_dma source(%dma_start3A_105 : memref<16x64xi32, #tpu.memory_space<hbm>>) target(%dma_start3A_101 : memref<16x64xi32, #tpu.memory_space<vmem>>) target_semaphore(%run_scoped3A_89 : memref<!tpu.dma_semaphore, #tpu.memory_space<semaphore_mem>>)
      %dma_wait3A_106 = arith.constant 0 : i32
      %dma_wait3A_107 = arith.constant 0 : i32
      %dma_wait3A_108 = tpu.memref_slice %arg8[%run_scoped3A_3, %dma_wait3A_106, %dma_wait3A_107] : memref<2x16x64xi32, #tpu.memory_space<vmem>> -> memref<1x16x64xi32, #tpu.memory_space<vmem>>
      %dma_wait3A_109 = tpu.memref_squeeze %dma_wait3A_108 : memref<1x16x64xi32, #tpu.memory_space<vmem>> -> memref<16x64xi32, #tpu.memory_space<vmem>>
      %dma_wait3A_110 = arith.constant 0 : i32
      %dma_wait3A_111 = arith.constant 0 : i32
      %dma_wait3A_112 = tpu.memref_slice %arg4[%add3A, %dma_wait3A_110, %dma_wait3A_111] : memref<32x160x64xi32, #tpu.memory_space<hbm>> -> memref<1x16x64xi32, #tpu.memory_space<hbm>>
      %dma_wait3A_113 = tpu.memref_squeeze %dma_wait3A_112 : memref<1x16x64xi32, #tpu.memory_space<hbm>> -> memref<16x64xi32, #tpu.memory_space<hbm>>
      %dma_wait3A_114 = arith.constant 0 : i32
      %dma_wait3A_115 = arith.constant 0 : i32
      %dma_wait3A_116 = tpu.memref_slice %arg8[%run_scoped3A_3, %dma_wait3A_114, %dma_wait3A_115] : memref<2x16x64xi32, #tpu.memory_space<vmem>> -> memref<1x16x64xi32, #tpu.memory_space<vmem>>
      %dma_wait3A_117 = tpu.memref_squeeze %dma_wait3A_116 : memref<1x16x64xi32, #tpu.memory_space<vmem>> -> memref<16x64xi32, #tpu.memory_space<vmem>>
      %dma_wait3A_118 = arith.constant 0 : i32
      %dma_wait3A_119 = arith.constant 0 : i32
      %dma_wait3A_120 = tpu.memref_slice %arg4[%add3A, %dma_wait3A_118, %dma_wait3A_119] : memref<32x160x64xi32, #tpu.memory_space<hbm>> -> memref<1x16x64xi32, #tpu.memory_space<hbm>>
      %dma_wait3A_121 = tpu.memref_squeeze %dma_wait3A_120 : memref<1x16x64xi32, #tpu.memory_space<hbm>> -> memref<16x64xi32, #tpu.memory_space<hbm>>
      tpu.wait_dma2 semaphore(%run_scoped3A_89 : memref<!tpu.dma_semaphore, #tpu.memory_space<semaphore_mem>>) src(%dma_wait3A_121 : memref<16x64xi32, #tpu.memory_space<hbm>>) dst(%dma_wait3A_117 : memref<16x64xi32, #tpu.memory_space<vmem>>)
      tpu.yield
    }) : () -> ()
    %barrier3A = arith.constant 0 : index
    tpu.barrier barrier_id(%barrier3A)
    %div3A = arith.constant 0 : i32
    %div3A_4 = arith.constant 16 : i32
    %div3A_5 = arith.divsi %div3A, %div3A_4 : i32
    %rem3A = arith.constant 2 : i32
    %rem3A_6 = arith.remsi %div3A_5, %rem3A : i32
    %rem3A_7 = arith.constant 0 : i32
    %rem3A_8 = arith.constant 16 : i32
    %rem3A_9 = arith.remsi %rem3A_7, %rem3A_8 : i32
    %dma_start3A = arith.constant 0 : i32
    %dma_start3A_10 = arith.constant 0 : i32
    %dma_start3A_11 = arith.constant 0 : i32
    %dma_start3A_12 = tpu.memref_slice %arg9[%dma_start3A, %dma_start3A_10, %dma_start3A_11] : memref<4x64x128xf32, #tpu.memory_space<vmem>> -> memref<1x64x128xf32, #tpu.memory_space<vmem>>
    %dma_start3A_13 = tpu.memref_squeeze %dma_start3A_12 : memref<1x64x128xf32, #tpu.memory_space<vmem>> -> memref<64x128xf32, #tpu.memory_space<vmem>>
    %dma_start3A_14 = arith.constant 0 : i32
    %dma_start3A_15 = tpu.memref_slice %arg7[%rem3A_6, %rem3A_9, %dma_start3A_14] : memref<2x16x64xi32, #tpu.memory_space<vmem>> -> memref<1x1x64xi32, #tpu.memory_space<vmem>>
    %dma_start3A_16 = tpu.memref_squeeze %dma_start3A_15 : memref<1x1x64xi32, #tpu.memory_space<vmem>> -> memref<64xi32, #tpu.memory_space<vmem>>
    %dma_start3A_17 = arith.constant 0 : i32
    %dma_start3A_18 = arith.constant 0 : i32
    %dma_start3A_19 = tpu.memref_slice %arg2[%dma_start3A_17, %dma_start3A_18] : memref<10240x128xf32, #tpu.memory_space<hbm>> -> memref<10240x128xf32, #tpu.memory_space<hbm>>
    tpu.enqueue_indirect_dma source(%dma_start3A_19 : memref<10240x128xf32, #tpu.memory_space<hbm>>) target(%dma_start3A_13 : memref<64x128xf32, #tpu.memory_space<vmem>>) offsets(%dma_start3A_16 : memref<64xi32, #tpu.memory_space<vmem>>) semaphore(%arg11 : memref<!tpu.dma_semaphore, #tpu.memory_space<semaphore_mem>>)
    %div3A_20 = arith.constant 1 : i32
    %div3A_21 = arith.constant 16 : i32
    %div3A_22 = arith.divsi %div3A_20, %div3A_21 : i32
    %rem3A_23 = arith.constant 2 : i32
    %rem3A_24 = arith.remsi %div3A_22, %rem3A_23 : i32
    %rem3A_25 = arith.constant 1 : i32
    %rem3A_26 = arith.constant 16 : i32
    %rem3A_27 = arith.remsi %rem3A_25, %rem3A_26 : i32
    %dma_start3A_28 = arith.constant 1 : i32
    %dma_start3A_29 = arith.constant 0 : i32
    %dma_start3A_30 = arith.constant 0 : i32
    %dma_start3A_31 = tpu.memref_slice %arg9[%dma_start3A_28, %dma_start3A_29, %dma_start3A_30] : memref<4x64x128xf32, #tpu.memory_space<vmem>> -> memref<1x64x128xf32, #tpu.memory_space<vmem>>
    %dma_start3A_32 = tpu.memref_squeeze %dma_start3A_31 : memref<1x64x128xf32, #tpu.memory_space<vmem>> -> memref<64x128xf32, #tpu.memory_space<vmem>>
    %dma_start3A_33 = arith.constant 0 : i32
    %dma_start3A_34 = tpu.memref_slice %arg7[%rem3A_24, %rem3A_27, %dma_start3A_33] : memref<2x16x64xi32, #tpu.memory_space<vmem>> -> memref<1x1x64xi32, #tpu.memory_space<vmem>>
    %dma_start3A_35 = tpu.memref_squeeze %dma_start3A_34 : memref<1x1x64xi32, #tpu.memory_space<vmem>> -> memref<64xi32, #tpu.memory_space<vmem>>
    %dma_start3A_36 = arith.constant 0 : i32
    %dma_start3A_37 = arith.constant 0 : i32
    %dma_start3A_38 = tpu.memref_slice %arg2[%dma_start3A_36, %dma_start3A_37] : memref<10240x128xf32, #tpu.memory_space<hbm>> -> memref<10240x128xf32, #tpu.memory_space<hbm>>
    tpu.enqueue_indirect_dma source(%dma_start3A_38 : memref<10240x128xf32, #tpu.memory_space<hbm>>) target(%dma_start3A_32 : memref<64x128xf32, #tpu.memory_space<vmem>>) offsets(%dma_start3A_35 : memref<64xi32, #tpu.memory_space<vmem>>) semaphore(%arg12 : memref<!tpu.dma_semaphore, #tpu.memory_space<semaphore_mem>>)
    %scan3A = arith.constant 0 : i32
    %scan3A_39 = arith.constant 0 : i32
    %scan3A_40 = arith.constant 40 : i32
    %scan3A_41 = arith.addi %scan3A_39, %scan3A_40 : i32
    %scan3A_42 = arith.constant 1 : i32
    scf.for %scan3A_89 = %scan3A_39 to %scan3A_41 step %scan3A_42  : i32 {
      %mul3A_90 = arith.constant 4 : i32
      %mul3A_91 = arith.muli %mul3A_90, %scan3A_89 : i32
      %add3A_92 = arith.constant 0 : i32
      %add3A_93 = arith.addi %mul3A_91, %add3A_92 : i32
      %rem3A_94 = arith.constant 16 : i32
      %rem3A_95 = arith.remsi %add3A_93, %rem3A_94 : i32
      %eq3A = arith.constant 2 : i32
      %eq3A_96 = arith.cmpi eq, %rem3A_95, %eq3A : i32
      %lt3A = arith.constant 144 : i32
      %lt3A_97 = arith.cmpi slt, %add3A_93, %lt3A : i32
      %and3A = arith.andi %eq3A_96, %lt3A_97 : i1
      %convert_element_type3A = arith.extui %and3A : i1 to i32
      %cond3A = arith.constant 0 : i32
      %cond3A_98 = arith.cmpi ne, %convert_element_type3A, %cond3A : i32
      scf.if %cond3A_98 {
        %div3A_324 = arith.constant 16 : i32
        %div3A_325 = arith.divsi %add3A_93, %div3A_324 : i32
        %add3A_326 = arith.constant 1 : i32
        %add3A_327 = arith.addi %div3A_325, %add3A_326 : i32
        %rem3A_328 = arith.constant 2 : i32
        %rem3A_329 = arith.remsi %add3A_327, %rem3A_328 : i32
        %mul3A_330 = arith.constant 16 : i32
        %mul3A_331 = arith.muli %add3A_327, %mul3A_330 : i32
        "tpu.region"() ({
          %run_scoped3A_334 = tpu.sem_alloc : memref<!tpu.dma_semaphore, #tpu.memory_space<semaphore_mem>>
          %dma_start3A_335 = arith.constant 0 : i32
          %dma_start3A_336 = arith.constant 0 : i32
          %dma_start3A_337 = tpu.memref_slice %arg7[%rem3A_329, %dma_start3A_335, %dma_start3A_336] : memref<2x16x64xi32, #tpu.memory_space<vmem>> -> memref<1x16x64xi32, #tpu.memory_space<vmem>>
          %dma_start3A_338 = tpu.memref_squeeze %dma_start3A_337 : memref<1x16x64xi32, #tpu.memory_space<vmem>> -> memref<16x64xi32, #tpu.memory_space<vmem>>
          %dma_start3A_339 = arith.constant 0 : i32
          %dma_start3A_340 = tpu.memref_slice %arg3[%add3A, %mul3A_331, %dma_start3A_339] : memref<32x160x64xi32, #tpu.memory_space<hbm>> -> memref<1x16x64xi32, #tpu.memory_space<hbm>>
          %dma_start3A_341 = tpu.memref_squeeze %dma_start3A_340 : memref<1x16x64xi32, #tpu.memory_space<hbm>> -> memref<16x64xi32, #tpu.memory_space<hbm>>
          %dma_start3A_342 = arith.constant 0 : i32
          %dma_start3A_343 = arith.constant 0 : i32
          %dma_start3A_344 = tpu.memref_slice %arg7[%rem3A_329, %dma_start3A_342, %dma_start3A_343] : memref<2x16x64xi32, #tpu.memory_space<vmem>> -> memref<1x16x64xi32, #tpu.memory_space<vmem>>
          %dma_start3A_345 = tpu.memref_squeeze %dma_start3A_344 : memref<1x16x64xi32, #tpu.memory_space<vmem>> -> memref<16x64xi32, #tpu.memory_space<vmem>>
          %dma_start3A_346 = arith.constant 0 : i32
          %dma_start3A_347 = tpu.memref_slice %arg3[%add3A, %mul3A_331, %dma_start3A_346] : memref<32x160x64xi32, #tpu.memory_space<hbm>> -> memref<1x16x64xi32, #tpu.memory_space<hbm>>
          %dma_start3A_348 = tpu.memref_squeeze %dma_start3A_347 : memref<1x16x64xi32, #tpu.memory_space<hbm>> -> memref<16x64xi32, #tpu.memory_space<hbm>>
          tpu.enqueue_dma source(%dma_start3A_348 : memref<16x64xi32, #tpu.memory_space<hbm>>) target(%dma_start3A_345 : memref<16x64xi32, #tpu.memory_space<vmem>>) target_semaphore(%run_scoped3A_334 : memref<!tpu.dma_semaphore, #tpu.memory_space<semaphore_mem>>)
          %dma_wait3A_349 = arith.constant 0 : i32
          %dma_wait3A_350 = arith.constant 0 : i32
          %dma_wait3A_351 = tpu.memref_slice %arg7[%rem3A_329, %dma_wait3A_349, %dma_wait3A_350] : memref<2x16x64xi32, #tpu.memory_space<vmem>> -> memref<1x16x64xi32, #tpu.memory_space<vmem>>
          %dma_wait3A_352 = tpu.memref_squeeze %dma_wait3A_351 : memref<1x16x64xi32, #tpu.memory_space<vmem>> -> memref<16x64xi32, #tpu.memory_space<vmem>>
          %dma_wait3A_353 = arith.constant 0 : i32
          %dma_wait3A_354 = tpu.memref_slice %arg3[%add3A, %mul3A_331, %dma_wait3A_353] : memref<32x160x64xi32, #tpu.memory_space<hbm>> -> memref<1x16x64xi32, #tpu.memory_space<hbm>>
          %dma_wait3A_355 = tpu.memref_squeeze %dma_wait3A_354 : memref<1x16x64xi32, #tpu.memory_space<hbm>> -> memref<16x64xi32, #tpu.memory_space<hbm>>
          %dma_wait3A_356 = arith.constant 0 : i32
          %dma_wait3A_357 = arith.constant 0 : i32
          %dma_wait3A_358 = tpu.memref_slice %arg7[%rem3A_329, %dma_wait3A_356, %dma_wait3A_357] : memref<2x16x64xi32, #tpu.memory_space<vmem>> -> memref<1x16x64xi32, #tpu.memory_space<vmem>>
          %dma_wait3A_359 = tpu.memref_squeeze %dma_wait3A_358 : memref<1x16x64xi32, #tpu.memory_space<vmem>> -> memref<16x64xi32, #tpu.memory_space<vmem>>
          %dma_wait3A_360 = arith.constant 0 : i32
          %dma_wait3A_361 = tpu.memref_slice %arg3[%add3A, %mul3A_331, %dma_wait3A_360] : memref<32x160x64xi32, #tpu.memory_space<hbm>> -> memref<1x16x64xi32, #tpu.memory_space<hbm>>
          %dma_wait3A_362 = tpu.memref_squeeze %dma_wait3A_361 : memref<1x16x64xi32, #tpu.memory_space<hbm>> -> memref<16x64xi32, #tpu.memory_space<hbm>>
          tpu.wait_dma2 semaphore(%run_scoped3A_334 : memref<!tpu.dma_semaphore, #tpu.memory_space<semaphore_mem>>) src(%dma_wait3A_362 : memref<16x64xi32, #tpu.memory_space<hbm>>) dst(%dma_wait3A_359 : memref<16x64xi32, #tpu.memory_space<vmem>>)
          tpu.yield
        }) : () -> ()
        %mul3A_332 = arith.constant 16 : i32
        %mul3A_333 = arith.muli %add3A_327, %mul3A_332 : i32
        "tpu.region"() ({
          %run_scoped3A_334 = tpu.sem_alloc : memref<!tpu.dma_semaphore, #tpu.memory_space<semaphore_mem>>
          %dma_start3A_335 = arith.constant 0 : i32
          %dma_start3A_336 = arith.constant 0 : i32
          %dma_start3A_337 = tpu.memref_slice %arg8[%rem3A_329, %dma_start3A_335, %dma_start3A_336] : memref<2x16x64xi32, #tpu.memory_space<vmem>> -> memref<1x16x64xi32, #tpu.memory_space<vmem>>
          %dma_start3A_338 = tpu.memref_squeeze %dma_start3A_337 : memref<1x16x64xi32, #tpu.memory_space<vmem>> -> memref<16x64xi32, #tpu.memory_space<vmem>>
          %dma_start3A_339 = arith.constant 0 : i32
          %dma_start3A_340 = tpu.memref_slice %arg4[%add3A, %mul3A_333, %dma_start3A_339] : memref<32x160x64xi32, #tpu.memory_space<hbm>> -> memref<1x16x64xi32, #tpu.memory_space<hbm>>
          %dma_start3A_341 = tpu.memref_squeeze %dma_start3A_340 : memref<1x16x64xi32, #tpu.memory_space<hbm>> -> memref<16x64xi32, #tpu.memory_space<hbm>>
          %dma_start3A_342 = arith.constant 0 : i32
          %dma_start3A_343 = arith.constant 0 : i32
          %dma_start3A_344 = tpu.memref_slice %arg8[%rem3A_329, %dma_start3A_342, %dma_start3A_343] : memref<2x16x64xi32, #tpu.memory_space<vmem>> -> memref<1x16x64xi32, #tpu.memory_space<vmem>>
          %dma_start3A_345 = tpu.memref_squeeze %dma_start3A_344 : memref<1x16x64xi32, #tpu.memory_space<vmem>> -> memref<16x64xi32, #tpu.memory_space<vmem>>
          %dma_start3A_346 = arith.constant 0 : i32
          %dma_start3A_347 = tpu.memref_slice %arg4[%add3A, %mul3A_333, %dma_start3A_346] : memref<32x160x64xi32, #tpu.memory_space<hbm>> -> memref<1x16x64xi32, #tpu.memory_space<hbm>>
          %dma_start3A_348 = tpu.memref_squeeze %dma_start3A_347 : memref<1x16x64xi32, #tpu.memory_space<hbm>> -> memref<16x64xi32, #tpu.memory_space<hbm>>
          tpu.enqueue_dma source(%dma_start3A_348 : memref<16x64xi32, #tpu.memory_space<hbm>>) target(%dma_start3A_345 : memref<16x64xi32, #tpu.memory_space<vmem>>) target_semaphore(%run_scoped3A_334 : memref<!tpu.dma_semaphore, #tpu.memory_space<semaphore_mem>>)
          %dma_wait3A_349 = arith.constant 0 : i32
          %dma_wait3A_350 = arith.constant 0 : i32
          %dma_wait3A_351 = tpu.memref_slice %arg8[%rem3A_329, %dma_wait3A_349, %dma_wait3A_350] : memref<2x16x64xi32, #tpu.memory_space<vmem>> -> memref<1x16x64xi32, #tpu.memory_space<vmem>>
          %dma_wait3A_352 = tpu.memref_squeeze %dma_wait3A_351 : memref<1x16x64xi32, #tpu.memory_space<vmem>> -> memref<16x64xi32, #tpu.memory_space<vmem>>
          %dma_wait3A_353 = arith.constant 0 : i32
          %dma_wait3A_354 = tpu.memref_slice %arg4[%add3A, %mul3A_333, %dma_wait3A_353] : memref<32x160x64xi32, #tpu.memory_space<hbm>> -> memref<1x16x64xi32, #tpu.memory_space<hbm>>
          %dma_wait3A_355 = tpu.memref_squeeze %dma_wait3A_354 : memref<1x16x64xi32, #tpu.memory_space<hbm>> -> memref<16x64xi32, #tpu.memory_space<hbm>>
          %dma_wait3A_356 = arith.constant 0 : i32
          %dma_wait3A_357 = arith.constant 0 : i32
          %dma_wait3A_358 = tpu.memref_slice %arg8[%rem3A_329, %dma_wait3A_356, %dma_wait3A_357] : memref<2x16x64xi32, #tpu.memory_space<vmem>> -> memref<1x16x64xi32, #tpu.memory_space<vmem>>
          %dma_wait3A_359 = tpu.memref_squeeze %dma_wait3A_358 : memref<1x16x64xi32, #tpu.memory_space<vmem>> -> memref<16x64xi32, #tpu.memory_space<vmem>>
          %dma_wait3A_360 = arith.constant 0 : i32
          %dma_wait3A_361 = tpu.memref_slice %arg4[%add3A, %mul3A_333, %dma_wait3A_360] : memref<32x160x64xi32, #tpu.memory_space<hbm>> -> memref<1x16x64xi32, #tpu.memory_space<hbm>>
          %dma_wait3A_362 = tpu.memref_squeeze %dma_wait3A_361 : memref<1x16x64xi32, #tpu.memory_space<hbm>> -> memref<16x64xi32, #tpu.memory_space<hbm>>
          tpu.wait_dma2 semaphore(%run_scoped3A_334 : memref<!tpu.dma_semaphore, #tpu.memory_space<semaphore_mem>>) src(%dma_wait3A_362 : memref<16x64xi32, #tpu.memory_space<hbm>>) dst(%dma_wait3A_359 : memref<16x64xi32, #tpu.memory_space<vmem>>)
          tpu.yield
        }) : () -> ()
      } else {
      }
      %ge3A = arith.constant 2 : i32
      %ge3A_99 = arith.cmpi sge, %add3A_93, %ge3A : i32
      %convert_element_type3A_100 = arith.extui %ge3A_99 : i1 to i32
      %cond3A_101 = arith.constant 0 : i32
      %cond3A_102 = arith.cmpi ne, %convert_element_type3A_100, %cond3A_101 : i32
      scf.if %cond3A_102 {
        %div3A_324 = arith.constant 16 : i32
        %div3A_325 = arith.divsi %add3A_93, %div3A_324 : i32
        %rem3A_326 = arith.constant 2 : i32
        %rem3A_327 = arith.remsi %div3A_325, %rem3A_326 : i32
        %rem3A_328 = arith.constant 16 : i32
        %rem3A_329 = arith.remsi %add3A_93, %rem3A_328 : i32
        %dma_wait3A_330 = arith.constant 2 : i32
        %dma_wait3A_331 = arith.constant 0 : i32
        %dma_wait3A_332 = arith.constant 0 : i32
        %dma_wait3A_333 = tpu.memref_slice %arg9[%dma_wait3A_330, %dma_wait3A_331, %dma_wait3A_332] : memref<4x64x128xf32, #tpu.memory_space<vmem>> -> memref<1x64x128xf32, #tpu.memory_space<vmem>>
        %dma_wait3A_334 = tpu.memref_squeeze %dma_wait3A_333 : memref<1x64x128xf32, #tpu.memory_space<vmem>> -> memref<64x128xf32, #tpu.memory_space<vmem>>
        %dma_wait3A_335 = arith.constant 0 : i32
        %dma_wait3A_336 = tpu.memref_slice %arg8[%rem3A_327, %rem3A_329, %dma_wait3A_335] : memref<2x16x64xi32, #tpu.memory_space<vmem>> -> memref<1x1x64xi32, #tpu.memory_space<vmem>>
        %dma_wait3A_337 = tpu.memref_squeeze %dma_wait3A_336 : memref<1x1x64xi32, #tpu.memory_space<vmem>> -> memref<64xi32, #tpu.memory_space<vmem>>
        %dma_wait3A_338 = arith.constant 0 : i32
        %dma_wait3A_339 = arith.constant 0 : i32
        %dma_wait3A_340 = tpu.memref_slice %arg10[%dma_wait3A_338, %dma_wait3A_339] : memref<10240x128xf32, #tpu.memory_space<vmem_shared>> -> memref<10240x128xf32, #tpu.memory_space<vmem_shared>>
        tpu.wait_indirect_dma semaphore(%arg17 : memref<!tpu.dma_semaphore, #tpu.memory_space<semaphore_mem>>) src(%dma_wait3A_334 : memref<64x128xf32, #tpu.memory_space<vmem>>) dst(%dma_wait3A_340 : memref<10240x128xf32, #tpu.memory_space<vmem_shared>>)
      } else {
      }
      %add3A_103 = arith.constant 2 : i32
      %add3A_104 = arith.addi %add3A_93, %add3A_103 : i32
      %lt3A_105 = arith.constant 160 : i32
      %lt3A_106 = arith.cmpi slt, %add3A_104, %lt3A_105 : i32
      %convert_element_type3A_107 = arith.extui %lt3A_106 : i1 to i32
      %cond3A_108 = arith.constant 0 : i32
      %cond3A_109 = arith.cmpi ne, %convert_element_type3A_107, %cond3A_108 : i32
      scf.if %cond3A_109 {
        %add3A_324 = arith.constant 2 : i32
        %add3A_325 = arith.addi %add3A_93, %add3A_324 : i32
        %div3A_326 = arith.constant 16 : i32
        %div3A_327 = arith.divsi %add3A_325, %div3A_326 : i32
        %rem3A_328 = arith.constant 2 : i32
        %rem3A_329 = arith.remsi %div3A_327, %rem3A_328 : i32
        %rem3A_330 = arith.constant 16 : i32
        %rem3A_331 = arith.remsi %add3A_325, %rem3A_330 : i32
        %dma_start3A_332 = arith.constant 2 : i32
        %dma_start3A_333 = arith.constant 0 : i32
        %dma_start3A_334 = arith.constant 0 : i32
        %dma_start3A_335 = tpu.memref_slice %arg9[%dma_start3A_332, %dma_start3A_333, %dma_start3A_334] : memref<4x64x128xf32, #tpu.memory_space<vmem>> -> memref<1x64x128xf32, #tpu.memory_space<vmem>>
        %dma_start3A_336 = tpu.memref_squeeze %dma_start3A_335 : memref<1x64x128xf32, #tpu.memory_space<vmem>> -> memref<64x128xf32, #tpu.memory_space<vmem>>
        %dma_start3A_337 = arith.constant 0 : i32
        %dma_start3A_338 = tpu.memref_slice %arg7[%rem3A_329, %rem3A_331, %dma_start3A_337] : memref<2x16x64xi32, #tpu.memory_space<vmem>> -> memref<1x1x64xi32, #tpu.memory_space<vmem>>
        %dma_start3A_339 = tpu.memref_squeeze %dma_start3A_338 : memref<1x1x64xi32, #tpu.memory_space<vmem>> -> memref<64xi32, #tpu.memory_space<vmem>>
        %dma_start3A_340 = arith.constant 0 : i32
        %dma_start3A_341 = arith.constant 0 : i32
        %dma_start3A_342 = tpu.memref_slice %arg2[%dma_start3A_340, %dma_start3A_341] : memref<10240x128xf32, #tpu.memory_space<hbm>> -> memref<10240x128xf32, #tpu.memory_space<hbm>>
        tpu.enqueue_indirect_dma source(%dma_start3A_342 : memref<10240x128xf32, #tpu.memory_space<hbm>>) target(%dma_start3A_336 : memref<64x128xf32, #tpu.memory_space<vmem>>) offsets(%dma_start3A_339 : memref<64xi32, #tpu.memory_space<vmem>>) semaphore(%arg13 : memref<!tpu.dma_semaphore, #tpu.memory_space<semaphore_mem>>)
      } else {
      }
      %div3A_110 = arith.constant 16 : i32
      %div3A_111 = arith.divsi %add3A_93, %div3A_110 : i32
      %rem3A_112 = arith.constant 2 : i32
      %rem3A_113 = arith.remsi %div3A_111, %rem3A_112 : i32
      %rem3A_114 = arith.constant 16 : i32
      %rem3A_115 = arith.remsi %add3A_93, %rem3A_114 : i32
      %dma_wait3A_116 = arith.constant 0 : i32
      %dma_wait3A_117 = arith.constant 0 : i32
      %dma_wait3A_118 = arith.constant 0 : i32
      %dma_wait3A_119 = tpu.memref_slice %arg9[%dma_wait3A_116, %dma_wait3A_117, %dma_wait3A_118] : memref<4x64x128xf32, #tpu.memory_space<vmem>> -> memref<1x64x128xf32, #tpu.memory_space<vmem>>
      %dma_wait3A_120 = tpu.memref_squeeze %dma_wait3A_119 : memref<1x64x128xf32, #tpu.memory_space<vmem>> -> memref<64x128xf32, #tpu.memory_space<vmem>>
      %dma_wait3A_121 = arith.constant 0 : i32
      %dma_wait3A_122 = tpu.memref_slice %arg7[%rem3A_113, %rem3A_115, %dma_wait3A_121] : memref<2x16x64xi32, #tpu.memory_space<vmem>> -> memref<1x1x64xi32, #tpu.memory_space<vmem>>
      %dma_wait3A_123 = tpu.memref_squeeze %dma_wait3A_122 : memref<1x1x64xi32, #tpu.memory_space<vmem>> -> memref<64xi32, #tpu.memory_space<vmem>>
      %dma_wait3A_124 = arith.constant 0 : i32
      %dma_wait3A_125 = arith.constant 0 : i32
      %dma_wait3A_126 = tpu.memref_slice %arg2[%dma_wait3A_124, %dma_wait3A_125] : memref<10240x128xf32, #tpu.memory_space<hbm>> -> memref<10240x128xf32, #tpu.memory_space<hbm>>
      tpu.wait_indirect_dma semaphore(%arg11 : memref<!tpu.dma_semaphore, #tpu.memory_space<semaphore_mem>>) src(%dma_wait3A_126 : memref<10240x128xf32, #tpu.memory_space<hbm>>) dst(%dma_wait3A_120 : memref<64x128xf32, #tpu.memory_space<vmem>>)
      %div3A_127 = arith.constant 16 : i32
      %div3A_128 = arith.divsi %add3A_93, %div3A_127 : i32
      %rem3A_129 = arith.constant 2 : i32
      %rem3A_130 = arith.remsi %div3A_128, %rem3A_129 : i32
      %rem3A_131 = arith.constant 16 : i32
      %rem3A_132 = arith.remsi %add3A_93, %rem3A_131 : i32
      %dma_start3A_133 = arith.constant 0 : i32
      %dma_start3A_134 = arith.constant 0 : i32
      %dma_start3A_135 = arith.constant 0 : i32
      %dma_start3A_136 = tpu.memref_slice %arg9[%dma_start3A_133, %dma_start3A_134, %dma_start3A_135] : memref<4x64x128xf32, #tpu.memory_space<vmem>> -> memref<1x64x128xf32, #tpu.memory_space<vmem>>
      %dma_start3A_137 = tpu.memref_squeeze %dma_start3A_136 : memref<1x64x128xf32, #tpu.memory_space<vmem>> -> memref<64x128xf32, #tpu.memory_space<vmem>>
      %dma_start3A_138 = arith.constant 0 : i32
      %dma_start3A_139 = tpu.memref_slice %arg8[%rem3A_130, %rem3A_132, %dma_start3A_138] : memref<2x16x64xi32, #tpu.memory_space<vmem>> -> memref<1x1x64xi32, #tpu.memory_space<vmem>>
      %dma_start3A_140 = tpu.memref_squeeze %dma_start3A_139 : memref<1x1x64xi32, #tpu.memory_space<vmem>> -> memref<64xi32, #tpu.memory_space<vmem>>
      %dma_start3A_141 = arith.constant 0 : i32
      %dma_start3A_142 = arith.constant 0 : i32
      %dma_start3A_143 = tpu.memref_slice %arg10[%dma_start3A_141, %dma_start3A_142] : memref<10240x128xf32, #tpu.memory_space<vmem_shared>> -> memref<10240x128xf32, #tpu.memory_space<vmem_shared>>
      tpu.enqueue_indirect_dma source(%dma_start3A_137 : memref<64x128xf32, #tpu.memory_space<vmem>>) target(%dma_start3A_143 : memref<10240x128xf32, #tpu.memory_space<vmem_shared>>) offsets(%dma_start3A_140 : memref<64xi32, #tpu.memory_space<vmem>>) semaphore(%arg15 : memref<!tpu.dma_semaphore, #tpu.memory_space<semaphore_mem>>) {add = true}
      %mul3A_144 = arith.constant 4 : i32
      %mul3A_145 = arith.muli %mul3A_144, %scan3A_89 : i32
      %add3A_146 = arith.constant 1 : i32
      %add3A_147 = arith.addi %mul3A_145, %add3A_146 : i32
      %rem3A_148 = arith.constant 16 : i32
      %rem3A_149 = arith.remsi %add3A_147, %rem3A_148 : i32
      %eq3A_150 = arith.constant 2 : i32
      %eq3A_151 = arith.cmpi eq, %rem3A_149, %eq3A_150 : i32
      %lt3A_152 = arith.constant 144 : i32
      %lt3A_153 = arith.cmpi slt, %add3A_147, %lt3A_152 : i32
      %and3A_154 = arith.andi %eq3A_151, %lt3A_153 : i1
      %convert_element_type3A_155 = arith.extui %and3A_154 : i1 to i32
      %cond3A_156 = arith.constant 0 : i32
      %cond3A_157 = arith.cmpi ne, %convert_element_type3A_155, %cond3A_156 : i32
      scf.if %cond3A_157 {
        %div3A_324 = arith.constant 16 : i32
        %div3A_325 = arith.divsi %add3A_147, %div3A_324 : i32
        %add3A_326 = arith.constant 1 : i32
        %add3A_327 = arith.addi %div3A_325, %add3A_326 : i32
        %rem3A_328 = arith.constant 2 : i32
        %rem3A_329 = arith.remsi %add3A_327, %rem3A_328 : i32
        %mul3A_330 = arith.constant 16 : i32
        %mul3A_331 = arith.muli %add3A_327, %mul3A_330 : i32
        "tpu.region"() ({
          %run_scoped3A_334 = tpu.sem_alloc : memref<!tpu.dma_semaphore, #tpu.memory_space<semaphore_mem>>
          %dma_start3A_335 = arith.constant 0 : i32
          %dma_start3A_336 = arith.constant 0 : i32
          %dma_start3A_337 = tpu.memref_slice %arg7[%rem3A_329, %dma_start3A_335, %dma_start3A_336] : memref<2x16x64xi32, #tpu.memory_space<vmem>> -> memref<1x16x64xi32, #tpu.memory_space<vmem>>
          %dma_start3A_338 = tpu.memref_squeeze %dma_start3A_337 : memref<1x16x64xi32, #tpu.memory_space<vmem>> -> memref<16x64xi32, #tpu.memory_space<vmem>>
          %dma_start3A_339 = arith.constant 0 : i32
          %dma_start3A_340 = tpu.memref_slice %arg3[%add3A, %mul3A_331, %dma_start3A_339] : memref<32x160x64xi32, #tpu.memory_space<hbm>> -> memref<1x16x64xi32, #tpu.memory_space<hbm>>
          %dma_start3A_341 = tpu.memref_squeeze %dma_start3A_340 : memref<1x16x64xi32, #tpu.memory_space<hbm>> -> memref<16x64xi32, #tpu.memory_space<hbm>>
          %dma_start3A_342 = arith.constant 0 : i32
          %dma_start3A_343 = arith.constant 0 : i32
          %dma_start3A_344 = tpu.memref_slice %arg7[%rem3A_329, %dma_start3A_342, %dma_start3A_343] : memref<2x16x64xi32, #tpu.memory_space<vmem>> -> memref<1x16x64xi32, #tpu.memory_space<vmem>>
          %dma_start3A_345 = tpu.memref_squeeze %dma_start3A_344 : memref<1x16x64xi32, #tpu.memory_space<vmem>> -> memref<16x64xi32, #tpu.memory_space<vmem>>
          %dma_start3A_346 = arith.constant 0 : i32
          %dma_start3A_347 = tpu.memref_slice %arg3[%add3A, %mul3A_331, %dma_start3A_346] : memref<32x160x64xi32, #tpu.memory_space<hbm>> -> memref<1x16x64xi32, #tpu.memory_space<hbm>>
          %dma_start3A_348 = tpu.memref_squeeze %dma_start3A_347 : memref<1x16x64xi32, #tpu.memory_space<hbm>> -> memref<16x64xi32, #tpu.memory_space<hbm>>
          tpu.enqueue_dma source(%dma_start3A_348 : memref<16x64xi32, #tpu.memory_space<hbm>>) target(%dma_start3A_345 : memref<16x64xi32, #tpu.memory_space<vmem>>) target_semaphore(%run_scoped3A_334 : memref<!tpu.dma_semaphore, #tpu.memory_space<semaphore_mem>>)
          %dma_wait3A_349 = arith.constant 0 : i32
          %dma_wait3A_350 = arith.constant 0 : i32
          %dma_wait3A_351 = tpu.memref_slice %arg7[%rem3A_329, %dma_wait3A_349, %dma_wait3A_350] : memref<2x16x64xi32, #tpu.memory_space<vmem>> -> memref<1x16x64xi32, #tpu.memory_space<vmem>>
          %dma_wait3A_352 = tpu.memref_squeeze %dma_wait3A_351 : memref<1x16x64xi32, #tpu.memory_space<vmem>> -> memref<16x64xi32, #tpu.memory_space<vmem>>
          %dma_wait3A_353 = arith.constant 0 : i32
          %dma_wait3A_354 = tpu.memref_slice %arg3[%add3A, %mul3A_331, %dma_wait3A_353] : memref<32x160x64xi32, #tpu.memory_space<hbm>> -> memref<1x16x64xi32, #tpu.memory_space<hbm>>
          %dma_wait3A_355 = tpu.memref_squeeze %dma_wait3A_354 : memref<1x16x64xi32, #tpu.memory_space<hbm>> -> memref<16x64xi32, #tpu.memory_space<hbm>>
          %dma_wait3A_356 = arith.constant 0 : i32
          %dma_wait3A_357 = arith.constant 0 : i32
          %dma_wait3A_358 = tpu.memref_slice %arg7[%rem3A_329, %dma_wait3A_356, %dma_wait3A_357] : memref<2x16x64xi32, #tpu.memory_space<vmem>> -> memref<1x16x64xi32, #tpu.memory_space<vmem>>
          %dma_wait3A_359 = tpu.memref_squeeze %dma_wait3A_358 : memref<1x16x64xi32, #tpu.memory_space<vmem>> -> memref<16x64xi32, #tpu.memory_space<vmem>>
          %dma_wait3A_360 = arith.constant 0 : i32
          %dma_wait3A_361 = tpu.memref_slice %arg3[%add3A, %mul3A_331, %dma_wait3A_360] : memref<32x160x64xi32, #tpu.memory_space<hbm>> -> memref<1x16x64xi32, #tpu.memory_space<hbm>>
          %dma_wait3A_362 = tpu.memref_squeeze %dma_wait3A_361 : memref<1x16x64xi32, #tpu.memory_space<hbm>> -> memref<16x64xi32, #tpu.memory_space<hbm>>
          tpu.wait_dma2 semaphore(%run_scoped3A_334 : memref<!tpu.dma_semaphore, #tpu.memory_space<semaphore_mem>>) src(%dma_wait3A_362 : memref<16x64xi32, #tpu.memory_space<hbm>>) dst(%dma_wait3A_359 : memref<16x64xi32, #tpu.memory_space<vmem>>)
          tpu.yield
        }) : () -> ()
        %mul3A_332 = arith.constant 16 : i32
        %mul3A_333 = arith.muli %add3A_327, %mul3A_332 : i32
        "tpu.region"() ({
          %run_scoped3A_334 = tpu.sem_alloc : memref<!tpu.dma_semaphore, #tpu.memory_space<semaphore_mem>>
          %dma_start3A_335 = arith.constant 0 : i32
          %dma_start3A_336 = arith.constant 0 : i32
          %dma_start3A_337 = tpu.memref_slice %arg8[%rem3A_329, %dma_start3A_335, %dma_start3A_336] : memref<2x16x64xi32, #tpu.memory_space<vmem>> -> memref<1x16x64xi32, #tpu.memory_space<vmem>>
          %dma_start3A_338 = tpu.memref_squeeze %dma_start3A_337 : memref<1x16x64xi32, #tpu.memory_space<vmem>> -> memref<16x64xi32, #tpu.memory_space<vmem>>
          %dma_start3A_339 = arith.constant 0 : i32
          %dma_start3A_340 = tpu.memref_slice %arg4[%add3A, %mul3A_333, %dma_start3A_339] : memref<32x160x64xi32, #tpu.memory_space<hbm>> -> memref<1x16x64xi32, #tpu.memory_space<hbm>>
          %dma_start3A_341 = tpu.memref_squeeze %dma_start3A_340 : memref<1x16x64xi32, #tpu.memory_space<hbm>> -> memref<16x64xi32, #tpu.memory_space<hbm>>
          %dma_start3A_342 = arith.constant 0 : i32
          %dma_start3A_343 = arith.constant 0 : i32
          %dma_start3A_344 = tpu.memref_slice %arg8[%rem3A_329, %dma_start3A_342, %dma_start3A_343] : memref<2x16x64xi32, #tpu.memory_space<vmem>> -> memref<1x16x64xi32, #tpu.memory_space<vmem>>
          %dma_start3A_345 = tpu.memref_squeeze %dma_start3A_344 : memref<1x16x64xi32, #tpu.memory_space<vmem>> -> memref<16x64xi32, #tpu.memory_space<vmem>>
          %dma_start3A_346 = arith.constant 0 : i32
          %dma_start3A_347 = tpu.memref_slice %arg4[%add3A, %mul3A_333, %dma_start3A_346] : memref<32x160x64xi32, #tpu.memory_space<hbm>> -> memref<1x16x64xi32, #tpu.memory_space<hbm>>
          %dma_start3A_348 = tpu.memref_squeeze %dma_start3A_347 : memref<1x16x64xi32, #tpu.memory_space<hbm>> -> memref<16x64xi32, #tpu.memory_space<hbm>>
          tpu.enqueue_dma source(%dma_start3A_348 : memref<16x64xi32, #tpu.memory_space<hbm>>) target(%dma_start3A_345 : memref<16x64xi32, #tpu.memory_space<vmem>>) target_semaphore(%run_scoped3A_334 : memref<!tpu.dma_semaphore, #tpu.memory_space<semaphore_mem>>)
          %dma_wait3A_349 = arith.constant 0 : i32
          %dma_wait3A_350 = arith.constant 0 : i32
          %dma_wait3A_351 = tpu.memref_slice %arg8[%rem3A_329, %dma_wait3A_349, %dma_wait3A_350] : memref<2x16x64xi32, #tpu.memory_space<vmem>> -> memref<1x16x64xi32, #tpu.memory_space<vmem>>
          %dma_wait3A_352 = tpu.memref_squeeze %dma_wait3A_351 : memref<1x16x64xi32, #tpu.memory_space<vmem>> -> memref<16x64xi32, #tpu.memory_space<vmem>>
          %dma_wait3A_353 = arith.constant 0 : i32
          %dma_wait3A_354 = tpu.memref_slice %arg4[%add3A, %mul3A_333, %dma_wait3A_353] : memref<32x160x64xi32, #tpu.memory_space<hbm>> -> memref<1x16x64xi32, #tpu.memory_space<hbm>>
          %dma_wait3A_355 = tpu.memref_squeeze %dma_wait3A_354 : memref<1x16x64xi32, #tpu.memory_space<hbm>> -> memref<16x64xi32, #tpu.memory_space<hbm>>
          %dma_wait3A_356 = arith.constant 0 : i32
          %dma_wait3A_357 = arith.constant 0 : i32
          %dma_wait3A_358 = tpu.memref_slice %arg8[%rem3A_329, %dma_wait3A_356, %dma_wait3A_357] : memref<2x16x64xi32, #tpu.memory_space<vmem>> -> memref<1x16x64xi32, #tpu.memory_space<vmem>>
          %dma_wait3A_359 = tpu.memref_squeeze %dma_wait3A_358 : memref<1x16x64xi32, #tpu.memory_space<vmem>> -> memref<16x64xi32, #tpu.memory_space<vmem>>
          %dma_wait3A_360 = arith.constant 0 : i32
          %dma_wait3A_361 = tpu.memref_slice %arg4[%add3A, %mul3A_333, %dma_wait3A_360] : memref<32x160x64xi32, #tpu.memory_space<hbm>> -> memref<1x16x64xi32, #tpu.memory_space<hbm>>
          %dma_wait3A_362 = tpu.memref_squeeze %dma_wait3A_361 : memref<1x16x64xi32, #tpu.memory_space<hbm>> -> memref<16x64xi32, #tpu.memory_space<hbm>>
          tpu.wait_dma2 semaphore(%run_scoped3A_334 : memref<!tpu.dma_semaphore, #tpu.memory_space<semaphore_mem>>) src(%dma_wait3A_362 : memref<16x64xi32, #tpu.memory_space<hbm>>) dst(%dma_wait3A_359 : memref<16x64xi32, #tpu.memory_space<vmem>>)
          tpu.yield
        }) : () -> ()
      } else {
      }
      %ge3A_158 = arith.constant 2 : i32
      %ge3A_159 = arith.cmpi sge, %add3A_147, %ge3A_158 : i32
      %convert_element_type3A_160 = arith.extui %ge3A_159 : i1 to i32
      %cond3A_161 = arith.constant 0 : i32
      %cond3A_162 = arith.cmpi ne, %convert_element_type3A_160, %cond3A_161 : i32
      scf.if %cond3A_162 {
        %div3A_324 = arith.constant 16 : i32
        %div3A_325 = arith.divsi %add3A_147, %div3A_324 : i32
        %rem3A_326 = arith.constant 2 : i32
        %rem3A_327 = arith.remsi %div3A_325, %rem3A_326 : i32
        %rem3A_328 = arith.constant 16 : i32
        %rem3A_329 = arith.remsi %add3A_147, %rem3A_328 : i32
        %dma_wait3A_330 = arith.constant 3 : i32
        %dma_wait3A_331 = arith.constant 0 : i32
        %dma_wait3A_332 = arith.constant 0 : i32
        %dma_wait3A_333 = tpu.memref_slice %arg9[%dma_wait3A_330, %dma_wait3A_331, %dma_wait3A_332] : memref<4x64x128xf32, #tpu.memory_space<vmem>> -> memref<1x64x128xf32, #tpu.memory_space<vmem>>
        %dma_wait3A_334 = tpu.memref_squeeze %dma_wait3A_333 : memref<1x64x128xf32, #tpu.memory_space<vmem>> -> memref<64x128xf32, #tpu.memory_space<vmem>>
        %dma_wait3A_335 = arith.constant 0 : i32
        %dma_wait3A_336 = tpu.memref_slice %arg8[%rem3A_327, %rem3A_329, %dma_wait3A_335] : memref<2x16x64xi32, #tpu.memory_space<vmem>> -> memref<1x1x64xi32, #tpu.memory_space<vmem>>
        %dma_wait3A_337 = tpu.memref_squeeze %dma_wait3A_336 : memref<1x1x64xi32, #tpu.memory_space<vmem>> -> memref<64xi32, #tpu.memory_space<vmem>>
        %dma_wait3A_338 = arith.constant 0 : i32
        %dma_wait3A_339 = arith.constant 0 : i32
        %dma_wait3A_340 = tpu.memref_slice %arg10[%dma_wait3A_338, %dma_wait3A_339] : memref<10240x128xf32, #tpu.memory_space<vmem_shared>> -> memref<10240x128xf32, #tpu.memory_space<vmem_shared>>
        tpu.wait_indirect_dma semaphore(%arg18 : memref<!tpu.dma_semaphore, #tpu.memory_space<semaphore_mem>>) src(%dma_wait3A_334 : memref<64x128xf32, #tpu.memory_space<vmem>>) dst(%dma_wait3A_340 : memref<10240x128xf32, #tpu.memory_space<vmem_shared>>)
      } else {
      }
      %add3A_163 = arith.constant 2 : i32
      %add3A_164 = arith.addi %add3A_147, %add3A_163 : i32
      %lt3A_165 = arith.constant 160 : i32
      %lt3A_166 = arith.cmpi slt, %add3A_164, %lt3A_165 : i32
      %convert_element_type3A_167 = arith.extui %lt3A_166 : i1 to i32
      %cond3A_168 = arith.constant 0 : i32
      %cond3A_169 = arith.cmpi ne, %convert_element_type3A_167, %cond3A_168 : i32
      scf.if %cond3A_169 {
        %add3A_324 = arith.constant 2 : i32
        %add3A_325 = arith.addi %add3A_147, %add3A_324 : i32
        %div3A_326 = arith.constant 16 : i32
        %div3A_327 = arith.divsi %add3A_325, %div3A_326 : i32
        %rem3A_328 = arith.constant 2 : i32
        %rem3A_329 = arith.remsi %div3A_327, %rem3A_328 : i32
        %rem3A_330 = arith.constant 16 : i32
        %rem3A_331 = arith.remsi %add3A_325, %rem3A_330 : i32
        %dma_start3A_332 = arith.constant 3 : i32
        %dma_start3A_333 = arith.constant 0 : i32
        %dma_start3A_334 = arith.constant 0 : i32
        %dma_start3A_335 = tpu.memref_slice %arg9[%dma_start3A_332, %dma_start3A_333, %dma_start3A_334] : memref<4x64x128xf32, #tpu.memory_space<vmem>> -> memref<1x64x128xf32, #tpu.memory_space<vmem>>
        %dma_start3A_336 = tpu.memref_squeeze %dma_start3A_335 : memref<1x64x128xf32, #tpu.memory_space<vmem>> -> memref<64x128xf32, #tpu.memory_space<vmem>>
        %dma_start3A_337 = arith.constant 0 : i32
        %dma_start3A_338 = tpu.memref_slice %arg7[%rem3A_329, %rem3A_331, %dma_start3A_337] : memref<2x16x64xi32, #tpu.memory_space<vmem>> -> memref<1x1x64xi32, #tpu.memory_space<vmem>>
        %dma_start3A_339 = tpu.memref_squeeze %dma_start3A_338 : memref<1x1x64xi32, #tpu.memory_space<vmem>> -> memref<64xi32, #tpu.memory_space<vmem>>
        %dma_start3A_340 = arith.constant 0 : i32
        %dma_start3A_341 = arith.constant 0 : i32
        %dma_start3A_342 = tpu.memref_slice %arg2[%dma_start3A_340, %dma_start3A_341] : memref<10240x128xf32, #tpu.memory_space<hbm>> -> memref<10240x128xf32, #tpu.memory_space<hbm>>
        tpu.enqueue_indirect_dma source(%dma_start3A_342 : memref<10240x128xf32, #tpu.memory_space<hbm>>) target(%dma_start3A_336 : memref<64x128xf32, #tpu.memory_space<vmem>>) offsets(%dma_start3A_339 : memref<64xi32, #tpu.memory_space<vmem>>) semaphore(%arg14 : memref<!tpu.dma_semaphore, #tpu.memory_space<semaphore_mem>>)
      } else {
      }
      %div3A_170 = arith.constant 16 : i32
      %div3A_171 = arith.divsi %add3A_147, %div3A_170 : i32
      %rem3A_172 = arith.constant 2 : i32
      %rem3A_173 = arith.remsi %div3A_171, %rem3A_172 : i32
      %rem3A_174 = arith.constant 16 : i32
      %rem3A_175 = arith.remsi %add3A_147, %rem3A_174 : i32
      %dma_wait3A_176 = arith.constant 1 : i32
      %dma_wait3A_177 = arith.constant 0 : i32
      %dma_wait3A_178 = arith.constant 0 : i32
      %dma_wait3A_179 = tpu.memref_slice %arg9[%dma_wait3A_176, %dma_wait3A_177, %dma_wait3A_178] : memref<4x64x128xf32, #tpu.memory_space<vmem>> -> memref<1x64x128xf32, #tpu.memory_space<vmem>>
      %dma_wait3A_180 = tpu.memref_squeeze %dma_wait3A_179 : memref<1x64x128xf32, #tpu.memory_space<vmem>> -> memref<64x128xf32, #tpu.memory_space<vmem>>
      %dma_wait3A_181 = arith.constant 0 : i32
      %dma_wait3A_182 = tpu.memref_slice %arg7[%rem3A_173, %rem3A_175, %dma_wait3A_181] : memref<2x16x64xi32, #tpu.memory_space<vmem>> -> memref<1x1x64xi32, #tpu.memory_space<vmem>>
      %dma_wait3A_183 = tpu.memref_squeeze %dma_wait3A_182 : memref<1x1x64xi32, #tpu.memory_space<vmem>> -> memref<64xi32, #tpu.memory_space<vmem>>
      %dma_wait3A_184 = arith.constant 0 : i32
      %dma_wait3A_185 = arith.constant 0 : i32
      %dma_wait3A_186 = tpu.memref_slice %arg2[%dma_wait3A_184, %dma_wait3A_185] : memref<10240x128xf32, #tpu.memory_space<hbm>> -> memref<10240x128xf32, #tpu.memory_space<hbm>>
      tpu.wait_indirect_dma semaphore(%arg12 : memref<!tpu.dma_semaphore, #tpu.memory_space<semaphore_mem>>) src(%dma_wait3A_186 : memref<10240x128xf32, #tpu.memory_space<hbm>>) dst(%dma_wait3A_180 : memref<64x128xf32, #tpu.memory_space<vmem>>)
      %div3A_187 = arith.constant 16 : i32
      %div3A_188 = arith.divsi %add3A_147, %div3A_187 : i32
      %rem3A_189 = arith.constant 2 : i32
      %rem3A_190 = arith.remsi %div3A_188, %rem3A_189 : i32
      %rem3A_191 = arith.constant 16 : i32
      %rem3A_192 = arith.remsi %add3A_147, %rem3A_191 : i32
      %dma_start3A_193 = arith.constant 1 : i32
      %dma_start3A_194 = arith.constant 0 : i32
      %dma_start3A_195 = arith.constant 0 : i32
      %dma_start3A_196 = tpu.memref_slice %arg9[%dma_start3A_193, %dma_start3A_194, %dma_start3A_195] : memref<4x64x128xf32, #tpu.memory_space<vmem>> -> memref<1x64x128xf32, #tpu.memory_space<vmem>>
      %dma_start3A_197 = tpu.memref_squeeze %dma_start3A_196 : memref<1x64x128xf32, #tpu.memory_space<vmem>> -> memref<64x128xf32, #tpu.memory_space<vmem>>
      %dma_start3A_198 = arith.constant 0 : i32
      %dma_start3A_199 = tpu.memref_slice %arg8[%rem3A_190, %rem3A_192, %dma_start3A_198] : memref<2x16x64xi32, #tpu.memory_space<vmem>> -> memref<1x1x64xi32, #tpu.memory_space<vmem>>
      %dma_start3A_200 = tpu.memref_squeeze %dma_start3A_199 : memref<1x1x64xi32, #tpu.memory_space<vmem>> -> memref<64xi32, #tpu.memory_space<vmem>>
      %dma_start3A_201 = arith.constant 0 : i32
      %dma_start3A_202 = arith.constant 0 : i32
      %dma_start3A_203 = tpu.memref_slice %arg10[%dma_start3A_201, %dma_start3A_202] : memref<10240x128xf32, #tpu.memory_space<vmem_shared>> -> memref<10240x128xf32, #tpu.memory_space<vmem_shared>>
      tpu.enqueue_indirect_dma source(%dma_start3A_197 : memref<64x128xf32, #tpu.memory_space<vmem>>) target(%dma_start3A_203 : memref<10240x128xf32, #tpu.memory_space<vmem_shared>>) offsets(%dma_start3A_200 : memref<64xi32, #tpu.memory_space<vmem>>) semaphore(%arg16 : memref<!tpu.dma_semaphore, #tpu.memory_space<semaphore_mem>>) {add = true}
      %mul3A_204 = arith.constant 4 : i32
      %mul3A_205 = arith.muli %mul3A_204, %scan3A_89 : i32
      %add3A_206 = arith.constant 2 : i32
      %add3A_207 = arith.addi %mul3A_205, %add3A_206 : i32
      %rem3A_208 = arith.constant 16 : i32
      %rem3A_209 = arith.remsi %add3A_207, %rem3A_208 : i32
      %eq3A_210 = arith.constant 2 : i32
      %eq3A_211 = arith.cmpi eq, %rem3A_209, %eq3A_210 : i32
      %lt3A_212 = arith.constant 144 : i32
      %lt3A_213 = arith.cmpi slt, %add3A_207, %lt3A_212 : i32
      %and3A_214 = arith.andi %eq3A_211, %lt3A_213 : i1
      %convert_element_type3A_215 = arith.extui %and3A_214 : i1 to i32
      %cond3A_216 = arith.constant 0 : i32
      %cond3A_217 = arith.cmpi ne, %convert_element_type3A_215, %cond3A_216 : i32
      scf.if %cond3A_217 {
        %div3A_324 = arith.constant 16 : i32
        %div3A_325 = arith.divsi %add3A_207, %div3A_324 : i32
        %add3A_326 = arith.constant 1 : i32
        %add3A_327 = arith.addi %div3A_325, %add3A_326 : i32
        %rem3A_328 = arith.constant 2 : i32
        %rem3A_329 = arith.remsi %add3A_327, %rem3A_328 : i32
        %mul3A_330 = arith.constant 16 : i32
        %mul3A_331 = arith.muli %add3A_327, %mul3A_330 : i32
        "tpu.region"() ({
          %run_scoped3A_334 = tpu.sem_alloc : memref<!tpu.dma_semaphore, #tpu.memory_space<semaphore_mem>>
          %dma_start3A_335 = arith.constant 0 : i32
          %dma_start3A_336 = arith.constant 0 : i32
          %dma_start3A_337 = tpu.memref_slice %arg7[%rem3A_329, %dma_start3A_335, %dma_start3A_336] : memref<2x16x64xi32, #tpu.memory_space<vmem>> -> memref<1x16x64xi32, #tpu.memory_space<vmem>>
          %dma_start3A_338 = tpu.memref_squeeze %dma_start3A_337 : memref<1x16x64xi32, #tpu.memory_space<vmem>> -> memref<16x64xi32, #tpu.memory_space<vmem>>
          %dma_start3A_339 = arith.constant 0 : i32
          %dma_start3A_340 = tpu.memref_slice %arg3[%add3A, %mul3A_331, %dma_start3A_339] : memref<32x160x64xi32, #tpu.memory_space<hbm>> -> memref<1x16x64xi32, #tpu.memory_space<hbm>>
          %dma_start3A_341 = tpu.memref_squeeze %dma_start3A_340 : memref<1x16x64xi32, #tpu.memory_space<hbm>> -> memref<16x64xi32, #tpu.memory_space<hbm>>
          %dma_start3A_342 = arith.constant 0 : i32
          %dma_start3A_343 = arith.constant 0 : i32
          %dma_start3A_344 = tpu.memref_slice %arg7[%rem3A_329, %dma_start3A_342, %dma_start3A_343] : memref<2x16x64xi32, #tpu.memory_space<vmem>> -> memref<1x16x64xi32, #tpu.memory_space<vmem>>
          %dma_start3A_345 = tpu.memref_squeeze %dma_start3A_344 : memref<1x16x64xi32, #tpu.memory_space<vmem>> -> memref<16x64xi32, #tpu.memory_space<vmem>>
          %dma_start3A_346 = arith.constant 0 : i32
          %dma_start3A_347 = tpu.memref_slice %arg3[%add3A, %mul3A_331, %dma_start3A_346] : memref<32x160x64xi32, #tpu.memory_space<hbm>> -> memref<1x16x64xi32, #tpu.memory_space<hbm>>
          %dma_start3A_348 = tpu.memref_squeeze %dma_start3A_347 : memref<1x16x64xi32, #tpu.memory_space<hbm>> -> memref<16x64xi32, #tpu.memory_space<hbm>>
          tpu.enqueue_dma source(%dma_start3A_348 : memref<16x64xi32, #tpu.memory_space<hbm>>) target(%dma_start3A_345 : memref<16x64xi32, #tpu.memory_space<vmem>>) target_semaphore(%run_scoped3A_334 : memref<!tpu.dma_semaphore, #tpu.memory_space<semaphore_mem>>)
          %dma_wait3A_349 = arith.constant 0 : i32
          %dma_wait3A_350 = arith.constant 0 : i32
          %dma_wait3A_351 = tpu.memref_slice %arg7[%rem3A_329, %dma_wait3A_349, %dma_wait3A_350] : memref<2x16x64xi32, #tpu.memory_space<vmem>> -> memref<1x16x64xi32, #tpu.memory_space<vmem>>
          %dma_wait3A_352 = tpu.memref_squeeze %dma_wait3A_351 : memref<1x16x64xi32, #tpu.memory_space<vmem>> -> memref<16x64xi32, #tpu.memory_space<vmem>>
          %dma_wait3A_353 = arith.constant 0 : i32
          %dma_wait3A_354 = tpu.memref_slice %arg3[%add3A, %mul3A_331, %dma_wait3A_353] : memref<32x160x64xi32, #tpu.memory_space<hbm>> -> memref<1x16x64xi32, #tpu.memory_space<hbm>>
          %dma_wait3A_355 = tpu.memref_squeeze %dma_wait3A_354 : memref<1x16x64xi32, #tpu.memory_space<hbm>> -> memref<16x64xi32, #tpu.memory_space<hbm>>
          %dma_wait3A_356 = arith.constant 0 : i32
          %dma_wait3A_357 = arith.constant 0 : i32
          %dma_wait3A_358 = tpu.memref_slice %arg7[%rem3A_329, %dma_wait3A_356, %dma_wait3A_357] : memref<2x16x64xi32, #tpu.memory_space<vmem>> -> memref<1x16x64xi32, #tpu.memory_space<vmem>>
          %dma_wait3A_359 = tpu.memref_squeeze %dma_wait3A_358 : memref<1x16x64xi32, #tpu.memory_space<vmem>> -> memref<16x64xi32, #tpu.memory_space<vmem>>
          %dma_wait3A_360 = arith.constant 0 : i32
          %dma_wait3A_361 = tpu.memref_slice %arg3[%add3A, %mul3A_331, %dma_wait3A_360] : memref<32x160x64xi32, #tpu.memory_space<hbm>> -> memref<1x16x64xi32, #tpu.memory_space<hbm>>
          %dma_wait3A_362 = tpu.memref_squeeze %dma_wait3A_361 : memref<1x16x64xi32, #tpu.memory_space<hbm>> -> memref<16x64xi32, #tpu.memory_space<hbm>>
          tpu.wait_dma2 semaphore(%run_scoped3A_334 : memref<!tpu.dma_semaphore, #tpu.memory_space<semaphore_mem>>) src(%dma_wait3A_362 : memref<16x64xi32, #tpu.memory_space<hbm>>) dst(%dma_wait3A_359 : memref<16x64xi32, #tpu.memory_space<vmem>>)
          tpu.yield
        }) : () -> ()
        %mul3A_332 = arith.constant 16 : i32
        %mul3A_333 = arith.muli %add3A_327, %mul3A_332 : i32
        "tpu.region"() ({
          %run_scoped3A_334 = tpu.sem_alloc : memref<!tpu.dma_semaphore, #tpu.memory_space<semaphore_mem>>
          %dma_start3A_335 = arith.constant 0 : i32
          %dma_start3A_336 = arith.constant 0 : i32
          %dma_start3A_337 = tpu.memref_slice %arg8[%rem3A_329, %dma_start3A_335, %dma_start3A_336] : memref<2x16x64xi32, #tpu.memory_space<vmem>> -> memref<1x16x64xi32, #tpu.memory_space<vmem>>
          %dma_start3A_338 = tpu.memref_squeeze %dma_start3A_337 : memref<1x16x64xi32, #tpu.memory_space<vmem>> -> memref<16x64xi32, #tpu.memory_space<vmem>>
          %dma_start3A_339 = arith.constant 0 : i32
          %dma_start3A_340 = tpu.memref_slice %arg4[%add3A, %mul3A_333, %dma_start3A_339] : memref<32x160x64xi32, #tpu.memory_space<hbm>> -> memref<1x16x64xi32, #tpu.memory_space<hbm>>
          %dma_start3A_341 = tpu.memref_squeeze %dma_start3A_340 : memref<1x16x64xi32, #tpu.memory_space<hbm>> -> memref<16x64xi32, #tpu.memory_space<hbm>>
          %dma_start3A_342 = arith.constant 0 : i32
          %dma_start3A_343 = arith.constant 0 : i32
          %dma_start3A_344 = tpu.memref_slice %arg8[%rem3A_329, %dma_start3A_342, %dma_start3A_343] : memref<2x16x64xi32, #tpu.memory_space<vmem>> -> memref<1x16x64xi32, #tpu.memory_space<vmem>>
          %dma_start3A_345 = tpu.memref_squeeze %dma_start3A_344 : memref<1x16x64xi32, #tpu.memory_space<vmem>> -> memref<16x64xi32, #tpu.memory_space<vmem>>
          %dma_start3A_346 = arith.constant 0 : i32
          %dma_start3A_347 = tpu.memref_slice %arg4[%add3A, %mul3A_333, %dma_start3A_346] : memref<32x160x64xi32, #tpu.memory_space<hbm>> -> memref<1x16x64xi32, #tpu.memory_space<hbm>>
          %dma_start3A_348 = tpu.memref_squeeze %dma_start3A_347 : memref<1x16x64xi32, #tpu.memory_space<hbm>> -> memref<16x64xi32, #tpu.memory_space<hbm>>
          tpu.enqueue_dma source(%dma_start3A_348 : memref<16x64xi32, #tpu.memory_space<hbm>>) target(%dma_start3A_345 : memref<16x64xi32, #tpu.memory_space<vmem>>) target_semaphore(%run_scoped3A_334 : memref<!tpu.dma_semaphore, #tpu.memory_space<semaphore_mem>>)
          %dma_wait3A_349 = arith.constant 0 : i32
          %dma_wait3A_350 = arith.constant 0 : i32
          %dma_wait3A_351 = tpu.memref_slice %arg8[%rem3A_329, %dma_wait3A_349, %dma_wait3A_350] : memref<2x16x64xi32, #tpu.memory_space<vmem>> -> memref<1x16x64xi32, #tpu.memory_space<vmem>>
          %dma_wait3A_352 = tpu.memref_squeeze %dma_wait3A_351 : memref<1x16x64xi32, #tpu.memory_space<vmem>> -> memref<16x64xi32, #tpu.memory_space<vmem>>
          %dma_wait3A_353 = arith.constant 0 : i32
          %dma_wait3A_354 = tpu.memref_slice %arg4[%add3A, %mul3A_333, %dma_wait3A_353] : memref<32x160x64xi32, #tpu.memory_space<hbm>> -> memref<1x16x64xi32, #tpu.memory_space<hbm>>
          %dma_wait3A_355 = tpu.memref_squeeze %dma_wait3A_354 : memref<1x16x64xi32, #tpu.memory_space<hbm>> -> memref<16x64xi32, #tpu.memory_space<hbm>>
          %dma_wait3A_356 = arith.constant 0 : i32
          %dma_wait3A_357 = arith.constant 0 : i32
          %dma_wait3A_358 = tpu.memref_slice %arg8[%rem3A_329, %dma_wait3A_356, %dma_wait3A_357] : memref<2x16x64xi32, #tpu.memory_space<vmem>> -> memref<1x16x64xi32, #tpu.memory_space<vmem>>
          %dma_wait3A_359 = tpu.memref_squeeze %dma_wait3A_358 : memref<1x16x64xi32, #tpu.memory_space<vmem>> -> memref<16x64xi32, #tpu.memory_space<vmem>>
          %dma_wait3A_360 = arith.constant 0 : i32
          %dma_wait3A_361 = tpu.memref_slice %arg4[%add3A, %mul3A_333, %dma_wait3A_360] : memref<32x160x64xi32, #tpu.memory_space<hbm>> -> memref<1x16x64xi32, #tpu.memory_space<hbm>>
          %dma_wait3A_362 = tpu.memref_squeeze %dma_wait3A_361 : memref<1x16x64xi32, #tpu.memory_space<hbm>> -> memref<16x64xi32, #tpu.memory_space<hbm>>
          tpu.wait_dma2 semaphore(%run_scoped3A_334 : memref<!tpu.dma_semaphore, #tpu.memory_space<semaphore_mem>>) src(%dma_wait3A_362 : memref<16x64xi32, #tpu.memory_space<hbm>>) dst(%dma_wait3A_359 : memref<16x64xi32, #tpu.memory_space<vmem>>)
          tpu.yield
        }) : () -> ()
      } else {
      }
      %ge3A_218 = arith.constant 2 : i32
      %ge3A_219 = arith.cmpi sge, %add3A_207, %ge3A_218 : i32
      %convert_element_type3A_220 = arith.extui %ge3A_219 : i1 to i32
      %cond3A_221 = arith.constant 0 : i32
      %cond3A_222 = arith.cmpi ne, %convert_element_type3A_220, %cond3A_221 : i32
      scf.if %cond3A_222 {
        %div3A_324 = arith.constant 16 : i32
        %div3A_325 = arith.divsi %add3A_207, %div3A_324 : i32
        %rem3A_326 = arith.constant 2 : i32
        %rem3A_327 = arith.remsi %div3A_325, %rem3A_326 : i32
        %rem3A_328 = arith.constant 16 : i32
        %rem3A_329 = arith.remsi %add3A_207, %rem3A_328 : i32
        %dma_wait3A_330 = arith.constant 0 : i32
        %dma_wait3A_331 = arith.constant 0 : i32
        %dma_wait3A_332 = arith.constant 0 : i32
        %dma_wait3A_333 = tpu.memref_slice %arg9[%dma_wait3A_330, %dma_wait3A_331, %dma_wait3A_332] : memref<4x64x128xf32, #tpu.memory_space<vmem>> -> memref<1x64x128xf32, #tpu.memory_space<vmem>>
        %dma_wait3A_334 = tpu.memref_squeeze %dma_wait3A_333 : memref<1x64x128xf32, #tpu.memory_space<vmem>> -> memref<64x128xf32, #tpu.memory_space<vmem>>
        %dma_wait3A_335 = arith.constant 0 : i32
        %dma_wait3A_336 = tpu.memref_slice %arg8[%rem3A_327, %rem3A_329, %dma_wait3A_335] : memref<2x16x64xi32, #tpu.memory_space<vmem>> -> memref<1x1x64xi32, #tpu.memory_space<vmem>>
        %dma_wait3A_337 = tpu.memref_squeeze %dma_wait3A_336 : memref<1x1x64xi32, #tpu.memory_space<vmem>> -> memref<64xi32, #tpu.memory_space<vmem>>
        %dma_wait3A_338 = arith.constant 0 : i32
        %dma_wait3A_339 = arith.constant 0 : i32
        %dma_wait3A_340 = tpu.memref_slice %arg10[%dma_wait3A_338, %dma_wait3A_339] : memref<10240x128xf32, #tpu.memory_space<vmem_shared>> -> memref<10240x128xf32, #tpu.memory_space<vmem_shared>>
        tpu.wait_indirect_dma semaphore(%arg15 : memref<!tpu.dma_semaphore, #tpu.memory_space<semaphore_mem>>) src(%dma_wait3A_334 : memref<64x128xf32, #tpu.memory_space<vmem>>) dst(%dma_wait3A_340 : memref<10240x128xf32, #tpu.memory_space<vmem_shared>>)
      } else {
      }
      %add3A_223 = arith.constant 2 : i32
      %add3A_224 = arith.addi %add3A_207, %add3A_223 : i32
      %lt3A_225 = arith.constant 160 : i32
      %lt3A_226 = arith.cmpi slt, %add3A_224, %lt3A_225 : i32
      %convert_element_type3A_227 = arith.extui %lt3A_226 : i1 to i32
      %cond3A_228 = arith.constant 0 : i32
      %cond3A_229 = arith.cmpi ne, %convert_element_type3A_227, %cond3A_228 : i32
      scf.if %cond3A_229 {
        %add3A_324 = arith.constant 2 : i32
        %add3A_325 = arith.addi %add3A_207, %add3A_324 : i32
        %div3A_326 = arith.constant 16 : i32
        %div3A_327 = arith.divsi %add3A_325, %div3A_326 : i32
        %rem3A_328 = arith.constant 2 : i32
        %rem3A_329 = arith.remsi %div3A_327, %rem3A_328 : i32
        %rem3A_330 = arith.constant 16 : i32
        %rem3A_331 = arith.remsi %add3A_325, %rem3A_330 : i32
        %dma_start3A_332 = arith.constant 0 : i32
        %dma_start3A_333 = arith.constant 0 : i32
        %dma_start3A_334 = arith.constant 0 : i32
        %dma_start3A_335 = tpu.memref_slice %arg9[%dma_start3A_332, %dma_start3A_333, %dma_start3A_334] : memref<4x64x128xf32, #tpu.memory_space<vmem>> -> memref<1x64x128xf32, #tpu.memory_space<vmem>>
        %dma_start3A_336 = tpu.memref_squeeze %dma_start3A_335 : memref<1x64x128xf32, #tpu.memory_space<vmem>> -> memref<64x128xf32, #tpu.memory_space<vmem>>
        %dma_start3A_337 = arith.constant 0 : i32
        %dma_start3A_338 = tpu.memref_slice %arg7[%rem3A_329, %rem3A_331, %dma_start3A_337] : memref<2x16x64xi32, #tpu.memory_space<vmem>> -> memref<1x1x64xi32, #tpu.memory_space<vmem>>
        %dma_start3A_339 = tpu.memref_squeeze %dma_start3A_338 : memref<1x1x64xi32, #tpu.memory_space<vmem>> -> memref<64xi32, #tpu.memory_space<vmem>>
        %dma_start3A_340 = arith.constant 0 : i32
        %dma_start3A_341 = arith.constant 0 : i32
        %dma_start3A_342 = tpu.memref_slice %arg2[%dma_start3A_340, %dma_start3A_341] : memref<10240x128xf32, #tpu.memory_space<hbm>> -> memref<10240x128xf32, #tpu.memory_space<hbm>>
        tpu.enqueue_indirect_dma source(%dma_start3A_342 : memref<10240x128xf32, #tpu.memory_space<hbm>>) target(%dma_start3A_336 : memref<64x128xf32, #tpu.memory_space<vmem>>) offsets(%dma_start3A_339 : memref<64xi32, #tpu.memory_space<vmem>>) semaphore(%arg11 : memref<!tpu.dma_semaphore, #tpu.memory_space<semaphore_mem>>)
      } else {
      }
      %div3A_230 = arith.constant 16 : i32
      %div3A_231 = arith.divsi %add3A_207, %div3A_230 : i32
      %rem3A_232 = arith.constant 2 : i32
      %rem3A_233 = arith.remsi %div3A_231, %rem3A_232 : i32
      %rem3A_234 = arith.constant 16 : i32
      %rem3A_235 = arith.remsi %add3A_207, %rem3A_234 : i32
      %dma_wait3A_236 = arith.constant 2 : i32
      %dma_wait3A_237 = arith.constant 0 : i32
      %dma_wait3A_238 = arith.constant 0 : i32
      %dma_wait3A_239 = tpu.memref_slice %arg9[%dma_wait3A_236, %dma_wait3A_237, %dma_wait3A_238] : memref<4x64x128xf32, #tpu.memory_space<vmem>> -> memref<1x64x128xf32, #tpu.memory_space<vmem>>
      %dma_wait3A_240 = tpu.memref_squeeze %dma_wait3A_239 : memref<1x64x128xf32, #tpu.memory_space<vmem>> -> memref<64x128xf32, #tpu.memory_space<vmem>>
      %dma_wait3A_241 = arith.constant 0 : i32
      %dma_wait3A_242 = tpu.memref_slice %arg7[%rem3A_233, %rem3A_235, %dma_wait3A_241] : memref<2x16x64xi32, #tpu.memory_space<vmem>> -> memref<1x1x64xi32, #tpu.memory_space<vmem>>
      %dma_wait3A_243 = tpu.memref_squeeze %dma_wait3A_242 : memref<1x1x64xi32, #tpu.memory_space<vmem>> -> memref<64xi32, #tpu.memory_space<vmem>>
      %dma_wait3A_244 = arith.constant 0 : i32
      %dma_wait3A_245 = arith.constant 0 : i32
      %dma_wait3A_246 = tpu.memref_slice %arg2[%dma_wait3A_244, %dma_wait3A_245] : memref<10240x128xf32, #tpu.memory_space<hbm>> -> memref<10240x128xf32, #tpu.memory_space<hbm>>
      tpu.wait_indirect_dma semaphore(%arg13 : memref<!tpu.dma_semaphore, #tpu.memory_space<semaphore_mem>>) src(%dma_wait3A_246 : memref<10240x128xf32, #tpu.memory_space<hbm>>) dst(%dma_wait3A_240 : memref<64x128xf32, #tpu.memory_space<vmem>>)
      %div3A_247 = arith.constant 16 : i32
      %div3A_248 = arith.divsi %add3A_207, %div3A_247 : i32
      %rem3A_249 = arith.constant 2 : i32
      %rem3A_250 = arith.remsi %div3A_248, %rem3A_249 : i32
      %rem3A_251 = arith.constant 16 : i32
      %rem3A_252 = arith.remsi %add3A_207, %rem3A_251 : i32
      %dma_start3A_253 = arith.constant 2 : i32
      %dma_start3A_254 = arith.constant 0 : i32
      %dma_start3A_255 = arith.constant 0 : i32
      %dma_start3A_256 = tpu.memref_slice %arg9[%dma_start3A_253, %dma_start3A_254, %dma_start3A_255] : memref<4x64x128xf32, #tpu.memory_space<vmem>> -> memref<1x64x128xf32, #tpu.memory_space<vmem>>
      %dma_start3A_257 = tpu.memref_squeeze %dma_start3A_256 : memref<1x64x128xf32, #tpu.memory_space<vmem>> -> memref<64x128xf32, #tpu.memory_space<vmem>>
      %dma_start3A_258 = arith.constant 0 : i32
      %dma_start3A_259 = tpu.memref_slice %arg8[%rem3A_250, %rem3A_252, %dma_start3A_258] : memref<2x16x64xi32, #tpu.memory_space<vmem>> -> memref<1x1x64xi32, #tpu.memory_space<vmem>>
      %dma_start3A_260 = tpu.memref_squeeze %dma_start3A_259 : memref<1x1x64xi32, #tpu.memory_space<vmem>> -> memref<64xi32, #tpu.memory_space<vmem>>
      %dma_start3A_261 = arith.constant 0 : i32
      %dma_start3A_262 = arith.constant 0 : i32
      %dma_start3A_263 = tpu.memref_slice %arg10[%dma_start3A_261, %dma_start3A_262] : memref<10240x128xf32, #tpu.memory_space<vmem_shared>> -> memref<10240x128xf32, #tpu.memory_space<vmem_shared>>
      tpu.enqueue_indirect_dma source(%dma_start3A_257 : memref<64x128xf32, #tpu.memory_space<vmem>>) target(%dma_start3A_263 : memref<10240x128xf32, #tpu.memory_space<vmem_shared>>) offsets(%dma_start3A_260 : memref<64xi32, #tpu.memory_space<vmem>>) semaphore(%arg17 : memref<!tpu.dma_semaphore, #tpu.memory_space<semaphore_mem>>) {add = true}
      %mul3A_264 = arith.constant 4 : i32
      %mul3A_265 = arith.muli %mul3A_264, %scan3A_89 : i32
      %add3A_266 = arith.constant 3 : i32
      %add3A_267 = arith.addi %mul3A_265, %add3A_266 : i32
      %rem3A_268 = arith.constant 16 : i32
      %rem3A_269 = arith.remsi %add3A_267, %rem3A_268 : i32
      %eq3A_270 = arith.constant 2 : i32
      %eq3A_271 = arith.cmpi eq, %rem3A_269, %eq3A_270 : i32
      %lt3A_272 = arith.constant 144 : i32
      %lt3A_273 = arith.cmpi slt, %add3A_267, %lt3A_272 : i32
      %and3A_274 = arith.andi %eq3A_271, %lt3A_273 : i1
      %convert_element_type3A_275 = arith.extui %and3A_274 : i1 to i32
      %cond3A_276 = arith.constant 0 : i32
      %cond3A_277 = arith.cmpi ne, %convert_element_type3A_275, %cond3A_276 : i32
      scf.if %cond3A_277 {
        %div3A_324 = arith.constant 16 : i32
        %div3A_325 = arith.divsi %add3A_267, %div3A_324 : i32
        %add3A_326 = arith.constant 1 : i32
        %add3A_327 = arith.addi %div3A_325, %add3A_326 : i32
        %rem3A_328 = arith.constant 2 : i32
        %rem3A_329 = arith.remsi %add3A_327, %rem3A_328 : i32
        %mul3A_330 = arith.constant 16 : i32
        %mul3A_331 = arith.muli %add3A_327, %mul3A_330 : i32
        "tpu.region"() ({
          %run_scoped3A_334 = tpu.sem_alloc : memref<!tpu.dma_semaphore, #tpu.memory_space<semaphore_mem>>
          %dma_start3A_335 = arith.constant 0 : i32
          %dma_start3A_336 = arith.constant 0 : i32
          %dma_start3A_337 = tpu.memref_slice %arg7[%rem3A_329, %dma_start3A_335, %dma_start3A_336] : memref<2x16x64xi32, #tpu.memory_space<vmem>> -> memref<1x16x64xi32, #tpu.memory_space<vmem>>
          %dma_start3A_338 = tpu.memref_squeeze %dma_start3A_337 : memref<1x16x64xi32, #tpu.memory_space<vmem>> -> memref<16x64xi32, #tpu.memory_space<vmem>>
          %dma_start3A_339 = arith.constant 0 : i32
          %dma_start3A_340 = tpu.memref_slice %arg3[%add3A, %mul3A_331, %dma_start3A_339] : memref<32x160x64xi32, #tpu.memory_space<hbm>> -> memref<1x16x64xi32, #tpu.memory_space<hbm>>
          %dma_start3A_341 = tpu.memref_squeeze %dma_start3A_340 : memref<1x16x64xi32, #tpu.memory_space<hbm>> -> memref<16x64xi32, #tpu.memory_space<hbm>>
          %dma_start3A_342 = arith.constant 0 : i32
          %dma_start3A_343 = arith.constant 0 : i32
          %dma_start3A_344 = tpu.memref_slice %arg7[%rem3A_329, %dma_start3A_342, %dma_start3A_343] : memref<2x16x64xi32, #tpu.memory_space<vmem>> -> memref<1x16x64xi32, #tpu.memory_space<vmem>>
          %dma_start3A_345 = tpu.memref_squeeze %dma_start3A_344 : memref<1x16x64xi32, #tpu.memory_space<vmem>> -> memref<16x64xi32, #tpu.memory_space<vmem>>
          %dma_start3A_346 = arith.constant 0 : i32
          %dma_start3A_347 = tpu.memref_slice %arg3[%add3A, %mul3A_331, %dma_start3A_346] : memref<32x160x64xi32, #tpu.memory_space<hbm>> -> memref<1x16x64xi32, #tpu.memory_space<hbm>>
          %dma_start3A_348 = tpu.memref_squeeze %dma_start3A_347 : memref<1x16x64xi32, #tpu.memory_space<hbm>> -> memref<16x64xi32, #tpu.memory_space<hbm>>
          tpu.enqueue_dma source(%dma_start3A_348 : memref<16x64xi32, #tpu.memory_space<hbm>>) target(%dma_start3A_345 : memref<16x64xi32, #tpu.memory_space<vmem>>) target_semaphore(%run_scoped3A_334 : memref<!tpu.dma_semaphore, #tpu.memory_space<semaphore_mem>>)
          %dma_wait3A_349 = arith.constant 0 : i32
          %dma_wait3A_350 = arith.constant 0 : i32
          %dma_wait3A_351 = tpu.memref_slice %arg7[%rem3A_329, %dma_wait3A_349, %dma_wait3A_350] : memref<2x16x64xi32, #tpu.memory_space<vmem>> -> memref<1x16x64xi32, #tpu.memory_space<vmem>>
          %dma_wait3A_352 = tpu.memref_squeeze %dma_wait3A_351 : memref<1x16x64xi32, #tpu.memory_space<vmem>> -> memref<16x64xi32, #tpu.memory_space<vmem>>
          %dma_wait3A_353 = arith.constant 0 : i32
          %dma_wait3A_354 = tpu.memref_slice %arg3[%add3A, %mul3A_331, %dma_wait3A_353] : memref<32x160x64xi32, #tpu.memory_space<hbm>> -> memref<1x16x64xi32, #tpu.memory_space<hbm>>
          %dma_wait3A_355 = tpu.memref_squeeze %dma_wait3A_354 : memref<1x16x64xi32, #tpu.memory_space<hbm>> -> memref<16x64xi32, #tpu.memory_space<hbm>>
          %dma_wait3A_356 = arith.constant 0 : i32
          %dma_wait3A_357 = arith.constant 0 : i32
          %dma_wait3A_358 = tpu.memref_slice %arg7[%rem3A_329, %dma_wait3A_356, %dma_wait3A_357] : memref<2x16x64xi32, #tpu.memory_space<vmem>> -> memref<1x16x64xi32, #tpu.memory_space<vmem>>
          %dma_wait3A_359 = tpu.memref_squeeze %dma_wait3A_358 : memref<1x16x64xi32, #tpu.memory_space<vmem>> -> memref<16x64xi32, #tpu.memory_space<vmem>>
          %dma_wait3A_360 = arith.constant 0 : i32
          %dma_wait3A_361 = tpu.memref_slice %arg3[%add3A, %mul3A_331, %dma_wait3A_360] : memref<32x160x64xi32, #tpu.memory_space<hbm>> -> memref<1x16x64xi32, #tpu.memory_space<hbm>>
          %dma_wait3A_362 = tpu.memref_squeeze %dma_wait3A_361 : memref<1x16x64xi32, #tpu.memory_space<hbm>> -> memref<16x64xi32, #tpu.memory_space<hbm>>
          tpu.wait_dma2 semaphore(%run_scoped3A_334 : memref<!tpu.dma_semaphore, #tpu.memory_space<semaphore_mem>>) src(%dma_wait3A_362 : memref<16x64xi32, #tpu.memory_space<hbm>>) dst(%dma_wait3A_359 : memref<16x64xi32, #tpu.memory_space<vmem>>)
          tpu.yield
        }) : () -> ()
        %mul3A_332 = arith.constant 16 : i32
        %mul3A_333 = arith.muli %add3A_327, %mul3A_332 : i32
        "tpu.region"() ({
          %run_scoped3A_334 = tpu.sem_alloc : memref<!tpu.dma_semaphore, #tpu.memory_space<semaphore_mem>>
          %dma_start3A_335 = arith.constant 0 : i32
          %dma_start3A_336 = arith.constant 0 : i32
          %dma_start3A_337 = tpu.memref_slice %arg8[%rem3A_329, %dma_start3A_335, %dma_start3A_336] : memref<2x16x64xi32, #tpu.memory_space<vmem>> -> memref<1x16x64xi32, #tpu.memory_space<vmem>>
          %dma_start3A_338 = tpu.memref_squeeze %dma_start3A_337 : memref<1x16x64xi32, #tpu.memory_space<vmem>> -> memref<16x64xi32, #tpu.memory_space<vmem>>
          %dma_start3A_339 = arith.constant 0 : i32
          %dma_start3A_340 = tpu.memref_slice %arg4[%add3A, %mul3A_333, %dma_start3A_339] : memref<32x160x64xi32, #tpu.memory_space<hbm>> -> memref<1x16x64xi32, #tpu.memory_space<hbm>>
          %dma_start3A_341 = tpu.memref_squeeze %dma_start3A_340 : memref<1x16x64xi32, #tpu.memory_space<hbm>> -> memref<16x64xi32, #tpu.memory_space<hbm>>
          %dma_start3A_342 = arith.constant 0 : i32
          %dma_start3A_343 = arith.constant 0 : i32
          %dma_start3A_344 = tpu.memref_slice %arg8[%rem3A_329, %dma_start3A_342, %dma_start3A_343] : memref<2x16x64xi32, #tpu.memory_space<vmem>> -> memref<1x16x64xi32, #tpu.memory_space<vmem>>
          %dma_start3A_345 = tpu.memref_squeeze %dma_start3A_344 : memref<1x16x64xi32, #tpu.memory_space<vmem>> -> memref<16x64xi32, #tpu.memory_space<vmem>>
          %dma_start3A_346 = arith.constant 0 : i32
          %dma_start3A_347 = tpu.memref_slice %arg4[%add3A, %mul3A_333, %dma_start3A_346] : memref<32x160x64xi32, #tpu.memory_space<hbm>> -> memref<1x16x64xi32, #tpu.memory_space<hbm>>
          %dma_start3A_348 = tpu.memref_squeeze %dma_start3A_347 : memref<1x16x64xi32, #tpu.memory_space<hbm>> -> memref<16x64xi32, #tpu.memory_space<hbm>>
          tpu.enqueue_dma source(%dma_start3A_348 : memref<16x64xi32, #tpu.memory_space<hbm>>) target(%dma_start3A_345 : memref<16x64xi32, #tpu.memory_space<vmem>>) target_semaphore(%run_scoped3A_334 : memref<!tpu.dma_semaphore, #tpu.memory_space<semaphore_mem>>)
          %dma_wait3A_349 = arith.constant 0 : i32
          %dma_wait3A_350 = arith.constant 0 : i32
          %dma_wait3A_351 = tpu.memref_slice %arg8[%rem3A_329, %dma_wait3A_349, %dma_wait3A_350] : memref<2x16x64xi32, #tpu.memory_space<vmem>> -> memref<1x16x64xi32, #tpu.memory_space<vmem>>
          %dma_wait3A_352 = tpu.memref_squeeze %dma_wait3A_351 : memref<1x16x64xi32, #tpu.memory_space<vmem>> -> memref<16x64xi32, #tpu.memory_space<vmem>>
          %dma_wait3A_353 = arith.constant 0 : i32
          %dma_wait3A_354 = tpu.memref_slice %arg4[%add3A, %mul3A_333, %dma_wait3A_353] : memref<32x160x64xi32, #tpu.memory_space<hbm>> -> memref<1x16x64xi32, #tpu.memory_space<hbm>>
          %dma_wait3A_355 = tpu.memref_squeeze %dma_wait3A_354 : memref<1x16x64xi32, #tpu.memory_space<hbm>> -> memref<16x64xi32, #tpu.memory_space<hbm>>
          %dma_wait3A_356 = arith.constant 0 : i32
          %dma_wait3A_357 = arith.constant 0 : i32
          %dma_wait3A_358 = tpu.memref_slice %arg8[%rem3A_329, %dma_wait3A_356, %dma_wait3A_357] : memref<2x16x64xi32, #tpu.memory_space<vmem>> -> memref<1x16x64xi32, #tpu.memory_space<vmem>>
          %dma_wait3A_359 = tpu.memref_squeeze %dma_wait3A_358 : memref<1x16x64xi32, #tpu.memory_space<vmem>> -> memref<16x64xi32, #tpu.memory_space<vmem>>
          %dma_wait3A_360 = arith.constant 0 : i32
          %dma_wait3A_361 = tpu.memref_slice %arg4[%add3A, %mul3A_333, %dma_wait3A_360] : memref<32x160x64xi32, #tpu.memory_space<hbm>> -> memref<1x16x64xi32, #tpu.memory_space<hbm>>
          %dma_wait3A_362 = tpu.memref_squeeze %dma_wait3A_361 : memref<1x16x64xi32, #tpu.memory_space<hbm>> -> memref<16x64xi32, #tpu.memory_space<hbm>>
          tpu.wait_dma2 semaphore(%run_scoped3A_334 : memref<!tpu.dma_semaphore, #tpu.memory_space<semaphore_mem>>) src(%dma_wait3A_362 : memref<16x64xi32, #tpu.memory_space<hbm>>) dst(%dma_wait3A_359 : memref<16x64xi32, #tpu.memory_space<vmem>>)
          tpu.yield
        }) : () -> ()
      } else {
      }
      %ge3A_278 = arith.constant 2 : i32
      %ge3A_279 = arith.cmpi sge, %add3A_267, %ge3A_278 : i32
      %convert_element_type3A_280 = arith.extui %ge3A_279 : i1 to i32
      %cond3A_281 = arith.constant 0 : i32
      %cond3A_282 = arith.cmpi ne, %convert_element_type3A_280, %cond3A_281 : i32
      scf.if %cond3A_282 {
        %div3A_324 = arith.constant 16 : i32
        %div3A_325 = arith.divsi %add3A_267, %div3A_324 : i32
        %rem3A_326 = arith.constant 2 : i32
        %rem3A_327 = arith.remsi %div3A_325, %rem3A_326 : i32
        %rem3A_328 = arith.constant 16 : i32
        %rem3A_329 = arith.remsi %add3A_267, %rem3A_328 : i32
        %dma_wait3A_330 = arith.constant 1 : i32
        %dma_wait3A_331 = arith.constant 0 : i32
        %dma_wait3A_332 = arith.constant 0 : i32
        %dma_wait3A_333 = tpu.memref_slice %arg9[%dma_wait3A_330, %dma_wait3A_331, %dma_wait3A_332] : memref<4x64x128xf32, #tpu.memory_space<vmem>> -> memref<1x64x128xf32, #tpu.memory_space<vmem>>
        %dma_wait3A_334 = tpu.memref_squeeze %dma_wait3A_333 : memref<1x64x128xf32, #tpu.memory_space<vmem>> -> memref<64x128xf32, #tpu.memory_space<vmem>>
        %dma_wait3A_335 = arith.constant 0 : i32
        %dma_wait3A_336 = tpu.memref_slice %arg8[%rem3A_327, %rem3A_329, %dma_wait3A_335] : memref<2x16x64xi32, #tpu.memory_space<vmem>> -> memref<1x1x64xi32, #tpu.memory_space<vmem>>
        %dma_wait3A_337 = tpu.memref_squeeze %dma_wait3A_336 : memref<1x1x64xi32, #tpu.memory_space<vmem>> -> memref<64xi32, #tpu.memory_space<vmem>>
        %dma_wait3A_338 = arith.constant 0 : i32
        %dma_wait3A_339 = arith.constant 0 : i32
        %dma_wait3A_340 = tpu.memref_slice %arg10[%dma_wait3A_338, %dma_wait3A_339] : memref<10240x128xf32, #tpu.memory_space<vmem_shared>> -> memref<10240x128xf32, #tpu.memory_space<vmem_shared>>
        tpu.wait_indirect_dma semaphore(%arg16 : memref<!tpu.dma_semaphore, #tpu.memory_space<semaphore_mem>>) src(%dma_wait3A_334 : memref<64x128xf32, #tpu.memory_space<vmem>>) dst(%dma_wait3A_340 : memref<10240x128xf32, #tpu.memory_space<vmem_shared>>)
      } else {
      }
      %add3A_283 = arith.constant 2 : i32
      %add3A_284 = arith.addi %add3A_267, %add3A_283 : i32
      %lt3A_285 = arith.constant 160 : i32
      %lt3A_286 = arith.cmpi slt, %add3A_284, %lt3A_285 : i32
      %convert_element_type3A_287 = arith.extui %lt3A_286 : i1 to i32
      %cond3A_288 = arith.constant 0 : i32
      %cond3A_289 = arith.cmpi ne, %convert_element_type3A_287, %cond3A_288 : i32
      scf.if %cond3A_289 {
        %add3A_324 = arith.constant 2 : i32
        %add3A_325 = arith.addi %add3A_267, %add3A_324 : i32
        %div3A_326 = arith.constant 16 : i32
        %div3A_327 = arith.divsi %add3A_325, %div3A_326 : i32
        %rem3A_328 = arith.constant 2 : i32
        %rem3A_329 = arith.remsi %div3A_327, %rem3A_328 : i32
        %rem3A_330 = arith.constant 16 : i32
        %rem3A_331 = arith.remsi %add3A_325, %rem3A_330 : i32
        %dma_start3A_332 = arith.constant 1 : i32
        %dma_start3A_333 = arith.constant 0 : i32
        %dma_start3A_334 = arith.constant 0 : i32
        %dma_start3A_335 = tpu.memref_slice %arg9[%dma_start3A_332, %dma_start3A_333, %dma_start3A_334] : memref<4x64x128xf32, #tpu.memory_space<vmem>> -> memref<1x64x128xf32, #tpu.memory_space<vmem>>
        %dma_start3A_336 = tpu.memref_squeeze %dma_start3A_335 : memref<1x64x128xf32, #tpu.memory_space<vmem>> -> memref<64x128xf32, #tpu.memory_space<vmem>>
        %dma_start3A_337 = arith.constant 0 : i32
        %dma_start3A_338 = tpu.memref_slice %arg7[%rem3A_329, %rem3A_331, %dma_start3A_337] : memref<2x16x64xi32, #tpu.memory_space<vmem>> -> memref<1x1x64xi32, #tpu.memory_space<vmem>>
        %dma_start3A_339 = tpu.memref_squeeze %dma_start3A_338 : memref<1x1x64xi32, #tpu.memory_space<vmem>> -> memref<64xi32, #tpu.memory_space<vmem>>
        %dma_start3A_340 = arith.constant 0 : i32
        %dma_start3A_341 = arith.constant 0 : i32
        %dma_start3A_342 = tpu.memref_slice %arg2[%dma_start3A_340, %dma_start3A_341] : memref<10240x128xf32, #tpu.memory_space<hbm>> -> memref<10240x128xf32, #tpu.memory_space<hbm>>
        tpu.enqueue_indirect_dma source(%dma_start3A_342 : memref<10240x128xf32, #tpu.memory_space<hbm>>) target(%dma_start3A_336 : memref<64x128xf32, #tpu.memory_space<vmem>>) offsets(%dma_start3A_339 : memref<64xi32, #tpu.memory_space<vmem>>) semaphore(%arg12 : memref<!tpu.dma_semaphore, #tpu.memory_space<semaphore_mem>>)
      } else {
      }
      %div3A_290 = arith.constant 16 : i32
      %div3A_291 = arith.divsi %add3A_267, %div3A_290 : i32
      %rem3A_292 = arith.constant 2 : i32
      %rem3A_293 = arith.remsi %div3A_291, %rem3A_292 : i32
      %rem3A_294 = arith.constant 16 : i32
      %rem3A_295 = arith.remsi %add3A_267, %rem3A_294 : i32
      %dma_wait3A_296 = arith.constant 3 : i32
      %dma_wait3A_297 = arith.constant 0 : i32
      %dma_wait3A_298 = arith.constant 0 : i32
      %dma_wait3A_299 = tpu.memref_slice %arg9[%dma_wait3A_296, %dma_wait3A_297, %dma_wait3A_298] : memref<4x64x128xf32, #tpu.memory_space<vmem>> -> memref<1x64x128xf32, #tpu.memory_space<vmem>>
      %dma_wait3A_300 = tpu.memref_squeeze %dma_wait3A_299 : memref<1x64x128xf32, #tpu.memory_space<vmem>> -> memref<64x128xf32, #tpu.memory_space<vmem>>
      %dma_wait3A_301 = arith.constant 0 : i32
      %dma_wait3A_302 = tpu.memref_slice %arg7[%rem3A_293, %rem3A_295, %dma_wait3A_301] : memref<2x16x64xi32, #tpu.memory_space<vmem>> -> memref<1x1x64xi32, #tpu.memory_space<vmem>>
      %dma_wait3A_303 = tpu.memref_squeeze %dma_wait3A_302 : memref<1x1x64xi32, #tpu.memory_space<vmem>> -> memref<64xi32, #tpu.memory_space<vmem>>
      %dma_wait3A_304 = arith.constant 0 : i32
      %dma_wait3A_305 = arith.constant 0 : i32
      %dma_wait3A_306 = tpu.memref_slice %arg2[%dma_wait3A_304, %dma_wait3A_305] : memref<10240x128xf32, #tpu.memory_space<hbm>> -> memref<10240x128xf32, #tpu.memory_space<hbm>>
      tpu.wait_indirect_dma semaphore(%arg14 : memref<!tpu.dma_semaphore, #tpu.memory_space<semaphore_mem>>) src(%dma_wait3A_306 : memref<10240x128xf32, #tpu.memory_space<hbm>>) dst(%dma_wait3A_300 : memref<64x128xf32, #tpu.memory_space<vmem>>)
      %div3A_307 = arith.constant 16 : i32
      %div3A_308 = arith.divsi %add3A_267, %div3A_307 : i32
      %rem3A_309 = arith.constant 2 : i32
      %rem3A_310 = arith.remsi %div3A_308, %rem3A_309 : i32
      %rem3A_311 = arith.constant 16 : i32
      %rem3A_312 = arith.remsi %add3A_267, %rem3A_311 : i32
      %dma_start3A_313 = arith.constant 3 : i32
      %dma_start3A_314 = arith.constant 0 : i32
      %dma_start3A_315 = arith.constant 0 : i32
      %dma_start3A_316 = tpu.memref_slice %arg9[%dma_start3A_313, %dma_start3A_314, %dma_start3A_315] : memref<4x64x128xf32, #tpu.memory_space<vmem>> -> memref<1x64x128xf32, #tpu.memory_space<vmem>>
      %dma_start3A_317 = tpu.memref_squeeze %dma_start3A_316 : memref<1x64x128xf32, #tpu.memory_space<vmem>> -> memref<64x128xf32, #tpu.memory_space<vmem>>
      %dma_start3A_318 = arith.constant 0 : i32
      %dma_start3A_319 = tpu.memref_slice %arg8[%rem3A_310, %rem3A_312, %dma_start3A_318] : memref<2x16x64xi32, #tpu.memory_space<vmem>> -> memref<1x1x64xi32, #tpu.memory_space<vmem>>
      %dma_start3A_320 = tpu.memref_squeeze %dma_start3A_319 : memref<1x1x64xi32, #tpu.memory_space<vmem>> -> memref<64xi32, #tpu.memory_space<vmem>>
      %dma_start3A_321 = arith.constant 0 : i32
      %dma_start3A_322 = arith.constant 0 : i32
      %dma_start3A_323 = tpu.memref_slice %arg10[%dma_start3A_321, %dma_start3A_322] : memref<10240x128xf32, #tpu.memory_space<vmem_shared>> -> memref<10240x128xf32, #tpu.memory_space<vmem_shared>>
      tpu.enqueue_indirect_dma source(%dma_start3A_317 : memref<64x128xf32, #tpu.memory_space<vmem>>) target(%dma_start3A_323 : memref<10240x128xf32, #tpu.memory_space<vmem_shared>>) offsets(%dma_start3A_320 : memref<64xi32, #tpu.memory_space<vmem>>) semaphore(%arg18 : memref<!tpu.dma_semaphore, #tpu.memory_space<semaphore_mem>>) {add = true}
    }
    %scan3A_43 = arith.constant 40 : i32
    %div3A_44 = arith.constant 0 : i32
    %div3A_45 = arith.constant 16 : i32
    %div3A_46 = arith.divsi %div3A_44, %div3A_45 : i32
    %rem3A_47 = arith.constant 2 : i32
    %rem3A_48 = arith.remsi %div3A_46, %rem3A_47 : i32
    %rem3A_49 = arith.constant 0 : i32
    %rem3A_50 = arith.constant 16 : i32
    %rem3A_51 = arith.remsi %rem3A_49, %rem3A_50 : i32
    %dma_wait3A = arith.constant 2 : i32
    %dma_wait3A_52 = arith.constant 0 : i32
    %dma_wait3A_53 = arith.constant 0 : i32
    %dma_wait3A_54 = tpu.memref_slice %arg9[%dma_wait3A, %dma_wait3A_52, %dma_wait3A_53] : memref<4x64x128xf32, #tpu.memory_space<vmem>> -> memref<1x64x128xf32, #tpu.memory_space<vmem>>
    %dma_wait3A_55 = tpu.memref_squeeze %dma_wait3A_54 : memref<1x64x128xf32, #tpu.memory_space<vmem>> -> memref<64x128xf32, #tpu.memory_space<vmem>>
    %dma_wait3A_56 = arith.constant 0 : i32
    %dma_wait3A_57 = tpu.memref_slice %arg8[%rem3A_48, %rem3A_51, %dma_wait3A_56] : memref<2x16x64xi32, #tpu.memory_space<vmem>> -> memref<1x1x64xi32, #tpu.memory_space<vmem>>
    %dma_wait3A_58 = tpu.memref_squeeze %dma_wait3A_57 : memref<1x1x64xi32, #tpu.memory_space<vmem>> -> memref<64xi32, #tpu.memory_space<vmem>>
    %dma_wait3A_59 = arith.constant 0 : i32
    %dma_wait3A_60 = arith.constant 0 : i32
    %dma_wait3A_61 = tpu.memref_slice %arg10[%dma_wait3A_59, %dma_wait3A_60] : memref<10240x128xf32, #tpu.memory_space<vmem_shared>> -> memref<10240x128xf32, #tpu.memory_space<vmem_shared>>
    tpu.wait_indirect_dma semaphore(%arg17 : memref<!tpu.dma_semaphore, #tpu.memory_space<semaphore_mem>>) src(%dma_wait3A_55 : memref<64x128xf32, #tpu.memory_space<vmem>>) dst(%dma_wait3A_61 : memref<10240x128xf32, #tpu.memory_space<vmem_shared>>)
    %div3A_62 = arith.constant 0 : i32
    %div3A_63 = arith.constant 16 : i32
    %div3A_64 = arith.divsi %div3A_62, %div3A_63 : i32
    %rem3A_65 = arith.constant 2 : i32
    %rem3A_66 = arith.remsi %div3A_64, %rem3A_65 : i32
    %rem3A_67 = arith.constant 0 : i32
    %rem3A_68 = arith.constant 16 : i32
    %rem3A_69 = arith.remsi %rem3A_67, %rem3A_68 : i32
    %dma_wait3A_70 = arith.constant 3 : i32
    %dma_wait3A_71 = arith.constant 0 : i32
    %dma_wait3A_72 = arith.constant 0 : i32
    %dma_wait3A_73 = tpu.memref_slice %arg9[%dma_wait3A_70, %dma_wait3A_71, %dma_wait3A_72] : memref<4x64x128xf32, #tpu.memory_space<vmem>> -> memref<1x64x128xf32, #tpu.memory_space<vmem>>
    %dma_wait3A_74 = tpu.memref_squeeze %dma_wait3A_73 : memref<1x64x128xf32, #tpu.memory_space<vmem>> -> memref<64x128xf32, #tpu.memory_space<vmem>>
    %dma_wait3A_75 = arith.constant 0 : i32
    %dma_wait3A_76 = tpu.memref_slice %arg8[%rem3A_66, %rem3A_69, %dma_wait3A_75] : memref<2x16x64xi32, #tpu.memory_space<vmem>> -> memref<1x1x64xi32, #tpu.memory_space<vmem>>
    %dma_wait3A_77 = tpu.memref_squeeze %dma_wait3A_76 : memref<1x1x64xi32, #tpu.memory_space<vmem>> -> memref<64xi32, #tpu.memory_space<vmem>>
    %dma_wait3A_78 = arith.constant 0 : i32
    %dma_wait3A_79 = arith.constant 0 : i32
    %dma_wait3A_80 = tpu.memref_slice %arg10[%dma_wait3A_78, %dma_wait3A_79] : memref<10240x128xf32, #tpu.memory_space<vmem_shared>> -> memref<10240x128xf32, #tpu.memory_space<vmem_shared>>
    tpu.wait_indirect_dma semaphore(%arg18 : memref<!tpu.dma_semaphore, #tpu.memory_space<semaphore_mem>>) src(%dma_wait3A_74 : memref<64x128xf32, #tpu.memory_space<vmem>>) dst(%dma_wait3A_80 : memref<10240x128xf32, #tpu.memory_space<vmem_shared>>)
    %barrier3A_81 = arith.constant 0 : index
    tpu.barrier barrier_id(%barrier3A_81)
    %mul3A_82 = arith.constant 640 : i32
    %mul3A_83 = arith.muli %arg1, %mul3A_82 : i32
    %mul3A_84 = arith.constant 10240 : i32
    %mul3A_85 = arith.muli %arg0, %mul3A_84 : i32
    %mul3A_86 = arith.constant 640 : i32
    %mul3A_87 = arith.muli %arg1, %mul3A_86 : i32
    %add3A_88 = arith.addi %mul3A_85, %mul3A_87 : i32
    "tpu.region"() ({
      %run_scoped3A_89 = tpu.sem_alloc : memref<!tpu.dma_semaphore, #tpu.memory_space<semaphore_mem>>
      %dma_start3A_90 = arith.constant 0 : i32
      %dma_start3A_91 = tpu.memref_slice %arg6[%add3A_88, %dma_start3A_90] : memref<20480x128xf32, #tpu.memory_space<hbm>> -> memref<640x128xf32, #tpu.memory_space<hbm>>
      %dma_start3A_92 = arith.constant 0 : i32
      %dma_start3A_93 = tpu.memref_slice %arg10[%mul3A_83, %dma_start3A_92] : memref<10240x128xf32, #tpu.memory_space<vmem_shared>> -> memref<640x128xf32, #tpu.memory_space<vmem_shared>>
      tpu.enqueue_dma source(%dma_start3A_93 : memref<640x128xf32, #tpu.memory_space<vmem_shared>>) target(%dma_start3A_91 : memref<640x128xf32, #tpu.memory_space<hbm>>) target_semaphore(%run_scoped3A_89 : memref<!tpu.dma_semaphore, #tpu.memory_space<semaphore_mem>>)
      %dma_wait3A_94 = arith.constant 0 : i32
      %dma_wait3A_95 = tpu.memref_slice %arg6[%add3A_88, %dma_wait3A_94] : memref<20480x128xf32, #tpu.memory_space<hbm>> -> memref<640x128xf32, #tpu.memory_space<hbm>>
      %dma_wait3A_96 = arith.constant 0 : i32
      %dma_wait3A_97 = tpu.memref_slice %arg10[%mul3A_83, %dma_wait3A_96] : memref<10240x128xf32, #tpu.memory_space<vmem_shared>> -> memref<640x128xf32, #tpu.memory_space<vmem_shared>>
      tpu.wait_dma2 semaphore(%run_scoped3A_89 : memref<!tpu.dma_semaphore, #tpu.memory_space<semaphore_mem>>) src(%dma_wait3A_97 : memref<640x128xf32, #tpu.memory_space<vmem_shared>>) dst(%dma_wait3A_95 : memref<640x128xf32, #tpu.memory_space<hbm>>)
      tpu.yield
    }) : () -> ()
    return
  }
}

module attributes {stable_mosaic.version = 14 : i64} {
  func.func @_tch_body(%arg0: i32, %arg1: memref<1024x128xf32, #tpu.memory_space<vmem>>, %arg2: memref<128x128xf32, #tpu.memory_space<vmem>>, %arg3: memref<1024x128xf32, #tpu.memory_space<vmem>>) attributes {dimension_semantics = [#tpu.dimension_semantics<arbitrary>], iteration_bounds = array<i64: 10>, scalar_prefetch = 0 : i64, scratch_operands = 0 : i64, tpu.core_type = #tpu.core_type<tc>, window_params = [{transform_indices = @transform_0, window_bounds = array<i64: 1024, 128>}, {pipeline_mode = #tpu.pipeline_mode<synchronous>, transform_indices = @transform_1, window_bounds = array<i64: 128, 128>}, {transform_indices = @transform_2, window_bounds = array<i64: 1024, 128>}]} {
    %get3A = arith.constant 0 : index
    %get3A_0 = arith.constant 0 : index
    %get3A_1 = vector.load %arg1[%get3A, %get3A_0] : memref<1024x128xf32, #tpu.memory_space<vmem>>, vector<1024x128xf32>
    %get3A_2 = arith.constant 0 : index
    %get3A_3 = arith.constant 0 : index
    %get3A_4 = vector.load %arg2[%get3A_2, %get3A_3] : memref<128x128xf32, #tpu.memory_space<vmem>>, vector<128x128xf32>
    %dot_general3A = arith.constant dense<0.000000e+00> : vector<1024x128xf32>
    %dot_general3A_5 = tpu.matmul %get3A_1, %get3A_4, %dot_general3A {dimension_numbers = #tpu.dot_dimension_numbers<[1], [0], [0], [1], [0, 0, 1, 1], [], []>, transpose_lhs_hint = false} : vector<1024x128xf32>, vector<128x128xf32>, vector<1024x128xf32> -> vector<1024x128xf32>
    %swap3A = arith.constant 0 : index
    %swap3A_6 = arith.constant 0 : index
    %swap3A_7 = vector.load %arg3[%swap3A, %swap3A_6] : memref<1024x128xf32, #tpu.memory_space<vmem>>, vector<1024x128xf32>
    tpu.vector_store %arg3[%swap3A, %swap3A_6], %dot_general3A_5 {strides = array<i32>} : memref<1024x128xf32, #tpu.memory_space<vmem>>, vector<1024x128xf32>,
    return
  }
  func.func @transform_0(%arg0: i32) -> (i32, i32) {
    %c0_i32 = arith.constant 0 : i32
    %c0_i32_0 = arith.constant 0 : i32
    return %arg0, %c0_i32 : i32, i32
  }
  func.func @transform_1(%arg0: i32) -> (i32, i32) {
    %c0_i32 = arith.constant 0 : i32
    %c0_i32_0 = arith.constant 0 : i32
    %c0_i32_1 = arith.constant 0 : i32
    return %c0_i32, %c0_i32_0 : i32, i32
  }
  func.func @transform_2(%arg0: i32) -> (i32, i32) {
    %c0_i32 = arith.constant 0 : i32
    %c0_i32_0 = arith.constant 0 : i32
    return %arg0, %c0_i32 : i32, i32
  }
}

module attributes {stable_mosaic.version = 14 : i64} {
  func.func @_tc1_body(%arg0: i32, %arg1: memref<1024x128xf32, #tpu.memory_space<vmem>>, %arg2: memref<1024x1xf32, #tpu.memory_space<vmem>>, %arg3: memref<1024x1xf32, #tpu.memory_space<vmem>>, %arg4: memref<1024x128xf32, #tpu.memory_space<vmem>>, %arg5: memref<1024x1xf32, #tpu.memory_space<vmem>>) attributes {dimension_semantics = [#tpu.dimension_semantics<arbitrary>], iteration_bounds = array<i64: 10>, scalar_prefetch = 0 : i64, scratch_operands = 0 : i64, tpu.core_type = #tpu.core_type<tc>, window_params = [{transform_indices = @transform_0, window_bounds = array<i64: 1024, 128>}, {transform_indices = @transform_1, window_bounds = array<i64: 1024, 1>}, {transform_indices = @transform_2, window_bounds = array<i64: 1024, 1>}, {transform_indices = @transform_3, window_bounds = array<i64: 1024, 128>}, {transform_indices = @transform_4, window_bounds = array<i64: 1024, 1>}]} {
    %get3A = arith.constant 0 : index
    %get3A_0 = arith.constant 0 : index
    %get3A_1 = vector.load %arg2[%get3A, %get3A_0] : memref<1024x1xf32, #tpu.memory_space<vmem>>, vector<1024x1xf32>
    %get3A_2 = arith.constant 0 : index
    %get3A_3 = arith.constant 0 : index
    %get3A_4 = vector.load %arg3[%get3A_2, %get3A_3] : memref<1024x1xf32, #tpu.memory_space<vmem>>, vector<1024x1xf32>
    %add3A = arith.addf %get3A_1, %get3A_4 : vector<1024x1xf32>
    %add3A_5 = arith.constant 1.000000e+00 : f32
    %add3A_6 = vector.broadcast %add3A_5 : f32 to vector<1024x1xf32>
    %add3A_7 = arith.addf %add3A, %add3A_6 : vector<1024x1xf32>
    %rsqrt3A = math.rsqrt %add3A_7 : vector<1024x1xf32>
    %get3A_8 = arith.constant 0 : index
    %get3A_9 = arith.constant 0 : index
    %get3A_10 = vector.load %arg1[%get3A_8, %get3A_9] : memref<1024x128xf32, #tpu.memory_space<vmem>>, vector<1024x128xf32>
    %mul3A = vector.broadcast %rsqrt3A : vector<1024x1xf32> to vector<1024x128xf32>
    %mul3A_11 = arith.mulf %get3A_10, %mul3A : vector<1024x128xf32>
    %swap3A = arith.constant 0 : index
    %swap3A_12 = arith.constant 0 : index
    %swap3A_13 = vector.load %arg4[%swap3A, %swap3A_12] : memref<1024x128xf32, #tpu.memory_space<vmem>>, vector<1024x128xf32>
    tpu.vector_store %arg4[%swap3A, %swap3A_12], %mul3A_11 {strides = array<i32>} : memref<1024x128xf32, #tpu.memory_space<vmem>>, vector<1024x128xf32>,
    %swap3A_14 = arith.constant 0 : index
    %swap3A_15 = arith.constant 0 : index
    %swap3A_16 = vector.load %arg5[%swap3A_14, %swap3A_15] : memref<1024x1xf32, #tpu.memory_space<vmem>>, vector<1024x1xf32>
    tpu.vector_store %arg5[%swap3A_14, %swap3A_15], %rsqrt3A {strides = array<i32>} : memref<1024x1xf32, #tpu.memory_space<vmem>>, vector<1024x1xf32>,
    return
  }
  func.func @transform_0(%arg0: i32) -> (i32, i32) {
    %c0_i32 = arith.constant 0 : i32
    %c0_i32_0 = arith.constant 0 : i32
    return %arg0, %c0_i32 : i32, i32
  }
  func.func @transform_1(%arg0: i32) -> (i32, i32) {
    %c0_i32 = arith.constant 0 : i32
    %c0_i32_0 = arith.constant 0 : i32
    return %arg0, %c0_i32 : i32, i32
  }
  func.func @transform_2(%arg0: i32) -> (i32, i32) {
    %add3A = arith.constant 10 : i32
    %add3A_0 = arith.addi %arg0, %add3A : i32
    %c0_i32 = arith.constant 0 : i32
    %c0_i32_1 = arith.constant 0 : i32
    return %add3A_0, %c0_i32 : i32, i32
  }
  func.func @transform_3(%arg0: i32) -> (i32, i32) {
    %c0_i32 = arith.constant 0 : i32
    %c0_i32_0 = arith.constant 0 : i32
    return %arg0, %c0_i32 : i32, i32
  }
  func.func @transform_4(%arg0: i32) -> (i32, i32) {
    %c0_i32 = arith.constant 0 : i32
    %c0_i32_0 = arith.constant 0 : i32
    return %arg0, %c0_i32 : i32, i32
  }
}

module attributes {stable_mosaic.version = 14 : i64} {
  func.func @_tc3_body(%arg0: i32, %arg1: memref<1024x128xf32, #tpu.memory_space<vmem>>, %arg2: memref<1024x128xf32, #tpu.memory_space<vmem>>, %arg3: memref<1024x128xf32, #tpu.memory_space<vmem>>, %arg4: memref<1024x1xf32, #tpu.memory_space<vmem>>, %arg5: memref<1x128xf32, #tpu.memory_space<vmem>>, %arg6: memref<1024x128xf32, #tpu.memory_space<vmem>>) attributes {dimension_semantics = [#tpu.dimension_semantics<arbitrary>], iteration_bounds = array<i64: 10>, scalar_prefetch = 0 : i64, scratch_operands = 0 : i64, tpu.core_type = #tpu.core_type<tc>, window_params = [{transform_indices = @transform_0, window_bounds = array<i64: 1024, 128>}, {transform_indices = @transform_1, window_bounds = array<i64: 1024, 128>}, {transform_indices = @transform_2, window_bounds = array<i64: 1024, 128>}, {transform_indices = @transform_3, window_bounds = array<i64: 1024, 1>}, {pipeline_mode = #tpu.pipeline_mode<synchronous>, transform_indices = @transform_4, window_bounds = array<i64: 1, 128>}, {transform_indices = @transform_5, window_bounds = array<i64: 1024, 128>}]} {
    %get3A = arith.constant 0 : index
    %get3A_0 = arith.constant 0 : index
    %get3A_1 = vector.load %arg1[%get3A, %get3A_0] : memref<1024x128xf32, #tpu.memory_space<vmem>>, vector<1024x128xf32>
    %get3A_2 = arith.constant 0 : index
    %get3A_3 = arith.constant 0 : index
    %get3A_4 = vector.load %arg2[%get3A_2, %get3A_3] : memref<1024x128xf32, #tpu.memory_space<vmem>>, vector<1024x128xf32>
    %add3A = arith.addf %get3A_1, %get3A_4 : vector<1024x128xf32>
    %get3A_5 = arith.constant 0 : index
    %get3A_6 = arith.constant 0 : index
    %get3A_7 = vector.load %arg3[%get3A_5, %get3A_6] : memref<1024x128xf32, #tpu.memory_space<vmem>>, vector<1024x128xf32>
    %add3A_8 = arith.addf %add3A, %get3A_7 : vector<1024x128xf32>
    %get3A_9 = arith.constant 0 : index
    %get3A_10 = arith.constant 0 : index
    %get3A_11 = vector.load %arg4[%get3A_9, %get3A_10] : memref<1024x1xf32, #tpu.memory_space<vmem>>, vector<1024x1xf32>
    %mul3A = vector.broadcast %get3A_11 : vector<1024x1xf32> to vector<1024x128xf32>
    %mul3A_12 = arith.mulf %add3A_8, %mul3A : vector<1024x128xf32>
    %get3A_13 = arith.constant 0 : index
    %get3A_14 = arith.constant 0 : index
    %get3A_15 = vector.load %arg5[%get3A_13, %get3A_14] : memref<1x128xf32, #tpu.memory_space<vmem>>, vector<1x128xf32>
    %add3A_16 = vector.broadcast %get3A_15 : vector<1x128xf32> to vector<1024x128xf32>
    %add3A_17 = arith.addf %mul3A_12, %add3A_16 : vector<1024x128xf32>
    %swap3A = arith.constant 0 : index
    %swap3A_18 = arith.constant 0 : index
    %swap3A_19 = vector.load %arg6[%swap3A, %swap3A_18] : memref<1024x128xf32, #tpu.memory_space<vmem>>, vector<1024x128xf32>
    tpu.vector_store %arg6[%swap3A, %swap3A_18], %add3A_17 {strides = array<i32>} : memref<1024x128xf32, #tpu.memory_space<vmem>>, vector<1024x128xf32>,
    return
  }
  func.func @transform_0(%arg0: i32) -> (i32, i32) {
    %c0_i32 = arith.constant 0 : i32
    %c0_i32_0 = arith.constant 0 : i32
    return %arg0, %c0_i32 : i32, i32
  }
  func.func @transform_1(%arg0: i32) -> (i32, i32) {
    %add3A = arith.constant 10 : i32
    %add3A_0 = arith.addi %arg0, %add3A : i32
    %c0_i32 = arith.constant 0 : i32
    %c0_i32_1 = arith.constant 0 : i32
    return %add3A_0, %c0_i32 : i32, i32
  }
  func.func @transform_2(%arg0: i32) -> (i32, i32) {
    %c0_i32 = arith.constant 0 : i32
    %c0_i32_0 = arith.constant 0 : i32
    return %arg0, %c0_i32 : i32, i32
  }
  func.func @transform_3(%arg0: i32) -> (i32, i32) {
    %c0_i32 = arith.constant 0 : i32
    %c0_i32_0 = arith.constant 0 : i32
    return %arg0, %c0_i32 : i32, i32
  }
  func.func @transform_4(%arg0: i32) -> (i32, i32) {
    %c0_i32 = arith.constant 0 : i32
    %c0_i32_0 = arith.constant 0 : i32
    %c0_i32_1 = arith.constant 0 : i32
    return %c0_i32, %c0_i32_0 : i32, i32
  }
  func.func @transform_5(%arg0: i32) -> (i32, i32) {
    %c0_i32 = arith.constant 0 : i32
    %c0_i32_0 = arith.constant 0 : i32
    return %arg0, %c0_i32 : i32, i32
  }
}

module attributes {stable_mosaic.version = 14 : i64} {
  func.func @_tc2_body(%arg0: i32, %arg1: memref<1024x128xf32, #tpu.memory_space<vmem>>, %arg2: memref<1024x128xf32, #tpu.memory_space<vmem>>, %arg3: memref<1024x128xf32, #tpu.memory_space<vmem>>, %arg4: memref<1024x1xf32, #tpu.memory_space<vmem>>, %arg5: memref<1x128xf32, #tpu.memory_space<vmem>>, %arg6: memref<128x128xf32, #tpu.memory_space<vmem>>, %arg7: memref<1024x128xf32, #tpu.memory_space<vmem>>) attributes {dimension_semantics = [#tpu.dimension_semantics<arbitrary>], iteration_bounds = array<i64: 10>, scalar_prefetch = 0 : i64, scratch_operands = 0 : i64, tpu.core_type = #tpu.core_type<tc>, window_params = [{transform_indices = @transform_0, window_bounds = array<i64: 1024, 128>}, {transform_indices = @transform_1, window_bounds = array<i64: 1024, 128>}, {transform_indices = @transform_2, window_bounds = array<i64: 1024, 128>}, {transform_indices = @transform_3, window_bounds = array<i64: 1024, 1>}, {pipeline_mode = #tpu.pipeline_mode<synchronous>, transform_indices = @transform_4, window_bounds = array<i64: 1, 128>}, {pipeline_mode = #tpu.pipeline_mode<synchronous>, transform_indices = @transform_5, window_bounds = array<i64: 128, 128>}, {transform_indices = @transform_6, window_bounds = array<i64: 1024, 128>}]} {
    %get3A = arith.constant 0 : index
    %get3A_0 = arith.constant 0 : index
    %get3A_1 = vector.load %arg1[%get3A, %get3A_0] : memref<1024x128xf32, #tpu.memory_space<vmem>>, vector<1024x128xf32>
    %get3A_2 = arith.constant 0 : index
    %get3A_3 = arith.constant 0 : index
    %get3A_4 = vector.load %arg2[%get3A_2, %get3A_3] : memref<1024x128xf32, #tpu.memory_space<vmem>>, vector<1024x128xf32>
    %add3A = arith.addf %get3A_1, %get3A_4 : vector<1024x128xf32>
    %get3A_5 = arith.constant 0 : index
    %get3A_6 = arith.constant 0 : index
    %get3A_7 = vector.load %arg3[%get3A_5, %get3A_6] : memref<1024x128xf32, #tpu.memory_space<vmem>>, vector<1024x128xf32>
    %add3A_8 = arith.addf %add3A, %get3A_7 : vector<1024x128xf32>
    %get3A_9 = arith.constant 0 : index
    %get3A_10 = arith.constant 0 : index
    %get3A_11 = vector.load %arg4[%get3A_9, %get3A_10] : memref<1024x1xf32, #tpu.memory_space<vmem>>, vector<1024x1xf32>
    %mul3A = vector.broadcast %get3A_11 : vector<1024x1xf32> to vector<1024x128xf32>
    %mul3A_12 = arith.mulf %add3A_8, %mul3A : vector<1024x128xf32>
    %get3A_13 = arith.constant 0 : index
    %get3A_14 = arith.constant 0 : index
    %get3A_15 = vector.load %arg5[%get3A_13, %get3A_14] : memref<1x128xf32, #tpu.memory_space<vmem>>, vector<1x128xf32>
    %add3A_16 = vector.broadcast %get3A_15 : vector<1x128xf32> to vector<1024x128xf32>
    %add3A_17 = arith.addf %mul3A_12, %add3A_16 : vector<1024x128xf32>
    %max3A = arith.constant 0.000000e+00 : f32
    %max3A_18 = vector.broadcast %max3A : f32 to vector<1024x128xf32>
    %max3A_19 = arith.maximumf %add3A_17, %max3A_18 : vector<1024x128xf32>
    %get3A_20 = arith.constant 0 : index
    %get3A_21 = arith.constant 0 : index
    %get3A_22 = vector.load %arg6[%get3A_20, %get3A_21] : memref<128x128xf32, #tpu.memory_space<vmem>>, vector<128x128xf32>
    %dot_general3A = arith.constant dense<0.000000e+00> : vector<1024x128xf32>
    %dot_general3A_23 = tpu.matmul %max3A_19, %get3A_22, %dot_general3A {dimension_numbers = #tpu.dot_dimension_numbers<[1], [0], [0], [1], [0, 0, 1, 1], [], []>, transpose_lhs_hint = false} : vector<1024x128xf32>, vector<128x128xf32>, vector<1024x128xf32> -> vector<1024x128xf32>
    %get3A_24 = arith.constant 0 : index
    %get3A_25 = arith.constant 0 : index
    %get3A_26 = vector.load %arg4[%get3A_24, %get3A_25] : memref<1024x1xf32, #tpu.memory_space<vmem>>, vector<1024x1xf32>
    %mul3A_27 = vector.broadcast %get3A_26 : vector<1024x1xf32> to vector<1024x128xf32>
    %mul3A_28 = arith.mulf %dot_general3A_23, %mul3A_27 : vector<1024x128xf32>
    %swap3A = arith.constant 0 : index
    %swap3A_29 = arith.constant 0 : index
    %swap3A_30 = vector.load %arg7[%swap3A, %swap3A_29] : memref<1024x128xf32, #tpu.memory_space<vmem>>, vector<1024x128xf32>
    tpu.vector_store %arg7[%swap3A, %swap3A_29], %mul3A_28 {strides = array<i32>} : memref<1024x128xf32, #tpu.memory_space<vmem>>, vector<1024x128xf32>,
    return
  }
  func.func @transform_0(%arg0: i32) -> (i32, i32) {
    %c0_i32 = arith.constant 0 : i32
    %c0_i32_0 = arith.constant 0 : i32
    return %arg0, %c0_i32 : i32, i32
  }
  func.func @transform_1(%arg0: i32) -> (i32, i32) {
    %add3A = arith.constant 10 : i32
    %add3A_0 = arith.addi %arg0, %add3A : i32
    %c0_i32 = arith.constant 0 : i32
    %c0_i32_1 = arith.constant 0 : i32
    return %add3A_0, %c0_i32 : i32, i32
  }
  func.func @transform_2(%arg0: i32) -> (i32, i32) {
    %c0_i32 = arith.constant 0 : i32
    %c0_i32_0 = arith.constant 0 : i32
    return %arg0, %c0_i32 : i32, i32
  }
  func.func @transform_3(%arg0: i32) -> (i32, i32) {
    %c0_i32 = arith.constant 0 : i32
    %c0_i32_0 = arith.constant 0 : i32
    return %arg0, %c0_i32 : i32, i32
  }
  func.func @transform_4(%arg0: i32) -> (i32, i32) {
    %c0_i32 = arith.constant 0 : i32
    %c0_i32_0 = arith.constant 0 : i32
    %c0_i32_1 = arith.constant 0 : i32
    return %c0_i32, %c0_i32_0 : i32, i32
  }
  func.func @transform_5(%arg0: i32) -> (i32, i32) {
    %c0_i32 = arith.constant 0 : i32
    %c0_i32_0 = arith.constant 0 : i32
    %c0_i32_1 = arith.constant 0 : i32
    return %c0_i32, %c0_i32_0 : i32, i32
  }
  func.func @transform_6(%arg0: i32) -> (i32, i32) {
    %c0_i32 = arith.constant 0 : i32
    %c0_i32_0 = arith.constant 0 : i32
    return %arg0, %c0_i32 : i32, i32
  }
}

</mosaic_0001>

<sc_bundles>
// kernel: kernel.12.cloned.1.call-start
scs
__scs_entry_jumppad:
0x0: {  	(pc) =	sbr.rel $0x88, $3  }
0x1: {  	(tag) =	ssettag $0x0;
	lr =	simm.s32 $0x1  }
0x2: {  	[smem:$0x3F9B] =	sst lr;
	_ =	strace $0xD0000000  }
0x3: {  	_ = 	snop  }
0x4: {  	_ = 	snop  }
0x5: {  	_ = 	snop  }
0x6: {  	_ = 	snop  }
0x7: {  	_ = 	snop  }
__scs_overlays_trampoline_lowered:
0x8: {  	[smem:$0x3FAA] =	sst s0  }
0x9: {  	[smem:$0x3FAB] =	sst s1  }
0xa: {  	[smem:$0x3FAC] =	sst s2  }
0xb: {  	[smem:$0x3FAD] =	sst s3  }
0xc: {  	[smem:$0x3FAE] =	sst s4  }
0xd: {  	[smem:$0x3FAF] =	sst s5  }
0xe: {  	[smem:$0x3FB0] =	sst s6  }
0xf: {  	[smem:$0x3FB1] =	sst s7  }
0x10: {  	[smem:$0x3FB2] =	sst s8  }
0x11: {  	[smem:$0x3FB3] =	sst s9;
	s0 =	simm.s32 @!p0 $0x0  }
0x12: {  	s1 =	sld [smem:$0x3F99];
	s0 =	simm.s32 @p0 $0x1  }
0x13: {  	[smem:$0x3FB4] =	sst s0;
	s0 =	simm.s32 @!p1 $0x0  }
0x14: {  	s2 =	sld [smem:$0x3F98];
	s0 =	simm.s32 @p1 $0x1  }
0x15: {  	[smem:$0x3FB5] =	sst s0;
	s0 =	simm.s32 @!p2 $0x0  }
0x16: {  	s3 =	sld [smem:$0x3FDB];
	s0 =	simm.s32 @p2 $0x1  }
0x17: {  	s4 =	simm.s32 $0x1BF5;
	[smem:$0x3FB7] =	sst s0  }
0x18: {  	s0 =	sld [smem:$0x3F9A];
	_ =	swait.ge [sflag:s4], $0x0  }
0x19: {  	s7 =	sld [smem:$0x3F9B]  }
0x1a: {  	s8 =	sadd.s32 $0xFFFFE003, lr  }
0x1b: {  	s9 =	sadd.s32 $0xFFFFFEF7, lr;
	s5 =	simm.s32 $0xFFFFFFFF;
	p2 =	slt.u32 s8, $0xFFFFF086  }
0x1c: {  	p1 =	slt.u32 s9, $0xF7A;
	s5 =	simm.s32 @!p2 $0x0  }
0x1d: {  	s5 =	simm.s32 @p1 $0x1;
	p0 =	seq.s32 s7, s2  }
0x1e: {  	s7 =	smul.u32 @!p0 $0xF7A, s2;
	p2 =	seq.s32 @!p0 s5, $0x0  }
0x1f: {  	s9 =	smul.u32 $0xF7A, s1;
	s8 =	simm.s32 @!p0 $0x1BF5;
	p2 =	por !p2, p0  }
0x20: {  	[sflag:s8] =	ssyncset.s32 @!p0 $0xFFFFF086;
	s6 =	sadd.s32 @!p0 s3, s7;
	s7 =	simm.s32 @!p0 $0x108  }
0x21: {  	s3 =	sadd.s32 s3, s9;
	s6 =	sadd.s32 @!p0 $0x88, s6;
	s7 =	simm.s32 @p2 $0x1082  }
0x22: {  	[simem:s7], [sflag:s8] =	dma.local @!p0 [hbm:s6], $0xF7A  }
0x23: {  	s9 =	sor.u32 $0xD0000000, s2;
	s6 =	simm.s32 $0x108;
	_ =	swait.ge @!p0 [sflag:s8], $0x0  }
0x24: {  	s3 =	sadd.s32 $0x88, s3;
	s6 =	simm.s32 @!p1 $0x1082;
	[sflag:s4] =	ssyncset.s32 $0xFFFFF086  }
0x25: {  	[simem:s6], [sflag:s4] =	dma.local [hbm:s3], $0xF7A  }
0x26: {  	[smem:$0x3F9B] =	sst s1;
	(tag) =	ssettag s2;
	_ =	strace s9  }
0x27: {  	s1 =	sld [smem:$0x3FAB]  }
0x28: {  	s2 =	sld [smem:$0x3FAC]  }
0x29: {  	s4 =	sld [smem:$0x3FAE]  }
0x2a: {  	p0 =	seq.s32 s5, $0x0;
	s5 =	sld [smem:$0x3FAF]  }
0x2b: {  	s6 =	sld [smem:$0x3FB0]  }
0x2c: {  	s7 =	sld [smem:$0x3FB1]  }
0x2d: {  	s3 =	simm.s32 $0x108;
	s8 =	sld [smem:$0x3FB2]  }
0x2e: {  	s3 =	simm.s32 @!p0 $0x1082;
	s9 =	sld [smem:$0x3FB3]  }
0x2f: {  	lr =	sadd.s32 s0, s3;
	s0 =	sld [smem:$0x3FAA]  }
0x30: {  	s3 =	sld [smem:$0x3FAD]  }
0x31: {  	[smem:$0x3FB6] =	sst s10  }
0x32: {  	s10 =	sld [smem:$0x3FB4];
	_ =	sdelay $0x3  }
0x33: {  	p0 =	seq.s32 s10, $0x1;
	s10 =	sld [smem:$0x3FB6];
	_ =	sdelay $0x3  }
0x34: {  	[smem:$0x3FB6] =	sst s10  }
0x35: {  	s10 =	sld [smem:$0x3FB5];
	_ =	sdelay $0x3  }
0x36: {  	p1 =	seq.s32 s10, $0x1;
	s10 =	sld [smem:$0x3FB6];
	_ =	sdelay $0x3  }
0x37: {  	[smem:$0x3FB6] =	sst s10  }
0x38: {  	s10 =	sld [smem:$0x3FB7]  }
0x39: {  	_ = 	snop;
	(pc) =	sbr.ind lr, $3  }
0x3a: {  	_ = 	snop  }
0x3b: {  	_ = 	snop  }
0x3c: {  	p2 =	seq.s32 s10, $0x1;
	s10 =	sld [smem:$0x3FB6]  }
0x3d: {  	_ =	shalt  }
0x3e: {  	_ =	shalt  }
0x3f: {  	_ =	shalt  }
0x40: {  	_ =	shalt  }
0x41: {  	_ =	shalt  }
0x42: {  	_ =	shalt  }
0x43: {  	_ =	shalt  }
0x44: {  	_ =	shalt  }
0x45: {  	_ =	shalt  }
0x46: {  	_ =	shalt  }
0x47: {  	_ =	shalt  }
0x48: {  	_ =	shalt  }
0x49: {  	_ =	shalt  }
0x4a: {  	_ =	shalt  }
0x4b: {  	_ =	shalt  }
0x4c: {  	_ =	shalt  }
0x4d: {  	_ =	shalt  }
0x4e: {  	_ =	shalt  }
0x4f: {  	_ =	shalt  }
0x50: {  	_ =	shalt  }
0x51: {  	_ =	shalt  }
0x52: {  	_ =	shalt  }
0x53: {  	_ =	shalt  }
0x54: {  	_ =	shalt  }
0x55: {  	_ =	shalt  }
0x56: {  	_ =	shalt  }
0x57: {  	_ =	shalt  }
0x58: {  	_ =	shalt  }
0x59: {  	_ =	shalt  }
0x5a: {  	_ =	shalt  }
0x5b: {  	_ =	shalt  }
0x5c: {  	_ =	shalt  }
0x5d: {  	_ =	shalt  }
0x5e: {  	_ =	shalt  }
0x5f: {  	_ =	shalt  }
0x60: {  	_ =	shalt  }
0x61: {  	_ =	shalt  }
0x62: {  	_ =	shalt  }
0x63: {  	_ =	shalt  }
0x64: {  	_ =	shalt  }
0x65: {  	_ =	shalt  }
0x66: {  	_ =	shalt  }
0x67: {  	_ =	shalt  }
0x68: {  	_ =	shalt  }
0x69: {  	_ =	shalt  }
0x6a: {  	_ =	shalt  }
0x6b: {  	_ =	shalt  }
0x6c: {  	_ =	shalt  }
0x6d: {  	_ =	shalt  }
0x6e: {  	_ =	shalt  }
0x6f: {  	_ =	shalt  }
0x70: {  	_ =	shalt  }
0x71: {  	_ =	shalt  }
0x72: {  	_ =	shalt  }
0x73: {  	_ =	shalt  }
0x74: {  	_ =	shalt  }
0x75: {  	_ =	shalt  }
0x76: {  	_ =	shalt  }
0x77: {  	_ =	shalt  }
0x78: {  	_ =	shalt  }
0x79: {  	_ =	shalt  }
0x7a: {  	_ =	shalt  }
0x7b: {  	_ =	shalt  }
0x7c: {  	_ =	shalt  }
0x7d: {  	_ =	shalt  }
0x7e: {  	_ =	shalt  }
0x7f: {  	_ =	shalt  }
0x80: {  	_ =	shalt  }
0x81: {  	_ =	shalt  }
0x82: {  	_ =	shalt  }
0x83: {  	_ =	shalt  }
0x84: {  	_ =	shalt  }
0x85: {  	_ =	shalt  }
0x86: {  	_ =	shalt  }
0x87: {  	_ =	shalt  }
.Lfunc_end0:
.L_simem_size_0:
called_computation.1_lowered:
.L_overlay_start_0:
0x88: {  	s2 =	sld [smem:$0x3FD9]  }
0x89: {  	s3 =	sld [smem:$0x3FFE];
	_ =	sdelay $0x1  }
0x8a: {  	s1 =	srdreg.scid  }
0x8b: {  	s0 =	sand.u32 $0x1, s1  }
0x8c: {  	s17 =	sshll.u32 s0, $0xA;
	s2 =	sadd.s32 s3, s2  }
0x8d: {  	s2 =	sadd.s32 s2, s17  }
0x8e: {  	[smem:$0x3FC2] =	sst s2  }
0x8f: {  	_ = 	snop  }
0x90: {  	s2 =	sld [smem:$0x3FD0];
	(tm) =	ssettm $0x1  }
0x91: {  	s18 =	sld [smem:$0x3FFB];
	_ =	sdelay $0x3  }
0x92: {  	_ =	strace s18  }
0x93: {  	s3 =	sld [smem:$0x3FFC];
	_ =	sdelay $0x3  }
0x94: {  	_ =	strace s3  }
0x95: {  	s3 =	sld [smem:$0x3FFD];
	_ =	sdelay $0x3  }
0x96: {  	_ =	strace s3  }
0x97: {  	_ =	strace $0x8FFFFFFF  }
0x98: {  	s19 =	sld [smem:$0x3FDB];
	_ =	sdelay $0x1  }
0x99: {  	s4 =	simm.s32 $_scs_section_size  }
0x9a: {  	s5 =	simm.s32 $_size__tile_overlayer_lowered;
	s6 =	simm.s32 $_tile_overlayer_lowered  }
0x9b: {  	s22 =	simm.s32 $0x1BFF;
	s21 =	sshll.u32 s6, $0x1;
	s3 =	sadd.s32 s4, s19  }
0x9c: {  	s7 =	simm.s32 $0x0;
	s20 =	sshll.u32 s5, $0x1;
	s5 =	sadd.s32 s21, s3  }
0x9d: {  	[timem:s7], [sflag:s22] =	dma.local [hbm:s5], s20  }
0x9e: {  	_ =	swait.ge [sflag:s22], s20  }
0x9f: {  	s4 =	ssub.s32 $0x0, s20;
	[sflag:s22] =	ssyncset.done $0x0  }
0xa0: {  	[sflag:s22] =	ssyncadd.s32 s4;
	_ =	sdelay $0x1  }
0xa1: {  	s23 =	simm.s32 $0x1B8B  }
0xa2: {  	_ =	swait.ge [sflag:s23], $0x1  }
0xa3: {  	[sflag:s23] =	ssyncset.done $0x0  }
0xa4: {  	s25 =	simm.s32 $0x1B8E;
	s24 =	sld [smem:$0x3FFE];
	[sflag:s23] =	ssyncadd.s32 $0xFFFFFFFF  }
0xa5: {  	s26 =	simm.s32 $execute0_lowered;
	[smem:$0x3FD2] =	sst s25  }
0xa6: {  	s5 =	sshll.u32 s26, $0x1;
	_ =	strace $0x80000049;
	[dreg:$0x1] =	wrdreg $0xFFFFFFFF  }
0xa7: {  	s28 =	simm.s32 $_size_execute0_lowered;
	s3 =	sadd.s32 s3, s5;
	[dreg:$0x0] =	wrdreg $0x0  }
0xa8: {  	s5 =	sshll.u32 s28, $0x1;
	[dreg:$0x2] =	wrdreg s3  }
0xa9: {  	[dreg:$0x3] =	wrdreg s5  }
0xaa: {  	[dreg:$0x4] =	wrdreg $0xC0  }
0xab: {  	_ =	task [dreg:s7], $0x5FFFF  }
0xac: {  	[dreg:$0x1] =	wrdreg $0xFFFFFFFF  }
0xad: {  	[dreg:$0x0] =	wrdreg $0x60  }
0xae: {  	[dreg:$0x2] =	wrdreg s24  }
0xaf: {  	[dreg:$0x3] =	wrdreg s2  }
0xb0: {  	[dreg:$0x4] =	wrdreg $0xA0000  }
0xb1: {  	[dreg:$0x5] =	wrdreg $0x9  }
0xb2: {  	_ =	task.clear_ibuf [dreg:s7], $0x6FFFF;
	_ =	strace $0x90000049  }
0xb3: {  	s29 =	simm.s32 $0x9;
	_ =	strace $0x8000004B  }
0xb4: {  	_ =	swait.ge [sflag:s29], $0x1  }
0xb5: {  	[sflag:s29] =	ssyncadd.s32 $0xFFFFFFFF  }
0xb6: {  	_ =	strace $0x9000004B  }
0xb7: {  	_ =	sfence  }
0xb8: {  	s30 =	sld [smem:$0x0];
	_ =	sdelay $0x2  }
0xb9: {  	s31 =	sshll.u32 s1, $0xD;
	s1 =	sshrl.u32 s1, $0x2  }
0xba: {  	s3 =	sand.u32 $0x4000, s31;
	s1 =	sadd.s32 s1, s30  }
0xbb: {  	s0 =	sor.u32 s3, s0;
	s1 =	sshll.u32 s1, $0x11  }
0xbc: {  	s0 =	sor.u32 s1, s0  }
0xbd: {  	s0 =	sadd.s32 $0x8F2B, s0  }
0xbe: {  	[sflag:s0] =	ssyncadd.remote.s32 $0x1  }
0xbf: {  	_ =	sfence.sel $0xFFFF  }
0xc0: {  	[dreg:$0x0] =	wrdreg $0xFFFFFFFF;
	(pc) =	sbr.abs _section_cstart, $3  }
0xc1: {  	[dreg:$0x1] =	wrdreg $0xFFFFFFFF  }
0xc2: {  	_ =	task.clear_ibuf [dreg:s7], $0x2FFFF;
	_ =	strace $0x9FFFFFFF  }
0xc3: {  	(tm) =	ssettm $0x7FFFFFFF  }
tec
execute0_lowered:
.L_overlay_start_1:
0x0: {  	(tag) =	ssettag $0x1  }
0x1: {  	s0 =	rddreg [dreg:$0x0]  }
0x2: {  	s2 =	rddreg [dreg:$0x1]  }
0x3: {  	s3 =	rddreg [dreg:$0x2];
	s1 =	srdreg.scid  }
0x4: {  	s4 =	stileid.u32;
	s5 =	simm.s32 $0x0;
	s15 =	simm.s32 $0x9  }
0x5: {  	s17 =	simm.s32 $0x40;
	s18 =	simm.s32 $0x2000;
	s20 =	simm.s32 $0x4000  }
0x6: {  	s31 =	simm.s32 $0x6000;
	s29 =	simm.s32 $0x0;
	s1 =	sand.u32 $0x1, s1  }
0x7: {  	s7 =	smul.u32 $0x2800, s4;
	[smem:$0x7FF] =	sst s5;
	s5 =	sadd.s32 $0x17400, s0  }
0x8: {  	s6 =	sadd.s32 $0x3400, s0;
	s9 =	sadd.s32 $0x3F400, s0;
	s22 =	smul.u32 $0x50000, s4  }
0x9: {  	s25 =	sshll.u32 s4, $0x6;
	s8 =	smul.u32 $0x28000, s1;
	_ =	strace $0x8000004A  }
0xa: {  	[dreg:$0x5] =	wrdreg s9;
	s21 =	sshll.u32 s1, $0x4;
	s1 =	ssub.s32 $0x2, s1  }
0xb: {  	[dreg:$0x4] =	wrdreg s31;
	s23 =	sshrl.u32 s1, $0x1;
	s24 =	sshrl.u32 s22, $0x2  }
0xc: {  	s22 =	simm.s32 $0x8000;
	s7 =	sadd.s32 s7, s8;
	s8 =	sor.u32 s4, s21  }
0xd: {  	s1 =	ssub.s32 s1, s23;
	s4 =	sor.u32 $0x1C09, s25;
	s0 =	sadd.s32 s7, s0  }
0xe: {  	s8 =	smul.u32 $0x5000, s8;
	s30 =	smax.u32 s1, $0x1;
	[dreg:$0x6] =	wrdreg s4  }
0xf: {  	s7 =	sadd.s32 s24, s3;
	s0 =	sadd.s32 $0x41C00, s0;
	[dreg:$0xa] =	wrdreg s30  }
0x10: {  	s1 =	sshrl.u32 s7, $0x3;
	s10 =	sshrl.u32 s8, $0x3;
	[dreg:$0x9] =	wrdreg s0  }
0x11: {  	s21 =	simm.s32 $0x1;
	[dreg:$0xb] =	wrdreg s1;
	s26 =	sadd.s32 s6, s10  }
0x12: {  	s23 =	simm.s32 $0x2;
	s28 =	sadd.s32 s2, s10;
	[dreg:$0x7] =	wrdreg s26  }
0x13: {  	s25 =	simm.s32 $0x4;
	s24 =	simm.s32 $0x5;
	[dreg:$0x8] =	wrdreg s28  }
.LBB2_1:
0x14: {  	s0 =	rddreg [dreg:$0x5]  }
0x15: {  	[spmem:s1], [sflag:s4] =	dma.local [hbm:s0], $0x2800  }
0x16: {  	_ =	swait.ge [sflag:s15], $0x2800  }
0x17: {  	[sflag:s15] =	ssyncset.done $0x0  }
0x18: {  	s4 =	simm.s32 $0x0;
	s10 =	rddreg [dreg:$0x7];
	[sflag:s15] =	ssyncadd.s32 $0xFFFFD800  }
0x19: {  	[tilespmem:s4], [sflag:$0x9] =	stream.linear.gather [hbm4b:s10+s4], $0x800, $0x38;
	[tilespmem:$0x1E000] =	vst v63  }
0x1a: {  	_ =	swait.ge [sflag:s15], $0x800  }
0x1b: {  	[sflag:s15] =	ssyncset.done $0x0  }
0x1c: {  	s12 =	simm.s32 $0x1000;
	s11 =	rddreg [dreg:$0x8];
	[sflag:s15] =	ssyncadd.s32 $0xFFFFF800  }
0x1d: {  	[tilespmem:s12], [sflag:$0x9] =	stream.linear.gather [hbm4b:s11+s4], $0x800, $0x38;
	[tilespmem:$0x1E000] =	vst v63  }
0x1e: {  	_ =	swait.ge [sflag:s15], $0x800  }
0x1f: {  	[sflag:s15] =	ssyncset.done $0x0  }
0x20: {  	s13 =	simm.s32 $0x80;
	p0 =	por $0x1, $0x1;
	[sflag:s15] =	ssyncadd.s32 $0xFFFFF800  }
0x21: {  	s7 =	simm.s32 $0x400;
	p0 =	por p0, p0;
	[bflag:$0x0] =	sbarrier.arrive $0xFFFF  }
0x22: {  	[tilespmem:s18], [sflag:$0x1] =	stream.indirect.gather [hbm4b:s5+s17], $0x80, s4, s17, $0xb8;
	[tilespmem:$0x1E000] =	vst v63  }
0x23: {  	s14 =	simm.s32 $0x0;
	s7 =	sand.u32 $0x1C00, s7;
	s0 =	simm.s32 @!p0 $0x7  }
0x24: {  	[tilespmem:s20], [sflag:$0x2] =	stream.indirect.gather [hbm4b:s5+s17], $0x80, s13, s17, $0xb8;
	[tilespmem:$0x1E000] =	vst v63  }
0x25: {  	s1 =	sand.u32 $0x1800, s14;
	s10 =	sand.u32 $0x2000, s14;
	_ =	swait.ge @!p0 [sflag:s0], $0x2000  }
0x26: {  	s7 =	sshrl.u32 s7, $0x2;
	s10 =	sshrl.u32 s10, $0x2;
	[sflag:s0] =	ssyncset.done @!p0 $0x0  }
0x27: {  	s16 =	sor.u32 s7, s10;
	s11 =	rddreg [dreg:$0x4];
	[sflag:s0] =	ssyncadd.s32 @!p0 $0xFFFFE000  }
0x28: {  	[tilespmem:s11], [sflag:$0x3] =	stream.indirect.gather [hbm4b:s5+s17], $0x80, s16, s17, $0xb8;
	[tilespmem:$0x1E000] =	vst v63  }
0x29: {  	s19 =	sor.u32 $0x600, s1;
	_ =	swait.ge [sflag:s21], $0x2000  }
0x2a: {  	s1 =	sshrl.u32 s1, $0x2;
	s0 =	sor.u32 $0x1000, s10;
	[sflag:s21] =	ssyncset.done $0x0  }
0x2b: {  	s12 =	simm.s32 @!p0 $0x8;
	s26 =	sor.u32 s1, s0;
	[sflag:s21] =	ssyncadd.s32 $0xFFFFE000  }
0x2c: {  	[spmem:s3] =	stream.indirect.scatter.add.f32 [tilespmem:s18], [sflag:$0x5], $0x80, s26, s17, $0xb8;
	[tilespmem:$0x1E000] =	vst v63  }
0x2d: {  	p1 =	por $0x0, $0x0;
	s16 =	sand.u32 $0xE, s23;
	_ =	swait.ge @!p0 [sflag:s12], $0x2000  }
0x2e: {  	s28 =	sshrl.u32 s19, $0x2;
	p2 =	sne.s32 @!p1 s16, $0x2;
	[sflag:s12] =	ssyncset.done @!p0 $0x0  }
0x2f: {  	s7 =	sadd.s32 s28, s10;
	[sflag:s12] =	ssyncadd.s32 @!p0 $0xFFFFE000;
	p0 =	por p2, p1  }
0x30: {  	[tilespmem:s22], [sflag:$0x4] =	stream.indirect.gather [hbm4b:s5+s17], $0x80, s7, s17, $0xb8;
	[tilespmem:$0x1E000] =	vst v63  }
0x31: {  	s7 =	sand.u32 @!p0 $0x7800, s4;
	_ =	swait.ge [sflag:s23], $0x2000  }
0x32: {  	s7 =	sadd.s32 @!p0 $0x800, s7;
	[sflag:s23] =	ssyncset.done $0x0  }
0x33: {  	s11 =	sadd.s32 $0x80, s26;
	s12 =	sadd.s32 @!p0 s8, s7;
	[sflag:s23] =	ssyncadd.s32 $0xFFFFE000  }
0x34: {  	[spmem:s3] =	stream.indirect.scatter.add.f32 [tilespmem:s20], [sflag:$0x6], $0x80, s11, s17, $0xb8;
	[tilespmem:$0x1E000] =	vst v63  }
0x35: {  	s11 =	sshrl.u32 @!p0 s12, $0x3  }
0x36: {  	s7 =	sand.u32 @!p0 $0x800, s7;
	s12 =	simm.s32 @!p0 $0x0;
	s19 =	sadd.s32 @!p0 s6, s11  }
0x37: {  	[tilespmem:s7], [sflag:$0x9] =	stream.linear.gather @!p0 [hbm4b:s19+s12], $0x800, $0x38;
	[tilespmem:$0x1E000] =	vst v63  }
0x38: {  	s19 =	simm.s32 @!p0 $0x9  }
0x39: {  	_ =	swait.ge @!p0 [sflag:s19], $0x800  }
0x3a: {  	[sflag:s19] =	ssyncset.done @!p0 $0x0  }
0x3b: {  	s11 =	sadd.s32 @!p0 s2, s11;
	s7 =	sor.u32 @!p0 $0x1000, s7;
	[sflag:s19] =	ssyncadd.s32 @!p0 $0xFFFFF800  }
0x3c: {  	[tilespmem:s7], [sflag:$0x9] =	stream.linear.gather @!p0 [hbm4b:s11+s12], $0x800, $0x38;
	[tilespmem:$0x1E000] =	vst v63  }
0x3d: {  	_ =	swait.ge @!p0 [sflag:s19], $0x800  }
0x3e: {  	[sflag:s19] =	ssyncset.done @!p0 $0x0  }
0x3f: {  	[sflag:s19] =	ssyncadd.s32 @!p0 $0xFFFFF800  }
0x40: {  	_ =	swait.ge [sflag:s24], $0x2000  }
0x41: {  	p0 =	por $0x0, $0x0;
	[sflag:s24] =	ssyncset.done $0x0  }
0x42: {  	s7 =	simm.s32 @p0 $0x3;
	[sflag:s24] =	ssyncadd.s32 $0xFFFFE000  }
0x43: {  	_ =	swait.ge @p0 [sflag:s7], $0x2000  }
0x44: {  	s10 =	sadd.s32 @p0 $0x1700, s10;
	[sflag:s7] =	ssyncset.done @p0 $0x0  }
0x45: {  	s11 =	simm.s32 @p0 $0x40;
	s12 =	simm.s32 @p0 $0x6000;
	[sflag:s7] =	ssyncadd.s32 @p0 $0xFFFFE000  }
0x46: {  	[spmem:s3] =	stream.indirect.scatter.add.f32 @p0 [tilespmem:s12], [sflag:$0x7], $0x80, s10, s11, $0xb8;
	[tilespmem:$0x1E000] =	vst v63  }
0x47: {  	s7 =	simm.s32 @!p0 $0x800;
	s10 =	simm.s32 @p0 $0x6  }
0x48: {  	s7 =	sand.u32 @!p0 $0x3800, s7;
	_ =	swait.ge @p0 [sflag:s10], $0x2000  }
0x49: {  	s11 =	simm.s32 @!p0 $0x40;
	s12 =	simm.s32 @!p0 $0x2000;
	[sflag:s10] =	ssyncset.done @p0 $0x0  }
0x4a: {  	s7 =	sshrl.u32 @!p0 s7, $0x2;
	[sflag:s10] =	ssyncadd.s32 @p0 $0xFFFFE000;
	s10 =	simm.s32 @!p0 $0x3  }
0x4b: {  	[tilespmem:s12], [sflag:$0x1] =	stream.indirect.gather @!p0 [hbm4b:s5+s11], $0x80, s7, s11, $0xb8;
	[tilespmem:$0x1E000] =	vst v63  }
0x4c: {  	s30 =	simm.s32 $0x1200;
	p6 =	por $0x0, $0x0;
	_ =	swait.ge @!p0 [sflag:s10], $0x2000  }
0x4d: {  	s7 =	sshll.u32 @!p0 s16, $0x7;
	s12 =	simm.s32 @!p0 $0x6000;
	[sflag:s10] =	ssyncset.done @!p0 $0x0  }
0x4e: {  	s7 =	sadd.s32 @!p0 s7, s0;
	[sflag:s10] =	ssyncadd.s32 @!p0 $0xFFFFE000;
	s10 =	simm.s32 @!p0 $0x6  }
0x4f: {  	[spmem:s3] =	stream.indirect.scatter.add.f32 @!p0 [tilespmem:s12], [sflag:$0x7], $0x80, s7, s11, $0xb8;
	[tilespmem:$0x1E000] =	vst v63  }
0x50: {  	s31 =	simm.s32 $0x200;
	s7 =	simm.s32 $0xA00;
	_ =	swait.ge @!p0 [sflag:s10], $0x2000  }
0x51: {  	s19 =	sadd.s32 s28, s0;
	s0 =	sand.u32 @!p0 $0x3A00, s7;
	[sflag:s10] =	ssyncset.done @!p0 $0x0  }
0x52: {  	s1 =	simm.s32 @!p0 $0x4000;
	s0 =	sshrl.u32 @!p0 s0, $0x2;
	[sflag:s10] =	ssyncadd.s32 @!p0 $0xFFFFE000  }
0x53: {  	[tilespmem:s1], [sflag:$0x2] =	stream.indirect.gather @!p0 [hbm4b:s5+s11], $0x80, s0, s11, $0xb8;
	[tilespmem:$0x1E000] =	vst v63  }
0x54: {  	s16 =	simm.s32 $0x1A00;
	p0 =	por p6, p6;
	s0 =	simm.s32 $0x6  }
0x55: {  	s1 =	simm.s32 $0x1;
	s12 =	simm.s32 @!p0 $0x7;
	_ =	swait.ge [sflag:s25], $0x2000  }
.LBB2_2:
0x56: {  	[sflag:s25] =	ssyncset.done $0x0;
	s10 =	sadd.s32 $0xFFFFF600, s30  }
0x57: {  	s13 =	sadd.s32 $0xFFFFFA00, s30;
	[sflag:s25] =	ssyncadd.s32 $0xFFFFE000;
	s11 =	sand.u32 $0x2000, s10  }
0x58: {  	[spmem:s3] =	stream.indirect.scatter.add.f32 [tilespmem:s22], [sflag:$0x8], $0x80, s19, s17, $0xb8;
	[tilespmem:$0x1E000] =	vst v63  }
0x59: {  	s9 =	sand.u32 $0x1800, s10;
	s13 =	sand.u32 $0x1C00, s13;
	_ =	swait.ge @!p0 [sflag:s12], $0x2000  }
0x5a: {  	s11 =	sshrl.u32 s11, $0x2;
	s26 =	sshrl.u32 s13, $0x2;
	[sflag:s12] =	ssyncset.done @!p0 $0x0  }
0x5b: {  	s26 =	sor.u32 s26, s11;
	s14 =	rddreg [dreg:$0x4];
	[sflag:s12] =	ssyncadd.s32 @!p0 $0xFFFFE000  }
0x5c: {  	[tilespmem:s14], [sflag:$0x3] =	stream.indirect.gather [hbm4b:s5+s17], $0x80, s26, s17, $0xb8;
	[tilespmem:$0x1E000] =	vst v63  }
0x5d: {  	p3 =	sgt.u32 s1, $0x23;
	s4 =	sshrl.u32 s9, $0x2;
	_ =	swait.ge [sflag:s21], $0x2000  }
0x5e: {  	s10 =	sor.u32 $0x1000, s11;
	s12 =	sand.u32 $0xE, s0;
	[sflag:s21] =	ssyncset.done $0x0  }
0x5f: {  	s14 =	sor.u32 s4, s10;
	s4 =	simm.s32 @!p0 $0x8;
	[sflag:s21] =	ssyncadd.s32 $0xFFFFE000  }
0x60: {  	[spmem:s3] =	stream.indirect.scatter.add.f32 [tilespmem:s18], [sflag:$0x5], $0x80, s14, s17, $0xb8;
	[tilespmem:$0x1E000] =	vst v63  }
0x61: {  	s28 =	sor.u32 $0x600, s9;
	p4 =	sne.s32 @!p3 s12, $0x2;
	_ =	swait.ge @!p0 [sflag:s4], $0x2000  }
0x62: {  	s9 =	sshrl.u32 s28, $0x2;
	p3 =	por p4, p3;
	[sflag:s4] =	ssyncset.done @!p0 $0x0  }
0x63: {  	s28 =	sadd.s32 s9, s11;
	[sflag:s4] =	ssyncadd.s32 @!p0 $0xFFFFE000;
	s4 =	sand.u32 @!p3 $0x7800, s31  }
0x64: {  	[tilespmem:s22], [sflag:$0x4] =	stream.indirect.gather [hbm4b:s5+s17], $0x80, s28, s17, $0xb8;
	[tilespmem:$0x1E000] =	vst v63  }
0x65: {  	s19 =	sadd.s32 s9, s10;
	s4 =	sadd.s32 @!p3 $0x800, s4;
	_ =	swait.ge [sflag:s23], $0x2000  }
0x66: {  	s28 =	sadd.s32 $0x80, s14;
	s26 =	sadd.s32 @!p3 s8, s4;
	[sflag:s23] =	ssyncset.done $0x0  }
0x67: {  	s14 =	simm.s32 @!p3 $0x9;
	s13 =	sshrl.u32 @!p3 s26, $0x3;
	[sflag:s23] =	ssyncadd.s32 $0xFFFFE000  }
0x68: {  	[spmem:s3] =	stream.indirect.scatter.add.f32 [tilespmem:s20], [sflag:$0x6], $0x80, s28, s17, $0xb8;
	[tilespmem:$0x1E000] =	vst v63  }
0x69: {  	s4 =	sand.u32 @!p3 $0x800, s4;
	s26 =	simm.s32 @!p3 $0x0;
	s9 =	sadd.s32 @!p3 s6, s13  }
0x6a: {  	[tilespmem:s4], [sflag:$0x9] =	stream.linear.gather @!p3 [hbm4b:s9+s26], $0x800, $0x38;
	[tilespmem:$0x1E000] =	vst v63  }
0x6b: {  	_ =	swait.ge @!p3 [sflag:s14], $0x800  }
0x6c: {  	[sflag:s14] =	ssyncset.done @!p3 $0x0  }
0x6d: {  	s13 =	sadd.s32 @!p3 s2, s13;
	s28 =	sor.u32 @!p3 $0x1000, s4;
	[sflag:s14] =	ssyncadd.s32 @!p3 $0xFFFFF800  }
0x6e: {  	[tilespmem:s28], [sflag:$0x9] =	stream.linear.gather @!p3 [hbm4b:s13+s26], $0x800, $0x38;
	[tilespmem:$0x1E000] =	vst v63  }
0x6f: {  	_ =	swait.ge @!p3 [sflag:s14], $0x800  }
0x70: {  	[sflag:s14] =	ssyncset.done @!p3 $0x0  }
0x71: {  	[sflag:s14] =	ssyncadd.s32 @!p3 $0xFFFFF800  }
0x72: {  	p2 =	seq.s32 s16, $0xA00;
	_ =	swait.ge [sflag:s24], $0x2000  }
0x73: {  	p0 =	por p2, p2;
	p2 =	seq.s32 s30, $0x14200;
	[sflag:s24] =	ssyncset.done $0x0  }
0x74: {  	s7 =	smov.u32 s16;
	s4 =	simm.s32 @p2 $0x3;
	[sflag:s24] =	ssyncadd.s32 $0xFFFFE000  }
0x75: {  	s11 =	sadd.s32 @p2 $0x1700, s11;
	s9 =	sadd.s32 @!p2 $0xFFFFFE00, s30;
	_ =	swait.ge @p2 [sflag:s4], $0x2000  }
0x76: {  	s9 =	sand.u32 @!p2 $0x3800, s9;
	s26 =	simm.s32 @p2 $0x6000;
	[sflag:s4] =	ssyncset.done @p2 $0x0  }
0x77: {  	s14 =	simm.s32 @p2 $0x40;
	[sflag:s4] =	ssyncadd.s32 @p2 $0xFFFFE000;
	s4 =	simm.s32 @p2 $0x6  }
0x78: {  	[spmem:s3] =	stream.indirect.scatter.add.f32 @p2 [tilespmem:s26], [sflag:$0x7], $0x80, s11, s14, $0xb8;
	[tilespmem:$0x1E000] =	vst v63  }
0x79: {  	s9 =	sshrl.u32 @!p2 s9, $0x2;
	s13 =	sand.u32 @!p2 $0x3A00, s30;
	_ =	swait.ge @p2 [sflag:s4], $0x2000  }
0x7a: {  	s30 =	smov.u32 s7;
	s7 =	simm.s32 @!p2 $0x40;
	[sflag:s4] =	ssyncset.done @p2 $0x0  }
0x7b: {  	s11 =	simm.s32 @!p2 $0x2000;
	[sflag:s4] =	ssyncadd.s32 @p2 $0xFFFFE000;
	s4 =	simm.s32 @!p2 $0x3  }
0x7c: {  	[tilespmem:s11], [sflag:$0x1] =	stream.indirect.gather @!p2 [hbm4b:s5+s7], $0x80, s9, s7, $0xb8;
	[tilespmem:$0x1E000] =	vst v63  }
0x7d: {  	s16 =	sadd.s32 $0x800, s16;
	s12 =	sshll.u32 @!p2 s12, $0x7;
	_ =	swait.ge @!p2 [sflag:s4], $0x2000  }
0x7e: {  	p1 =	sne.s32 s16, $0x14A00;
	s9 =	sadd.s32 @!p2 s12, s10;
	[sflag:s4] =	ssyncset.done @!p2 $0x0  }
0x7f: {  	s10 =	simm.s32 @!p2 $0x6000;
	[sflag:s4] =	ssyncadd.s32 @!p2 $0xFFFFE000;
	s4 =	simm.s32 @!p2 $0x6  }
0x80: {  	[spmem:s3] =	stream.indirect.scatter.add.f32 @!p2 [tilespmem:s10], [sflag:$0x7], $0x80, s9, s7, $0xb8;
	[tilespmem:$0x1E000] =	vst v63  }
.Ltmp0:
0x81: {  	_ =	swait.ge @!p2 [sflag:s4], $0x2000;
	(pc) =	sbr.rel @p1 .LBB2_2-.Ltmp0, $4  }
0x82: {  	s1 =	sadd.s32 $0x1, s1;
	s0 =	sadd.s32 $0x4, s0;
	[sflag:s4] =	ssyncset.done @!p2 $0x0  }
0x83: {  	s13 =	sshrl.u32 @!p2 s13, $0x2;
	s9 =	simm.s32 @!p2 $0x4000;
	[sflag:s4] =	ssyncadd.s32 @!p2 $0xFFFFE000  }
0x84: {  	[tilespmem:s9], [sflag:$0x2] =	stream.indirect.gather @!p2 [hbm4b:s5+s7], $0x80, s13, s7, $0xb8;
	[tilespmem:$0x1E000] =	vst v63  }
0x85: {  	s31 =	sadd.s32 $0x200, s31;
	s12 =	simm.s32 @!p0 $0x7;
	_ =	swait.ge [sflag:s25], $0x2000  }
0x86: {  	[sflag:s25] =	ssyncset.done $0x0;
	s4 =	sadd.s32 $0xFFFFF600, s30  }
0x87: {  	s7 =	sadd.s32 $0xFFFFFA00, s30;
	[sflag:s25] =	ssyncadd.s32 $0xFFFFE000;
	s9 =	sand.u32 $0x2000, s4  }
0x88: {  	[spmem:s3] =	stream.indirect.scatter.add.f32 [tilespmem:s22], [sflag:$0x8], $0x80, s19, s17, $0xb8;
	[tilespmem:$0x1E000] =	vst v63  }
0x89: {  	s7 =	sand.u32 $0x1C00, s7;
	s4 =	sand.u32 $0x1800, s4;
	_ =	swait.ge @!p0 [sflag:s12], $0x2000  }
0x8a: {  	s9 =	sshrl.u32 s9, $0x2;
	s7 =	sshrl.u32 s7, $0x2;
	[sflag:s12] =	ssyncset.done @!p0 $0x0  }
0x8b: {  	s7 =	sor.u32 s7, s9;
	s10 =	rddreg [dreg:$0x4];
	[sflag:s12] =	ssyncadd.s32 @!p0 $0xFFFFE000  }
0x8c: {  	[tilespmem:s10], [sflag:$0x3] =	stream.indirect.gather [hbm4b:s5+s17], $0x80, s7, s17, $0xb8;
	[tilespmem:$0x1E000] =	vst v63  }
0x8d: {  	s14 =	sor.u32 $0x600, s4;
	_ =	swait.ge [sflag:s21], $0x2000  }
0x8e: {  	s4 =	sshrl.u32 s4, $0x2;
	s7 =	sor.u32 $0x1000, s9;
	[sflag:s21] =	ssyncset.done $0x0  }
0x8f: {  	s11 =	simm.s32 @!p0 $0x8;
	s4 =	sor.u32 s4, s7;
	[sflag:s21] =	ssyncadd.s32 $0xFFFFE000  }
0x90: {  	[spmem:s3] =	stream.indirect.scatter.add.f32 [tilespmem:s18], [sflag:$0x5], $0x80, s4, s17, $0xb8;
	[tilespmem:$0x1E000] =	vst v63  }
0x91: {  	p1 =	sgt.u32 s1, $0x23;
	s12 =	sand.u32 $0xE, s0;
	_ =	swait.ge @!p0 [sflag:s11], $0x2000  }
0x92: {  	s16 =	sshrl.u32 s14, $0x2;
	p2 =	sne.s32 @!p1 s12, $0x2;
	[sflag:s11] =	ssyncset.done @!p0 $0x0  }
0x93: {  	s19 =	sadd.s32 s16, s9;
	[sflag:s11] =	ssyncadd.s32 @!p0 $0xFFFFE000;
	p0 =	por p2, p1  }
0x94: {  	[tilespmem:s22], [sflag:$0x4] =	stream.indirect.gather [hbm4b:s5+s17], $0x80, s19, s17, $0xb8;
	[tilespmem:$0x1E000] =	vst v63  }
0x95: {  	s1 =	sand.u32 @!p0 $0x7800, s31;
	_ =	swait.ge [sflag:s23], $0x2000  }
0x96: {  	s1 =	sadd.s32 @!p0 $0x800, s1;
	[sflag:s23] =	ssyncset.done $0x0  }
0x97: {  	s4 =	sadd.s32 $0x80, s4;
	s10 =	sadd.s32 @!p0 s8, s1;
	[sflag:s23] =	ssyncadd.s32 $0xFFFFE000  }
0x98: {  	[spmem:s3] =	stream.indirect.scatter.add.f32 [tilespmem:s20], [sflag:$0x6], $0x80, s4, s17, $0xb8;
	[tilespmem:$0x1E000] =	vst v63  }
0x99: {  	s4 =	sshrl.u32 @!p0 s10, $0x3  }
0x9a: {  	s1 =	sand.u32 @!p0 $0x800, s1;
	s10 =	simm.s32 @!p0 $0x0;
	s11 =	sadd.s32 @!p0 s6, s4  }
0x9b: {  	[tilespmem:s1], [sflag:$0x9] =	stream.linear.gather @!p0 [hbm4b:s11+s10], $0x800, $0x38;
	[tilespmem:$0x1E000] =	vst v63  }
0x9c: {  	s11 =	simm.s32 @!p0 $0x9  }
0x9d: {  	_ =	swait.ge @!p0 [sflag:s11], $0x800  }
0x9e: {  	[sflag:s11] =	ssyncset.done @!p0 $0x0  }
0x9f: {  	s4 =	sadd.s32 @!p0 s2, s4;
	s1 =	sor.u32 @!p0 $0x1000, s1;
	[sflag:s11] =	ssyncadd.s32 @!p0 $0xFFFFF800  }
0xa0: {  	[tilespmem:s1], [sflag:$0x9] =	stream.linear.gather @!p0 [hbm4b:s4+s10], $0x800, $0x38;
	[tilespmem:$0x1E000] =	vst v63  }
0xa1: {  	_ =	swait.ge @!p0 [sflag:s11], $0x800  }
0xa2: {  	[sflag:s11] =	ssyncset.done @!p0 $0x0  }
0xa3: {  	[sflag:s11] =	ssyncadd.s32 @!p0 $0xFFFFF800  }
0xa4: {  	_ =	swait.ge [sflag:s24], $0x2000  }
0xa5: {  	p0 =	seq.s32 s30, $0x14200;
	[sflag:s24] =	ssyncset.done $0x0  }
0xa6: {  	s1 =	simm.s32 @p0 $0x3;
	[sflag:s24] =	ssyncadd.s32 $0xFFFFE000  }
0xa7: {  	_ =	swait.ge @p0 [sflag:s1], $0x2000  }
0xa8: {  	s4 =	sadd.s32 @p0 $0x1700, s9;
	[sflag:s1] =	ssyncset.done @p0 $0x0  }
0xa9: {  	s9 =	simm.s32 @p0 $0x40;
	[sflag:s1] =	ssyncadd.s32 @p0 $0xFFFFE000;
	s1 =	simm.s32 @p0 $0x6000  }
0xaa: {  	[spmem:s3] =	stream.indirect.scatter.add.f32 @p0 [tilespmem:s1], [sflag:$0x7], $0x80, s4, s9, $0xb8;
	[tilespmem:$0x1E000] =	vst v63  }
0xab: {  	s4 =	simm.s32 @p0 $0x6  }
0xac: {  	s1 =	sadd.s32 @!p0 $0xFFFFFE00, s30;
	_ =	swait.ge @p0 [sflag:s4], $0x2000  }
0xad: {  	s9 =	simm.s32 @!p0 $0x40;
	s1 =	sand.u32 @!p0 $0x3800, s1;
	[sflag:s4] =	ssyncset.done @p0 $0x0  }
0xae: {  	s1 =	sshrl.u32 @!p0 s1, $0x2;
	[sflag:s4] =	ssyncadd.s32 @p0 $0xFFFFE000;
	s4 =	simm.s32 @!p0 $0x2000  }
0xaf: {  	[tilespmem:s4], [sflag:$0x1] =	stream.indirect.gather @!p0 [hbm4b:s5+s9], $0x80, s1, s9, $0xb8;
	[tilespmem:$0x1E000] =	vst v63  }
0xb0: {  	s1 =	simm.s32 @!p0 $0x3  }
0xb1: {  	_ =	swait.ge @!p0 [sflag:s1], $0x2000  }
0xb2: {  	s4 =	sshll.u32 @!p0 s12, $0x7;
	[sflag:s1] =	ssyncset.done @!p0 $0x0  }
0xb3: {  	s4 =	sadd.s32 @!p0 s4, s7;
	[sflag:s1] =	ssyncadd.s32 @!p0 $0xFFFFE000;
	s1 =	simm.s32 @!p0 $0x6000  }
0xb4: {  	[spmem:s3] =	stream.indirect.scatter.add.f32 @!p0 [tilespmem:s1], [sflag:$0x7], $0x80, s4, s9, $0xb8;
	[tilespmem:$0x1E000] =	vst v63  }
0xb5: {  	s1 =	simm.s32 @!p0 $0x6  }
0xb6: {  	_ =	swait.ge @!p0 [sflag:s1], $0x2000  }
0xb7: {  	s4 =	sand.u32 @!p0 $0x3A00, s30;
	[sflag:s1] =	ssyncset.done @!p0 $0x0  }
0xb8: {  	s4 =	sshrl.u32 @!p0 s4, $0x2;
	[sflag:s1] =	ssyncadd.s32 @!p0 $0xFFFFE000;
	s1 =	simm.s32 @!p0 $0x4000  }
0xb9: {  	[tilespmem:s1], [sflag:$0x2] =	stream.indirect.gather @!p0 [hbm4b:s5+s9], $0x80, s4, s9, $0xb8;
	[tilespmem:$0x1E000] =	vst v63  }
0xba: {  	_ =	swait.ge [sflag:s25], $0x2000  }
0xbb: {  	[sflag:s25] =	ssyncset.done $0x0  }
0xbc: {  	s26 =	simm.s32 $0x7;
	s0 =	sadd.s32 s16, s7;
	[sflag:s25] =	ssyncadd.s32 $0xFFFFE000  }
0xbd: {  	[spmem:s3] =	stream.indirect.scatter.add.f32 [tilespmem:s22], [sflag:$0x8], $0x80, s0, s17, $0xb8;
	[tilespmem:$0x1E000] =	vst v63  }
0xbe: {  	_ =	swait.ge [sflag:s26], $0x2000  }
0xbf: {  	[sflag:s26] =	ssyncset.done $0x0  }
0xc0: {  	s28 =	simm.s32 $0x8;
	[sflag:s26] =	ssyncadd.s32 $0xFFFFE000  }
0xc1: {  	_ =	swait.ge [sflag:s28], $0x2000  }
0xc2: {  	[sflag:s28] =	ssyncset.done $0x0  }
0xc3: {  	[sflag:s28] =	ssyncadd.s32 $0xFFFFE000  }
0xc4: {  	[bflag:$0x0] =	sbarrier.arrive $0xFFFF  }
0xc5: {  	s4 =	rddreg [dreg:$0x6]  }
0xc6: {  	s30 =	rddreg [dreg:$0x9]  }
0xc7: {  	s1 =	rddreg [dreg:$0xb]  }
0xc8: {  	[hbm:s30], [sflag:s4] =	dma.local [spmem:s1], $0x2800  }
0xc9: {  	_ =	swait.ge [sflag:s15], $0x2800  }
0xca: {  	s29 =	sadd.s32 $0x1, s29;
	s31 =	rddreg [dreg:$0xa]  }
0xcb: {  	p0 =	sne.s32 s29, s31  }
.Ltmp1:
0xcc: {  	_ = 	snop;
	(pc) =	sbr.rel @p0 .LBB2_1-.Ltmp1, $3  }
0xcd: {  	_ =	sdelay $0x1  }
0xce: {  	[sflag:s15] =	ssyncset.done $0x0  }
0xcf: {  	[sflag:s15] =	ssyncadd.s32 $0xFFFFD800  }
0xd0: {  	_ =	sfence.sel $0x180000  }
0xd1: {  	[bflag:$0x0] =	sbarrier.arrive $0xFFFF  }
0xd2: {  	_ =	strace $0x9000004A  }
0xd3: {  	s0 =	stileid.u32;
	[bflag:$0x2] =	sbarrier.arrive $0xFFFF  }
0xd4: {  	p0 =	sne.s32 s0, $0x0;
	s0 =	rddreg [dreg:$0x3]  }
0xd5: {  	s0 =	sadd.s32 @!p0 $0x100000, s0  }
0xd6: {  	[sflag:s0] =	ssyncadd.tile.s32 @!p0 $0x1;
	_ =	shalt  }
.Lfunc_end2:
_tile_overlayer_lowered:
.L_overlay_start_2:
0xd7: {  	(tag) =	ssettag $0x2  }
0xd8: {  	s0 =	rddreg [dreg:$0x0];
	s2 =	stileid.u32  }
0xd9: {  	s1 =	rddreg [dreg:$0x1];
	p0 =	sne.s32 s2, $0x0  }
0xda: {  	s3 =	rddreg [dreg:$0x2];
	[bflag:$0x3] =	sbarrier.arrive $0xFFFF;
	s2 =	simm.s32 @!p0 $0x1C09  }
0xdb: {  	[timem:s3], [sflag:s2] =	dma.local @!p0 [hbm:s0], s1  }
0xdc: {  	s0 =	simm.s32 @!p0 $0x9  }
0xdd: {  	_ =	swait.ge @!p0 [sflag:s0], s1  }
0xde: {  	s1 =	ssub.s32 @!p0 $0x0, s1;
	[sflag:s0] =	ssyncset.done @!p0 $0x0  }
0xdf: {  	[sflag:s0] =	ssyncadd.s32 @!p0 s1  }
0xe0: {  	[bflag:$0x3] =	sbarrier.arrive $0xFFFF  }
0xe1: {  	_ =	shalt  }

// kernel: kernel.15.cloned.1.call-start
scs
__scs_entry_jumppad:
0x0: {  	(pc) =	sbr.rel $0x88, $3  }
0x1: {  	(tag) =	ssettag $0x0;
	lr =	simm.s32 $0x1  }
0x2: {  	[smem:$0x3F9B] =	sst lr;
	_ =	strace $0xD0000000  }
0x3: {  	_ = 	snop  }
0x4: {  	_ = 	snop  }
0x5: {  	_ = 	snop  }
0x6: {  	_ = 	snop  }
0x7: {  	_ = 	snop  }
__scs_overlays_trampoline_lowered:
0x8: {  	[smem:$0x3FAA] =	sst s0  }
0x9: {  	[smem:$0x3FAB] =	sst s1  }
0xa: {  	[smem:$0x3FAC] =	sst s2  }
0xb: {  	[smem:$0x3FAD] =	sst s3  }
0xc: {  	[smem:$0x3FAE] =	sst s4  }
0xd: {  	[smem:$0x3FAF] =	sst s5  }
0xe: {  	[smem:$0x3FB0] =	sst s6  }
0xf: {  	[smem:$0x3FB1] =	sst s7  }
0x10: {  	[smem:$0x3FB2] =	sst s8  }
0x11: {  	[smem:$0x3FB3] =	sst s9;
	s0 =	simm.s32 @!p0 $0x0  }
0x12: {  	s1 =	sld [smem:$0x3F99];
	s0 =	simm.s32 @p0 $0x1  }
0x13: {  	[smem:$0x3FB4] =	sst s0;
	s0 =	simm.s32 @!p1 $0x0  }
0x14: {  	s2 =	sld [smem:$0x3F98];
	s0 =	simm.s32 @p1 $0x1  }
0x15: {  	[smem:$0x3FB5] =	sst s0;
	s0 =	simm.s32 @!p2 $0x0  }
0x16: {  	s3 =	sld [smem:$0x3FDB];
	s0 =	simm.s32 @p2 $0x1  }
0x17: {  	s4 =	simm.s32 $0x1BF5;
	[smem:$0x3FB7] =	sst s0  }
0x18: {  	s0 =	sld [smem:$0x3F9A];
	_ =	swait.ge [sflag:s4], $0x0  }
0x19: {  	s7 =	sld [smem:$0x3F9B]  }
0x1a: {  	s8 =	sadd.s32 $0xFFFFE003, lr  }
0x1b: {  	s9 =	sadd.s32 $0xFFFFFEF7, lr;
	s5 =	simm.s32 $0xFFFFFFFF;
	p2 =	slt.u32 s8, $0xFFFFF086  }
0x1c: {  	p1 =	slt.u32 s9, $0xF7A;
	s5 =	simm.s32 @!p2 $0x0  }
0x1d: {  	s5 =	simm.s32 @p1 $0x1;
	p0 =	seq.s32 s7, s2  }
0x1e: {  	s7 =	smul.u32 @!p0 $0xF7A, s2;
	p2 =	seq.s32 @!p0 s5, $0x0  }
0x1f: {  	s9 =	smul.u32 $0xF7A, s1;
	s8 =	simm.s32 @!p0 $0x1BF5;
	p2 =	por !p2, p0  }
0x20: {  	[sflag:s8] =	ssyncset.s32 @!p0 $0xFFFFF086;
	s6 =	sadd.s32 @!p0 s3, s7;
	s7 =	simm.s32 @!p0 $0x108  }
0x21: {  	s3 =	sadd.s32 s3, s9;
	s6 =	sadd.s32 @!p0 $0x88, s6;
	s7 =	simm.s32 @p2 $0x1082  }
0x22: {  	[simem:s7], [sflag:s8] =	dma.local @!p0 [hbm:s6], $0xF7A  }
0x23: {  	s9 =	sor.u32 $0xD0000000, s2;
	s6 =	simm.s32 $0x108;
	_ =	swait.ge @!p0 [sflag:s8], $0x0  }
0x24: {  	s3 =	sadd.s32 $0x88, s3;
	s6 =	simm.s32 @!p1 $0x1082;
	[sflag:s4] =	ssyncset.s32 $0xFFFFF086  }
0x25: {  	[simem:s6], [sflag:s4] =	dma.local [hbm:s3], $0xF7A  }
0x26: {  	[smem:$0x3F9B] =	sst s1;
	(tag) =	ssettag s2;
	_ =	strace s9  }
0x27: {  	s1 =	sld [smem:$0x3FAB]  }
0x28: {  	s2 =	sld [smem:$0x3FAC]  }
0x29: {  	s4 =	sld [smem:$0x3FAE]  }
0x2a: {  	p0 =	seq.s32 s5, $0x0;
	s5 =	sld [smem:$0x3FAF]  }
0x2b: {  	s6 =	sld [smem:$0x3FB0]  }
0x2c: {  	s7 =	sld [smem:$0x3FB1]  }
0x2d: {  	s3 =	simm.s32 $0x108;
	s8 =	sld [smem:$0x3FB2]  }
0x2e: {  	s3 =	simm.s32 @!p0 $0x1082;
	s9 =	sld [smem:$0x3FB3]  }
0x2f: {  	lr =	sadd.s32 s0, s3;
	s0 =	sld [smem:$0x3FAA]  }
0x30: {  	s3 =	sld [smem:$0x3FAD]  }
0x31: {  	[smem:$0x3FB6] =	sst s10  }
0x32: {  	s10 =	sld [smem:$0x3FB4];
	_ =	sdelay $0x3  }
0x33: {  	p0 =	seq.s32 s10, $0x1;
	s10 =	sld [smem:$0x3FB6];
	_ =	sdelay $0x3  }
0x34: {  	[smem:$0x3FB6] =	sst s10  }
0x35: {  	s10 =	sld [smem:$0x3FB5];
	_ =	sdelay $0x3  }
0x36: {  	p1 =	seq.s32 s10, $0x1;
	s10 =	sld [smem:$0x3FB6];
	_ =	sdelay $0x3  }
0x37: {  	[smem:$0x3FB6] =	sst s10  }
0x38: {  	s10 =	sld [smem:$0x3FB7]  }
0x39: {  	_ = 	snop;
	(pc) =	sbr.ind lr, $3  }
0x3a: {  	_ = 	snop  }
0x3b: {  	_ = 	snop  }
0x3c: {  	p2 =	seq.s32 s10, $0x1;
	s10 =	sld [smem:$0x3FB6]  }
0x3d: {  	_ =	shalt  }
0x3e: {  	_ =	shalt  }
0x3f: {  	_ =	shalt  }
0x40: {  	_ =	shalt  }
0x41: {  	_ =	shalt  }
0x42: {  	_ =	shalt  }
0x43: {  	_ =	shalt  }
0x44: {  	_ =	shalt  }
0x45: {  	_ =	shalt  }
0x46: {  	_ =	shalt  }
0x47: {  	_ =	shalt  }
0x48: {  	_ =	shalt  }
0x49: {  	_ =	shalt  }
0x4a: {  	_ =	shalt  }
0x4b: {  	_ =	shalt  }
0x4c: {  	_ =	shalt  }
0x4d: {  	_ =	shalt  }
0x4e: {  	_ =	shalt  }
0x4f: {  	_ =	shalt  }
0x50: {  	_ =	shalt  }
0x51: {  	_ =	shalt  }
0x52: {  	_ =	shalt  }
0x53: {  	_ =	shalt  }
0x54: {  	_ =	shalt  }
0x55: {  	_ =	shalt  }
0x56: {  	_ =	shalt  }
0x57: {  	_ =	shalt  }
0x58: {  	_ =	shalt  }
0x59: {  	_ =	shalt  }
0x5a: {  	_ =	shalt  }
0x5b: {  	_ =	shalt  }
0x5c: {  	_ =	shalt  }
0x5d: {  	_ =	shalt  }
0x5e: {  	_ =	shalt  }
0x5f: {  	_ =	shalt  }
0x60: {  	_ =	shalt  }
0x61: {  	_ =	shalt  }
0x62: {  	_ =	shalt  }
0x63: {  	_ =	shalt  }
0x64: {  	_ =	shalt  }
0x65: {  	_ =	shalt  }
0x66: {  	_ =	shalt  }
0x67: {  	_ =	shalt  }
0x68: {  	_ =	shalt  }
0x69: {  	_ =	shalt  }
0x6a: {  	_ =	shalt  }
0x6b: {  	_ =	shalt  }
0x6c: {  	_ =	shalt  }
0x6d: {  	_ =	shalt  }
0x6e: {  	_ =	shalt  }
0x6f: {  	_ =	shalt  }
0x70: {  	_ =	shalt  }
0x71: {  	_ =	shalt  }
0x72: {  	_ =	shalt  }
0x73: {  	_ =	shalt  }
0x74: {  	_ =	shalt  }
0x75: {  	_ =	shalt  }
0x76: {  	_ =	shalt  }
0x77: {  	_ =	shalt  }
0x78: {  	_ =	shalt  }
0x79: {  	_ =	shalt  }
0x7a: {  	_ =	shalt  }
0x7b: {  	_ =	shalt  }
0x7c: {  	_ =	shalt  }
0x7d: {  	_ =	shalt  }
0x7e: {  	_ =	shalt  }
0x7f: {  	_ =	shalt  }
0x80: {  	_ =	shalt  }
0x81: {  	_ =	shalt  }
0x82: {  	_ =	shalt  }
0x83: {  	_ =	shalt  }
0x84: {  	_ =	shalt  }
0x85: {  	_ =	shalt  }
0x86: {  	_ =	shalt  }
0x87: {  	_ =	shalt  }
.Lfunc_end0:
.L_simem_size_0:
called_computation.2_lowered:
.L_overlay_start_0:
0x88: {  	s2 =	sld [smem:$0x3FD9]  }
0x89: {  	s3 =	sld [smem:$0x3FFE];
	_ =	sdelay $0x1  }
0x8a: {  	s1 =	srdreg.scid  }
0x8b: {  	s0 =	sand.u32 $0x1, s1  }
0x8c: {  	s17 =	sshll.u32 s0, $0xA;
	s2 =	sadd.s32 s3, s2  }
0x8d: {  	s2 =	sadd.s32 s2, s17  }
0x8e: {  	[smem:$0x3FC2] =	sst s2  }
0x8f: {  	_ = 	snop  }
0x90: {  	s2 =	sld [smem:$0x3FD0];
	(tm) =	ssettm $0x1  }
0x91: {  	s18 =	sld [smem:$0x3FFB];
	_ =	sdelay $0x3  }
0x92: {  	_ =	strace s18  }
0x93: {  	s3 =	sld [smem:$0x3FFC];
	_ =	sdelay $0x3  }
0x94: {  	_ =	strace s3  }
0x95: {  	s3 =	sld [smem:$0x3FFD];
	_ =	sdelay $0x3  }
0x96: {  	_ =	strace s3  }
0x97: {  	_ =	strace $0x8FFFFFFF  }
0x98: {  	s19 =	sld [smem:$0x3FDB];
	_ =	sdelay $0x1  }
0x99: {  	s4 =	simm.s32 $_scs_section_size  }
0x9a: {  	s5 =	simm.s32 $_size__tile_overlayer_lowered;
	s6 =	simm.s32 $_tile_overlayer_lowered  }
0x9b: {  	s22 =	simm.s32 $0x1BFF;
	s21 =	sshll.u32 s6, $0x1;
	s3 =	sadd.s32 s4, s19  }
0x9c: {  	s7 =	simm.s32 $0x0;
	s20 =	sshll.u32 s5, $0x1;
	s5 =	sadd.s32 s21, s3  }
0x9d: {  	[timem:s7], [sflag:s22] =	dma.local [hbm:s5], s20  }
0x9e: {  	_ =	swait.ge [sflag:s22], s20  }
0x9f: {  	s4 =	ssub.s32 $0x0, s20;
	[sflag:s22] =	ssyncset.done $0x0  }
0xa0: {  	[sflag:s22] =	ssyncadd.s32 s4;
	_ =	sdelay $0x1  }
0xa1: {  	s23 =	simm.s32 $0x1B8B  }
0xa2: {  	_ =	swait.ge [sflag:s23], $0x1  }
0xa3: {  	[sflag:s23] =	ssyncset.done $0x0  }
0xa4: {  	s25 =	simm.s32 $0x1B8E;
	s24 =	sld [smem:$0x3FFE];
	[sflag:s23] =	ssyncadd.s32 $0xFFFFFFFF  }
0xa5: {  	s26 =	simm.s32 $execute0_lowered;
	[smem:$0x3FD2] =	sst s25  }
0xa6: {  	s5 =	sshll.u32 s26, $0x1;
	_ =	strace $0x8000004C;
	[dreg:$0x1] =	wrdreg $0xFFFFFFFF  }
0xa7: {  	s28 =	simm.s32 $_size_execute0_lowered;
	s3 =	sadd.s32 s3, s5;
	[dreg:$0x0] =	wrdreg $0x0  }
0xa8: {  	s5 =	sshll.u32 s28, $0x1;
	[dreg:$0x2] =	wrdreg s3  }
0xa9: {  	[dreg:$0x3] =	wrdreg s5  }
0xaa: {  	[dreg:$0x4] =	wrdreg $0xC0  }
0xab: {  	_ =	task [dreg:s7], $0x5FFFF  }
0xac: {  	[dreg:$0x1] =	wrdreg $0xFFFFFFFF  }
0xad: {  	[dreg:$0x0] =	wrdreg $0x60  }
0xae: {  	[dreg:$0x2] =	wrdreg s24  }
0xaf: {  	[dreg:$0x3] =	wrdreg s2  }
0xb0: {  	[dreg:$0x4] =	wrdreg $0xA0000  }
0xb1: {  	[dreg:$0x5] =	wrdreg $0x9  }
0xb2: {  	_ =	task.clear_ibuf [dreg:s7], $0x6FFFF;
	_ =	strace $0x9000004C  }
0xb3: {  	s29 =	simm.s32 $0x9;
	_ =	strace $0x8000004E  }
0xb4: {  	_ =	swait.ge [sflag:s29], $0x1  }
0xb5: {  	[sflag:s29] =	ssyncadd.s32 $0xFFFFFFFF  }
0xb6: {  	_ =	strace $0x9000004E  }
0xb7: {  	_ =	sfence  }
0xb8: {  	s30 =	sld [smem:$0x0];
	_ =	sdelay $0x2  }
0xb9: {  	s31 =	sshll.u32 s1, $0xD;
	s1 =	sshrl.u32 s1, $0x2  }
0xba: {  	s3 =	sand.u32 $0x4000, s31;
	s1 =	sadd.s32 s1, s30  }
0xbb: {  	s0 =	sor.u32 s3, s0;
	s1 =	sshll.u32 s1, $0x11  }
0xbc: {  	s0 =	sor.u32 s1, s0  }
0xbd: {  	s0 =	sadd.s32 $0x8F2B, s0  }
0xbe: {  	[sflag:s0] =	ssyncadd.remote.s32 $0x1  }
0xbf: {  	_ =	sfence.sel $0xFFFF  }
0xc0: {  	[dreg:$0x0] =	wrdreg $0xFFFFFFFF;
	(pc) =	sbr.abs _section_cstart, $3  }
0xc1: {  	[dreg:$0x1] =	wrdreg $0xFFFFFFFF  }
0xc2: {  	_ =	task.clear_ibuf [dreg:s7], $0x2FFFF;
	_ =	strace $0x9FFFFFFF  }
0xc3: {  	(tm) =	ssettm $0x7FFFFFFF  }
tec
execute0_lowered:
.L_overlay_start_1:
0x0: {  	(tag) =	ssettag $0x1  }
0x1: {  	s0 =	rddreg [dreg:$0x0]  }
0x2: {  	s2 =	rddreg [dreg:$0x1]  }
0x3: {  	s3 =	rddreg [dreg:$0x2];
	s1 =	srdreg.scid  }
0x4: {  	s4 =	stileid.u32;
	s5 =	simm.s32 $0x0;
	s15 =	simm.s32 $0x9  }
0x5: {  	s17 =	simm.s32 $0x40;
	s18 =	simm.s32 $0x2000;
	s20 =	simm.s32 $0x4000  }
0x6: {  	s31 =	simm.s32 $0x6000;
	s29 =	simm.s32 $0x0;
	s1 =	sand.u32 $0x1, s1  }
0x7: {  	s7 =	smul.u32 $0x2800, s4;
	[smem:$0x7FF] =	sst s5;
	s5 =	sadd.s32 $0x17400, s0  }
0x8: {  	s6 =	sadd.s32 $0x3400, s0;
	s9 =	sadd.s32 $0x3F400, s0;
	s22 =	smul.u32 $0x50000, s4  }
0x9: {  	s25 =	sshll.u32 s4, $0x6;
	s8 =	smul.u32 $0x28000, s1;
	_ =	strace $0x8000004D  }
0xa: {  	[dreg:$0x5] =	wrdreg s9;
	s21 =	sshll.u32 s1, $0x4;
	s1 =	ssub.s32 $0x2, s1  }
0xb: {  	[dreg:$0x4] =	wrdreg s31;
	s23 =	sshrl.u32 s1, $0x1;
	s24 =	sshrl.u32 s22, $0x2  }
0xc: {  	s22 =	simm.s32 $0x8000;
	s7 =	sadd.s32 s7, s8;
	s8 =	sor.u32 s4, s21  }
0xd: {  	s1 =	ssub.s32 s1, s23;
	s4 =	sor.u32 $0x1C09, s25;
	s0 =	sadd.s32 s7, s0  }
0xe: {  	s8 =	smul.u32 $0x5000, s8;
	s30 =	smax.u32 s1, $0x1;
	[dreg:$0x6] =	wrdreg s4  }
0xf: {  	s7 =	sadd.s32 s24, s3;
	s0 =	sadd.s32 $0x41C00, s0;
	[dreg:$0xa] =	wrdreg s30  }
0x10: {  	s1 =	sshrl.u32 s7, $0x3;
	s10 =	sshrl.u32 s8, $0x3;
	[dreg:$0x9] =	wrdreg s0  }
0x11: {  	s21 =	simm.s32 $0x1;
	[dreg:$0xb] =	wrdreg s1;
	s26 =	sadd.s32 s6, s10  }
0x12: {  	s23 =	simm.s32 $0x2;
	s28 =	sadd.s32 s2, s10;
	[dreg:$0x7] =	wrdreg s26  }
0x13: {  	s25 =	simm.s32 $0x4;
	s24 =	simm.s32 $0x5;
	[dreg:$0x8] =	wrdreg s28  }
.LBB2_1:
0x14: {  	s0 =	rddreg [dreg:$0x5]  }
0x15: {  	[spmem:s1], [sflag:s4] =	dma.local [hbm:s0], $0x2800  }
0x16: {  	_ =	swait.ge [sflag:s15], $0x2800  }
0x17: {  	[sflag:s15] =	ssyncset.done $0x0  }
0x18: {  	s4 =	simm.s32 $0x0;
	s10 =	rddreg [dreg:$0x7];
	[sflag:s15] =	ssyncadd.s32 $0xFFFFD800  }
0x19: {  	[tilespmem:s4], [sflag:$0x9] =	stream.linear.gather [hbm4b:s10+s4], $0x800, $0x38;
	[tilespmem:$0x1E000] =	vst v63  }
0x1a: {  	_ =	swait.ge [sflag:s15], $0x800  }
0x1b: {  	[sflag:s15] =	ssyncset.done $0x0  }
0x1c: {  	s12 =	simm.s32 $0x1000;
	s11 =	rddreg [dreg:$0x8];
	[sflag:s15] =	ssyncadd.s32 $0xFFFFF800  }
0x1d: {  	[tilespmem:s12], [sflag:$0x9] =	stream.linear.gather [hbm4b:s11+s4], $0x800, $0x38;
	[tilespmem:$0x1E000] =	vst v63  }
0x1e: {  	_ =	swait.ge [sflag:s15], $0x800  }
0x1f: {  	[sflag:s15] =	ssyncset.done $0x0  }
0x20: {  	s13 =	simm.s32 $0x80;
	p0 =	por $0x1, $0x1;
	[sflag:s15] =	ssyncadd.s32 $0xFFFFF800  }
0x21: {  	s7 =	simm.s32 $0x400;
	p0 =	por p0, p0;
	[bflag:$0x0] =	sbarrier.arrive $0xFFFF  }
0x22: {  	[tilespmem:s18], [sflag:$0x1] =	stream.indirect.gather [hbm4b:s5+s17], $0x80, s4, s17, $0xb8;
	[tilespmem:$0x1E000] =	vst v63  }
0x23: {  	s14 =	simm.s32 $0x0;
	s7 =	sand.u32 $0x1C00, s7;
	s0 =	simm.s32 @!p0 $0x7  }
0x24: {  	[tilespmem:s20], [sflag:$0x2] =	stream.indirect.gather [hbm4b:s5+s17], $0x80, s13, s17, $0xb8;
	[tilespmem:$0x1E000] =	vst v63  }
0x25: {  	s1 =	sand.u32 $0x1800, s14;
	s10 =	sand.u32 $0x2000, s14;
	_ =	swait.ge @!p0 [sflag:s0], $0x2000  }
0x26: {  	s7 =	sshrl.u32 s7, $0x2;
	s10 =	sshrl.u32 s10, $0x2;
	[sflag:s0] =	ssyncset.done @!p0 $0x0  }
0x27: {  	s16 =	sor.u32 s7, s10;
	s11 =	rddreg [dreg:$0x4];
	[sflag:s0] =	ssyncadd.s32 @!p0 $0xFFFFE000  }
0x28: {  	[tilespmem:s11], [sflag:$0x3] =	stream.indirect.gather [hbm4b:s5+s17], $0x80, s16, s17, $0xb8;
	[tilespmem:$0x1E000] =	vst v63  }
0x29: {  	s19 =	sor.u32 $0x600, s1;
	_ =	swait.ge [sflag:s21], $0x2000  }
0x2a: {  	s1 =	sshrl.u32 s1, $0x2;
	s0 =	sor.u32 $0x1000, s10;
	[sflag:s21] =	ssyncset.done $0x0  }
0x2b: {  	s12 =	simm.s32 @!p0 $0x8;
	s26 =	sor.u32 s1, s0;
	[sflag:s21] =	ssyncadd.s32 $0xFFFFE000  }
0x2c: {  	[spmem:s3] =	stream.indirect.scatter.add.f32 [tilespmem:s18], [sflag:$0x5], $0x80, s26, s17, $0xb8;
	[tilespmem:$0x1E000] =	vst v63  }
0x2d: {  	p1 =	por $0x0, $0x0;
	s16 =	sand.u32 $0xE, s23;
	_ =	swait.ge @!p0 [sflag:s12], $0x2000  }
0x2e: {  	s28 =	sshrl.u32 s19, $0x2;
	p2 =	sne.s32 @!p1 s16, $0x2;
	[sflag:s12] =	ssyncset.done @!p0 $0x0  }
0x2f: {  	s7 =	sadd.s32 s28, s10;
	[sflag:s12] =	ssyncadd.s32 @!p0 $0xFFFFE000;
	p0 =	por p2, p1  }
0x30: {  	[tilespmem:s22], [sflag:$0x4] =	stream.indirect.gather [hbm4b:s5+s17], $0x80, s7, s17, $0xb8;
	[tilespmem:$0x1E000] =	vst v63  }
0x31: {  	s7 =	sand.u32 @!p0 $0x7800, s4;
	_ =	swait.ge [sflag:s23], $0x2000  }
0x32: {  	s7 =	sadd.s32 @!p0 $0x800, s7;
	[sflag:s23] =	ssyncset.done $0x0  }
0x33: {  	s11 =	sadd.s32 $0x80, s26;
	s12 =	sadd.s32 @!p0 s8, s7;
	[sflag:s23] =	ssyncadd.s32 $0xFFFFE000  }
0x34: {  	[spmem:s3] =	stream.indirect.scatter.add.f32 [tilespmem:s20], [sflag:$0x6], $0x80, s11, s17, $0xb8;
	[tilespmem:$0x1E000] =	vst v63  }
0x35: {  	s11 =	sshrl.u32 @!p0 s12, $0x3  }
0x36: {  	s7 =	sand.u32 @!p0 $0x800, s7;
	s12 =	simm.s32 @!p0 $0x0;
	s19 =	sadd.s32 @!p0 s6, s11  }
0x37: {  	[tilespmem:s7], [sflag:$0x9] =	stream.linear.gather @!p0 [hbm4b:s19+s12], $0x800, $0x38;
	[tilespmem:$0x1E000] =	vst v63  }
0x38: {  	s19 =	simm.s32 @!p0 $0x9  }
0x39: {  	_ =	swait.ge @!p0 [sflag:s19], $0x800  }
0x3a: {  	[sflag:s19] =	ssyncset.done @!p0 $0x0  }
0x3b: {  	s11 =	sadd.s32 @!p0 s2, s11;
	s7 =	sor.u32 @!p0 $0x1000, s7;
	[sflag:s19] =	ssyncadd.s32 @!p0 $0xFFFFF800  }
0x3c: {  	[tilespmem:s7], [sflag:$0x9] =	stream.linear.gather @!p0 [hbm4b:s11+s12], $0x800, $0x38;
	[tilespmem:$0x1E000] =	vst v63  }
0x3d: {  	_ =	swait.ge @!p0 [sflag:s19], $0x800  }
0x3e: {  	[sflag:s19] =	ssyncset.done @!p0 $0x0  }
0x3f: {  	[sflag:s19] =	ssyncadd.s32 @!p0 $0xFFFFF800  }
0x40: {  	_ =	swait.ge [sflag:s24], $0x2000  }
0x41: {  	p0 =	por $0x0, $0x0;
	[sflag:s24] =	ssyncset.done $0x0  }
0x42: {  	s7 =	simm.s32 @p0 $0x3;
	[sflag:s24] =	ssyncadd.s32 $0xFFFFE000  }
0x43: {  	_ =	swait.ge @p0 [sflag:s7], $0x2000  }
0x44: {  	s10 =	sadd.s32 @p0 $0x1700, s10;
	[sflag:s7] =	ssyncset.done @p0 $0x0  }
0x45: {  	s11 =	simm.s32 @p0 $0x40;
	s12 =	simm.s32 @p0 $0x6000;
	[sflag:s7] =	ssyncadd.s32 @p0 $0xFFFFE000  }
0x46: {  	[spmem:s3] =	stream.indirect.scatter.add.f32 @p0 [tilespmem:s12], [sflag:$0x7], $0x80, s10, s11, $0xb8;
	[tilespmem:$0x1E000] =	vst v63  }
0x47: {  	s7 =	simm.s32 @!p0 $0x800;
	s10 =	simm.s32 @p0 $0x6  }
0x48: {  	s7 =	sand.u32 @!p0 $0x3800, s7;
	_ =	swait.ge @p0 [sflag:s10], $0x2000  }
0x49: {  	s11 =	simm.s32 @!p0 $0x40;
	s12 =	simm.s32 @!p0 $0x2000;
	[sflag:s10] =	ssyncset.done @p0 $0x0  }
0x4a: {  	s7 =	sshrl.u32 @!p0 s7, $0x2;
	[sflag:s10] =	ssyncadd.s32 @p0 $0xFFFFE000;
	s10 =	simm.s32 @!p0 $0x3  }
0x4b: {  	[tilespmem:s12], [sflag:$0x1] =	stream.indirect.gather @!p0 [hbm4b:s5+s11], $0x80, s7, s11, $0xb8;
	[tilespmem:$0x1E000] =	vst v63  }
0x4c: {  	s30 =	simm.s32 $0x1200;
	p6 =	por $0x0, $0x0;
	_ =	swait.ge @!p0 [sflag:s10], $0x2000  }
0x4d: {  	s7 =	sshll.u32 @!p0 s16, $0x7;
	s12 =	simm.s32 @!p0 $0x6000;
	[sflag:s10] =	ssyncset.done @!p0 $0x0  }
0x4e: {  	s7 =	sadd.s32 @!p0 s7, s0;
	[sflag:s10] =	ssyncadd.s32 @!p0 $0xFFFFE000;
	s10 =	simm.s32 @!p0 $0x6  }
0x4f: {  	[spmem:s3] =	stream.indirect.scatter.add.f32 @!p0 [tilespmem:s12], [sflag:$0x7], $0x80, s7, s11, $0xb8;
	[tilespmem:$0x1E000] =	vst v63  }
0x50: {  	s31 =	simm.s32 $0x200;
	s7 =	simm.s32 $0xA00;
	_ =	swait.ge @!p0 [sflag:s10], $0x2000  }
0x51: {  	s19 =	sadd.s32 s28, s0;
	s0 =	sand.u32 @!p0 $0x3A00, s7;
	[sflag:s10] =	ssyncset.done @!p0 $0x0  }
0x52: {  	s1 =	simm.s32 @!p0 $0x4000;
	s0 =	sshrl.u32 @!p0 s0, $0x2;
	[sflag:s10] =	ssyncadd.s32 @!p0 $0xFFFFE000  }
0x53: {  	[tilespmem:s1], [sflag:$0x2] =	stream.indirect.gather @!p0 [hbm4b:s5+s11], $0x80, s0, s11, $0xb8;
	[tilespmem:$0x1E000] =	vst v63  }
0x54: {  	s16 =	simm.s32 $0x1A00;
	p0 =	por p6, p6;
	s0 =	simm.s32 $0x6  }
0x55: {  	s1 =	simm.s32 $0x1;
	s12 =	simm.s32 @!p0 $0x7;
	_ =	swait.ge [sflag:s25], $0x2000  }
.LBB2_2:
0x56: {  	[sflag:s25] =	ssyncset.done $0x0;
	s10 =	sadd.s32 $0xFFFFF600, s30  }
0x57: {  	s13 =	sadd.s32 $0xFFFFFA00, s30;
	[sflag:s25] =	ssyncadd.s32 $0xFFFFE000;
	s11 =	sand.u32 $0x2000, s10  }
0x58: {  	[spmem:s3] =	stream.indirect.scatter.add.f32 [tilespmem:s22], [sflag:$0x8], $0x80, s19, s17, $0xb8;
	[tilespmem:$0x1E000] =	vst v63  }
0x59: {  	s9 =	sand.u32 $0x1800, s10;
	s13 =	sand.u32 $0x1C00, s13;
	_ =	swait.ge @!p0 [sflag:s12], $0x2000  }
0x5a: {  	s11 =	sshrl.u32 s11, $0x2;
	s26 =	sshrl.u32 s13, $0x2;
	[sflag:s12] =	ssyncset.done @!p0 $0x0  }
0x5b: {  	s26 =	sor.u32 s26, s11;
	s14 =	rddreg [dreg:$0x4];
	[sflag:s12] =	ssyncadd.s32 @!p0 $0xFFFFE000  }
0x5c: {  	[tilespmem:s14], [sflag:$0x3] =	stream.indirect.gather [hbm4b:s5+s17], $0x80, s26, s17, $0xb8;
	[tilespmem:$0x1E000] =	vst v63  }
0x5d: {  	p3 =	sgt.u32 s1, $0x23;
	s4 =	sshrl.u32 s9, $0x2;
	_ =	swait.ge [sflag:s21], $0x2000  }
0x5e: {  	s10 =	sor.u32 $0x1000, s11;
	s12 =	sand.u32 $0xE, s0;
	[sflag:s21] =	ssyncset.done $0x0  }
0x5f: {  	s14 =	sor.u32 s4, s10;
	s4 =	simm.s32 @!p0 $0x8;
	[sflag:s21] =	ssyncadd.s32 $0xFFFFE000  }
0x60: {  	[spmem:s3] =	stream.indirect.scatter.add.f32 [tilespmem:s18], [sflag:$0x5], $0x80, s14, s17, $0xb8;
	[tilespmem:$0x1E000] =	vst v63  }
0x61: {  	s28 =	sor.u32 $0x600, s9;
	p4 =	sne.s32 @!p3 s12, $0x2;
	_ =	swait.ge @!p0 [sflag:s4], $0x2000  }
0x62: {  	s9 =	sshrl.u32 s28, $0x2;
	p3 =	por p4, p3;
	[sflag:s4] =	ssyncset.done @!p0 $0x0  }
0x63: {  	s28 =	sadd.s32 s9, s11;
	[sflag:s4] =	ssyncadd.s32 @!p0 $0xFFFFE000;
	s4 =	sand.u32 @!p3 $0x7800, s31  }
0x64: {  	[tilespmem:s22], [sflag:$0x4] =	stream.indirect.gather [hbm4b:s5+s17], $0x80, s28, s17, $0xb8;
	[tilespmem:$0x1E000] =	vst v63  }
0x65: {  	s19 =	sadd.s32 s9, s10;
	s4 =	sadd.s32 @!p3 $0x800, s4;
	_ =	swait.ge [sflag:s23], $0x2000  }
0x66: {  	s28 =	sadd.s32 $0x80, s14;
	s26 =	sadd.s32 @!p3 s8, s4;
	[sflag:s23] =	ssyncset.done $0x0  }
0x67: {  	s14 =	simm.s32 @!p3 $0x9;
	s13 =	sshrl.u32 @!p3 s26, $0x3;
	[sflag:s23] =	ssyncadd.s32 $0xFFFFE000  }
0x68: {  	[spmem:s3] =	stream.indirect.scatter.add.f32 [tilespmem:s20], [sflag:$0x6], $0x80, s28, s17, $0xb8;
	[tilespmem:$0x1E000] =	vst v63  }
0x69: {  	s4 =	sand.u32 @!p3 $0x800, s4;
	s26 =	simm.s32 @!p3 $0x0;
	s9 =	sadd.s32 @!p3 s6, s13  }
0x6a: {  	[tilespmem:s4], [sflag:$0x9] =	stream.linear.gather @!p3 [hbm4b:s9+s26], $0x800, $0x38;
	[tilespmem:$0x1E000] =	vst v63  }
0x6b: {  	_ =	swait.ge @!p3 [sflag:s14], $0x800  }
0x6c: {  	[sflag:s14] =	ssyncset.done @!p3 $0x0  }
0x6d: {  	s13 =	sadd.s32 @!p3 s2, s13;
	s28 =	sor.u32 @!p3 $0x1000, s4;
	[sflag:s14] =	ssyncadd.s32 @!p3 $0xFFFFF800  }
0x6e: {  	[tilespmem:s28], [sflag:$0x9] =	stream.linear.gather @!p3 [hbm4b:s13+s26], $0x800, $0x38;
	[tilespmem:$0x1E000] =	vst v63  }
0x6f: {  	_ =	swait.ge @!p3 [sflag:s14], $0x800  }
0x70: {  	[sflag:s14] =	ssyncset.done @!p3 $0x0  }
0x71: {  	[sflag:s14] =	ssyncadd.s32 @!p3 $0xFFFFF800  }
0x72: {  	p2 =	seq.s32 s16, $0xA00;
	_ =	swait.ge [sflag:s24], $0x2000  }
0x73: {  	p0 =	por p2, p2;
	p2 =	seq.s32 s30, $0x14200;
	[sflag:s24] =	ssyncset.done $0x0  }
0x74: {  	s7 =	smov.u32 s16;
	s4 =	simm.s32 @p2 $0x3;
	[sflag:s24] =	ssyncadd.s32 $0xFFFFE000  }
0x75: {  	s11 =	sadd.s32 @p2 $0x1700, s11;
	s9 =	sadd.s32 @!p2 $0xFFFFFE00, s30;
	_ =	swait.ge @p2 [sflag:s4], $0x2000  }
0x76: {  	s9 =	sand.u32 @!p2 $0x3800, s9;
	s26 =	simm.s32 @p2 $0x6000;
	[sflag:s4] =	ssyncset.done @p2 $0x0  }
0x77: {  	s14 =	simm.s32 @p2 $0x40;
	[sflag:s4] =	ssyncadd.s32 @p2 $0xFFFFE000;
	s4 =	simm.s32 @p2 $0x6  }
0x78: {  	[spmem:s3] =	stream.indirect.scatter.add.f32 @p2 [tilespmem:s26], [sflag:$0x7], $0x80, s11, s14, $0xb8;
	[tilespmem:$0x1E000] =	vst v63  }
0x79: {  	s9 =	sshrl.u32 @!p2 s9, $0x2;
	s13 =	sand.u32 @!p2 $0x3A00, s30;
	_ =	swait.ge @p2 [sflag:s4], $0x2000  }
0x7a: {  	s30 =	smov.u32 s7;
	s7 =	simm.s32 @!p2 $0x40;
	[sflag:s4] =	ssyncset.done @p2 $0x0  }
0x7b: {  	s11 =	simm.s32 @!p2 $0x2000;
	[sflag:s4] =	ssyncadd.s32 @p2 $0xFFFFE000;
	s4 =	simm.s32 @!p2 $0x3  }
0x7c: {  	[tilespmem:s11], [sflag:$0x1] =	stream.indirect.gather @!p2 [hbm4b:s5+s7], $0x80, s9, s7, $0xb8;
	[tilespmem:$0x1E000] =	vst v63  }
0x7d: {  	s16 =	sadd.s32 $0x800, s16;
	s12 =	sshll.u32 @!p2 s12, $0x7;
	_ =	swait.ge @!p2 [sflag:s4], $0x2000  }
0x7e: {  	p1 =	sne.s32 s16, $0x14A00;
	s9 =	sadd.s32 @!p2 s12, s10;
	[sflag:s4] =	ssyncset.done @!p2 $0x0  }
0x7f: {  	s10 =	simm.s32 @!p2 $0x6000;
	[sflag:s4] =	ssyncadd.s32 @!p2 $0xFFFFE000;
	s4 =	simm.s32 @!p2 $0x6  }
0x80: {  	[spmem:s3] =	stream.indirect.scatter.add.f32 @!p2 [tilespmem:s10], [sflag:$0x7], $0x80, s9, s7, $0xb8;
	[tilespmem:$0x1E000] =	vst v63  }
.Ltmp0:
0x81: {  	_ =	swait.ge @!p2 [sflag:s4], $0x2000;
	(pc) =	sbr.rel @p1 .LBB2_2-.Ltmp0, $4  }
0x82: {  	s1 =	sadd.s32 $0x1, s1;
	s0 =	sadd.s32 $0x4, s0;
	[sflag:s4] =	ssyncset.done @!p2 $0x0  }
0x83: {  	s13 =	sshrl.u32 @!p2 s13, $0x2;
	s9 =	simm.s32 @!p2 $0x4000;
	[sflag:s4] =	ssyncadd.s32 @!p2 $0xFFFFE000  }
0x84: {  	[tilespmem:s9], [sflag:$0x2] =	stream.indirect.gather @!p2 [hbm4b:s5+s7], $0x80, s13, s7, $0xb8;
	[tilespmem:$0x1E000] =	vst v63  }
0x85: {  	s31 =	sadd.s32 $0x200, s31;
	s12 =	simm.s32 @!p0 $0x7;
	_ =	swait.ge [sflag:s25], $0x2000  }
0x86: {  	[sflag:s25] =	ssyncset.done $0x0;
	s4 =	sadd.s32 $0xFFFFF600, s30  }
0x87: {  	s7 =	sadd.s32 $0xFFFFFA00, s30;
	[sflag:s25] =	ssyncadd.s32 $0xFFFFE000;
	s9 =	sand.u32 $0x2000, s4  }
0x88: {  	[spmem:s3] =	stream.indirect.scatter.add.f32 [tilespmem:s22], [sflag:$0x8], $0x80, s19, s17, $0xb8;
	[tilespmem:$0x1E000] =	vst v63  }
0x89: {  	s7 =	sand.u32 $0x1C00, s7;
	s4 =	sand.u32 $0x1800, s4;
	_ =	swait.ge @!p0 [sflag:s12], $0x2000  }
0x8a: {  	s9 =	sshrl.u32 s9, $0x2;
	s7 =	sshrl.u32 s7, $0x2;
	[sflag:s12] =	ssyncset.done @!p0 $0x0  }
0x8b: {  	s7 =	sor.u32 s7, s9;
	s10 =	rddreg [dreg:$0x4];
	[sflag:s12] =	ssyncadd.s32 @!p0 $0xFFFFE000  }
0x8c: {  	[tilespmem:s10], [sflag:$0x3] =	stream.indirect.gather [hbm4b:s5+s17], $0x80, s7, s17, $0xb8;
	[tilespmem:$0x1E000] =	vst v63  }
0x8d: {  	s14 =	sor.u32 $0x600, s4;
	_ =	swait.ge [sflag:s21], $0x2000  }
0x8e: {  	s4 =	sshrl.u32 s4, $0x2;
	s7 =	sor.u32 $0x1000, s9;
	[sflag:s21] =	ssyncset.done $0x0  }
0x8f: {  	s11 =	simm.s32 @!p0 $0x8;
	s4 =	sor.u32 s4, s7;
	[sflag:s21] =	ssyncadd.s32 $0xFFFFE000  }
0x90: {  	[spmem:s3] =	stream.indirect.scatter.add.f32 [tilespmem:s18], [sflag:$0x5], $0x80, s4, s17, $0xb8;
	[tilespmem:$0x1E000] =	vst v63  }
0x91: {  	p1 =	sgt.u32 s1, $0x23;
	s12 =	sand.u32 $0xE, s0;
	_ =	swait.ge @!p0 [sflag:s11], $0x2000  }
0x92: {  	s16 =	sshrl.u32 s14, $0x2;
	p2 =	sne.s32 @!p1 s12, $0x2;
	[sflag:s11] =	ssyncset.done @!p0 $0x0  }
0x93: {  	s19 =	sadd.s32 s16, s9;
	[sflag:s11] =	ssyncadd.s32 @!p0 $0xFFFFE000;
	p0 =	por p2, p1  }
0x94: {  	[tilespmem:s22], [sflag:$0x4] =	stream.indirect.gather [hbm4b:s5+s17], $0x80, s19, s17, $0xb8;
	[tilespmem:$0x1E000] =	vst v63  }
0x95: {  	s1 =	sand.u32 @!p0 $0x7800, s31;
	_ =	swait.ge [sflag:s23], $0x2000  }
0x96: {  	s1 =	sadd.s32 @!p0 $0x800, s1;
	[sflag:s23] =	ssyncset.done $0x0  }
0x97: {  	s4 =	sadd.s32 $0x80, s4;
	s10 =	sadd.s32 @!p0 s8, s1;
	[sflag:s23] =	ssyncadd.s32 $0xFFFFE000  }
0x98: {  	[spmem:s3] =	stream.indirect.scatter.add.f32 [tilespmem:s20], [sflag:$0x6], $0x80, s4, s17, $0xb8;
	[tilespmem:$0x1E000] =	vst v63  }
0x99: {  	s4 =	sshrl.u32 @!p0 s10, $0x3  }
0x9a: {  	s1 =	sand.u32 @!p0 $0x800, s1;
	s10 =	simm.s32 @!p0 $0x0;
	s11 =	sadd.s32 @!p0 s6, s4  }
0x9b: {  	[tilespmem:s1], [sflag:$0x9] =	stream.linear.gather @!p0 [hbm4b:s11+s10], $0x800, $0x38;
	[tilespmem:$0x1E000] =	vst v63  }
0x9c: {  	s11 =	simm.s32 @!p0 $0x9  }
0x9d: {  	_ =	swait.ge @!p0 [sflag:s11], $0x800  }
0x9e: {  	[sflag:s11] =	ssyncset.done @!p0 $0x0  }
0x9f: {  	s4 =	sadd.s32 @!p0 s2, s4;
	s1 =	sor.u32 @!p0 $0x1000, s1;
	[sflag:s11] =	ssyncadd.s32 @!p0 $0xFFFFF800  }
0xa0: {  	[tilespmem:s1], [sflag:$0x9] =	stream.linear.gather @!p0 [hbm4b:s4+s10], $0x800, $0x38;
	[tilespmem:$0x1E000] =	vst v63  }
0xa1: {  	_ =	swait.ge @!p0 [sflag:s11], $0x800  }
0xa2: {  	[sflag:s11] =	ssyncset.done @!p0 $0x0  }
0xa3: {  	[sflag:s11] =	ssyncadd.s32 @!p0 $0xFFFFF800  }
0xa4: {  	_ =	swait.ge [sflag:s24], $0x2000  }
0xa5: {  	p0 =	seq.s32 s30, $0x14200;
	[sflag:s24] =	ssyncset.done $0x0  }
0xa6: {  	s1 =	simm.s32 @p0 $0x3;
	[sflag:s24] =	ssyncadd.s32 $0xFFFFE000  }
0xa7: {  	_ =	swait.ge @p0 [sflag:s1], $0x2000  }
0xa8: {  	s4 =	sadd.s32 @p0 $0x1700, s9;
	[sflag:s1] =	ssyncset.done @p0 $0x0  }
0xa9: {  	s9 =	simm.s32 @p0 $0x40;
	[sflag:s1] =	ssyncadd.s32 @p0 $0xFFFFE000;
	s1 =	simm.s32 @p0 $0x6000  }
0xaa: {  	[spmem:s3] =	stream.indirect.scatter.add.f32 @p0 [tilespmem:s1], [sflag:$0x7], $0x80, s4, s9, $0xb8;
	[tilespmem:$0x1E000] =	vst v63  }
0xab: {  	s4 =	simm.s32 @p0 $0x6  }
0xac: {  	s1 =	sadd.s32 @!p0 $0xFFFFFE00, s30;
	_ =	swait.ge @p0 [sflag:s4], $0x2000  }
0xad: {  	s9 =	simm.s32 @!p0 $0x40;
	s1 =	sand.u32 @!p0 $0x3800, s1;
	[sflag:s4] =	ssyncset.done @p0 $0x0  }
0xae: {  	s1 =	sshrl.u32 @!p0 s1, $0x2;
	[sflag:s4] =	ssyncadd.s32 @p0 $0xFFFFE000;
	s4 =	simm.s32 @!p0 $0x2000  }
0xaf: {  	[tilespmem:s4], [sflag:$0x1] =	stream.indirect.gather @!p0 [hbm4b:s5+s9], $0x80, s1, s9, $0xb8;
	[tilespmem:$0x1E000] =	vst v63  }
0xb0: {  	s1 =	simm.s32 @!p0 $0x3  }
0xb1: {  	_ =	swait.ge @!p0 [sflag:s1], $0x2000  }
0xb2: {  	s4 =	sshll.u32 @!p0 s12, $0x7;
	[sflag:s1] =	ssyncset.done @!p0 $0x0  }
0xb3: {  	s4 =	sadd.s32 @!p0 s4, s7;
	[sflag:s1] =	ssyncadd.s32 @!p0 $0xFFFFE000;
	s1 =	simm.s32 @!p0 $0x6000  }
0xb4: {  	[spmem:s3] =	stream.indirect.scatter.add.f32 @!p0 [tilespmem:s1], [sflag:$0x7], $0x80, s4, s9, $0xb8;
	[tilespmem:$0x1E000] =	vst v63  }
0xb5: {  	s1 =	simm.s32 @!p0 $0x6  }
0xb6: {  	_ =	swait.ge @!p0 [sflag:s1], $0x2000  }
0xb7: {  	s4 =	sand.u32 @!p0 $0x3A00, s30;
	[sflag:s1] =	ssyncset.done @!p0 $0x0  }
0xb8: {  	s4 =	sshrl.u32 @!p0 s4, $0x2;
	[sflag:s1] =	ssyncadd.s32 @!p0 $0xFFFFE000;
	s1 =	simm.s32 @!p0 $0x4000  }
0xb9: {  	[tilespmem:s1], [sflag:$0x2] =	stream.indirect.gather @!p0 [hbm4b:s5+s9], $0x80, s4, s9, $0xb8;
	[tilespmem:$0x1E000] =	vst v63  }
0xba: {  	_ =	swait.ge [sflag:s25], $0x2000  }
0xbb: {  	[sflag:s25] =	ssyncset.done $0x0  }
0xbc: {  	s26 =	simm.s32 $0x7;
	s0 =	sadd.s32 s16, s7;
	[sflag:s25] =	ssyncadd.s32 $0xFFFFE000  }
0xbd: {  	[spmem:s3] =	stream.indirect.scatter.add.f32 [tilespmem:s22], [sflag:$0x8], $0x80, s0, s17, $0xb8;
	[tilespmem:$0x1E000] =	vst v63  }
0xbe: {  	_ =	swait.ge [sflag:s26], $0x2000  }
0xbf: {  	[sflag:s26] =	ssyncset.done $0x0  }
0xc0: {  	s28 =	simm.s32 $0x8;
	[sflag:s26] =	ssyncadd.s32 $0xFFFFE000  }
0xc1: {  	_ =	swait.ge [sflag:s28], $0x2000  }
0xc2: {  	[sflag:s28] =	ssyncset.done $0x0  }
0xc3: {  	[sflag:s28] =	ssyncadd.s32 $0xFFFFE000  }
0xc4: {  	[bflag:$0x0] =	sbarrier.arrive $0xFFFF  }
0xc5: {  	s4 =	rddreg [dreg:$0x6]  }
0xc6: {  	s30 =	rddreg [dreg:$0x9]  }
0xc7: {  	s1 =	rddreg [dreg:$0xb]  }
0xc8: {  	[hbm:s30], [sflag:s4] =	dma.local [spmem:s1], $0x2800  }
0xc9: {  	_ =	swait.ge [sflag:s15], $0x2800  }
0xca: {  	s29 =	sadd.s32 $0x1, s29;
	s31 =	rddreg [dreg:$0xa]  }
0xcb: {  	p0 =	sne.s32 s29, s31  }
.Ltmp1:
0xcc: {  	_ = 	snop;
	(pc) =	sbr.rel @p0 .LBB2_1-.Ltmp1, $3  }
0xcd: {  	_ =	sdelay $0x1  }
0xce: {  	[sflag:s15] =	ssyncset.done $0x0  }
0xcf: {  	[sflag:s15] =	ssyncadd.s32 $0xFFFFD800  }
0xd0: {  	_ =	sfence.sel $0x180000  }
0xd1: {  	[bflag:$0x0] =	sbarrier.arrive $0xFFFF  }
0xd2: {  	_ =	strace $0x9000004D  }
0xd3: {  	s0 =	stileid.u32;
	[bflag:$0x2] =	sbarrier.arrive $0xFFFF  }
0xd4: {  	p0 =	sne.s32 s0, $0x0;
	s0 =	rddreg [dreg:$0x3]  }
0xd5: {  	s0 =	sadd.s32 @!p0 $0x100000, s0  }
0xd6: {  	[sflag:s0] =	ssyncadd.tile.s32 @!p0 $0x1;
	_ =	shalt  }
.Lfunc_end2:
_tile_overlayer_lowered:
.L_overlay_start_2:
0xd7: {  	(tag) =	ssettag $0x2  }
0xd8: {  	s0 =	rddreg [dreg:$0x0];
	s2 =	stileid.u32  }
0xd9: {  	s1 =	rddreg [dreg:$0x1];
	p0 =	sne.s32 s2, $0x0  }
0xda: {  	s3 =	rddreg [dreg:$0x2];
	[bflag:$0x3] =	sbarrier.arrive $0xFFFF;
	s2 =	simm.s32 @!p0 $0x1C09  }
0xdb: {  	[timem:s3], [sflag:s2] =	dma.local @!p0 [hbm:s0], s1  }
0xdc: {  	s0 =	simm.s32 @!p0 $0x9  }
0xdd: {  	_ =	swait.ge @!p0 [sflag:s0], s1  }
0xde: {  	s1 =	ssub.s32 @!p0 $0x0, s1;
	[sflag:s0] =	ssyncset.done @!p0 $0x0  }
0xdf: {  	[sflag:s0] =	ssyncadd.s32 @!p0 s1  }
0xe0: {  	[bflag:$0x3] =	sbarrier.arrive $0xFFFF  }
0xe1: {  	_ =	shalt  }

// kernel: kernel.9.cloned.1.call-start
scs
__scs_entry_jumppad:
0x0: {  	(pc) =	sbr.rel $0x88, $3  }
0x1: {  	(tag) =	ssettag $0x0;
	lr =	simm.s32 $0x1  }
0x2: {  	[smem:$0x3F9B] =	sst lr;
	_ =	strace $0xD0000000  }
0x3: {  	_ = 	snop  }
0x4: {  	_ = 	snop  }
0x5: {  	_ = 	snop  }
0x6: {  	_ = 	snop  }
0x7: {  	_ = 	snop  }
__scs_overlays_trampoline_lowered:
0x8: {  	[smem:$0x3FAA] =	sst s0  }
0x9: {  	[smem:$0x3FAB] =	sst s1  }
0xa: {  	[smem:$0x3FAC] =	sst s2  }
0xb: {  	[smem:$0x3FAD] =	sst s3  }
0xc: {  	[smem:$0x3FAE] =	sst s4  }
0xd: {  	[smem:$0x3FAF] =	sst s5  }
0xe: {  	[smem:$0x3FB0] =	sst s6  }
0xf: {  	[smem:$0x3FB1] =	sst s7  }
0x10: {  	[smem:$0x3FB2] =	sst s8  }
0x11: {  	[smem:$0x3FB3] =	sst s9;
	s0 =	simm.s32 @!p0 $0x0  }
0x12: {  	s1 =	sld [smem:$0x3F99];
	s0 =	simm.s32 @p0 $0x1  }
0x13: {  	[smem:$0x3FB4] =	sst s0;
	s0 =	simm.s32 @!p1 $0x0  }
0x14: {  	s2 =	sld [smem:$0x3F98];
	s0 =	simm.s32 @p1 $0x1  }
0x15: {  	[smem:$0x3FB5] =	sst s0;
	s0 =	simm.s32 @!p2 $0x0  }
0x16: {  	s3 =	sld [smem:$0x3FDB];
	s0 =	simm.s32 @p2 $0x1  }
0x17: {  	s4 =	simm.s32 $0x1BF5;
	[smem:$0x3FB7] =	sst s0  }
0x18: {  	s0 =	sld [smem:$0x3F9A];
	_ =	swait.ge [sflag:s4], $0x0  }
0x19: {  	s7 =	sld [smem:$0x3F9B]  }
0x1a: {  	s8 =	sadd.s32 $0xFFFFE003, lr  }
0x1b: {  	s9 =	sadd.s32 $0xFFFFFEF7, lr;
	s5 =	simm.s32 $0xFFFFFFFF;
	p2 =	slt.u32 s8, $0xFFFFF086  }
0x1c: {  	p1 =	slt.u32 s9, $0xF7A;
	s5 =	simm.s32 @!p2 $0x0  }
0x1d: {  	s5 =	simm.s32 @p1 $0x1;
	p0 =	seq.s32 s7, s2  }
0x1e: {  	s7 =	smul.u32 @!p0 $0xF7A, s2;
	p2 =	seq.s32 @!p0 s5, $0x0  }
0x1f: {  	s9 =	smul.u32 $0xF7A, s1;
	s8 =	simm.s32 @!p0 $0x1BF5;
	p2 =	por !p2, p0  }
0x20: {  	[sflag:s8] =	ssyncset.s32 @!p0 $0xFFFFF086;
	s6 =	sadd.s32 @!p0 s3, s7;
	s7 =	simm.s32 @!p0 $0x108  }
0x21: {  	s3 =	sadd.s32 s3, s9;
	s6 =	sadd.s32 @!p0 $0x88, s6;
	s7 =	simm.s32 @p2 $0x1082  }
0x22: {  	[simem:s7], [sflag:s8] =	dma.local @!p0 [hbm:s6], $0xF7A  }
0x23: {  	s9 =	sor.u32 $0xD0000000, s2;
	s6 =	simm.s32 $0x108;
	_ =	swait.ge @!p0 [sflag:s8], $0x0  }
0x24: {  	s3 =	sadd.s32 $0x88, s3;
	s6 =	simm.s32 @!p1 $0x1082;
	[sflag:s4] =	ssyncset.s32 $0xFFFFF086  }
0x25: {  	[simem:s6], [sflag:s4] =	dma.local [hbm:s3], $0xF7A  }
0x26: {  	[smem:$0x3F9B] =	sst s1;
	(tag) =	ssettag s2;
	_ =	strace s9  }
0x27: {  	s1 =	sld [smem:$0x3FAB]  }
0x28: {  	s2 =	sld [smem:$0x3FAC]  }
0x29: {  	s4 =	sld [smem:$0x3FAE]  }
0x2a: {  	p0 =	seq.s32 s5, $0x0;
	s5 =	sld [smem:$0x3FAF]  }
0x2b: {  	s6 =	sld [smem:$0x3FB0]  }
0x2c: {  	s7 =	sld [smem:$0x3FB1]  }
0x2d: {  	s3 =	simm.s32 $0x108;
	s8 =	sld [smem:$0x3FB2]  }
0x2e: {  	s3 =	simm.s32 @!p0 $0x1082;
	s9 =	sld [smem:$0x3FB3]  }
0x2f: {  	lr =	sadd.s32 s0, s3;
	s0 =	sld [smem:$0x3FAA]  }
0x30: {  	s3 =	sld [smem:$0x3FAD]  }
0x31: {  	[smem:$0x3FB6] =	sst s10  }
0x32: {  	s10 =	sld [smem:$0x3FB4];
	_ =	sdelay $0x3  }
0x33: {  	p0 =	seq.s32 s10, $0x1;
	s10 =	sld [smem:$0x3FB6];
	_ =	sdelay $0x3  }
0x34: {  	[smem:$0x3FB6] =	sst s10  }
0x35: {  	s10 =	sld [smem:$0x3FB5];
	_ =	sdelay $0x3  }
0x36: {  	p1 =	seq.s32 s10, $0x1;
	s10 =	sld [smem:$0x3FB6];
	_ =	sdelay $0x3  }
0x37: {  	[smem:$0x3FB6] =	sst s10  }
0x38: {  	s10 =	sld [smem:$0x3FB7]  }
0x39: {  	_ = 	snop;
	(pc) =	sbr.ind lr, $3  }
0x3a: {  	_ = 	snop  }
0x3b: {  	_ = 	snop  }
0x3c: {  	p2 =	seq.s32 s10, $0x1;
	s10 =	sld [smem:$0x3FB6]  }
0x3d: {  	_ =	shalt  }
0x3e: {  	_ =	shalt  }
0x3f: {  	_ =	shalt  }
0x40: {  	_ =	shalt  }
0x41: {  	_ =	shalt  }
0x42: {  	_ =	shalt  }
0x43: {  	_ =	shalt  }
0x44: {  	_ =	shalt  }
0x45: {  	_ =	shalt  }
0x46: {  	_ =	shalt  }
0x47: {  	_ =	shalt  }
0x48: {  	_ =	shalt  }
0x49: {  	_ =	shalt  }
0x4a: {  	_ =	shalt  }
0x4b: {  	_ =	shalt  }
0x4c: {  	_ =	shalt  }
0x4d: {  	_ =	shalt  }
0x4e: {  	_ =	shalt  }
0x4f: {  	_ =	shalt  }
0x50: {  	_ =	shalt  }
0x51: {  	_ =	shalt  }
0x52: {  	_ =	shalt  }
0x53: {  	_ =	shalt  }
0x54: {  	_ =	shalt  }
0x55: {  	_ =	shalt  }
0x56: {  	_ =	shalt  }
0x57: {  	_ =	shalt  }
0x58: {  	_ =	shalt  }
0x59: {  	_ =	shalt  }
0x5a: {  	_ =	shalt  }
0x5b: {  	_ =	shalt  }
0x5c: {  	_ =	shalt  }
0x5d: {  	_ =	shalt  }
0x5e: {  	_ =	shalt  }
0x5f: {  	_ =	shalt  }
0x60: {  	_ =	shalt  }
0x61: {  	_ =	shalt  }
0x62: {  	_ =	shalt  }
0x63: {  	_ =	shalt  }
0x64: {  	_ =	shalt  }
0x65: {  	_ =	shalt  }
0x66: {  	_ =	shalt  }
0x67: {  	_ =	shalt  }
0x68: {  	_ =	shalt  }
0x69: {  	_ =	shalt  }
0x6a: {  	_ =	shalt  }
0x6b: {  	_ =	shalt  }
0x6c: {  	_ =	shalt  }
0x6d: {  	_ =	shalt  }
0x6e: {  	_ =	shalt  }
0x6f: {  	_ =	shalt  }
0x70: {  	_ =	shalt  }
0x71: {  	_ =	shalt  }
0x72: {  	_ =	shalt  }
0x73: {  	_ =	shalt  }
0x74: {  	_ =	shalt  }
0x75: {  	_ =	shalt  }
0x76: {  	_ =	shalt  }
0x77: {  	_ =	shalt  }
0x78: {  	_ =	shalt  }
0x79: {  	_ =	shalt  }
0x7a: {  	_ =	shalt  }
0x7b: {  	_ =	shalt  }
0x7c: {  	_ =	shalt  }
0x7d: {  	_ =	shalt  }
0x7e: {  	_ =	shalt  }
0x7f: {  	_ =	shalt  }
0x80: {  	_ =	shalt  }
0x81: {  	_ =	shalt  }
0x82: {  	_ =	shalt  }
0x83: {  	_ =	shalt  }
0x84: {  	_ =	shalt  }
0x85: {  	_ =	shalt  }
0x86: {  	_ =	shalt  }
0x87: {  	_ =	shalt  }
.Lfunc_end0:
.L_simem_size_0:
called_computation_lowered:
.L_overlay_start_0:
0x88: {  	s2 =	sld [smem:$0x3FD9]  }
0x89: {  	s3 =	sld [smem:$0x3FFE];
	_ =	sdelay $0x1  }
0x8a: {  	s1 =	srdreg.scid  }
0x8b: {  	s0 =	sand.u32 $0x1, s1  }
0x8c: {  	s17 =	sshll.u32 s0, $0xA;
	s2 =	sadd.s32 s3, s2  }
0x8d: {  	s2 =	sadd.s32 s2, s17  }
0x8e: {  	[smem:$0x3FC2] =	sst s2  }
0x8f: {  	_ = 	snop  }
0x90: {  	s2 =	sld [smem:$0x3FD0];
	(tm) =	ssettm $0x1  }
0x91: {  	s18 =	sld [smem:$0x3FFB];
	_ =	sdelay $0x3  }
0x92: {  	_ =	strace s18  }
0x93: {  	s3 =	sld [smem:$0x3FFC];
	_ =	sdelay $0x3  }
0x94: {  	_ =	strace s3  }
0x95: {  	s3 =	sld [smem:$0x3FFD];
	_ =	sdelay $0x3  }
0x96: {  	_ =	strace s3  }
0x97: {  	_ =	strace $0x8FFFFFFF  }
0x98: {  	s19 =	sld [smem:$0x3FDB];
	_ =	sdelay $0x1  }
0x99: {  	s4 =	simm.s32 $_scs_section_size  }
0x9a: {  	s5 =	simm.s32 $_size__tile_overlayer_lowered;
	s6 =	simm.s32 $_tile_overlayer_lowered  }
0x9b: {  	s22 =	simm.s32 $0x1BFF;
	s21 =	sshll.u32 s6, $0x1;
	s3 =	sadd.s32 s4, s19  }
0x9c: {  	s7 =	simm.s32 $0x0;
	s20 =	sshll.u32 s5, $0x1;
	s5 =	sadd.s32 s21, s3  }
0x9d: {  	[timem:s7], [sflag:s22] =	dma.local [hbm:s5], s20  }
0x9e: {  	_ =	swait.ge [sflag:s22], s20  }
0x9f: {  	s4 =	ssub.s32 $0x0, s20;
	[sflag:s22] =	ssyncset.done $0x0  }
0xa0: {  	[sflag:s22] =	ssyncadd.s32 s4;
	_ =	sdelay $0x1  }
0xa1: {  	s23 =	simm.s32 $0x1B8B  }
0xa2: {  	_ =	swait.ge [sflag:s23], $0x1  }
0xa3: {  	[sflag:s23] =	ssyncset.done $0x0  }
0xa4: {  	s25 =	simm.s32 $0x1B8E;
	s24 =	sld [smem:$0x3FFE];
	[sflag:s23] =	ssyncadd.s32 $0xFFFFFFFF  }
0xa5: {  	s26 =	simm.s32 $execute0_lowered;
	[smem:$0x3FD2] =	sst s25  }
0xa6: {  	s5 =	sshll.u32 s26, $0x1;
	_ =	strace $0x80000046;
	[dreg:$0x1] =	wrdreg $0xFFFFFFFF  }
0xa7: {  	s28 =	simm.s32 $_size_execute0_lowered;
	s3 =	sadd.s32 s3, s5;
	[dreg:$0x0] =	wrdreg $0x0  }
0xa8: {  	s5 =	sshll.u32 s28, $0x1;
	[dreg:$0x2] =	wrdreg s3  }
0xa9: {  	[dreg:$0x3] =	wrdreg s5  }
0xaa: {  	[dreg:$0x4] =	wrdreg $0xC0  }
0xab: {  	_ =	task [dreg:s7], $0x5FFFF  }
0xac: {  	[dreg:$0x1] =	wrdreg $0xFFFFFFFF  }
0xad: {  	[dreg:$0x0] =	wrdreg $0x60  }
0xae: {  	[dreg:$0x2] =	wrdreg s2  }
0xaf: {  	[dreg:$0x3] =	wrdreg s24  }
0xb0: {  	[dreg:$0x4] =	wrdreg $0x50800  }
0xb1: {  	[dreg:$0x5] =	wrdreg $0x9  }
0xb2: {  	_ =	task.clear_ibuf [dreg:s7], $0x6FFFF;
	_ =	strace $0x90000046  }
0xb3: {  	s29 =	simm.s32 $0x9;
	_ =	strace $0x80000048  }
0xb4: {  	_ =	swait.ge [sflag:s29], $0x1  }
0xb5: {  	[sflag:s29] =	ssyncadd.s32 $0xFFFFFFFF  }
0xb6: {  	_ =	strace $0x90000048  }
0xb7: {  	_ =	sfence  }
0xb8: {  	s30 =	sld [smem:$0x0];
	_ =	sdelay $0x2  }
0xb9: {  	s31 =	sshll.u32 s1, $0xD;
	s1 =	sshrl.u32 s1, $0x2  }
0xba: {  	s3 =	sand.u32 $0x4000, s31;
	s1 =	sadd.s32 s1, s30  }
0xbb: {  	s0 =	sor.u32 s3, s0;
	s1 =	sshll.u32 s1, $0x11  }
0xbc: {  	s0 =	sor.u32 s1, s0  }
0xbd: {  	s0 =	sadd.s32 $0x8F2B, s0  }
0xbe: {  	[sflag:s0] =	ssyncadd.remote.s32 $0x1  }
0xbf: {  	_ =	sfence.sel $0xFFFF  }
0xc0: {  	[dreg:$0x0] =	wrdreg $0xFFFFFFFF;
	(pc) =	sbr.abs _section_cstart, $3  }
0xc1: {  	[dreg:$0x1] =	wrdreg $0xFFFFFFFF  }
0xc2: {  	_ =	task.clear_ibuf [dreg:s7], $0x2FFFF;
	_ =	strace $0x9FFFFFFF  }
0xc3: {  	(tm) =	ssettm $0x7FFFFFFF  }
tec
execute0_lowered:
.L_overlay_start_1:
0x0: {  	(tag) =	ssettag $0x1  }
0x1: {  	s0 =	rddreg [dreg:$0x0]  }
0x2: {  	s1 =	rddreg [dreg:$0x1]  }
0x3: {  	s3 =	srdreg.scid;
	s10 =	stileid.u32  }
0x4: {  	s2 =	rddreg [dreg:$0x2];
	s12 =	simm.s32 $0x5000;
	s13 =	simm.s32 $0x40  }
0x5: {  	s17 =	simm.s32 $0x200;
	s18 =	simm.s32 $0x280;
	s19 =	simm.s32 $0x300  }
0x6: {  	s20 =	simm.s32 $0x380;
	s21 =	simm.s32 $0x400;
	s22 =	simm.s32 $0x480  }
0x7: {  	s23 =	simm.s32 $0x500;
	s24 =	simm.s32 $0x580;
	s28 =	simm.s32 $0x700  }
0x8: {  	s29 =	simm.s32 $0x780;
	s30 =	simm.s32 $0x1;
	s31 =	simm.s32 $0x0  }
0x9: {  	s6 =	sand.u32 $0x1, s3;
	s7 =	smul.u32 $0x280, s10;
	s3 =	simm.s32 $0x0  }
0xa: {  	s4 =	sadd.s32 $0x2800, s1;
	s5 =	smul.u32 $0x2800, s6;
	[smem:$0x7FF] =	sst s3  }
0xb: {  	s9 =	sshll.u32 s6, $0x4;
	s6 =	ssub.s32 $0x2, s6;
	_ =	strace $0x80000047  }
0xc: {  	s25 =	sor.u32 s10, s9;
	s26 =	sshrl.u32 s6, $0x1;
	s10 =	sshll.u32 s10, $0x6  }
0xd: {  	s11 =	sadd.s32 s7, s2;
	s8 =	sadd.s32 s7, s5;
	s5 =	sadd.s32 $0x2600, s1  }
0xe: {  	s9 =	ssub.s32 s6, s26;
	s6 =	sor.u32 $0x1C02, s10;
	s8 =	sshrl.u32 s8, $0x3  }
0xf: {  	s10 =	sshrl.u32 s11, $0x3;
	s1 =	sadd.s32 s8, s1;
	s8 =	smul.u32 $0xA00, s25  }
0x10: {  	s11 =	simm.s32 $0x2;
	s26 =	simm.s32 $0x680;
	s9 =	smax.u32 s9, $0x1  }
0x11: {  	s25 =	simm.s32 $0x600;
	s7 =	sadd.s32 s0, s8;
	s8 =	sadd.s32 $0x2A00, s1  }
.LBB2_1:
0x12: {  	[spmem:s10], [sflag:s6] =	dma.local [hbm:s5], $0x50  }
0x13: {  	_ =	swait.ge [sflag:s11], $0x50  }
0x14: {  	[sflag:s11] =	ssyncset.done $0x0  }
0x15: {  	[sflag:s11] =	ssyncadd.s32 $0xFFFFFFB0  }
0x16: {  	[tilespmem:s12], [sflag:$0x2] =	stream.linear.gather [hbm4b:s4+s3], $0x80, $0x38;
	[tilespmem:$0x5300] =	vst v63  }
0x17: {  	_ =	swait.ge [sflag:s11], $0x80  }
0x18: {  	[sflag:s11] =	ssyncset.done $0x0  }
0x19: {  	[sflag:s11] =	ssyncadd.s32 $0xFFFFFF80  }
0x1a: {  	[tilespmem:s3], [sflag:$0x2] =	stream.linear.gather [hbm4b:s7+s3], $0x5000, $0x38;
	[tilespmem:$0x5300] =	vst v63  }
0x1b: {  	_ =	swait.ge [sflag:s11], $0x5000  }
0x1c: {  	[sflag:s11] =	ssyncset.done $0x0  }
0x1d: {  	[sflag:s11] =	ssyncadd.s32 $0xFFFFB000  }
0x1e: {  	[bflag:$0x0] =	sbarrier.arrive $0xFFFF  }
0x1f: {  	[spmem:s2] =	stream.indirect.scatter.add.f32 [tilespmem:s12], [sflag:$0x1], $0x1, s3, s13, $0xb8;
	[tilespmem:$0x5300] =	vst v63  }
0x20: {  	s0 =	simm.s32 $0x80  }
0x21: {  	[spmem:s2] =	stream.indirect.scatter.add.f32 [tilespmem:s12], [sflag:$0x1], $0x1, s0, s13, $0xb8;
	[tilespmem:$0x5300] =	vst v63  }
0x22: {  	s15 =	simm.s32 $0x100  }
0x23: {  	[spmem:s2] =	stream.indirect.scatter.add.f32 [tilespmem:s12], [sflag:$0x1], $0x1, s15, s13, $0xb8;
	[tilespmem:$0x5300] =	vst v63  }
0x24: {  	s16 =	simm.s32 $0x180  }
0x25: {  	[spmem:s2] =	stream.indirect.scatter.add.f32 [tilespmem:s12], [sflag:$0x1], $0x1, s16, s13, $0xb8;
	[tilespmem:$0x5300] =	vst v63  }
0x26: {  	_ = 	snop  }
0x27: {  	[spmem:s2] =	stream.indirect.scatter.add.f32 [tilespmem:s12], [sflag:$0x1], $0x1, s17, s13, $0xb8;
	[tilespmem:$0x5300] =	vst v63  }
0x28: {  	_ = 	snop  }
0x29: {  	[spmem:s2] =	stream.indirect.scatter.add.f32 [tilespmem:s12], [sflag:$0x1], $0x1, s18, s13, $0xb8;
	[tilespmem:$0x5300] =	vst v63  }
0x2a: {  	_ = 	snop  }
0x2b: {  	[spmem:s2] =	stream.indirect.scatter.add.f32 [tilespmem:s12], [sflag:$0x1], $0x1, s19, s13, $0xb8;
	[tilespmem:$0x5300] =	vst v63  }
0x2c: {  	_ = 	snop  }
0x2d: {  	[spmem:s2] =	stream.indirect.scatter.add.f32 [tilespmem:s12], [sflag:$0x1], $0x1, s20, s13, $0xb8;
	[tilespmem:$0x5300] =	vst v63  }
0x2e: {  	_ = 	snop  }
0x2f: {  	[spmem:s2] =	stream.indirect.scatter.add.f32 [tilespmem:s12], [sflag:$0x1], $0x1, s21, s13, $0xb8;
	[tilespmem:$0x5300] =	vst v63  }
0x30: {  	_ = 	snop  }
0x31: {  	[spmem:s2] =	stream.indirect.scatter.add.f32 [tilespmem:s12], [sflag:$0x1], $0x1, s22, s13, $0xb8;
	[tilespmem:$0x5300] =	vst v63  }
0x32: {  	_ = 	snop  }
0x33: {  	[spmem:s2] =	stream.indirect.scatter.add.f32 [tilespmem:s12], [sflag:$0x1], $0x1, s23, s13, $0xb8;
	[tilespmem:$0x5300] =	vst v63  }
0x34: {  	_ = 	snop  }
0x35: {  	[spmem:s2] =	stream.indirect.scatter.add.f32 [tilespmem:s12], [sflag:$0x1], $0x1, s24, s13, $0xb8;
	[tilespmem:$0x5300] =	vst v63  }
0x36: {  	_ = 	snop  }
0x37: {  	[spmem:s2] =	stream.indirect.scatter.add.f32 [tilespmem:s12], [sflag:$0x1], $0x1, s25, s13, $0xb8;
	[tilespmem:$0x5300] =	vst v63  }
0x38: {  	_ = 	snop  }
0x39: {  	[spmem:s2] =	stream.indirect.scatter.add.f32 [tilespmem:s12], [sflag:$0x1], $0x1, s26, s13, $0xb8;
	[tilespmem:$0x5300] =	vst v63  }
0x3a: {  	_ = 	snop  }
0x3b: {  	[spmem:s2] =	stream.indirect.scatter.add.f32 [tilespmem:s12], [sflag:$0x1], $0x1, s28, s13, $0xb8;
	[tilespmem:$0x5300] =	vst v63  }
0x3c: {  	_ = 	snop  }
0x3d: {  	[spmem:s2] =	stream.indirect.scatter.add.f32 [tilespmem:s12], [sflag:$0x1], $0x1, s29, s13, $0xb8;
	[tilespmem:$0x5300] =	vst v63  }
0x3e: {  	s1 =	simm.s32 $0x800  }
0x3f: {  	[spmem:s2] =	stream.indirect.scatter.add.f32 [tilespmem:s12], [sflag:$0x1], $0x1, s1, s13, $0xb8;
	[tilespmem:$0x5300] =	vst v63  }
0x40: {  	s14 =	simm.s32 $0x880  }
0x41: {  	[spmem:s2] =	stream.indirect.scatter.add.f32 [tilespmem:s12], [sflag:$0x1], $0x1, s14, s13, $0xb8;
	[tilespmem:$0x5300] =	vst v63  }
0x42: {  	s15 =	simm.s32 $0x900  }
0x43: {  	[spmem:s2] =	stream.indirect.scatter.add.f32 [tilespmem:s12], [sflag:$0x1], $0x1, s15, s13, $0xb8;
	[tilespmem:$0x5300] =	vst v63  }
0x44: {  	s16 =	simm.s32 $0x980  }
0x45: {  	[spmem:s2] =	stream.indirect.scatter.add.f32 [tilespmem:s12], [sflag:$0x1], $0x1, s16, s13, $0xb8;
	[tilespmem:$0x5300] =	vst v63  }
0x46: {  	s1 =	simm.s32 $0xA00  }
0x47: {  	[spmem:s2] =	stream.indirect.scatter.add.f32 [tilespmem:s12], [sflag:$0x1], $0x1, s1, s13, $0xb8;
	[tilespmem:$0x5300] =	vst v63  }
0x48: {  	s14 =	simm.s32 $0xA80  }
0x49: {  	[spmem:s2] =	stream.indirect.scatter.add.f32 [tilespmem:s12], [sflag:$0x1], $0x1, s14, s13, $0xb8;
	[tilespmem:$0x5300] =	vst v63  }
0x4a: {  	s15 =	simm.s32 $0xB00  }
0x4b: {  	[spmem:s2] =	stream.indirect.scatter.add.f32 [tilespmem:s12], [sflag:$0x1], $0x1, s15, s13, $0xb8;
	[tilespmem:$0x5300] =	vst v63  }
0x4c: {  	s16 =	simm.s32 $0xB80  }
0x4d: {  	[spmem:s2] =	stream.indirect.scatter.add.f32 [tilespmem:s12], [sflag:$0x1], $0x1, s16, s13, $0xb8;
	[tilespmem:$0x5300] =	vst v63  }
0x4e: {  	s1 =	simm.s32 $0xC00  }
0x4f: {  	[spmem:s2] =	stream.indirect.scatter.add.f32 [tilespmem:s12], [sflag:$0x1], $0x1, s1, s13, $0xb8;
	[tilespmem:$0x5300] =	vst v63  }
0x50: {  	s14 =	simm.s32 $0xC80  }
0x51: {  	[spmem:s2] =	stream.indirect.scatter.add.f32 [tilespmem:s12], [sflag:$0x1], $0x1, s14, s13, $0xb8;
	[tilespmem:$0x5300] =	vst v63  }
0x52: {  	s15 =	simm.s32 $0xD00  }
0x53: {  	[spmem:s2] =	stream.indirect.scatter.add.f32 [tilespmem:s12], [sflag:$0x1], $0x1, s15, s13, $0xb8;
	[tilespmem:$0x5300] =	vst v63  }
0x54: {  	s16 =	simm.s32 $0xD80  }
0x55: {  	[spmem:s2] =	stream.indirect.scatter.add.f32 [tilespmem:s12], [sflag:$0x1], $0x1, s16, s13, $0xb8;
	[tilespmem:$0x5300] =	vst v63  }
0x56: {  	s1 =	simm.s32 $0xE00  }
0x57: {  	[spmem:s2] =	stream.indirect.scatter.add.f32 [tilespmem:s12], [sflag:$0x1], $0x1, s1, s13, $0xb8;
	[tilespmem:$0x5300] =	vst v63  }
0x58: {  	s14 =	simm.s32 $0xE80  }
0x59: {  	[spmem:s2] =	stream.indirect.scatter.add.f32 [tilespmem:s12], [sflag:$0x1], $0x1, s14, s13, $0xb8;
	[tilespmem:$0x5300] =	vst v63  }
0x5a: {  	s15 =	simm.s32 $0xF00  }
0x5b: {  	[spmem:s2] =	stream.indirect.scatter.add.f32 [tilespmem:s12], [sflag:$0x1], $0x1, s15, s13, $0xb8;
	[tilespmem:$0x5300] =	vst v63  }
0x5c: {  	s16 =	simm.s32 $0xF80  }
0x5d: {  	[spmem:s2] =	stream.indirect.scatter.add.f32 [tilespmem:s12], [sflag:$0x1], $0x1, s16, s13, $0xb8;
	[tilespmem:$0x5300] =	vst v63  }
0x5e: {  	_ =	swait.ge [sflag:s30], $0x40  }
0x5f: {  	[sflag:s30] =	ssyncset.done $0x0  }
0x60: {  	[sflag:s30] =	ssyncadd.s32 $0xFFFFFFC0  }
0x61: {  	_ =	swait.ge [sflag:s30], $0x40  }
0x62: {  	[sflag:s30] =	ssyncset.done $0x0  }
0x63: {  	[sflag:s30] =	ssyncadd.s32 $0xFFFFFFC0  }
0x64: {  	_ =	swait.ge [sflag:s30], $0x40  }
0x65: {  	[sflag:s30] =	ssyncset.done $0x0  }
0x66: {  	[sflag:s30] =	ssyncadd.s32 $0xFFFFFFC0  }
0x67: {  	_ =	swait.ge [sflag:s30], $0x40  }
0x68: {  	[sflag:s30] =	ssyncset.done $0x0  }
0x69: {  	[sflag:s30] =	ssyncadd.s32 $0xFFFFFFC0  }
0x6a: {  	_ =	swait.ge [sflag:s30], $0x40  }
0x6b: {  	[sflag:s30] =	ssyncset.done $0x0  }
0x6c: {  	[sflag:s30] =	ssyncadd.s32 $0xFFFFFFC0  }
0x6d: {  	_ =	swait.ge [sflag:s30], $0x40  }
0x6e: {  	[sflag:s30] =	ssyncset.done $0x0  }
0x6f: {  	[sflag:s30] =	ssyncadd.s32 $0xFFFFFFC0  }
0x70: {  	_ =	swait.ge [sflag:s30], $0x40  }
0x71: {  	[sflag:s30] =	ssyncset.done $0x0  }
0x72: {  	[sflag:s30] =	ssyncadd.s32 $0xFFFFFFC0  }
0x73: {  	_ =	swait.ge [sflag:s30], $0x40  }
0x74: {  	[sflag:s30] =	ssyncset.done $0x0  }
0x75: {  	[sflag:s30] =	ssyncadd.s32 $0xFFFFFFC0  }
0x76: {  	_ =	swait.ge [sflag:s30], $0x40  }
0x77: {  	[sflag:s30] =	ssyncset.done $0x0  }
0x78: {  	[sflag:s30] =	ssyncadd.s32 $0xFFFFFFC0  }
0x79: {  	_ =	swait.ge [sflag:s30], $0x40  }
0x7a: {  	[sflag:s30] =	ssyncset.done $0x0  }
0x7b: {  	[sflag:s30] =	ssyncadd.s32 $0xFFFFFFC0  }
0x7c: {  	_ =	swait.ge [sflag:s30], $0x40  }
0x7d: {  	[sflag:s30] =	ssyncset.done $0x0  }
0x7e: {  	[sflag:s30] =	ssyncadd.s32 $0xFFFFFFC0  }
0x7f: {  	_ =	swait.ge [sflag:s30], $0x40  }
0x80: {  	[sflag:s30] =	ssyncset.done $0x0  }
0x81: {  	[sflag:s30] =	ssyncadd.s32 $0xFFFFFFC0  }
0x82: {  	_ =	swait.ge [sflag:s30], $0x40  }
0x83: {  	[sflag:s30] =	ssyncset.done $0x0  }
0x84: {  	[sflag:s30] =	ssyncadd.s32 $0xFFFFFFC0  }
0x85: {  	_ =	swait.ge [sflag:s30], $0x40  }
0x86: {  	[sflag:s30] =	ssyncset.done $0x0  }
0x87: {  	[sflag:s30] =	ssyncadd.s32 $0xFFFFFFC0  }
0x88: {  	_ =	swait.ge [sflag:s30], $0x40  }
0x89: {  	[sflag:s30] =	ssyncset.done $0x0  }
0x8a: {  	[sflag:s30] =	ssyncadd.s32 $0xFFFFFFC0  }
0x8b: {  	_ =	swait.ge [sflag:s30], $0x40  }
0x8c: {  	s1 =	simm.s32 $0x4000;
	s14 =	simm.s32 $0x800;
	[sflag:s30] =	ssyncset.done $0x0  }
.LBB2_2:
0x8d: {  	s16 =	sadd.s32 $0x800, s14  }
0x8e: {  	[sflag:s30] =	ssyncadd.s32 $0xFFFFFFC0;
	s0 =	smov.u32 s1;
	s15 =	sadd.s32 $0x2000, s1  }
0x8f: {  	[spmem:s2] =	stream.indirect.scatter.add.f32 [tilespmem:s12], [sflag:$0x1], $0x1, s16, s13, $0xb8;
	[tilespmem:$0x5300] =	vst v63  }
0x90: {  	p0 =	sne.s32 s1, $0x10000;
	s1 =	sadd.s32 $0x880, s14  }
0x91: {  	[spmem:s2] =	stream.indirect.scatter.add.f32 [tilespmem:s12], [sflag:$0x1], $0x1, s1, s13, $0xb8;
	[tilespmem:$0x5300] =	vst v63  }
0x92: {  	s1 =	sadd.s32 $0x900, s14  }
0x93: {  	[spmem:s2] =	stream.indirect.scatter.add.f32 [tilespmem:s12], [sflag:$0x1], $0x1, s1, s13, $0xb8;
	[tilespmem:$0x5300] =	vst v63  }
0x94: {  	s1 =	sadd.s32 $0x980, s14  }
0x95: {  	[spmem:s2] =	stream.indirect.scatter.add.f32 [tilespmem:s12], [sflag:$0x1], $0x1, s1, s13, $0xb8;
	[tilespmem:$0x5300] =	vst v63  }
0x96: {  	s1 =	sadd.s32 $0xA00, s14  }
0x97: {  	[spmem:s2] =	stream.indirect.scatter.add.f32 [tilespmem:s12], [sflag:$0x1], $0x1, s1, s13, $0xb8;
	[tilespmem:$0x5300] =	vst v63  }
0x98: {  	s1 =	sadd.s32 $0xA80, s14  }
0x99: {  	[spmem:s2] =	stream.indirect.scatter.add.f32 [tilespmem:s12], [sflag:$0x1], $0x1, s1, s13, $0xb8;
	[tilespmem:$0x5300] =	vst v63  }
0x9a: {  	s1 =	sadd.s32 $0xB00, s14  }
0x9b: {  	[spmem:s2] =	stream.indirect.scatter.add.f32 [tilespmem:s12], [sflag:$0x1], $0x1, s1, s13, $0xb8;
	[tilespmem:$0x5300] =	vst v63  }
0x9c: {  	s1 =	sadd.s32 $0xB80, s14  }
0x9d: {  	[spmem:s2] =	stream.indirect.scatter.add.f32 [tilespmem:s12], [sflag:$0x1], $0x1, s1, s13, $0xb8;
	[tilespmem:$0x5300] =	vst v63  }
0x9e: {  	s1 =	sadd.s32 $0xC00, s14  }
0x9f: {  	[spmem:s2] =	stream.indirect.scatter.add.f32 [tilespmem:s12], [sflag:$0x1], $0x1, s1, s13, $0xb8;
	[tilespmem:$0x5300] =	vst v63  }
0xa0: {  	s1 =	sadd.s32 $0xC80, s14  }
0xa1: {  	[spmem:s2] =	stream.indirect.scatter.add.f32 [tilespmem:s12], [sflag:$0x1], $0x1, s1, s13, $0xb8;
	[tilespmem:$0x5300] =	vst v63  }
0xa2: {  	s1 =	sadd.s32 $0xD00, s14  }
0xa3: {  	[spmem:s2] =	stream.indirect.scatter.add.f32 [tilespmem:s12], [sflag:$0x1], $0x1, s1, s13, $0xb8;
	[tilespmem:$0x5300] =	vst v63  }
0xa4: {  	s1 =	sadd.s32 $0xD80, s14  }
0xa5: {  	[spmem:s2] =	stream.indirect.scatter.add.f32 [tilespmem:s12], [sflag:$0x1], $0x1, s1, s13, $0xb8;
	[tilespmem:$0x5300] =	vst v63  }
0xa6: {  	s1 =	sadd.s32 $0xE00, s14  }
0xa7: {  	[spmem:s2] =	stream.indirect.scatter.add.f32 [tilespmem:s12], [sflag:$0x1], $0x1, s1, s13, $0xb8;
	[tilespmem:$0x5300] =	vst v63  }
0xa8: {  	s1 =	sadd.s32 $0xE80, s14  }
0xa9: {  	[spmem:s2] =	stream.indirect.scatter.add.f32 [tilespmem:s12], [sflag:$0x1], $0x1, s1, s13, $0xb8;
	[tilespmem:$0x5300] =	vst v63  }
0xaa: {  	s1 =	sadd.s32 $0xF00, s14  }
0xab: {  	[spmem:s2] =	stream.indirect.scatter.add.f32 [tilespmem:s12], [sflag:$0x1], $0x1, s1, s13, $0xb8;
	[tilespmem:$0x5300] =	vst v63  }
0xac: {  	s1 =	sadd.s32 $0xF80, s14  }
0xad: {  	[spmem:s2] =	stream.indirect.scatter.add.f32 [tilespmem:s12], [sflag:$0x1], $0x1, s1, s13, $0xb8;
	[tilespmem:$0x5300] =	vst v63  }
0xae: {  	_ =	swait.ge [sflag:s30], $0x40  }
0xaf: {  	[sflag:s30] =	ssyncset.done $0x0  }
0xb0: {  	[sflag:s30] =	ssyncadd.s32 $0xFFFFFFC0  }
0xb1: {  	_ =	swait.ge [sflag:s30], $0x40  }
0xb2: {  	[sflag:s30] =	ssyncset.done $0x0  }
0xb3: {  	[sflag:s30] =	ssyncadd.s32 $0xFFFFFFC0  }
0xb4: {  	_ =	swait.ge [sflag:s30], $0x40  }
0xb5: {  	[sflag:s30] =	ssyncset.done $0x0  }
0xb6: {  	[sflag:s30] =	ssyncadd.s32 $0xFFFFFFC0  }
0xb7: {  	_ =	swait.ge [sflag:s30], $0x40  }
0xb8: {  	[sflag:s30] =	ssyncset.done $0x0  }
0xb9: {  	[sflag:s30] =	ssyncadd.s32 $0xFFFFFFC0  }
0xba: {  	_ =	swait.ge [sflag:s30], $0x40  }
0xbb: {  	[sflag:s30] =	ssyncset.done $0x0  }
0xbc: {  	[sflag:s30] =	ssyncadd.s32 $0xFFFFFFC0  }
0xbd: {  	_ =	swait.ge [sflag:s30], $0x40  }
0xbe: {  	[sflag:s30] =	ssyncset.done $0x0  }
0xbf: {  	[sflag:s30] =	ssyncadd.s32 $0xFFFFFFC0  }
0xc0: {  	_ =	swait.ge [sflag:s30], $0x40  }
0xc1: {  	[sflag:s30] =	ssyncset.done $0x0  }
0xc2: {  	[sflag:s30] =	ssyncadd.s32 $0xFFFFFFC0  }
0xc3: {  	_ =	swait.ge [sflag:s30], $0x40  }
0xc4: {  	[sflag:s30] =	ssyncset.done $0x0  }
0xc5: {  	[sflag:s30] =	ssyncadd.s32 $0xFFFFFFC0  }
0xc6: {  	_ =	swait.ge [sflag:s30], $0x40  }
0xc7: {  	[sflag:s30] =	ssyncset.done $0x0  }
0xc8: {  	[sflag:s30] =	ssyncadd.s32 $0xFFFFFFC0  }
0xc9: {  	_ =	swait.ge [sflag:s30], $0x40  }
0xca: {  	[sflag:s30] =	ssyncset.done $0x0  }
0xcb: {  	[sflag:s30] =	ssyncadd.s32 $0xFFFFFFC0  }
0xcc: {  	_ =	swait.ge [sflag:s30], $0x40  }
0xcd: {  	[sflag:s30] =	ssyncset.done $0x0  }
0xce: {  	[sflag:s30] =	ssyncadd.s32 $0xFFFFFFC0  }
0xcf: {  	_ =	swait.ge [sflag:s30], $0x40  }
0xd0: {  	[sflag:s30] =	ssyncset.done $0x0  }
0xd1: {  	[sflag:s30] =	ssyncadd.s32 $0xFFFFFFC0  }
0xd2: {  	_ =	swait.ge [sflag:s30], $0x40  }
0xd3: {  	[sflag:s30] =	ssyncset.done $0x0  }
0xd4: {  	[sflag:s30] =	ssyncadd.s32 $0xFFFFFFC0  }
0xd5: {  	_ =	swait.ge [sflag:s30], $0x40  }
0xd6: {  	[sflag:s30] =	ssyncset.done $0x0  }
0xd7: {  	[sflag:s30] =	ssyncadd.s32 $0xFFFFFFC0  }
.Ltmp0:
0xd8: {  	_ =	swait.ge [sflag:s30], $0x40;
	(pc) =	sbr.rel @p0 .LBB2_2-.Ltmp0, $4  }
0xd9: {  	[sflag:s30] =	ssyncset.done $0x0  }
0xda: {  	[sflag:s30] =	ssyncadd.s32 $0xFFFFFFC0  }
0xdb: {  	_ =	swait.ge [sflag:s30], $0x40  }
0xdc: {  	s14 =	sshra.s32 s0, $0x2;
	s1 =	smov.u32 s15;
	[sflag:s30] =	ssyncset.done $0x0  }
0xdd: {  	s0 =	sadd.s32 $0x800, s14;
	[sflag:s30] =	ssyncadd.s32 $0xFFFFFFC0  }
0xde: {  	[spmem:s2] =	stream.indirect.scatter.add.f32 [tilespmem:s12], [sflag:$0x1], $0x1, s0, s13, $0xb8;
	[tilespmem:$0x5300] =	vst v63  }
0xdf: {  	s1 =	sadd.s32 $0x880, s14  }
0xe0: {  	[spmem:s2] =	stream.indirect.scatter.add.f32 [tilespmem:s12], [sflag:$0x1], $0x1, s1, s13, $0xb8;
	[tilespmem:$0x5300] =	vst v63  }
0xe1: {  	s15 =	sadd.s32 $0x900, s14  }
0xe2: {  	[spmem:s2] =	stream.indirect.scatter.add.f32 [tilespmem:s12], [sflag:$0x1], $0x1, s15, s13, $0xb8;
	[tilespmem:$0x5300] =	vst v63  }
0xe3: {  	s16 =	sadd.s32 $0x980, s14  }
0xe4: {  	[spmem:s2] =	stream.indirect.scatter.add.f32 [tilespmem:s12], [sflag:$0x1], $0x1, s16, s13, $0xb8;
	[tilespmem:$0x5300] =	vst v63  }
0xe5: {  	s1 =	sadd.s32 $0xA00, s14  }
0xe6: {  	[spmem:s2] =	stream.indirect.scatter.add.f32 [tilespmem:s12], [sflag:$0x1], $0x1, s1, s13, $0xb8;
	[tilespmem:$0x5300] =	vst v63  }
0xe7: {  	s15 =	sadd.s32 $0xA80, s14  }
0xe8: {  	[spmem:s2] =	stream.indirect.scatter.add.f32 [tilespmem:s12], [sflag:$0x1], $0x1, s15, s13, $0xb8;
	[tilespmem:$0x5300] =	vst v63  }
0xe9: {  	s16 =	sadd.s32 $0xB00, s14  }
0xea: {  	[spmem:s2] =	stream.indirect.scatter.add.f32 [tilespmem:s12], [sflag:$0x1], $0x1, s16, s13, $0xb8;
	[tilespmem:$0x5300] =	vst v63  }
0xeb: {  	s1 =	sadd.s32 $0xB80, s14  }
0xec: {  	[spmem:s2] =	stream.indirect.scatter.add.f32 [tilespmem:s12], [sflag:$0x1], $0x1, s1, s13, $0xb8;
	[tilespmem:$0x5300] =	vst v63  }
0xed: {  	s15 =	sadd.s32 $0xC00, s14  }
0xee: {  	[spmem:s2] =	stream.indirect.scatter.add.f32 [tilespmem:s12], [sflag:$0x1], $0x1, s15, s13, $0xb8;
	[tilespmem:$0x5300] =	vst v63  }
0xef: {  	s16 =	sadd.s32 $0xC80, s14  }
0xf0: {  	[spmem:s2] =	stream.indirect.scatter.add.f32 [tilespmem:s12], [sflag:$0x1], $0x1, s16, s13, $0xb8;
	[tilespmem:$0x5300] =	vst v63  }
0xf1: {  	s1 =	sadd.s32 $0xD00, s14  }
0xf2: {  	[spmem:s2] =	stream.indirect.scatter.add.f32 [tilespmem:s12], [sflag:$0x1], $0x1, s1, s13, $0xb8;
	[tilespmem:$0x5300] =	vst v63  }
0xf3: {  	s15 =	sadd.s32 $0xD80, s14  }
0xf4: {  	[spmem:s2] =	stream.indirect.scatter.add.f32 [tilespmem:s12], [sflag:$0x1], $0x1, s15, s13, $0xb8;
	[tilespmem:$0x5300] =	vst v63  }
0xf5: {  	s16 =	sadd.s32 $0xE00, s14  }
0xf6: {  	[spmem:s2] =	stream.indirect.scatter.add.f32 [tilespmem:s12], [sflag:$0x1], $0x1, s16, s13, $0xb8;
	[tilespmem:$0x5300] =	vst v63  }
0xf7: {  	s1 =	sadd.s32 $0xE80, s14  }
0xf8: {  	[spmem:s2] =	stream.indirect.scatter.add.f32 [tilespmem:s12], [sflag:$0x1], $0x1, s1, s13, $0xb8;
	[tilespmem:$0x5300] =	vst v63  }
0xf9: {  	s15 =	sadd.s32 $0xF00, s14  }
0xfa: {  	[spmem:s2] =	stream.indirect.scatter.add.f32 [tilespmem:s12], [sflag:$0x1], $0x1, s15, s13, $0xb8;
	[tilespmem:$0x5300] =	vst v63  }
0xfb: {  	s16 =	sadd.s32 $0xF80, s14  }
0xfc: {  	[spmem:s2] =	stream.indirect.scatter.add.f32 [tilespmem:s12], [sflag:$0x1], $0x1, s16, s13, $0xb8;
	[tilespmem:$0x5300] =	vst v63  }
0xfd: {  	_ =	swait.ge [sflag:s30], $0x40  }
0xfe: {  	[sflag:s30] =	ssyncset.done $0x0  }
0xff: {  	[sflag:s30] =	ssyncadd.s32 $0xFFFFFFC0  }
0x100: {  	_ =	swait.ge [sflag:s30], $0x40  }
0x101: {  	[sflag:s30] =	ssyncset.done $0x0  }
0x102: {  	[sflag:s30] =	ssyncadd.s32 $0xFFFFFFC0  }
0x103: {  	_ =	swait.ge [sflag:s30], $0x40  }
0x104: {  	[sflag:s30] =	ssyncset.done $0x0  }
0x105: {  	[sflag:s30] =	ssyncadd.s32 $0xFFFFFFC0  }
0x106: {  	_ =	swait.ge [sflag:s30], $0x40  }
0x107: {  	[sflag:s30] =	ssyncset.done $0x0  }
0x108: {  	[sflag:s30] =	ssyncadd.s32 $0xFFFFFFC0  }
0x109: {  	_ =	swait.ge [sflag:s30], $0x40  }
0x10a: {  	[sflag:s30] =	ssyncset.done $0x0  }
0x10b: {  	[sflag:s30] =	ssyncadd.s32 $0xFFFFFFC0  }
0x10c: {  	_ =	swait.ge [sflag:s30], $0x40  }
0x10d: {  	[sflag:s30] =	ssyncset.done $0x0  }
0x10e: {  	[sflag:s30] =	ssyncadd.s32 $0xFFFFFFC0  }
0x10f: {  	_ =	swait.ge [sflag:s30], $0x40  }
0x110: {  	[sflag:s30] =	ssyncset.done $0x0  }
0x111: {  	[sflag:s30] =	ssyncadd.s32 $0xFFFFFFC0  }
0x112: {  	_ =	swait.ge [sflag:s30], $0x40  }
0x113: {  	[sflag:s30] =	ssyncset.done $0x0  }
0x114: {  	[sflag:s30] =	ssyncadd.s32 $0xFFFFFFC0  }
0x115: {  	_ =	swait.ge [sflag:s30], $0x40  }
0x116: {  	[sflag:s30] =	ssyncset.done $0x0  }
0x117: {  	[sflag:s30] =	ssyncadd.s32 $0xFFFFFFC0  }
0x118: {  	_ =	swait.ge [sflag:s30], $0x40  }
0x119: {  	[sflag:s30] =	ssyncset.done $0x0  }
0x11a: {  	[sflag:s30] =	ssyncadd.s32 $0xFFFFFFC0  }
0x11b: {  	_ =	swait.ge [sflag:s30], $0x40  }
0x11c: {  	[sflag:s30] =	ssyncset.done $0x0  }
0x11d: {  	[sflag:s30] =	ssyncadd.s32 $0xFFFFFFC0  }
0x11e: {  	_ =	swait.ge [sflag:s30], $0x40  }
0x11f: {  	[sflag:s30] =	ssyncset.done $0x0  }
0x120: {  	[sflag:s30] =	ssyncadd.s32 $0xFFFFFFC0  }
0x121: {  	_ =	swait.ge [sflag:s30], $0x40  }
0x122: {  	[sflag:s30] =	ssyncset.done $0x0  }
0x123: {  	[sflag:s30] =	ssyncadd.s32 $0xFFFFFFC0  }
0x124: {  	_ =	swait.ge [sflag:s30], $0x40  }
0x125: {  	[sflag:s30] =	ssyncset.done $0x0  }
0x126: {  	[sflag:s30] =	ssyncadd.s32 $0xFFFFFFC0  }
0x127: {  	_ =	swait.ge [sflag:s30], $0x40  }
0x128: {  	[sflag:s30] =	ssyncset.done $0x0  }
0x129: {  	[sflag:s30] =	ssyncadd.s32 $0xFFFFFFC0  }
0x12a: {  	_ =	swait.ge [sflag:s30], $0x40  }
0x12b: {  	[sflag:s30] =	ssyncset.done $0x0  }
0x12c: {  	[sflag:s30] =	ssyncadd.s32 $0xFFFFFFC0  }
0x12d: {  	_ =	swait.ge [sflag:s30], $0x40  }
0x12e: {  	[sflag:s30] =	ssyncset.done $0x0  }
0x12f: {  	[sflag:s30] =	ssyncadd.s32 $0xFFFFFFC0  }
0x130: {  	_ =	swait.ge [sflag:s30], $0x40  }
0x131: {  	[sflag:s30] =	ssyncset.done $0x0  }
0x132: {  	[sflag:s30] =	ssyncadd.s32 $0xFFFFFFC0  }
0x133: {  	_ =	swait.ge [sflag:s30], $0x40  }
0x134: {  	[sflag:s30] =	ssyncset.done $0x0  }
0x135: {  	[sflag:s30] =	ssyncadd.s32 $0xFFFFFFC0  }
0x136: {  	_ =	swait.ge [sflag:s30], $0x40  }
0x137: {  	[sflag:s30] =	ssyncset.done $0x0  }
0x138: {  	[sflag:s30] =	ssyncadd.s32 $0xFFFFFFC0  }
0x139: {  	_ =	swait.ge [sflag:s30], $0x40  }
0x13a: {  	[sflag:s30] =	ssyncset.done $0x0  }
0x13b: {  	[sflag:s30] =	ssyncadd.s32 $0xFFFFFFC0  }
0x13c: {  	_ =	swait.ge [sflag:s30], $0x40  }
0x13d: {  	[sflag:s30] =	ssyncset.done $0x0  }
0x13e: {  	[sflag:s30] =	ssyncadd.s32 $0xFFFFFFC0  }
0x13f: {  	_ =	swait.ge [sflag:s30], $0x40  }
0x140: {  	[sflag:s30] =	ssyncset.done $0x0  }
0x141: {  	[sflag:s30] =	ssyncadd.s32 $0xFFFFFFC0  }
0x142: {  	_ =	swait.ge [sflag:s30], $0x40  }
0x143: {  	[sflag:s30] =	ssyncset.done $0x0  }
0x144: {  	[sflag:s30] =	ssyncadd.s32 $0xFFFFFFC0  }
0x145: {  	_ =	swait.ge [sflag:s30], $0x40  }
0x146: {  	[sflag:s30] =	ssyncset.done $0x0  }
0x147: {  	[sflag:s30] =	ssyncadd.s32 $0xFFFFFFC0  }
0x148: {  	_ =	swait.ge [sflag:s30], $0x40  }
0x149: {  	[sflag:s30] =	ssyncset.done $0x0  }
0x14a: {  	[sflag:s30] =	ssyncadd.s32 $0xFFFFFFC0  }
0x14b: {  	_ =	swait.ge [sflag:s30], $0x40  }
0x14c: {  	[sflag:s30] =	ssyncset.done $0x0  }
0x14d: {  	[sflag:s30] =	ssyncadd.s32 $0xFFFFFFC0  }
0x14e: {  	_ =	swait.ge [sflag:s30], $0x40  }
0x14f: {  	[sflag:s30] =	ssyncset.done $0x0  }
0x150: {  	[sflag:s30] =	ssyncadd.s32 $0xFFFFFFC0  }
0x151: {  	_ =	swait.ge [sflag:s30], $0x40  }
0x152: {  	[sflag:s30] =	ssyncset.done $0x0  }
0x153: {  	[sflag:s30] =	ssyncadd.s32 $0xFFFFFFC0  }
0x154: {  	_ =	swait.ge [sflag:s30], $0x40  }
0x155: {  	[sflag:s30] =	ssyncset.done $0x0  }
0x156: {  	[sflag:s30] =	ssyncadd.s32 $0xFFFFFFC0  }
0x157: {  	_ =	swait.ge [sflag:s30], $0x40  }
0x158: {  	[sflag:s30] =	ssyncset.done $0x0  }
0x159: {  	[sflag:s30] =	ssyncadd.s32 $0xFFFFFFC0  }
0x15a: {  	_ =	swait.ge [sflag:s30], $0x40  }
0x15b: {  	s31 =	sadd.s32 $0x1, s31;
	[sflag:s30] =	ssyncset.done $0x0  }
0x15c: {  	p0 =	sne.s32 s31, s9;
	[sflag:s30] =	ssyncadd.s32 $0xFFFFFFC0  }
.Ltmp1:
0x15d: {  	[bflag:$0x0] =	sbarrier.arrive $0xFFFF;
	(pc) =	sbr.rel @p0 .LBB2_1-.Ltmp1, $4  }
0x15e: {  	[hbm:s8], [sflag:s6] =	dma.local [spmem:s10], $0x50  }
0x15f: {  	_ =	swait.ge [sflag:s11], $0x50  }
0x160: {  	[sflag:s11] =	ssyncset.done $0x0  }
0x161: {  	[sflag:s11] =	ssyncadd.s32 $0xFFFFFFB0  }
0x162: {  	_ =	sfence.sel $0x180000  }
0x163: {  	[bflag:$0x0] =	sbarrier.arrive $0xFFFF  }
0x164: {  	_ =	strace $0x90000047  }
0x165: {  	s0 =	stileid.u32;
	[bflag:$0x2] =	sbarrier.arrive $0xFFFF  }
0x166: {  	p0 =	sne.s32 s0, $0x0;
	s0 =	rddreg [dreg:$0x3]  }
0x167: {  	s0 =	sadd.s32 @!p0 $0x100000, s0  }
0x168: {  	[sflag:s0] =	ssyncadd.tile.s32 @!p0 $0x1;
	_ =	shalt  }
.Lfunc_end2:
_tile_overlayer_lowered:
.L_overlay_start_2:
0x169: {  	(tag) =	ssettag $0x2  }
0x16a: {  	s0 =	rddreg [dreg:$0x0];
	s2 =	stileid.u32  }
0x16b: {  	s1 =	rddreg [dreg:$0x1];
	p0 =	sne.s32 s2, $0x0  }
0x16c: {  	s3 =	rddreg [dreg:$0x2];
	[bflag:$0x3] =	sbarrier.arrive $0xFFFF;
	s2 =	simm.s32 @!p0 $0x1C02  }
0x16d: {  	[timem:s3], [sflag:s2] =	dma.local @!p0 [hbm:s0], s1  }
0x16e: {  	s0 =	simm.s32 @!p0 $0x2  }
0x16f: {  	_ =	swait.ge @!p0 [sflag:s0], s1  }
0x170: {  	s1 =	ssub.s32 @!p0 $0x0, s1;
	[sflag:s0] =	ssyncset.done @!p0 $0x0  }
0x171: {  	[sflag:s0] =	ssyncadd.s32 @!p0 s1  }
0x172: {  	[bflag:$0x3] =	sbarrier.arrive $0xFFFF  }
0x173: {  	_ =	shalt  }

</sc_bundles>
